<compile_context>
chip_gen: v7x
topology: tpu7x:2x2x1
jax: 0.10.2.dev20260603
libtpu: 0.0.44.dev20260713+nightly
codegen_flags: <defaults>
</compile_context>

<pallas_src>
import functools

import jax
import jax.numpy as jnp
from jax import lax
from jax.experimental import pallas as pl
from jax.experimental.pallas import tpu as pltpu
from jax.experimental.pallas import tpu_sc as plsc

N = 10000
D = 128
H = 128
HH = H // 2
OUT = 2
EPS = 0.3
E = 320000

NC = 2
NS = 16
NPAD = 10240
STRIPE = NPAD // NS
CH = 64
NCH = 320
EPT = CH * NCH
EPAD = NS * EPT

_mesh = plsc.VectorSubcoreMesh(core_axis_name="c", subcore_axis_name="s",
                               num_cores=NC, num_subcores=NS)
_sc_params = pltpu.CompilerParams(use_tc_tiling_on_sc=False)
_sc_params_nl = pltpu.CompilerParams(use_tc_tiling_on_sc=False,
                                     needs_layout_passes=False)


@functools.partial(
    pl.kernel,
    out_type=jax.ShapeDtypeStruct((NC, NPAD, 16), jnp.float32),
    mesh=_mesh,
    scratch_types=[
        pltpu.VMEM((NCH // NC, CH), jnp.int32),
        pltpu.VMEM((CH, 16), jnp.float32),
        pltpu.VMEM((STRIPE, 16), jnp.float32),
        pltpu.VMEM_SHARED((NPAD, 16), jnp.float32),
    ],
    compiler_params=_sc_params,
)
def _deg_sc(row_hbm, out_hbm, row_v, ones_v, zero_v, acc_sh):
    c = lax.axis_index("c")
    s = lax.axis_index("s")
    nch = NCH // NC
    pltpu.sync_copy(row_hbm.at[s, pl.ds(c * nch, nch)], row_v)

    @pl.loop(0, CH)
    def _(i):
        ones_v[i, :] = jnp.ones((16,), jnp.float32)

    @pl.loop(0, STRIPE)
    def _(i):
        zero_v[i, :] = jnp.zeros((16,), jnp.float32)

    pltpu.sync_copy(zero_v, acc_sh.at[pl.ds(s * STRIPE, STRIPE)])
    plsc.subcore_barrier()

    @pl.loop(0, nch)
    def _(j):
        pltpu.sync_copy(ones_v, acc_sh.at[row_v.at[j]], add=True)

    plsc.subcore_barrier()
    pltpu.sync_copy(acc_sh.at[pl.ds(s * STRIPE, STRIPE)],
                    out_hbm.at[c, pl.ds(s * STRIPE, STRIPE)])


@functools.partial(
    pl.kernel,
    out_type=jax.ShapeDtypeStruct((NC, NPAD, HH), jnp.float32),
    mesh=_mesh,
    scratch_types=[
        pltpu.VMEM((NCH, CH), jnp.int32),
        pltpu.VMEM((NCH, CH), jnp.int32),
        pltpu.VMEM((4, CH, HH), jnp.bfloat16),
        pltpu.VMEM((4, CH, HH), jnp.float32),
        pltpu.VMEM((16, HH), jnp.float32),
        pltpu.VMEM_SHARED((NPAD, HH), jnp.float32),
        pltpu.SemaphoreType.DMA((4,)),
        pltpu.SemaphoreType.DMA((4,)),
    ],
    compiler_params=_sc_params_nl,
)
def _agg_sc(hs_hbm, col2_hbm, row_hbm, out_hbm,
            col_v, row_v, bufb_v, buff_v, zero_v, acc_sh, semg, sems):
    c = lax.axis_index("c")
    s = lax.axis_index("s")
    pltpu.sync_copy(col2_hbm.at[c, s], col_v)
    pltpu.sync_copy(row_hbm.at[s], row_v)

    @pl.loop(0, 16)
    def _(i):
        @pl.loop(0, HH // 16)
        def _(k):
            zero_v[i, pl.ds(k * 16, 16)] = jnp.zeros((16,), jnp.float32)

    @pl.loop(0, STRIPE // 16)
    def _(i):
        pltpu.sync_copy(zero_v, acc_sh.at[pl.ds(s * STRIPE + i * 16, 16)])

    plsc.subcore_barrier()

    iota2 = lax.iota(jnp.int32, 16) * 2
    himask = jnp.full((16,), -65536, jnp.int32)
    cb = [(iota2 + 32 * g, iota2 + 32 * g + 1) for g in range(HH // 32)]

    def _convert(b):
        @pl.loop(0, CH, unroll=2)
        def _(e):
            erow = jnp.full((16,), e, jnp.int32)
            for g in range(HH // 32):
                w = plsc.bitcast(bufb_v[b, e, pl.ds(32 * g, 32)], jnp.int32)
                lo = plsc.bitcast(w << 16, jnp.float32)
                hi = plsc.bitcast(w & himask, jnp.float32)
                plsc.store_scatter(buff_v.at[b], [erow, cb[g][0]], lo)
                plsc.store_scatter(buff_v.at[b], [erow, cb[g][1]], hi)

    for b in range(2):
        pltpu.async_copy(hs_hbm.at[col_v.at[b]], bufb_v.at[b], semg.at[b])

    @pl.loop(0, NCH, step=4)
    def _(j0):
        for b in range(4):
            j = j0 + b
            bn = (b + 2) % 4

            @pl.when(j >= 2)
            def _():
                pltpu.make_async_copy(buff_v.at[bn], acc_sh.at[row_v.at[j]],
                                      sems.at[bn]).wait()

            @pl.when(j + 2 < NCH)
            def _():
                pltpu.async_copy(hs_hbm.at[col_v.at[j + 2]], bufb_v.at[bn],
                                 semg.at[bn])

            pltpu.make_async_copy(hs_hbm.at[col_v.at[j]], bufb_v.at[b],
                                  semg.at[b]).wait()
            _convert(b)
            pltpu.async_copy(buff_v.at[b], acc_sh.at[row_v.at[j]],
                             sems.at[b], add=True)

    for k in range(NCH - 2, NCH):
        b = k % 4
        pltpu.make_async_copy(buff_v.at[b], acc_sh.at[row_v.at[0]],
                              sems.at[b]).wait()

    plsc.subcore_barrier()
    pltpu.sync_copy(acc_sh.at[pl.ds(s * STRIPE, STRIPE)],
                    out_hbm.at[c, pl.ds(s * STRIPE, STRIPE)])


_R = 1024


def _tc_in_body(x_ref, w_ref, b_ref, dp_ref, h_ref, hs_ref, hsb_ref):
    h = jnp.dot(x_ref[...], w_ref[...], preferred_element_type=jnp.float32)
    h = jnp.maximum(h + b_ref[...], 0.0)
    dinv = lax.rsqrt(1.0 + dp_ref[0, :] + dp_ref[1, :])
    hs = h * dinv[:, None]
    h_ref[...] = h
    hs_ref[...] = hs
    hsb_ref[...] = hs.astype(jnp.bfloat16)


def _tc_in(x_p, W_in, b_in2, dp):
    grid = (NPAD // _R,)
    return pl.pallas_call(
        _tc_in_body,
        grid=grid,
        in_specs=[
            pl.BlockSpec((_R, D), lambda i: (i, 0)),
            pl.BlockSpec((D, H), lambda i: (0, 0)),
            pl.BlockSpec((1, H), lambda i: (0, 0)),
            pl.BlockSpec((NC, _R), lambda i: (0, i)),
        ],
        out_specs=[
            pl.BlockSpec((_R, H), lambda i: (i, 0)),
            pl.BlockSpec((_R, H), lambda i: (i, 0)),
            pl.BlockSpec((_R, H), lambda i: (i, 0)),
        ],
        out_shape=[
            jax.ShapeDtypeStruct((NPAD, H), jnp.float32),
            jax.ShapeDtypeStruct((NPAD, H), jnp.float32),
            jax.ShapeDtypeStruct((NPAD, H), jnp.bfloat16),
        ],
    )(x_p, W_in, b_in2, dp)


def _gate_mix(p_ref, h_ref, hs_ref, dp_ref, wga_ref, wgb_ref, bg_ref, hi_ref):
    dinv = lax.rsqrt(1.0 + dp_ref[0, :] + dp_ref[1, :])[:, None]
    psum = jnp.concatenate([p_ref[0], p_ref[1]], axis=1)
    hl = (psum + hs_ref[...]) * dinv
    hh = h_ref[...] - hl
    logit = jnp.sum(hl * wga_ref[...] + hh * wgb_ref[...], axis=1,
                    keepdims=True) + bg_ref[0, 0]
    g = jax.nn.sigmoid(logit)
    hn = g * hl + (1.0 - g) * hh + EPS * hi_ref[...]
    return hn, dinv


def _tc_layer_body(p_ref, h_ref, hs_ref, dp_ref, wga_ref, wgb_ref, bg_ref,
                   hi_ref, hn_ref, hsn_ref, hsnb_ref):
    hn, dinv = _gate_mix(p_ref, h_ref, hs_ref, dp_ref, wga_ref, wgb_ref,
                         bg_ref, hi_ref)
    hsn = hn * dinv
    hn_ref[...] = hn
    hsn_ref[...] = hsn
    hsnb_ref[...] = hsn.astype(jnp.bfloat16)


def _tc_out_body(p_ref, h_ref, hs_ref, dp_ref, wga_ref, wgb_ref, bg_ref,
                 hi_ref, wo_ref, bo_ref, o_ref):
    hn, _ = _gate_mix(p_ref, h_ref, hs_ref, dp_ref, wga_ref, wgb_ref,
                      bg_ref, hi_ref)
    o_ref[...] = jnp.dot(hn, wo_ref[...],
                         preferred_element_type=jnp.float32) + bo_ref[...]


def _layer_specs():
    return [
        pl.BlockSpec((NC, _R, HH), lambda i: (0, i, 0)),
        pl.BlockSpec((_R, H), lambda i: (i, 0)),
        pl.BlockSpec((_R, H), lambda i: (i, 0)),
        pl.BlockSpec((NC, _R), lambda i: (0, i)),
        pl.BlockSpec((1, H), lambda i: (0, 0)),
        pl.BlockSpec((1, H), lambda i: (0, 0)),
        pl.BlockSpec((1, 1), lambda i: (0, 0)),
        pl.BlockSpec((_R, H), lambda i: (i, 0)),
    ]


def _tc_layer(parts, h, hs, dp, wga, wgb, bg, h_init):
    grid = (NPAD // _R,)
    return pl.pallas_call(
        _tc_layer_body,
        grid=grid,
        in_specs=_layer_specs(),
        out_specs=[
            pl.BlockSpec((_R, H), lambda i: (i, 0)),
            pl.BlockSpec((_R, H), lambda i: (i, 0)),
            pl.BlockSpec((_R, H), lambda i: (i, 0)),
        ],
        out_shape=[
            jax.ShapeDtypeStruct((NPAD, H), jnp.float32),
            jax.ShapeDtypeStruct((NPAD, H), jnp.float32),
            jax.ShapeDtypeStruct((NPAD, H), jnp.bfloat16),
        ],
    )(parts, h, hs, dp, wga, wgb, bg, h_init)


def _tc_out(parts, h, hs, dp, wga, wgb, bg, h_init, wo, bo):
    grid = (NPAD // _R,)
    return pl.pallas_call(
        _tc_out_body,
        grid=grid,
        in_specs=_layer_specs() + [
            pl.BlockSpec((H, 128), lambda i: (0, 0)),
            pl.BlockSpec((1, 128), lambda i: (0, 0)),
        ],
        out_specs=pl.BlockSpec((_R, 128), lambda i: (i, 0)),
        out_shape=jax.ShapeDtypeStruct((NPAD, 128), jnp.float32),
    )(parts, h, hs, dp, wga, wgb, bg, h_init, wo, bo)


def kernel(x, edge_index, W_in, b_in, W_g0, b_g0, W_g1, b_g1, W_out, b_out):
    row = edge_index[0]
    col = edge_index[1]
    pad_e = EPAD - E
    row_p = jnp.concatenate(
        [row, jnp.full((pad_e,), N, jnp.int32)]).reshape(NS, NCH, CH)
    col_p = jnp.concatenate(
        [col, jnp.zeros((pad_e,), jnp.int32)]).reshape(NS, NCH, CH)
    col2 = jnp.stack([2 * col_p, 2 * col_p + 1])
    x_p = jnp.pad(x, ((0, NPAD - N), (0, 0)))

    dp = _deg_sc(row_p)[:, :, 0]

    h, hs, hsb = _tc_in(x_p, W_in, b_in.reshape(1, H), dp)
    h_init = h

    wga0 = W_g0[:H, 0].reshape(1, H)
    wgb0 = W_g0[H:, 0].reshape(1, H)
    wga1 = W_g1[:H, 0].reshape(1, H)
    wgb1 = W_g1[H:, 0].reshape(1, H)

    parts = _agg_sc(hsb.reshape(2 * NPAD, HH), col2, row_p)
    h, hs, hsb = _tc_layer(parts, h, hs, dp, wga0, wgb0, b_g0.reshape(1, 1),
                           h_init)

    parts = _agg_sc(hsb.reshape(2 * NPAD, HH), col2, row_p)
    wo = jnp.zeros((H, 128), jnp.float32).at[:, :OUT].set(W_out)
    bo = jnp.zeros((1, 128), jnp.float32).at[0, :OUT].set(b_out)
    out_full = _tc_out(parts, h, hs, dp, wga1, wgb1, b_g1.reshape(1, 1),
                       h_init, wo, bo)
    return out_full[:N, :OUT]

# --- scband reference (transcript-rebuilt; emitter-appended) ---
"""Pipeline reference for scband-fagcn-24481313587858 (READ-ONLY COPY).

The authoritative reference and input builder live on the scoring server;
editing this copy changes nothing except your own understanding.
"""

import jax, jax.numpy as jnp
import numpy as np

N = 10000
E = 320000
D = 128
H = 128
OUT = 2
EPS = 0.3

def setup_inputs(seed: int = 0) -> dict:
    key = jax.random.key(seed)
    ks = jax.random.split(key, 12)
    x = jax.random.normal(ks[0], (N, D), dtype=jnp.float32)
    edge_index = jax.random.randint(ks[1], (2, E), 0, N, dtype=jnp.int32)
    W_in = jax.random.normal(ks[2], (D, H), dtype=jnp.float32) * 0.05
    b_in = jnp.zeros((H,), dtype=jnp.float32)
    W_g0 = jax.random.normal(ks[3], (2 * H, 1), dtype=jnp.float32) * 0.05
    b_g0 = jnp.zeros((1,), dtype=jnp.float32)
    W_g1 = jax.random.normal(ks[4], (2 * H, 1), dtype=jnp.float32) * 0.05
    b_g1 = jnp.zeros((1,), dtype=jnp.float32)
    W_out = jax.random.normal(ks[5], (H, OUT), dtype=jnp.float32) * 0.05
    b_out = jnp.zeros((OUT,), dtype=jnp.float32)
    return {"x": x, "edge_index": edge_index, "W_in": W_in, "b_in": b_in,
            "W_g0": W_g0, "b_g0": b_g0, "W_g1": W_g1, "b_g1": b_g1,
            "W_out": W_out, "b_out": b_out}

def reference(x, edge_index, W_in, b_in, W_g0, b_g0, W_g1, b_g1, W_out, b_out):
    n = x.shape[0]
    # add self loops
    self_loops = jnp.arange(n, dtype=edge_index.dtype)
    row = jnp.concatenate([edge_index[0], self_loops])
    col = jnp.concatenate([edge_index[1], self_loops])
    # degree of src nodes (row), clamp min 1
    deg = jax.ops.segment_sum(jnp.ones_like(row, dtype=x.dtype), row, num_segments=n)
    deg = jnp.clip(deg, 1.0, None)
    dinv = deg ** -0.5
    # input projection (dropout is identity in eval mode)
    h = jax.nn.relu(x @ W_in + b_in)
    h_init = h
    for Wg, bg in ((W_g0, b_g0), (W_g1, b_g1)):
        hs = h * dinv[:, None]
        # sparse adj mm: out[r] += hs[c] for each edge (r, c)
        h_low = jax.ops.segment_sum(hs[col], row, num_segments=n)
        h_low = h_low * dinv[:, None]
        h_high = h - h_low
        gate_input = jnp.concatenate([h_low, h_high], axis=1)
        gate = jax.nn.sigmoid(gate_input @ Wg + bg)
        h = gate * h_low + (1 - gate) * h_high
        h = h + EPS * h_init
    out = h @ W_out + b_out
    return out

if __name__ == "__main__":
    import jax
    _d = setup_inputs()
    print(jax.jit(kernel)(*tuple(_d.values())))

</pallas_src>

<mosaic_0001>
#map = affine_map<(d0, d1) -> (0, 0)>
#map1 = affine_map<(d0, d1) -> (0, 0, 0, 0)>
#map2 = affine_map<(d0, d1) -> (0, 0, 0)>
module attributes {stable_mosaic.version = 14 : i64} {
  func.func @_agg_sc(%arg0: i32, %arg1: i32, %arg2: memref<20480x64xbf16, #tpu.memory_space<hbm>>, %arg3: memref<2x16x320x64xi32, #tpu.memory_space<hbm>>, %arg4: memref<16x320x64xi32, #tpu.memory_space<hbm>>, %arg5: memref<2x10240x64xf32, #tpu.memory_space<hbm>>, %arg6: memref<320x64xi32, #tpu.memory_space<vmem>>, %arg7: memref<320x64xi32, #tpu.memory_space<vmem>>, %arg8: memref<4x64x64xbf16, #tpu.memory_space<vmem>>, %arg9: memref<4x64x64xf32, #tpu.memory_space<vmem>>, %arg10: memref<16x64xf32, #tpu.memory_space<vmem>>, %arg11: memref<10240x64xf32, #tpu.memory_space<vmem_shared>>, %arg12: memref<4x!tpu.dma_semaphore, #tpu.memory_space<semaphore_mem>>, %arg13: memref<4x!tpu.dma_semaphore, #tpu.memory_space<semaphore_mem>>) attributes {dimension_semantics = [#tpu.dimension_semantics<core_parallel>, #tpu.dimension_semantics<subcore_parallel>], iteration_bounds = array<i64: 2, 16>, scalar_prefetch = 0 : i64, scratch_operands = 8 : i64, tpu.core_type = #tpu.core_type<sc_vector_subcore>, window_params = [{transform_indices = #map}, {transform_indices = #map1}, {transform_indices = #map2}, {transform_indices = #map2}]} {
    "tpu.region"() ({
      %run_scoped3A = tpu.sem_alloc : memref<!tpu.dma_semaphore, #tpu.memory_space<semaphore_mem>>
      %dma_start3A_97 = arith.constant 0 : i32
      %dma_start3A_98 = arith.constant 0 : i32
      %dma_start3A_99 = tpu.memref_slice %arg3[%arg0, %arg1, %dma_start3A_97, %dma_start3A_98] : memref<2x16x320x64xi32, #tpu.memory_space<hbm>> -> memref<1x1x320x64xi32, #tpu.memory_space<hbm>>
      %dma_start3A_100 = tpu.memref_squeeze %dma_start3A_99 : memref<1x1x320x64xi32, #tpu.memory_space<hbm>> -> memref<320x64xi32, #tpu.memory_space<hbm>>
      %dma_start3A_101 = arith.constant 0 : i32
      %dma_start3A_102 = arith.constant 0 : i32
      %dma_start3A_103 = tpu.memref_slice %arg3[%arg0, %arg1, %dma_start3A_101, %dma_start3A_102] : memref<2x16x320x64xi32, #tpu.memory_space<hbm>> -> memref<1x1x320x64xi32, #tpu.memory_space<hbm>>
      %dma_start3A_104 = tpu.memref_squeeze %dma_start3A_103 : memref<1x1x320x64xi32, #tpu.memory_space<hbm>> -> memref<320x64xi32, #tpu.memory_space<hbm>>
      tpu.enqueue_dma source(%dma_start3A_104 : memref<320x64xi32, #tpu.memory_space<hbm>>) target(%arg6 : memref<320x64xi32, #tpu.memory_space<vmem>>) target_semaphore(%run_scoped3A : memref<!tpu.dma_semaphore, #tpu.memory_space<semaphore_mem>>)
      %dma_wait3A_105 = arith.constant 0 : i32
      %dma_wait3A_106 = arith.constant 0 : i32
      %dma_wait3A_107 = tpu.memref_slice %arg3[%arg0, %arg1, %dma_wait3A_105, %dma_wait3A_106] : memref<2x16x320x64xi32, #tpu.memory_space<hbm>> -> memref<1x1x320x64xi32, #tpu.memory_space<hbm>>
      %dma_wait3A_108 = tpu.memref_squeeze %dma_wait3A_107 : memref<1x1x320x64xi32, #tpu.memory_space<hbm>> -> memref<320x64xi32, #tpu.memory_space<hbm>>
      %dma_wait3A_109 = arith.constant 0 : i32
      %dma_wait3A_110 = arith.constant 0 : i32
      %dma_wait3A_111 = tpu.memref_slice %arg3[%arg0, %arg1, %dma_wait3A_109, %dma_wait3A_110] : memref<2x16x320x64xi32, #tpu.memory_space<hbm>> -> memref<1x1x320x64xi32, #tpu.memory_space<hbm>>
      %dma_wait3A_112 = tpu.memref_squeeze %dma_wait3A_111 : memref<1x1x320x64xi32, #tpu.memory_space<hbm>> -> memref<320x64xi32, #tpu.memory_space<hbm>>
      tpu.wait_dma2 semaphore(%run_scoped3A : memref<!tpu.dma_semaphore, #tpu.memory_space<semaphore_mem>>) src(%dma_wait3A_112 : memref<320x64xi32, #tpu.memory_space<hbm>>) dst(%arg6 : memref<320x64xi32, #tpu.memory_space<vmem>>)
      tpu.yield
    }) : () -> ()
    "tpu.region"() ({
      %run_scoped3A = tpu.sem_alloc : memref<!tpu.dma_semaphore, #tpu.memory_space<semaphore_mem>>
      %dma_start3A_97 = arith.constant 0 : i32
      %dma_start3A_98 = arith.constant 0 : i32
      %dma_start3A_99 = tpu.memref_slice %arg4[%arg1, %dma_start3A_97, %dma_start3A_98] : memref<16x320x64xi32, #tpu.memory_space<hbm>> -> memref<1x320x64xi32, #tpu.memory_space<hbm>>
      %dma_start3A_100 = tpu.memref_squeeze %dma_start3A_99 : memref<1x320x64xi32, #tpu.memory_space<hbm>> -> memref<320x64xi32, #tpu.memory_space<hbm>>
      %dma_start3A_101 = arith.constant 0 : i32
      %dma_start3A_102 = arith.constant 0 : i32
      %dma_start3A_103 = tpu.memref_slice %arg4[%arg1, %dma_start3A_101, %dma_start3A_102] : memref<16x320x64xi32, #tpu.memory_space<hbm>> -> memref<1x320x64xi32, #tpu.memory_space<hbm>>
      %dma_start3A_104 = tpu.memref_squeeze %dma_start3A_103 : memref<1x320x64xi32, #tpu.memory_space<hbm>> -> memref<320x64xi32, #tpu.memory_space<hbm>>
      tpu.enqueue_dma source(%dma_start3A_104 : memref<320x64xi32, #tpu.memory_space<hbm>>) target(%arg7 : memref<320x64xi32, #tpu.memory_space<vmem>>) target_semaphore(%run_scoped3A : memref<!tpu.dma_semaphore, #tpu.memory_space<semaphore_mem>>)
      %dma_wait3A_105 = arith.constant 0 : i32
      %dma_wait3A_106 = arith.constant 0 : i32
      %dma_wait3A_107 = tpu.memref_slice %arg4[%arg1, %dma_wait3A_105, %dma_wait3A_106] : memref<16x320x64xi32, #tpu.memory_space<hbm>> -> memref<1x320x64xi32, #tpu.memory_space<hbm>>
      %dma_wait3A_108 = tpu.memref_squeeze %dma_wait3A_107 : memref<1x320x64xi32, #tpu.memory_space<hbm>> -> memref<320x64xi32, #tpu.memory_space<hbm>>
      %dma_wait3A_109 = arith.constant 0 : i32
      %dma_wait3A_110 = arith.constant 0 : i32
      %dma_wait3A_111 = tpu.memref_slice %arg4[%arg1, %dma_wait3A_109, %dma_wait3A_110] : memref<16x320x64xi32, #tpu.memory_space<hbm>> -> memref<1x320x64xi32, #tpu.memory_space<hbm>>
      %dma_wait3A_112 = tpu.memref_squeeze %dma_wait3A_111 : memref<1x320x64xi32, #tpu.memory_space<hbm>> -> memref<320x64xi32, #tpu.memory_space<hbm>>
      tpu.wait_dma2 semaphore(%run_scoped3A : memref<!tpu.dma_semaphore, #tpu.memory_space<semaphore_mem>>) src(%dma_wait3A_112 : memref<320x64xi32, #tpu.memory_space<hbm>>) dst(%arg7 : memref<320x64xi32, #tpu.memory_space<vmem>>)
      tpu.yield
    }) : () -> ()
    %scan3A = arith.constant 0 : i32
    %scan3A_0 = arith.constant 16 : i32
    %scan3A_1 = arith.addi %scan3A, %scan3A_0 : i32
    %scan3A_2 = arith.constant 1 : i32
    scf.for %scan3A_97 = %scan3A to %scan3A_1 step %scan3A_2  : i32 {
      %mul3A_98 = arith.constant 1 : i32
      %mul3A_99 = arith.muli %scan3A_97, %mul3A_98 : i32
      %add3A_100 = arith.constant 0 : i32
      %add3A_101 = arith.addi %add3A_100, %mul3A_99 : i32
      %scan3A_102 = arith.constant 0 : i32
      %scan3A_103 = arith.constant 4 : i32
      %scan3A_104 = arith.addi %scan3A_102, %scan3A_103 : i32
      %scan3A_105 = arith.constant 1 : i32
      scf.for %scan3A_107 = %scan3A_102 to %scan3A_104 step %scan3A_105  : i32 {
        %mul3A_108 = arith.constant 1 : i32
        %mul3A_109 = arith.muli %scan3A_107, %mul3A_108 : i32
        %add3A_110 = arith.constant 0 : i32
        %add3A_111 = arith.addi %add3A_110, %mul3A_109 : i32
        %broadcast_in_dim3A_112 = arith.constant 0.000000e+00 : f32
        %broadcast_in_dim3A_113 = vector.broadcast %broadcast_in_dim3A_112 : f32 to vector<16xf32>
        %mul3A_114 = arith.constant 16 : i32
        %mul3A_115 = arith.muli %add3A_111, %mul3A_114 : i32
        %swap3A = arith.index_cast %add3A_101 : i32 to index
        %swap3A_116 = arith.index_cast %mul3A_115 : i32 to index
        %swap3A_117 = tpu.vector_load %arg10[%swap3A, %swap3A_116] {strides = array<i32>} : memref<16x64xf32, #tpu.memory_space<vmem>>, vector<16xf32>,
        tpu.vector_store %arg10[%swap3A, %swap3A_116], %broadcast_in_dim3A_113 {strides = array<i32>} : memref<16x64xf32, #tpu.memory_space<vmem>>, vector<16xf32>,
      }
      %scan3A_106 = arith.constant 4 : i32
    }
    %scan3A_3 = arith.constant 16 : i32
    %scan3A_4 = arith.constant 0 : i32
    %scan3A_5 = arith.constant 40 : i32
    %scan3A_6 = arith.addi %scan3A_4, %scan3A_5 : i32
    %scan3A_7 = arith.constant 1 : i32
    scf.for %scan3A_97 = %scan3A_4 to %scan3A_6 step %scan3A_7  : i32 {
      %mul3A_98 = arith.constant 1 : i32
      %mul3A_99 = arith.muli %scan3A_97, %mul3A_98 : i32
      %add3A_100 = arith.constant 0 : i32
      %add3A_101 = arith.addi %add3A_100, %mul3A_99 : i32
      %mul3A_102 = arith.constant 640 : i32
      %mul3A_103 = arith.muli %arg1, %mul3A_102 : i32
      %mul3A_104 = arith.constant 16 : i32
      %mul3A_105 = arith.muli %add3A_101, %mul3A_104 : i32
      %add3A_106 = arith.addi %mul3A_103, %mul3A_105 : i32
      "tpu.region"() ({
        %run_scoped3A = tpu.sem_alloc : memref<!tpu.dma_semaphore, #tpu.memory_space<semaphore_mem>>
        %dma_start3A_107 = arith.constant 0 : i32
        %dma_start3A_108 = tpu.memref_slice %arg11[%add3A_106, %dma_start3A_107] : memref<10240x64xf32, #tpu.memory_space<vmem_shared>> -> memref<16x64xf32, #tpu.memory_space<vmem_shared>>
        %dma_start3A_109 = arith.constant 0 : i32
        %dma_start3A_110 = tpu.memref_slice %arg11[%add3A_106, %dma_start3A_109] : memref<10240x64xf32, #tpu.memory_space<vmem_shared>> -> memref<16x64xf32, #tpu.memory_space<vmem_shared>>
        tpu.enqueue_dma source(%arg10 : memref<16x64xf32, #tpu.memory_space<vmem>>) target(%dma_start3A_110 : memref<16x64xf32, #tpu.memory_space<vmem_shared>>) target_semaphore(%run_scoped3A : memref<!tpu.dma_semaphore, #tpu.memory_space<semaphore_mem>>)
        %dma_wait3A_111 = arith.constant 0 : i32
        %dma_wait3A_112 = tpu.memref_slice %arg11[%add3A_106, %dma_wait3A_111] : memref<10240x64xf32, #tpu.memory_space<vmem_shared>> -> memref<16x64xf32, #tpu.memory_space<vmem_shared>>
        %dma_wait3A_113 = arith.constant 0 : i32
        %dma_wait3A_114 = tpu.memref_slice %arg11[%add3A_106, %dma_wait3A_113] : memref<10240x64xf32, #tpu.memory_space<vmem_shared>> -> memref<16x64xf32, #tpu.memory_space<vmem_shared>>
        tpu.wait_dma2 semaphore(%run_scoped3A : memref<!tpu.dma_semaphore, #tpu.memory_space<semaphore_mem>>) src(%arg10 : memref<16x64xf32, #tpu.memory_space<vmem>>) dst(%dma_wait3A_114 : memref<16x64xf32, #tpu.memory_space<vmem_shared>>)
        tpu.yield
      }) : () -> ()
    }
    %scan3A_8 = arith.constant 40 : i32
    %barrier3A = arith.constant 0 : index
    tpu.barrier barrier_id(%barrier3A)
    %iota3A = tpu.iota {dimensions = array<i32: 0>} : vector<16xi32>
    %mul3A = arith.constant 2 : i32
    %mul3A_9 = vector.broadcast %mul3A : i32 to vector<16xi32>
    %mul3A_10 = arith.muli %iota3A, %mul3A_9 : vector<16xi32>
    %broadcast_in_dim3A = arith.constant -65536 : i32
    %broadcast_in_dim3A_11 = vector.broadcast %broadcast_in_dim3A : i32 to vector<16xi32>
    %add3A = arith.constant 0 : i32
    %add3A_12 = vector.broadcast %add3A : i32 to vector<16xi32>
    %add3A_13 = arith.addi %mul3A_10, %add3A_12 : vector<16xi32>
    %add3A_14 = arith.constant 0 : i32
    %add3A_15 = vector.broadcast %add3A_14 : i32 to vector<16xi32>
    %add3A_16 = arith.addi %mul3A_10, %add3A_15 : vector<16xi32>
    %add3A_17 = arith.constant 1 : i32
    %add3A_18 = vector.broadcast %add3A_17 : i32 to vector<16xi32>
    %add3A_19 = arith.addi %add3A_16, %add3A_18 : vector<16xi32>
    %add3A_20 = arith.constant 32 : i32
    %add3A_21 = vector.broadcast %add3A_20 : i32 to vector<16xi32>
    %add3A_22 = arith.addi %mul3A_10, %add3A_21 : vector<16xi32>
    %add3A_23 = arith.constant 32 : i32
    %add3A_24 = vector.broadcast %add3A_23 : i32 to vector<16xi32>
    %add3A_25 = arith.addi %mul3A_10, %add3A_24 : vector<16xi32>
    %add3A_26 = arith.constant 1 : i32
    %add3A_27 = vector.broadcast %add3A_26 : i32 to vector<16xi32>
    %add3A_28 = arith.addi %add3A_25, %add3A_27 : vector<16xi32>
    %dma_start3A = arith.constant 0 : i32
    %dma_start3A_29 = arith.constant 0 : i32
    %dma_start3A_30 = arith.constant 0 : i32
    %dma_start3A_31 = arith.constant 0 : i32
    %dma_start3A_32 = arith.constant 0 : i32
    %dma_start3A_33 = tpu.memref_slice %arg8[%dma_start3A_29, %dma_start3A_31, %dma_start3A_32] : memref<4x64x64xbf16, #tpu.memory_space<vmem>> -> memref<1x64x64xbf16, #tpu.memory_space<vmem>>
    %dma_start3A_34 = tpu.memref_squeeze %dma_start3A_33 : memref<1x64x64xbf16, #tpu.memory_space<vmem>> -> memref<64x64xbf16, #tpu.memory_space<vmem>>
    %dma_start3A_35 = arith.constant 0 : i32
    %dma_start3A_36 = tpu.memref_slice %arg6[%dma_start3A, %dma_start3A_35] : memref<320x64xi32, #tpu.memory_space<vmem>> -> memref<1x64xi32, #tpu.memory_space<vmem>>
    %dma_start3A_37 = tpu.memref_squeeze %dma_start3A_36 : memref<1x64xi32, #tpu.memory_space<vmem>> -> memref<64xi32, #tpu.memory_space<vmem>>
    %dma_start3A_38 = arith.constant 0 : i32
    %dma_start3A_39 = arith.constant 0 : i32
    %dma_start3A_40 = tpu.memref_slice %arg2[%dma_start3A_38, %dma_start3A_39] : memref<20480x64xbf16, #tpu.memory_space<hbm>> -> memref<20480x64xbf16, #tpu.memory_space<hbm>>
    %dma_start3A_41 = tpu.memref_slice %arg12[%dma_start3A_30] : memref<4x!tpu.dma_semaphore, #tpu.memory_space<semaphore_mem>> -> memref<1x!tpu.dma_semaphore, #tpu.memory_space<semaphore_mem>>
    %dma_start3A_42 = tpu.memref_squeeze %dma_start3A_41 : memref<1x!tpu.dma_semaphore, #tpu.memory_space<semaphore_mem>> -> memref<!tpu.dma_semaphore, #tpu.memory_space<semaphore_mem>>
    tpu.enqueue_indirect_dma source(%dma_start3A_40 : memref<20480x64xbf16, #tpu.memory_space<hbm>>) target(%dma_start3A_34 : memref<64x64xbf16, #tpu.memory_space<vmem>>) offsets(%dma_start3A_37 : memref<64xi32, #tpu.memory_space<vmem>>) semaphore(%dma_start3A_42 : memref<!tpu.dma_semaphore, #tpu.memory_space<semaphore_mem>>)
    %dma_start3A_43 = arith.constant 1 : i32
    %dma_start3A_44 = arith.constant 1 : i32
    %dma_start3A_45 = arith.constant 1 : i32
    %dma_start3A_46 = arith.constant 0 : i32
    %dma_start3A_47 = arith.constant 0 : i32
    %dma_start3A_48 = tpu.memref_slice %arg8[%dma_start3A_44, %dma_start3A_46, %dma_start3A_47] : memref<4x64x64xbf16, #tpu.memory_space<vmem>> -> memref<1x64x64xbf16, #tpu.memory_space<vmem>>
    %dma_start3A_49 = tpu.memref_squeeze %dma_start3A_48 : memref<1x64x64xbf16, #tpu.memory_space<vmem>> -> memref<64x64xbf16, #tpu.memory_space<vmem>>
    %dma_start3A_50 = arith.constant 0 : i32
    %dma_start3A_51 = tpu.memref_slice %arg6[%dma_start3A_43, %dma_start3A_50] : memref<320x64xi32, #tpu.memory_space<vmem>> -> memref<1x64xi32, #tpu.memory_space<vmem>>
    %dma_start3A_52 = tpu.memref_squeeze %dma_start3A_51 : memref<1x64xi32, #tpu.memory_space<vmem>> -> memref<64xi32, #tpu.memory_space<vmem>>
    %dma_start3A_53 = arith.constant 0 : i32
    %dma_start3A_54 = arith.constant 0 : i32
    %dma_start3A_55 = tpu.memref_slice %arg2[%dma_start3A_53, %dma_start3A_54] : memref<20480x64xbf16, #tpu.memory_space<hbm>> -> memref<20480x64xbf16, #tpu.memory_space<hbm>>
    %dma_start3A_56 = tpu.memref_slice %arg12[%dma_start3A_45] : memref<4x!tpu.dma_semaphore, #tpu.memory_space<semaphore_mem>> -> memref<1x!tpu.dma_semaphore, #tpu.memory_space<semaphore_mem>>
    %dma_start3A_57 = tpu.memref_squeeze %dma_start3A_56 : memref<1x!tpu.dma_semaphore, #tpu.memory_space<semaphore_mem>> -> memref<!tpu.dma_semaphore, #tpu.memory_space<semaphore_mem>>
    tpu.enqueue_indirect_dma source(%dma_start3A_55 : memref<20480x64xbf16, #tpu.memory_space<hbm>>) target(%dma_start3A_49 : memref<64x64xbf16, #tpu.memory_space<vmem>>) offsets(%dma_start3A_52 : memref<64xi32, #tpu.memory_space<vmem>>) semaphore(%dma_start3A_57 : memref<!tpu.dma_semaphore, #tpu.memory_space<semaphore_mem>>)
    %scan3A_58 = arith.constant 0 : i32
    %scan3A_59 = arith.constant 80 : i32
    %scan3A_60 = arith.addi %scan3A_58, %scan3A_59 : i32
    %scan3A_61 = arith.constant 1 : i32
    scf.for %scan3A_97 = %scan3A_58 to %scan3A_60 step %scan3A_61  : i32 {
      %mul3A_98 = arith.constant 4 : i32
      %mul3A_99 = arith.muli %scan3A_97, %mul3A_98 : i32
      %add3A_100 = arith.constant 0 : i32
      %add3A_101 = arith.addi %add3A_100, %mul3A_99 : i32
      %add3A_102 = arith.constant 0 : i32
      %add3A_103 = arith.addi %add3A_101, %add3A_102 : i32
      %ge3A = arith.constant 2 : i32
      %ge3A_104 = arith.cmpi sge, %add3A_103, %ge3A : i32
      %convert_element_type3A = arith.extui %ge3A_104 : i1 to i32
      %cond3A = arith.constant 0 : i32
      %cond3A_105 = arith.cmpi ne, %convert_element_type3A, %cond3A : i32
      scf.if %cond3A_105 {
        %dma_wait3A_286 = arith.constant 2 : i32
        %dma_wait3A_287 = arith.constant 2 : i32
        %dma_wait3A_288 = arith.constant 0 : i32
        %dma_wait3A_289 = arith.constant 0 : i32
        %dma_wait3A_290 = tpu.memref_slice %arg9[%dma_wait3A_286, %dma_wait3A_288, %dma_wait3A_289] : memref<4x64x64xf32, #tpu.memory_space<vmem>> -> memref<1x64x64xf32, #tpu.memory_space<vmem>>
        %dma_wait3A_291 = tpu.memref_squeeze %dma_wait3A_290 : memref<1x64x64xf32, #tpu.memory_space<vmem>> -> memref<64x64xf32, #tpu.memory_space<vmem>>
        %dma_wait3A_292 = arith.constant 0 : i32
        %dma_wait3A_293 = tpu.memref_slice %arg7[%add3A_103, %dma_wait3A_292] : memref<320x64xi32, #tpu.memory_space<vmem>> -> memref<1x64xi32, #tpu.memory_space<vmem>>
        %dma_wait3A_294 = tpu.memref_squeeze %dma_wait3A_293 : memref<1x64xi32, #tpu.memory_space<vmem>> -> memref<64xi32, #tpu.memory_space<vmem>>
        %dma_wait3A_295 = arith.constant 0 : i32
        %dma_wait3A_296 = arith.constant 0 : i32
        %dma_wait3A_297 = tpu.memref_slice %arg11[%dma_wait3A_295, %dma_wait3A_296] : memref<10240x64xf32, #tpu.memory_space<vmem_shared>> -> memref<10240x64xf32, #tpu.memory_space<vmem_shared>>
        %dma_wait3A_298 = tpu.memref_slice %arg13[%dma_wait3A_287] : memref<4x!tpu.dma_semaphore, #tpu.memory_space<semaphore_mem>> -> memref<1x!tpu.dma_semaphore, #tpu.memory_space<semaphore_mem>>
        %dma_wait3A_299 = tpu.memref_squeeze %dma_wait3A_298 : memref<1x!tpu.dma_semaphore, #tpu.memory_space<semaphore_mem>> -> memref<!tpu.dma_semaphore, #tpu.memory_space<semaphore_mem>>
        tpu.wait_indirect_dma semaphore(%dma_wait3A_299 : memref<!tpu.dma_semaphore, #tpu.memory_space<semaphore_mem>>) src(%dma_wait3A_291 : memref<64x64xf32, #tpu.memory_space<vmem>>) dst(%dma_wait3A_297 : memref<10240x64xf32, #tpu.memory_space<vmem_shared>>)
      } else {
      }
      %add3A_106 = arith.constant 2 : i32
      %add3A_107 = arith.addi %add3A_103, %add3A_106 : i32
      %lt3A = arith.constant 320 : i32
      %lt3A_108 = arith.cmpi slt, %add3A_107, %lt3A : i32
      %convert_element_type3A_109 = arith.extui %lt3A_108 : i1 to i32
      %cond3A_110 = arith.constant 0 : i32
      %cond3A_111 = arith.cmpi ne, %convert_element_type3A_109, %cond3A_110 : i32
      scf.if %cond3A_111 {
        %add3A_286 = arith.constant 2 : i32
        %add3A_287 = arith.addi %add3A_103, %add3A_286 : i32
        %dma_start3A_288 = arith.constant 2 : i32
        %dma_start3A_289 = arith.constant 2 : i32
        %dma_start3A_290 = arith.constant 0 : i32
        %dma_start3A_291 = arith.constant 0 : i32
        %dma_start3A_292 = tpu.memref_slice %arg8[%dma_start3A_288, %dma_start3A_290, %dma_start3A_291] : memref<4x64x64xbf16, #tpu.memory_space<vmem>> -> memref<1x64x64xbf16, #tpu.memory_space<vmem>>
        %dma_start3A_293 = tpu.memref_squeeze %dma_start3A_292 : memref<1x64x64xbf16, #tpu.memory_space<vmem>> -> memref<64x64xbf16, #tpu.memory_space<vmem>>
        %dma_start3A_294 = arith.constant 0 : i32
        %dma_start3A_295 = tpu.memref_slice %arg6[%add3A_287, %dma_start3A_294] : memref<320x64xi32, #tpu.memory_space<vmem>> -> memref<1x64xi32, #tpu.memory_space<vmem>>
        %dma_start3A_296 = tpu.memref_squeeze %dma_start3A_295 : memref<1x64xi32, #tpu.memory_space<vmem>> -> memref<64xi32, #tpu.memory_space<vmem>>
        %dma_start3A_297 = arith.constant 0 : i32
        %dma_start3A_298 = arith.constant 0 : i32
        %dma_start3A_299 = tpu.memref_slice %arg2[%dma_start3A_297, %dma_start3A_298] : memref<20480x64xbf16, #tpu.memory_space<hbm>> -> memref<20480x64xbf16, #tpu.memory_space<hbm>>
        %dma_start3A_300 = tpu.memref_slice %arg12[%dma_start3A_289] : memref<4x!tpu.dma_semaphore, #tpu.memory_space<semaphore_mem>> -> memref<1x!tpu.dma_semaphore, #tpu.memory_space<semaphore_mem>>
        %dma_start3A_301 = tpu.memref_squeeze %dma_start3A_300 : memref<1x!tpu.dma_semaphore, #tpu.memory_space<semaphore_mem>> -> memref<!tpu.dma_semaphore, #tpu.memory_space<semaphore_mem>>
        tpu.enqueue_indirect_dma source(%dma_start3A_299 : memref<20480x64xbf16, #tpu.memory_space<hbm>>) target(%dma_start3A_293 : memref<64x64xbf16, #tpu.memory_space<vmem>>) offsets(%dma_start3A_296 : memref<64xi32, #tpu.memory_space<vmem>>) semaphore(%dma_start3A_301 : memref<!tpu.dma_semaphore, #tpu.memory_space<semaphore_mem>>)
      } else {
      }
      %dma_wait3A_112 = arith.constant 0 : i32
      %dma_wait3A_113 = arith.constant 0 : i32
      %dma_wait3A_114 = arith.constant 0 : i32
      %dma_wait3A_115 = arith.constant 0 : i32
      %dma_wait3A_116 = tpu.memref_slice %arg8[%dma_wait3A_112, %dma_wait3A_114, %dma_wait3A_115] : memref<4x64x64xbf16, #tpu.memory_space<vmem>> -> memref<1x64x64xbf16, #tpu.memory_space<vmem>>
      %dma_wait3A_117 = tpu.memref_squeeze %dma_wait3A_116 : memref<1x64x64xbf16, #tpu.memory_space<vmem>> -> memref<64x64xbf16, #tpu.memory_space<vmem>>
      %dma_wait3A_118 = arith.constant 0 : i32
      %dma_wait3A_119 = tpu.memref_slice %arg6[%add3A_103, %dma_wait3A_118] : memref<320x64xi32, #tpu.memory_space<vmem>> -> memref<1x64xi32, #tpu.memory_space<vmem>>
      %dma_wait3A_120 = tpu.memref_squeeze %dma_wait3A_119 : memref<1x64xi32, #tpu.memory_space<vmem>> -> memref<64xi32, #tpu.memory_space<vmem>>
      %dma_wait3A_121 = arith.constant 0 : i32
      %dma_wait3A_122 = arith.constant 0 : i32
      %dma_wait3A_123 = tpu.memref_slice %arg2[%dma_wait3A_121, %dma_wait3A_122] : memref<20480x64xbf16, #tpu.memory_space<hbm>> -> memref<20480x64xbf16, #tpu.memory_space<hbm>>
      %dma_wait3A_124 = tpu.memref_slice %arg12[%dma_wait3A_113] : memref<4x!tpu.dma_semaphore, #tpu.memory_space<semaphore_mem>> -> memref<1x!tpu.dma_semaphore, #tpu.memory_space<semaphore_mem>>
      %dma_wait3A_125 = tpu.memref_squeeze %dma_wait3A_124 : memref<1x!tpu.dma_semaphore, #tpu.memory_space<semaphore_mem>> -> memref<!tpu.dma_semaphore, #tpu.memory_space<semaphore_mem>>
      tpu.wait_indirect_dma semaphore(%dma_wait3A_125 : memref<!tpu.dma_semaphore, #tpu.memory_space<semaphore_mem>>) src(%dma_wait3A_123 : memref<20480x64xbf16, #tpu.memory_space<hbm>>) dst(%dma_wait3A_117 : memref<64x64xbf16, #tpu.memory_space<vmem>>)
      %scan3A_126 = arith.constant 0 : i32
      %scan3A_127 = arith.constant 64 : i32
      %scan3A_128 = arith.addi %scan3A_126, %scan3A_127 : i32
      %scan3A_129 = arith.constant 2 : i32
      scf.for %scan3A_286 = %scan3A_126 to %scan3A_128 step %scan3A_129  : i32 {
        %mul3A_287 = arith.constant 1 : i32
        %mul3A_288 = arith.muli %scan3A_286, %mul3A_287 : i32
        %add3A_289 = arith.constant 0 : i32
        %add3A_290 = arith.addi %add3A_289, %mul3A_288 : i32
        %broadcast_in_dim3A_291 = vector.broadcast %add3A_290 : i32 to vector<16xi32>
        %get3A = arith.constant 0 : i32
        %get3A_292 = arith.index_cast %get3A : i32 to index
        %get3A_293 = arith.index_cast %add3A_290 : i32 to index
        %get3A_294 = arith.constant 0 : index
        %get3A_295 = tpu.vector_load %arg8[%get3A_292, %get3A_293, %get3A_294] {strides = array<i32>} : memref<4x64x64xbf16, #tpu.memory_space<vmem>>, vector<32xbf16>,
        %bitcast3A = vector.bitcast %get3A_295 : vector<32xbf16> to vector<16xi32>
        %shift_left3A = arith.constant 16 : i32
        %shift_left3A_296 = vector.broadcast %shift_left3A : i32 to vector<16xi32>
        %shift_left3A_297 = arith.shli %bitcast3A, %shift_left3A_296 : vector<16xi32>
        %bitcast3A_298 = vector.bitcast %shift_left3A_297 : vector<16xi32> to vector<16xf32>
        %and3A = arith.andi %bitcast3A, %broadcast_in_dim3A_11 : vector<16xi32>
        %bitcast3A_299 = vector.bitcast %and3A : vector<16xi32> to vector<16xf32>
        %scatter3A = arith.constant 0 : i32
        %scatter3A_300 = arith.constant 0 : i32
        %scatter3A_301 = arith.constant 0 : i32
        %scatter3A_302 = tpu.memref_slice %arg9[%scatter3A, %scatter3A_300, %scatter3A_301] : memref<4x64x64xf32, #tpu.memory_space<vmem>> -> memref<1x64x64xf32, #tpu.memory_space<vmem>>
        %scatter3A_303 = tpu.memref_squeeze %scatter3A_302 : memref<1x64x64xf32, #tpu.memory_space<vmem>> -> memref<64x64xf32, #tpu.memory_space<vmem>>
        tpu.vector_store_idx %scatter3A_303[%broadcast_in_dim3A_291, %add3A_13], %bitcast3A_298 : memref<64x64xf32, #tpu.memory_space<vmem>>[vector<16xi32>, vector<16xi32>], vector<16xf32>,
        %scatter3A_304 = arith.constant 0 : i32
        %scatter3A_305 = arith.constant 0 : i32
        %scatter3A_306 = arith.constant 0 : i32
        %scatter3A_307 = tpu.memref_slice %arg9[%scatter3A_304, %scatter3A_305, %scatter3A_306] : memref<4x64x64xf32, #tpu.memory_space<vmem>> -> memref<1x64x64xf32, #tpu.memory_space<vmem>>
        %scatter3A_308 = tpu.memref_squeeze %scatter3A_307 : memref<1x64x64xf32, #tpu.memory_space<vmem>> -> memref<64x64xf32, #tpu.memory_space<vmem>>
        tpu.vector_store_idx %scatter3A_308[%broadcast_in_dim3A_291, %add3A_19], %bitcast3A_299 : memref<64x64xf32, #tpu.memory_space<vmem>>[vector<16xi32>, vector<16xi32>], vector<16xf32>,
        %get3A_309 = arith.constant 0 : i32
        %get3A_310 = arith.index_cast %get3A_309 : i32 to index
        %get3A_311 = arith.index_cast %add3A_290 : i32 to index
        %get3A_312 = arith.constant 32 : index
        %get3A_313 = tpu.vector_load %arg8[%get3A_310, %get3A_311, %get3A_312] {strides = array<i32>} : memref<4x64x64xbf16, #tpu.memory_space<vmem>>, vector<32xbf16>,
        %bitcast3A_314 = vector.bitcast %get3A_313 : vector<32xbf16> to vector<16xi32>
        %shift_left3A_315 = arith.constant 16 : i32
        %shift_left3A_316 = vector.broadcast %shift_left3A_315 : i32 to vector<16xi32>
        %shift_left3A_317 = arith.shli %bitcast3A_314, %shift_left3A_316 : vector<16xi32>
        %bitcast3A_318 = vector.bitcast %shift_left3A_317 : vector<16xi32> to vector<16xf32>
        %and3A_319 = arith.andi %bitcast3A_314, %broadcast_in_dim3A_11 : vector<16xi32>
        %bitcast3A_320 = vector.bitcast %and3A_319 : vector<16xi32> to vector<16xf32>
        %scatter3A_321 = arith.constant 0 : i32
        %scatter3A_322 = arith.constant 0 : i32
        %scatter3A_323 = arith.constant 0 : i32
        %scatter3A_324 = tpu.memref_slice %arg9[%scatter3A_321, %scatter3A_322, %scatter3A_323] : memref<4x64x64xf32, #tpu.memory_space<vmem>> -> memref<1x64x64xf32, #tpu.memory_space<vmem>>
        %scatter3A_325 = tpu.memref_squeeze %scatter3A_324 : memref<1x64x64xf32, #tpu.memory_space<vmem>> -> memref<64x64xf32, #tpu.memory_space<vmem>>
        tpu.vector_store_idx %scatter3A_325[%broadcast_in_dim3A_291, %add3A_22], %bitcast3A_318 : memref<64x64xf32, #tpu.memory_space<vmem>>[vector<16xi32>, vector<16xi32>], vector<16xf32>,
        %scatter3A_326 = arith.constant 0 : i32
        %scatter3A_327 = arith.constant 0 : i32
        %scatter3A_328 = arith.constant 0 : i32
        %scatter3A_329 = tpu.memref_slice %arg9[%scatter3A_326, %scatter3A_327, %scatter3A_328] : memref<4x64x64xf32, #tpu.memory_space<vmem>> -> memref<1x64x64xf32, #tpu.memory_space<vmem>>
        %scatter3A_330 = tpu.memref_squeeze %scatter3A_329 : memref<1x64x64xf32, #tpu.memory_space<vmem>> -> memref<64x64xf32, #tpu.memory_space<vmem>>
        tpu.vector_store_idx %scatter3A_330[%broadcast_in_dim3A_291, %add3A_28], %bitcast3A_320 : memref<64x64xf32, #tpu.memory_space<vmem>>[vector<16xi32>, vector<16xi32>], vector<16xf32>,
        %scan3A_331 = arith.constant 1 : i32
        %scan3A_332 = arith.addi %scan3A_286, %scan3A_331 : i32
        %mul3A_333 = arith.constant 1 : i32
        %mul3A_334 = arith.muli %scan3A_332, %mul3A_333 : i32
        %add3A_335 = arith.constant 0 : i32
        %add3A_336 = arith.addi %add3A_335, %mul3A_334 : i32
        %broadcast_in_dim3A_337 = vector.broadcast %add3A_336 : i32 to vector<16xi32>
        %get3A_338 = arith.constant 0 : i32
        %get3A_339 = arith.index_cast %get3A_338 : i32 to index
        %get3A_340 = arith.index_cast %add3A_336 : i32 to index
        %get3A_341 = arith.constant 0 : index
        %get3A_342 = tpu.vector_load %arg8[%get3A_339, %get3A_340, %get3A_341] {strides = array<i32>} : memref<4x64x64xbf16, #tpu.memory_space<vmem>>, vector<32xbf16>,
        %bitcast3A_343 = vector.bitcast %get3A_342 : vector<32xbf16> to vector<16xi32>
        %shift_left3A_344 = arith.constant 16 : i32
        %shift_left3A_345 = vector.broadcast %shift_left3A_344 : i32 to vector<16xi32>
        %shift_left3A_346 = arith.shli %bitcast3A_343, %shift_left3A_345 : vector<16xi32>
        %bitcast3A_347 = vector.bitcast %shift_left3A_346 : vector<16xi32> to vector<16xf32>
        %and3A_348 = arith.andi %bitcast3A_343, %broadcast_in_dim3A_11 : vector<16xi32>
        %bitcast3A_349 = vector.bitcast %and3A_348 : vector<16xi32> to vector<16xf32>
        %scatter3A_350 = arith.constant 0 : i32
        %scatter3A_351 = arith.constant 0 : i32
        %scatter3A_352 = arith.constant 0 : i32
        %scatter3A_353 = tpu.memref_slice %arg9[%scatter3A_350, %scatter3A_351, %scatter3A_352] : memref<4x64x64xf32, #tpu.memory_space<vmem>> -> memref<1x64x64xf32, #tpu.memory_space<vmem>>
        %scatter3A_354 = tpu.memref_squeeze %scatter3A_353 : memref<1x64x64xf32, #tpu.memory_space<vmem>> -> memref<64x64xf32, #tpu.memory_space<vmem>>
        tpu.vector_store_idx %scatter3A_354[%broadcast_in_dim3A_337, %add3A_13], %bitcast3A_347 : memref<64x64xf32, #tpu.memory_space<vmem>>[vector<16xi32>, vector<16xi32>], vector<16xf32>,
        %scatter3A_355 = arith.constant 0 : i32
        %scatter3A_356 = arith.constant 0 : i32
        %scatter3A_357 = arith.constant 0 : i32
        %scatter3A_358 = tpu.memref_slice %arg9[%scatter3A_355, %scatter3A_356, %scatter3A_357] : memref<4x64x64xf32, #tpu.memory_space<vmem>> -> memref<1x64x64xf32, #tpu.memory_space<vmem>>
        %scatter3A_359 = tpu.memref_squeeze %scatter3A_358 : memref<1x64x64xf32, #tpu.memory_space<vmem>> -> memref<64x64xf32, #tpu.memory_space<vmem>>
        tpu.vector_store_idx %scatter3A_359[%broadcast_in_dim3A_337, %add3A_19], %bitcast3A_349 : memref<64x64xf32, #tpu.memory_space<vmem>>[vector<16xi32>, vector<16xi32>], vector<16xf32>,
        %get3A_360 = arith.constant 0 : i32
        %get3A_361 = arith.index_cast %get3A_360 : i32 to index
        %get3A_362 = arith.index_cast %add3A_336 : i32 to index
        %get3A_363 = arith.constant 32 : index
        %get3A_364 = tpu.vector_load %arg8[%get3A_361, %get3A_362, %get3A_363] {strides = array<i32>} : memref<4x64x64xbf16, #tpu.memory_space<vmem>>, vector<32xbf16>,
        %bitcast3A_365 = vector.bitcast %get3A_364 : vector<32xbf16> to vector<16xi32>
        %shift_left3A_366 = arith.constant 16 : i32
        %shift_left3A_367 = vector.broadcast %shift_left3A_366 : i32 to vector<16xi32>
        %shift_left3A_368 = arith.shli %bitcast3A_365, %shift_left3A_367 : vector<16xi32>
        %bitcast3A_369 = vector.bitcast %shift_left3A_368 : vector<16xi32> to vector<16xf32>
        %and3A_370 = arith.andi %bitcast3A_365, %broadcast_in_dim3A_11 : vector<16xi32>
        %bitcast3A_371 = vector.bitcast %and3A_370 : vector<16xi32> to vector<16xf32>
        %scatter3A_372 = arith.constant 0 : i32
        %scatter3A_373 = arith.constant 0 : i32
        %scatter3A_374 = arith.constant 0 : i32
        %scatter3A_375 = tpu.memref_slice %arg9[%scatter3A_372, %scatter3A_373, %scatter3A_374] : memref<4x64x64xf32, #tpu.memory_space<vmem>> -> memref<1x64x64xf32, #tpu.memory_space<vmem>>
        %scatter3A_376 = tpu.memref_squeeze %scatter3A_375 : memref<1x64x64xf32, #tpu.memory_space<vmem>> -> memref<64x64xf32, #tpu.memory_space<vmem>>
        tpu.vector_store_idx %scatter3A_376[%broadcast_in_dim3A_337, %add3A_22], %bitcast3A_369 : memref<64x64xf32, #tpu.memory_space<vmem>>[vector<16xi32>, vector<16xi32>], vector<16xf32>,
        %scatter3A_377 = arith.constant 0 : i32
        %scatter3A_378 = arith.constant 0 : i32
        %scatter3A_379 = arith.constant 0 : i32
        %scatter3A_380 = tpu.memref_slice %arg9[%scatter3A_377, %scatter3A_378, %scatter3A_379] : memref<4x64x64xf32, #tpu.memory_space<vmem>> -> memref<1x64x64xf32, #tpu.memory_space<vmem>>
        %scatter3A_381 = tpu.memref_squeeze %scatter3A_380 : memref<1x64x64xf32, #tpu.memory_space<vmem>> -> memref<64x64xf32, #tpu.memory_space<vmem>>
        tpu.vector_store_idx %scatter3A_381[%broadcast_in_dim3A_337, %add3A_28], %bitcast3A_371 : memref<64x64xf32, #tpu.memory_space<vmem>>[vector<16xi32>, vector<16xi32>], vector<16xf32>,
      }
      %scan3A_130 = arith.constant 64 : i32
      %dma_start3A_131 = arith.constant 0 : i32
      %dma_start3A_132 = arith.constant 0 : i32
      %dma_start3A_133 = arith.constant 0 : i32
      %dma_start3A_134 = arith.constant 0 : i32
      %dma_start3A_135 = tpu.memref_slice %arg9[%dma_start3A_131, %dma_start3A_133, %dma_start3A_134] : memref<4x64x64xf32, #tpu.memory_space<vmem>> -> memref<1x64x64xf32, #tpu.memory_space<vmem>>
      %dma_start3A_136 = tpu.memref_squeeze %dma_start3A_135 : memref<1x64x64xf32, #tpu.memory_space<vmem>> -> memref<64x64xf32, #tpu.memory_space<vmem>>
      %dma_start3A_137 = arith.constant 0 : i32
      %dma_start3A_138 = tpu.memref_slice %arg7[%add3A_103, %dma_start3A_137] : memref<320x64xi32, #tpu.memory_space<vmem>> -> memref<1x64xi32, #tpu.memory_space<vmem>>
      %dma_start3A_139 = tpu.memref_squeeze %dma_start3A_138 : memref<1x64xi32, #tpu.memory_space<vmem>> -> memref<64xi32, #tpu.memory_space<vmem>>
      %dma_start3A_140 = arith.constant 0 : i32
      %dma_start3A_141 = arith.constant 0 : i32
      %dma_start3A_142 = tpu.memref_slice %arg11[%dma_start3A_140, %dma_start3A_141] : memref<10240x64xf32, #tpu.memory_space<vmem_shared>> -> memref<10240x64xf32, #tpu.memory_space<vmem_shared>>
      %dma_start3A_143 = tpu.memref_slice %arg13[%dma_start3A_132] : memref<4x!tpu.dma_semaphore, #tpu.memory_space<semaphore_mem>> -> memref<1x!tpu.dma_semaphore, #tpu.memory_space<semaphore_mem>>
      %dma_start3A_144 = tpu.memref_squeeze %dma_start3A_143 : memref<1x!tpu.dma_semaphore, #tpu.memory_space<semaphore_mem>> -> memref<!tpu.dma_semaphore, #tpu.memory_space<semaphore_mem>>
      tpu.enqueue_indirect_dma source(%dma_start3A_136 : memref<64x64xf32, #tpu.memory_space<vmem>>) target(%dma_start3A_142 : memref<10240x64xf32, #tpu.memory_space<vmem_shared>>) offsets(%dma_start3A_139 : memref<64xi32, #tpu.memory_space<vmem>>) semaphore(%dma_start3A_144 : memref<!tpu.dma_semaphore, #tpu.memory_space<semaphore_mem>>) {add = true}
      %add3A_145 = arith.constant 1 : i32
      %add3A_146 = arith.addi %add3A_101, %add3A_145 : i32
      %ge3A_147 = arith.constant 2 : i32
      %ge3A_148 = arith.cmpi sge, %add3A_146, %ge3A_147 : i32
      %convert_element_type3A_149 = arith.extui %ge3A_148 : i1 to i32
      %cond3A_150 = arith.constant 0 : i32
      %cond3A_151 = arith.cmpi ne, %convert_element_type3A_149, %cond3A_150 : i32
      scf.if %cond3A_151 {
        %dma_wait3A_286 = arith.constant 3 : i32
        %dma_wait3A_287 = arith.constant 3 : i32
        %dma_wait3A_288 = arith.constant 0 : i32
        %dma_wait3A_289 = arith.constant 0 : i32
        %dma_wait3A_290 = tpu.memref_slice %arg9[%dma_wait3A_286, %dma_wait3A_288, %dma_wait3A_289] : memref<4x64x64xf32, #tpu.memory_space<vmem>> -> memref<1x64x64xf32, #tpu.memory_space<vmem>>
        %dma_wait3A_291 = tpu.memref_squeeze %dma_wait3A_290 : memref<1x64x64xf32, #tpu.memory_space<vmem>> -> memref<64x64xf32, #tpu.memory_space<vmem>>
        %dma_wait3A_292 = arith.constant 0 : i32
        %dma_wait3A_293 = tpu.memref_slice %arg7[%add3A_146, %dma_wait3A_292] : memref<320x64xi32, #tpu.memory_space<vmem>> -> memref<1x64xi32, #tpu.memory_space<vmem>>
        %dma_wait3A_294 = tpu.memref_squeeze %dma_wait3A_293 : memref<1x64xi32, #tpu.memory_space<vmem>> -> memref<64xi32, #tpu.memory_space<vmem>>
        %dma_wait3A_295 = arith.constant 0 : i32
        %dma_wait3A_296 = arith.constant 0 : i32
        %dma_wait3A_297 = tpu.memref_slice %arg11[%dma_wait3A_295, %dma_wait3A_296] : memref<10240x64xf32, #tpu.memory_space<vmem_shared>> -> memref<10240x64xf32, #tpu.memory_space<vmem_shared>>
        %dma_wait3A_298 = tpu.memref_slice %arg13[%dma_wait3A_287] : memref<4x!tpu.dma_semaphore, #tpu.memory_space<semaphore_mem>> -> memref<1x!tpu.dma_semaphore, #tpu.memory_space<semaphore_mem>>
        %dma_wait3A_299 = tpu.memref_squeeze %dma_wait3A_298 : memref<1x!tpu.dma_semaphore, #tpu.memory_space<semaphore_mem>> -> memref<!tpu.dma_semaphore, #tpu.memory_space<semaphore_mem>>
        tpu.wait_indirect_dma semaphore(%dma_wait3A_299 : memref<!tpu.dma_semaphore, #tpu.memory_space<semaphore_mem>>) src(%dma_wait3A_291 : memref<64x64xf32, #tpu.memory_space<vmem>>) dst(%dma_wait3A_297 : memref<10240x64xf32, #tpu.memory_space<vmem_shared>>)
      } else {
      }
      %add3A_152 = arith.constant 2 : i32
      %add3A_153 = arith.addi %add3A_146, %add3A_152 : i32
      %lt3A_154 = arith.constant 320 : i32
      %lt3A_155 = arith.cmpi slt, %add3A_153, %lt3A_154 : i32
      %convert_element_type3A_156 = arith.extui %lt3A_155 : i1 to i32
      %cond3A_157 = arith.constant 0 : i32
      %cond3A_158 = arith.cmpi ne, %convert_element_type3A_156, %cond3A_157 : i32
      scf.if %cond3A_158 {
        %add3A_286 = arith.constant 2 : i32
        %add3A_287 = arith.addi %add3A_146, %add3A_286 : i32
        %dma_start3A_288 = arith.constant 3 : i32
        %dma_start3A_289 = arith.constant 3 : i32
        %dma_start3A_290 = arith.constant 0 : i32
        %dma_start3A_291 = arith.constant 0 : i32
        %dma_start3A_292 = tpu.memref_slice %arg8[%dma_start3A_288, %dma_start3A_290, %dma_start3A_291] : memref<4x64x64xbf16, #tpu.memory_space<vmem>> -> memref<1x64x64xbf16, #tpu.memory_space<vmem>>
        %dma_start3A_293 = tpu.memref_squeeze %dma_start3A_292 : memref<1x64x64xbf16, #tpu.memory_space<vmem>> -> memref<64x64xbf16, #tpu.memory_space<vmem>>
        %dma_start3A_294 = arith.constant 0 : i32
        %dma_start3A_295 = tpu.memref_slice %arg6[%add3A_287, %dma_start3A_294] : memref<320x64xi32, #tpu.memory_space<vmem>> -> memref<1x64xi32, #tpu.memory_space<vmem>>
        %dma_start3A_296 = tpu.memref_squeeze %dma_start3A_295 : memref<1x64xi32, #tpu.memory_space<vmem>> -> memref<64xi32, #tpu.memory_space<vmem>>
        %dma_start3A_297 = arith.constant 0 : i32
        %dma_start3A_298 = arith.constant 0 : i32
        %dma_start3A_299 = tpu.memref_slice %arg2[%dma_start3A_297, %dma_start3A_298] : memref<20480x64xbf16, #tpu.memory_space<hbm>> -> memref<20480x64xbf16, #tpu.memory_space<hbm>>
        %dma_start3A_300 = tpu.memref_slice %arg12[%dma_start3A_289] : memref<4x!tpu.dma_semaphore, #tpu.memory_space<semaphore_mem>> -> memref<1x!tpu.dma_semaphore, #tpu.memory_space<semaphore_mem>>
        %dma_start3A_301 = tpu.memref_squeeze %dma_start3A_300 : memref<1x!tpu.dma_semaphore, #tpu.memory_space<semaphore_mem>> -> memref<!tpu.dma_semaphore, #tpu.memory_space<semaphore_mem>>
        tpu.enqueue_indirect_dma source(%dma_start3A_299 : memref<20480x64xbf16, #tpu.memory_space<hbm>>) target(%dma_start3A_293 : memref<64x64xbf16, #tpu.memory_space<vmem>>) offsets(%dma_start3A_296 : memref<64xi32, #tpu.memory_space<vmem>>) semaphore(%dma_start3A_301 : memref<!tpu.dma_semaphore, #tpu.memory_space<semaphore_mem>>)
      } else {
      }
      %dma_wait3A_159 = arith.constant 1 : i32
      %dma_wait3A_160 = arith.constant 1 : i32
      %dma_wait3A_161 = arith.constant 0 : i32
      %dma_wait3A_162 = arith.constant 0 : i32
      %dma_wait3A_163 = tpu.memref_slice %arg8[%dma_wait3A_159, %dma_wait3A_161, %dma_wait3A_162] : memref<4x64x64xbf16, #tpu.memory_space<vmem>> -> memref<1x64x64xbf16, #tpu.memory_space<vmem>>
      %dma_wait3A_164 = tpu.memref_squeeze %dma_wait3A_163 : memref<1x64x64xbf16, #tpu.memory_space<vmem>> -> memref<64x64xbf16, #tpu.memory_space<vmem>>
      %dma_wait3A_165 = arith.constant 0 : i32
      %dma_wait3A_166 = tpu.memref_slice %arg6[%add3A_146, %dma_wait3A_165] : memref<320x64xi32, #tpu.memory_space<vmem>> -> memref<1x64xi32, #tpu.memory_space<vmem>>
      %dma_wait3A_167 = tpu.memref_squeeze %dma_wait3A_166 : memref<1x64xi32, #tpu.memory_space<vmem>> -> memref<64xi32, #tpu.memory_space<vmem>>
      %dma_wait3A_168 = arith.constant 0 : i32
      %dma_wait3A_169 = arith.constant 0 : i32
      %dma_wait3A_170 = tpu.memref_slice %arg2[%dma_wait3A_168, %dma_wait3A_169] : memref<20480x64xbf16, #tpu.memory_space<hbm>> -> memref<20480x64xbf16, #tpu.memory_space<hbm>>
      %dma_wait3A_171 = tpu.memref_slice %arg12[%dma_wait3A_160] : memref<4x!tpu.dma_semaphore, #tpu.memory_space<semaphore_mem>> -> memref<1x!tpu.dma_semaphore, #tpu.memory_space<semaphore_mem>>
      %dma_wait3A_172 = tpu.memref_squeeze %dma_wait3A_171 : memref<1x!tpu.dma_semaphore, #tpu.memory_space<semaphore_mem>> -> memref<!tpu.dma_semaphore, #tpu.memory_space<semaphore_mem>>
      tpu.wait_indirect_dma semaphore(%dma_wait3A_172 : memref<!tpu.dma_semaphore, #tpu.memory_space<semaphore_mem>>) src(%dma_wait3A_170 : memref<20480x64xbf16, #tpu.memory_space<hbm>>) dst(%dma_wait3A_164 : memref<64x64xbf16, #tpu.memory_space<vmem>>)
      %scan3A_173 = arith.constant 0 : i32
      %scan3A_174 = arith.constant 64 : i32
      %scan3A_175 = arith.addi %scan3A_173, %scan3A_174 : i32
      %scan3A_176 = arith.constant 2 : i32
      scf.for %scan3A_286 = %scan3A_173 to %scan3A_175 step %scan3A_176  : i32 {
        %mul3A_287 = arith.constant 1 : i32
        %mul3A_288 = arith.muli %scan3A_286, %mul3A_287 : i32
        %add3A_289 = arith.constant 0 : i32
        %add3A_290 = arith.addi %add3A_289, %mul3A_288 : i32
        %broadcast_in_dim3A_291 = vector.broadcast %add3A_290 : i32 to vector<16xi32>
        %get3A = arith.constant 1 : i32
        %get3A_292 = arith.index_cast %get3A : i32 to index
        %get3A_293 = arith.index_cast %add3A_290 : i32 to index
        %get3A_294 = arith.constant 0 : index
        %get3A_295 = tpu.vector_load %arg8[%get3A_292, %get3A_293, %get3A_294] {strides = array<i32>} : memref<4x64x64xbf16, #tpu.memory_space<vmem>>, vector<32xbf16>,
        %bitcast3A = vector.bitcast %get3A_295 : vector<32xbf16> to vector<16xi32>
        %shift_left3A = arith.constant 16 : i32
        %shift_left3A_296 = vector.broadcast %shift_left3A : i32 to vector<16xi32>
        %shift_left3A_297 = arith.shli %bitcast3A, %shift_left3A_296 : vector<16xi32>
        %bitcast3A_298 = vector.bitcast %shift_left3A_297 : vector<16xi32> to vector<16xf32>
        %and3A = arith.andi %bitcast3A, %broadcast_in_dim3A_11 : vector<16xi32>
        %bitcast3A_299 = vector.bitcast %and3A : vector<16xi32> to vector<16xf32>
        %scatter3A = arith.constant 1 : i32
        %scatter3A_300 = arith.constant 0 : i32
        %scatter3A_301 = arith.constant 0 : i32
        %scatter3A_302 = tpu.memref_slice %arg9[%scatter3A, %scatter3A_300, %scatter3A_301] : memref<4x64x64xf32, #tpu.memory_space<vmem>> -> memref<1x64x64xf32, #tpu.memory_space<vmem>>
        %scatter3A_303 = tpu.memref_squeeze %scatter3A_302 : memref<1x64x64xf32, #tpu.memory_space<vmem>> -> memref<64x64xf32, #tpu.memory_space<vmem>>
        tpu.vector_store_idx %scatter3A_303[%broadcast_in_dim3A_291, %add3A_13], %bitcast3A_298 : memref<64x64xf32, #tpu.memory_space<vmem>>[vector<16xi32>, vector<16xi32>], vector<16xf32>,
        %scatter3A_304 = arith.constant 1 : i32
        %scatter3A_305 = arith.constant 0 : i32
        %scatter3A_306 = arith.constant 0 : i32
        %scatter3A_307 = tpu.memref_slice %arg9[%scatter3A_304, %scatter3A_305, %scatter3A_306] : memref<4x64x64xf32, #tpu.memory_space<vmem>> -> memref<1x64x64xf32, #tpu.memory_space<vmem>>
        %scatter3A_308 = tpu.memref_squeeze %scatter3A_307 : memref<1x64x64xf32, #tpu.memory_space<vmem>> -> memref<64x64xf32, #tpu.memory_space<vmem>>
        tpu.vector_store_idx %scatter3A_308[%broadcast_in_dim3A_291, %add3A_19], %bitcast3A_299 : memref<64x64xf32, #tpu.memory_space<vmem>>[vector<16xi32>, vector<16xi32>], vector<16xf32>,
        %get3A_309 = arith.constant 1 : i32
        %get3A_310 = arith.index_cast %get3A_309 : i32 to index
        %get3A_311 = arith.index_cast %add3A_290 : i32 to index
        %get3A_312 = arith.constant 32 : index
        %get3A_313 = tpu.vector_load %arg8[%get3A_310, %get3A_311, %get3A_312] {strides = array<i32>} : memref<4x64x64xbf16, #tpu.memory_space<vmem>>, vector<32xbf16>,
        %bitcast3A_314 = vector.bitcast %get3A_313 : vector<32xbf16> to vector<16xi32>
        %shift_left3A_315 = arith.constant 16 : i32
        %shift_left3A_316 = vector.broadcast %shift_left3A_315 : i32 to vector<16xi32>
        %shift_left3A_317 = arith.shli %bitcast3A_314, %shift_left3A_316 : vector<16xi32>
        %bitcast3A_318 = vector.bitcast %shift_left3A_317 : vector<16xi32> to vector<16xf32>
        %and3A_319 = arith.andi %bitcast3A_314, %broadcast_in_dim3A_11 : vector<16xi32>
        %bitcast3A_320 = vector.bitcast %and3A_319 : vector<16xi32> to vector<16xf32>
        %scatter3A_321 = arith.constant 1 : i32
        %scatter3A_322 = arith.constant 0 : i32
        %scatter3A_323 = arith.constant 0 : i32
        %scatter3A_324 = tpu.memref_slice %arg9[%scatter3A_321, %scatter3A_322, %scatter3A_323] : memref<4x64x64xf32, #tpu.memory_space<vmem>> -> memref<1x64x64xf32, #tpu.memory_space<vmem>>
        %scatter3A_325 = tpu.memref_squeeze %scatter3A_324 : memref<1x64x64xf32, #tpu.memory_space<vmem>> -> memref<64x64xf32, #tpu.memory_space<vmem>>
        tpu.vector_store_idx %scatter3A_325[%broadcast_in_dim3A_291, %add3A_22], %bitcast3A_318 : memref<64x64xf32, #tpu.memory_space<vmem>>[vector<16xi32>, vector<16xi32>], vector<16xf32>,
        %scatter3A_326 = arith.constant 1 : i32
        %scatter3A_327 = arith.constant 0 : i32
        %scatter3A_328 = arith.constant 0 : i32
        %scatter3A_329 = tpu.memref_slice %arg9[%scatter3A_326, %scatter3A_327, %scatter3A_328] : memref<4x64x64xf32, #tpu.memory_space<vmem>> -> memref<1x64x64xf32, #tpu.memory_space<vmem>>
        %scatter3A_330 = tpu.memref_squeeze %scatter3A_329 : memref<1x64x64xf32, #tpu.memory_space<vmem>> -> memref<64x64xf32, #tpu.memory_space<vmem>>
        tpu.vector_store_idx %scatter3A_330[%broadcast_in_dim3A_291, %add3A_28], %bitcast3A_320 : memref<64x64xf32, #tpu.memory_space<vmem>>[vector<16xi32>, vector<16xi32>], vector<16xf32>,
        %scan3A_331 = arith.constant 1 : i32
        %scan3A_332 = arith.addi %scan3A_286, %scan3A_331 : i32
        %mul3A_333 = arith.constant 1 : i32
        %mul3A_334 = arith.muli %scan3A_332, %mul3A_333 : i32
        %add3A_335 = arith.constant 0 : i32
        %add3A_336 = arith.addi %add3A_335, %mul3A_334 : i32
        %broadcast_in_dim3A_337 = vector.broadcast %add3A_336 : i32 to vector<16xi32>
        %get3A_338 = arith.constant 1 : i32
        %get3A_339 = arith.index_cast %get3A_338 : i32 to index
        %get3A_340 = arith.index_cast %add3A_336 : i32 to index
        %get3A_341 = arith.constant 0 : index
        %get3A_342 = tpu.vector_load %arg8[%get3A_339, %get3A_340, %get3A_341] {strides = array<i32>} : memref<4x64x64xbf16, #tpu.memory_space<vmem>>, vector<32xbf16>,
        %bitcast3A_343 = vector.bitcast %get3A_342 : vector<32xbf16> to vector<16xi32>
        %shift_left3A_344 = arith.constant 16 : i32
        %shift_left3A_345 = vector.broadcast %shift_left3A_344 : i32 to vector<16xi32>
        %shift_left3A_346 = arith.shli %bitcast3A_343, %shift_left3A_345 : vector<16xi32>
        %bitcast3A_347 = vector.bitcast %shift_left3A_346 : vector<16xi32> to vector<16xf32>
        %and3A_348 = arith.andi %bitcast3A_343, %broadcast_in_dim3A_11 : vector<16xi32>
        %bitcast3A_349 = vector.bitcast %and3A_348 : vector<16xi32> to vector<16xf32>
        %scatter3A_350 = arith.constant 1 : i32
        %scatter3A_351 = arith.constant 0 : i32
        %scatter3A_352 = arith.constant 0 : i32
        %scatter3A_353 = tpu.memref_slice %arg9[%scatter3A_350, %scatter3A_351, %scatter3A_352] : memref<4x64x64xf32, #tpu.memory_space<vmem>> -> memref<1x64x64xf32, #tpu.memory_space<vmem>>
        %scatter3A_354 = tpu.memref_squeeze %scatter3A_353 : memref<1x64x64xf32, #tpu.memory_space<vmem>> -> memref<64x64xf32, #tpu.memory_space<vmem>>
        tpu.vector_store_idx %scatter3A_354[%broadcast_in_dim3A_337, %add3A_13], %bitcast3A_347 : memref<64x64xf32, #tpu.memory_space<vmem>>[vector<16xi32>, vector<16xi32>], vector<16xf32>,
        %scatter3A_355 = arith.constant 1 : i32
        %scatter3A_356 = arith.constant 0 : i32
        %scatter3A_357 = arith.constant 0 : i32
        %scatter3A_358 = tpu.memref_slice %arg9[%scatter3A_355, %scatter3A_356, %scatter3A_357] : memref<4x64x64xf32, #tpu.memory_space<vmem>> -> memref<1x64x64xf32, #tpu.memory_space<vmem>>
        %scatter3A_359 = tpu.memref_squeeze %scatter3A_358 : memref<1x64x64xf32, #tpu.memory_space<vmem>> -> memref<64x64xf32, #tpu.memory_space<vmem>>
        tpu.vector_store_idx %scatter3A_359[%broadcast_in_dim3A_337, %add3A_19], %bitcast3A_349 : memref<64x64xf32, #tpu.memory_space<vmem>>[vector<16xi32>, vector<16xi32>], vector<16xf32>,
        %get3A_360 = arith.constant 1 : i32
        %get3A_361 = arith.index_cast %get3A_360 : i32 to index
        %get3A_362 = arith.index_cast %add3A_336 : i32 to index
        %get3A_363 = arith.constant 32 : index
        %get3A_364 = tpu.vector_load %arg8[%get3A_361, %get3A_362, %get3A_363] {strides = array<i32>} : memref<4x64x64xbf16, #tpu.memory_space<vmem>>, vector<32xbf16>,
        %bitcast3A_365 = vector.bitcast %get3A_364 : vector<32xbf16> to vector<16xi32>
        %shift_left3A_366 = arith.constant 16 : i32
        %shift_left3A_367 = vector.broadcast %shift_left3A_366 : i32 to vector<16xi32>
        %shift_left3A_368 = arith.shli %bitcast3A_365, %shift_left3A_367 : vector<16xi32>
        %bitcast3A_369 = vector.bitcast %shift_left3A_368 : vector<16xi32> to vector<16xf32>
        %and3A_370 = arith.andi %bitcast3A_365, %broadcast_in_dim3A_11 : vector<16xi32>
        %bitcast3A_371 = vector.bitcast %and3A_370 : vector<16xi32> to vector<16xf32>
        %scatter3A_372 = arith.constant 1 : i32
        %scatter3A_373 = arith.constant 0 : i32
        %scatter3A_374 = arith.constant 0 : i32
        %scatter3A_375 = tpu.memref_slice %arg9[%scatter3A_372, %scatter3A_373, %scatter3A_374] : memref<4x64x64xf32, #tpu.memory_space<vmem>> -> memref<1x64x64xf32, #tpu.memory_space<vmem>>
        %scatter3A_376 = tpu.memref_squeeze %scatter3A_375 : memref<1x64x64xf32, #tpu.memory_space<vmem>> -> memref<64x64xf32, #tpu.memory_space<vmem>>
        tpu.vector_store_idx %scatter3A_376[%broadcast_in_dim3A_337, %add3A_22], %bitcast3A_369 : memref<64x64xf32, #tpu.memory_space<vmem>>[vector<16xi32>, vector<16xi32>], vector<16xf32>,
        %scatter3A_377 = arith.constant 1 : i32
        %scatter3A_378 = arith.constant 0 : i32
        %scatter3A_379 = arith.constant 0 : i32
        %scatter3A_380 = tpu.memref_slice %arg9[%scatter3A_377, %scatter3A_378, %scatter3A_379] : memref<4x64x64xf32, #tpu.memory_space<vmem>> -> memref<1x64x64xf32, #tpu.memory_space<vmem>>
        %scatter3A_381 = tpu.memref_squeeze %scatter3A_380 : memref<1x64x64xf32, #tpu.memory_space<vmem>> -> memref<64x64xf32, #tpu.memory_space<vmem>>
        tpu.vector_store_idx %scatter3A_381[%broadcast_in_dim3A_337, %add3A_28], %bitcast3A_371 : memref<64x64xf32, #tpu.memory_space<vmem>>[vector<16xi32>, vector<16xi32>], vector<16xf32>,
      }
      %scan3A_177 = arith.constant 64 : i32
      %dma_start3A_178 = arith.constant 1 : i32
      %dma_start3A_179 = arith.constant 1 : i32
      %dma_start3A_180 = arith.constant 0 : i32
      %dma_start3A_181 = arith.constant 0 : i32
      %dma_start3A_182 = tpu.memref_slice %arg9[%dma_start3A_178, %dma_start3A_180, %dma_start3A_181] : memref<4x64x64xf32, #tpu.memory_space<vmem>> -> memref<1x64x64xf32, #tpu.memory_space<vmem>>
      %dma_start3A_183 = tpu.memref_squeeze %dma_start3A_182 : memref<1x64x64xf32, #tpu.memory_space<vmem>> -> memref<64x64xf32, #tpu.memory_space<vmem>>
      %dma_start3A_184 = arith.constant 0 : i32
      %dma_start3A_185 = tpu.memref_slice %arg7[%add3A_146, %dma_start3A_184] : memref<320x64xi32, #tpu.memory_space<vmem>> -> memref<1x64xi32, #tpu.memory_space<vmem>>
      %dma_start3A_186 = tpu.memref_squeeze %dma_start3A_185 : memref<1x64xi32, #tpu.memory_space<vmem>> -> memref<64xi32, #tpu.memory_space<vmem>>
      %dma_start3A_187 = arith.constant 0 : i32
      %dma_start3A_188 = arith.constant 0 : i32
      %dma_start3A_189 = tpu.memref_slice %arg11[%dma_start3A_187, %dma_start3A_188] : memref<10240x64xf32, #tpu.memory_space<vmem_shared>> -> memref<10240x64xf32, #tpu.memory_space<vmem_shared>>
      %dma_start3A_190 = tpu.memref_slice %arg13[%dma_start3A_179] : memref<4x!tpu.dma_semaphore, #tpu.memory_space<semaphore_mem>> -> memref<1x!tpu.dma_semaphore, #tpu.memory_space<semaphore_mem>>
      %dma_start3A_191 = tpu.memref_squeeze %dma_start3A_190 : memref<1x!tpu.dma_semaphore, #tpu.memory_space<semaphore_mem>> -> memref<!tpu.dma_semaphore, #tpu.memory_space<semaphore_mem>>
      tpu.enqueue_indirect_dma source(%dma_start3A_183 : memref<64x64xf32, #tpu.memory_space<vmem>>) target(%dma_start3A_189 : memref<10240x64xf32, #tpu.memory_space<vmem_shared>>) offsets(%dma_start3A_186 : memref<64xi32, #tpu.memory_space<vmem>>) semaphore(%dma_start3A_191 : memref<!tpu.dma_semaphore, #tpu.memory_space<semaphore_mem>>) {add = true}
      %add3A_192 = arith.constant 2 : i32
      %add3A_193 = arith.addi %add3A_101, %add3A_192 : i32
      %ge3A_194 = arith.constant 2 : i32
      %ge3A_195 = arith.cmpi sge, %add3A_193, %ge3A_194 : i32
      %convert_element_type3A_196 = arith.extui %ge3A_195 : i1 to i32
      %cond3A_197 = arith.constant 0 : i32
      %cond3A_198 = arith.cmpi ne, %convert_element_type3A_196, %cond3A_197 : i32
      scf.if %cond3A_198 {
        %dma_wait3A_286 = arith.constant 0 : i32
        %dma_wait3A_287 = arith.constant 0 : i32
        %dma_wait3A_288 = arith.constant 0 : i32
        %dma_wait3A_289 = arith.constant 0 : i32
        %dma_wait3A_290 = tpu.memref_slice %arg9[%dma_wait3A_286, %dma_wait3A_288, %dma_wait3A_289] : memref<4x64x64xf32, #tpu.memory_space<vmem>> -> memref<1x64x64xf32, #tpu.memory_space<vmem>>
        %dma_wait3A_291 = tpu.memref_squeeze %dma_wait3A_290 : memref<1x64x64xf32, #tpu.memory_space<vmem>> -> memref<64x64xf32, #tpu.memory_space<vmem>>
        %dma_wait3A_292 = arith.constant 0 : i32
        %dma_wait3A_293 = tpu.memref_slice %arg7[%add3A_193, %dma_wait3A_292] : memref<320x64xi32, #tpu.memory_space<vmem>> -> memref<1x64xi32, #tpu.memory_space<vmem>>
        %dma_wait3A_294 = tpu.memref_squeeze %dma_wait3A_293 : memref<1x64xi32, #tpu.memory_space<vmem>> -> memref<64xi32, #tpu.memory_space<vmem>>
        %dma_wait3A_295 = arith.constant 0 : i32
        %dma_wait3A_296 = arith.constant 0 : i32
        %dma_wait3A_297 = tpu.memref_slice %arg11[%dma_wait3A_295, %dma_wait3A_296] : memref<10240x64xf32, #tpu.memory_space<vmem_shared>> -> memref<10240x64xf32, #tpu.memory_space<vmem_shared>>
        %dma_wait3A_298 = tpu.memref_slice %arg13[%dma_wait3A_287] : memref<4x!tpu.dma_semaphore, #tpu.memory_space<semaphore_mem>> -> memref<1x!tpu.dma_semaphore, #tpu.memory_space<semaphore_mem>>
        %dma_wait3A_299 = tpu.memref_squeeze %dma_wait3A_298 : memref<1x!tpu.dma_semaphore, #tpu.memory_space<semaphore_mem>> -> memref<!tpu.dma_semaphore, #tpu.memory_space<semaphore_mem>>
        tpu.wait_indirect_dma semaphore(%dma_wait3A_299 : memref<!tpu.dma_semaphore, #tpu.memory_space<semaphore_mem>>) src(%dma_wait3A_291 : memref<64x64xf32, #tpu.memory_space<vmem>>) dst(%dma_wait3A_297 : memref<10240x64xf32, #tpu.memory_space<vmem_shared>>)
      } else {
      }
      %add3A_199 = arith.constant 2 : i32
      %add3A_200 = arith.addi %add3A_193, %add3A_199 : i32
      %lt3A_201 = arith.constant 320 : i32
      %lt3A_202 = arith.cmpi slt, %add3A_200, %lt3A_201 : i32
      %convert_element_type3A_203 = arith.extui %lt3A_202 : i1 to i32
      %cond3A_204 = arith.constant 0 : i32
      %cond3A_205 = arith.cmpi ne, %convert_element_type3A_203, %cond3A_204 : i32
      scf.if %cond3A_205 {
        %add3A_286 = arith.constant 2 : i32
        %add3A_287 = arith.addi %add3A_193, %add3A_286 : i32
        %dma_start3A_288 = arith.constant 0 : i32
        %dma_start3A_289 = arith.constant 0 : i32
        %dma_start3A_290 = arith.constant 0 : i32
        %dma_start3A_291 = arith.constant 0 : i32
        %dma_start3A_292 = tpu.memref_slice %arg8[%dma_start3A_288, %dma_start3A_290, %dma_start3A_291] : memref<4x64x64xbf16, #tpu.memory_space<vmem>> -> memref<1x64x64xbf16, #tpu.memory_space<vmem>>
        %dma_start3A_293 = tpu.memref_squeeze %dma_start3A_292 : memref<1x64x64xbf16, #tpu.memory_space<vmem>> -> memref<64x64xbf16, #tpu.memory_space<vmem>>
        %dma_start3A_294 = arith.constant 0 : i32
        %dma_start3A_295 = tpu.memref_slice %arg6[%add3A_287, %dma_start3A_294] : memref<320x64xi32, #tpu.memory_space<vmem>> -> memref<1x64xi32, #tpu.memory_space<vmem>>
        %dma_start3A_296 = tpu.memref_squeeze %dma_start3A_295 : memref<1x64xi32, #tpu.memory_space<vmem>> -> memref<64xi32, #tpu.memory_space<vmem>>
        %dma_start3A_297 = arith.constant 0 : i32
        %dma_start3A_298 = arith.constant 0 : i32
        %dma_start3A_299 = tpu.memref_slice %arg2[%dma_start3A_297, %dma_start3A_298] : memref<20480x64xbf16, #tpu.memory_space<hbm>> -> memref<20480x64xbf16, #tpu.memory_space<hbm>>
        %dma_start3A_300 = tpu.memref_slice %arg12[%dma_start3A_289] : memref<4x!tpu.dma_semaphore, #tpu.memory_space<semaphore_mem>> -> memref<1x!tpu.dma_semaphore, #tpu.memory_space<semaphore_mem>>
        %dma_start3A_301 = tpu.memref_squeeze %dma_start3A_300 : memref<1x!tpu.dma_semaphore, #tpu.memory_space<semaphore_mem>> -> memref<!tpu.dma_semaphore, #tpu.memory_space<semaphore_mem>>
        tpu.enqueue_indirect_dma source(%dma_start3A_299 : memref<20480x64xbf16, #tpu.memory_space<hbm>>) target(%dma_start3A_293 : memref<64x64xbf16, #tpu.memory_space<vmem>>) offsets(%dma_start3A_296 : memref<64xi32, #tpu.memory_space<vmem>>) semaphore(%dma_start3A_301 : memref<!tpu.dma_semaphore, #tpu.memory_space<semaphore_mem>>)
      } else {
      }
      %dma_wait3A_206 = arith.constant 2 : i32
      %dma_wait3A_207 = arith.constant 2 : i32
      %dma_wait3A_208 = arith.constant 0 : i32
      %dma_wait3A_209 = arith.constant 0 : i32
      %dma_wait3A_210 = tpu.memref_slice %arg8[%dma_wait3A_206, %dma_wait3A_208, %dma_wait3A_209] : memref<4x64x64xbf16, #tpu.memory_space<vmem>> -> memref<1x64x64xbf16, #tpu.memory_space<vmem>>
      %dma_wait3A_211 = tpu.memref_squeeze %dma_wait3A_210 : memref<1x64x64xbf16, #tpu.memory_space<vmem>> -> memref<64x64xbf16, #tpu.memory_space<vmem>>
      %dma_wait3A_212 = arith.constant 0 : i32
      %dma_wait3A_213 = tpu.memref_slice %arg6[%add3A_193, %dma_wait3A_212] : memref<320x64xi32, #tpu.memory_space<vmem>> -> memref<1x64xi32, #tpu.memory_space<vmem>>
      %dma_wait3A_214 = tpu.memref_squeeze %dma_wait3A_213 : memref<1x64xi32, #tpu.memory_space<vmem>> -> memref<64xi32, #tpu.memory_space<vmem>>
      %dma_wait3A_215 = arith.constant 0 : i32
      %dma_wait3A_216 = arith.constant 0 : i32
      %dma_wait3A_217 = tpu.memref_slice %arg2[%dma_wait3A_215, %dma_wait3A_216] : memref<20480x64xbf16, #tpu.memory_space<hbm>> -> memref<20480x64xbf16, #tpu.memory_space<hbm>>
      %dma_wait3A_218 = tpu.memref_slice %arg12[%dma_wait3A_207] : memref<4x!tpu.dma_semaphore, #tpu.memory_space<semaphore_mem>> -> memref<1x!tpu.dma_semaphore, #tpu.memory_space<semaphore_mem>>
      %dma_wait3A_219 = tpu.memref_squeeze %dma_wait3A_218 : memref<1x!tpu.dma_semaphore, #tpu.memory_space<semaphore_mem>> -> memref<!tpu.dma_semaphore, #tpu.memory_space<semaphore_mem>>
      tpu.wait_indirect_dma semaphore(%dma_wait3A_219 : memref<!tpu.dma_semaphore, #tpu.memory_space<semaphore_mem>>) src(%dma_wait3A_217 : memref<20480x64xbf16, #tpu.memory_space<hbm>>) dst(%dma_wait3A_211 : memref<64x64xbf16, #tpu.memory_space<vmem>>)
      %scan3A_220 = arith.constant 0 : i32
      %scan3A_221 = arith.constant 64 : i32
      %scan3A_222 = arith.addi %scan3A_220, %scan3A_221 : i32
      %scan3A_223 = arith.constant 2 : i32
      scf.for %scan3A_286 = %scan3A_220 to %scan3A_222 step %scan3A_223  : i32 {
        %mul3A_287 = arith.constant 1 : i32
        %mul3A_288 = arith.muli %scan3A_286, %mul3A_287 : i32
        %add3A_289 = arith.constant 0 : i32
        %add3A_290 = arith.addi %add3A_289, %mul3A_288 : i32
        %broadcast_in_dim3A_291 = vector.broadcast %add3A_290 : i32 to vector<16xi32>
        %get3A = arith.constant 2 : i32
        %get3A_292 = arith.index_cast %get3A : i32 to index
        %get3A_293 = arith.index_cast %add3A_290 : i32 to index
        %get3A_294 = arith.constant 0 : index
        %get3A_295 = tpu.vector_load %arg8[%get3A_292, %get3A_293, %get3A_294] {strides = array<i32>} : memref<4x64x64xbf16, #tpu.memory_space<vmem>>, vector<32xbf16>,
        %bitcast3A = vector.bitcast %get3A_295 : vector<32xbf16> to vector<16xi32>
        %shift_left3A = arith.constant 16 : i32
        %shift_left3A_296 = vector.broadcast %shift_left3A : i32 to vector<16xi32>
        %shift_left3A_297 = arith.shli %bitcast3A, %shift_left3A_296 : vector<16xi32>
        %bitcast3A_298 = vector.bitcast %shift_left3A_297 : vector<16xi32> to vector<16xf32>
        %and3A = arith.andi %bitcast3A, %broadcast_in_dim3A_11 : vector<16xi32>
        %bitcast3A_299 = vector.bitcast %and3A : vector<16xi32> to vector<16xf32>
        %scatter3A = arith.constant 2 : i32
        %scatter3A_300 = arith.constant 0 : i32
        %scatter3A_301 = arith.constant 0 : i32
        %scatter3A_302 = tpu.memref_slice %arg9[%scatter3A, %scatter3A_300, %scatter3A_301] : memref<4x64x64xf32, #tpu.memory_space<vmem>> -> memref<1x64x64xf32, #tpu.memory_space<vmem>>
        %scatter3A_303 = tpu.memref_squeeze %scatter3A_302 : memref<1x64x64xf32, #tpu.memory_space<vmem>> -> memref<64x64xf32, #tpu.memory_space<vmem>>
        tpu.vector_store_idx %scatter3A_303[%broadcast_in_dim3A_291, %add3A_13], %bitcast3A_298 : memref<64x64xf32, #tpu.memory_space<vmem>>[vector<16xi32>, vector<16xi32>], vector<16xf32>,
        %scatter3A_304 = arith.constant 2 : i32
        %scatter3A_305 = arith.constant 0 : i32
        %scatter3A_306 = arith.constant 0 : i32
        %scatter3A_307 = tpu.memref_slice %arg9[%scatter3A_304, %scatter3A_305, %scatter3A_306] : memref<4x64x64xf32, #tpu.memory_space<vmem>> -> memref<1x64x64xf32, #tpu.memory_space<vmem>>
        %scatter3A_308 = tpu.memref_squeeze %scatter3A_307 : memref<1x64x64xf32, #tpu.memory_space<vmem>> -> memref<64x64xf32, #tpu.memory_space<vmem>>
        tpu.vector_store_idx %scatter3A_308[%broadcast_in_dim3A_291, %add3A_19], %bitcast3A_299 : memref<64x64xf32, #tpu.memory_space<vmem>>[vector<16xi32>, vector<16xi32>], vector<16xf32>,
        %get3A_309 = arith.constant 2 : i32
        %get3A_310 = arith.index_cast %get3A_309 : i32 to index
        %get3A_311 = arith.index_cast %add3A_290 : i32 to index
        %get3A_312 = arith.constant 32 : index
        %get3A_313 = tpu.vector_load %arg8[%get3A_310, %get3A_311, %get3A_312] {strides = array<i32>} : memref<4x64x64xbf16, #tpu.memory_space<vmem>>, vector<32xbf16>,
        %bitcast3A_314 = vector.bitcast %get3A_313 : vector<32xbf16> to vector<16xi32>
        %shift_left3A_315 = arith.constant 16 : i32
        %shift_left3A_316 = vector.broadcast %shift_left3A_315 : i32 to vector<16xi32>
        %shift_left3A_317 = arith.shli %bitcast3A_314, %shift_left3A_316 : vector<16xi32>
        %bitcast3A_318 = vector.bitcast %shift_left3A_317 : vector<16xi32> to vector<16xf32>
        %and3A_319 = arith.andi %bitcast3A_314, %broadcast_in_dim3A_11 : vector<16xi32>
        %bitcast3A_320 = vector.bitcast %and3A_319 : vector<16xi32> to vector<16xf32>
        %scatter3A_321 = arith.constant 2 : i32
        %scatter3A_322 = arith.constant 0 : i32
        %scatter3A_323 = arith.constant 0 : i32
        %scatter3A_324 = tpu.memref_slice %arg9[%scatter3A_321, %scatter3A_322, %scatter3A_323] : memref<4x64x64xf32, #tpu.memory_space<vmem>> -> memref<1x64x64xf32, #tpu.memory_space<vmem>>
        %scatter3A_325 = tpu.memref_squeeze %scatter3A_324 : memref<1x64x64xf32, #tpu.memory_space<vmem>> -> memref<64x64xf32, #tpu.memory_space<vmem>>
        tpu.vector_store_idx %scatter3A_325[%broadcast_in_dim3A_291, %add3A_22], %bitcast3A_318 : memref<64x64xf32, #tpu.memory_space<vmem>>[vector<16xi32>, vector<16xi32>], vector<16xf32>,
        %scatter3A_326 = arith.constant 2 : i32
        %scatter3A_327 = arith.constant 0 : i32
        %scatter3A_328 = arith.constant 0 : i32
        %scatter3A_329 = tpu.memref_slice %arg9[%scatter3A_326, %scatter3A_327, %scatter3A_328] : memref<4x64x64xf32, #tpu.memory_space<vmem>> -> memref<1x64x64xf32, #tpu.memory_space<vmem>>
        %scatter3A_330 = tpu.memref_squeeze %scatter3A_329 : memref<1x64x64xf32, #tpu.memory_space<vmem>> -> memref<64x64xf32, #tpu.memory_space<vmem>>
        tpu.vector_store_idx %scatter3A_330[%broadcast_in_dim3A_291, %add3A_28], %bitcast3A_320 : memref<64x64xf32, #tpu.memory_space<vmem>>[vector<16xi32>, vector<16xi32>], vector<16xf32>,
        %scan3A_331 = arith.constant 1 : i32
        %scan3A_332 = arith.addi %scan3A_286, %scan3A_331 : i32
        %mul3A_333 = arith.constant 1 : i32
        %mul3A_334 = arith.muli %scan3A_332, %mul3A_333 : i32
        %add3A_335 = arith.constant 0 : i32
        %add3A_336 = arith.addi %add3A_335, %mul3A_334 : i32
        %broadcast_in_dim3A_337 = vector.broadcast %add3A_336 : i32 to vector<16xi32>
        %get3A_338 = arith.constant 2 : i32
        %get3A_339 = arith.index_cast %get3A_338 : i32 to index
        %get3A_340 = arith.index_cast %add3A_336 : i32 to index
        %get3A_341 = arith.constant 0 : index
        %get3A_342 = tpu.vector_load %arg8[%get3A_339, %get3A_340, %get3A_341] {strides = array<i32>} : memref<4x64x64xbf16, #tpu.memory_space<vmem>>, vector<32xbf16>,
        %bitcast3A_343 = vector.bitcast %get3A_342 : vector<32xbf16> to vector<16xi32>
        %shift_left3A_344 = arith.constant 16 : i32
        %shift_left3A_345 = vector.broadcast %shift_left3A_344 : i32 to vector<16xi32>
        %shift_left3A_346 = arith.shli %bitcast3A_343, %shift_left3A_345 : vector<16xi32>
        %bitcast3A_347 = vector.bitcast %shift_left3A_346 : vector<16xi32> to vector<16xf32>
        %and3A_348 = arith.andi %bitcast3A_343, %broadcast_in_dim3A_11 : vector<16xi32>
        %bitcast3A_349 = vector.bitcast %and3A_348 : vector<16xi32> to vector<16xf32>
        %scatter3A_350 = arith.constant 2 : i32
        %scatter3A_351 = arith.constant 0 : i32
        %scatter3A_352 = arith.constant 0 : i32
        %scatter3A_353 = tpu.memref_slice %arg9[%scatter3A_350, %scatter3A_351, %scatter3A_352] : memref<4x64x64xf32, #tpu.memory_space<vmem>> -> memref<1x64x64xf32, #tpu.memory_space<vmem>>
        %scatter3A_354 = tpu.memref_squeeze %scatter3A_353 : memref<1x64x64xf32, #tpu.memory_space<vmem>> -> memref<64x64xf32, #tpu.memory_space<vmem>>
        tpu.vector_store_idx %scatter3A_354[%broadcast_in_dim3A_337, %add3A_13], %bitcast3A_347 : memref<64x64xf32, #tpu.memory_space<vmem>>[vector<16xi32>, vector<16xi32>], vector<16xf32>,
        %scatter3A_355 = arith.constant 2 : i32
        %scatter3A_356 = arith.constant 0 : i32
        %scatter3A_357 = arith.constant 0 : i32
        %scatter3A_358 = tpu.memref_slice %arg9[%scatter3A_355, %scatter3A_356, %scatter3A_357] : memref<4x64x64xf32, #tpu.memory_space<vmem>> -> memref<1x64x64xf32, #tpu.memory_space<vmem>>
        %scatter3A_359 = tpu.memref_squeeze %scatter3A_358 : memref<1x64x64xf32, #tpu.memory_space<vmem>> -> memref<64x64xf32, #tpu.memory_space<vmem>>
        tpu.vector_store_idx %scatter3A_359[%broadcast_in_dim3A_337, %add3A_19], %bitcast3A_349 : memref<64x64xf32, #tpu.memory_space<vmem>>[vector<16xi32>, vector<16xi32>], vector<16xf32>,
        %get3A_360 = arith.constant 2 : i32
        %get3A_361 = arith.index_cast %get3A_360 : i32 to index
        %get3A_362 = arith.index_cast %add3A_336 : i32 to index
        %get3A_363 = arith.constant 32 : index
        %get3A_364 = tpu.vector_load %arg8[%get3A_361, %get3A_362, %get3A_363] {strides = array<i32>} : memref<4x64x64xbf16, #tpu.memory_space<vmem>>, vector<32xbf16>,
        %bitcast3A_365 = vector.bitcast %get3A_364 : vector<32xbf16> to vector<16xi32>
        %shift_left3A_366 = arith.constant 16 : i32
        %shift_left3A_367 = vector.broadcast %shift_left3A_366 : i32 to vector<16xi32>
        %shift_left3A_368 = arith.shli %bitcast3A_365, %shift_left3A_367 : vector<16xi32>
        %bitcast3A_369 = vector.bitcast %shift_left3A_368 : vector<16xi32> to vector<16xf32>
        %and3A_370 = arith.andi %bitcast3A_365, %broadcast_in_dim3A_11 : vector<16xi32>
        %bitcast3A_371 = vector.bitcast %and3A_370 : vector<16xi32> to vector<16xf32>
        %scatter3A_372 = arith.constant 2 : i32
        %scatter3A_373 = arith.constant 0 : i32
        %scatter3A_374 = arith.constant 0 : i32
        %scatter3A_375 = tpu.memref_slice %arg9[%scatter3A_372, %scatter3A_373, %scatter3A_374] : memref<4x64x64xf32, #tpu.memory_space<vmem>> -> memref<1x64x64xf32, #tpu.memory_space<vmem>>
        %scatter3A_376 = tpu.memref_squeeze %scatter3A_375 : memref<1x64x64xf32, #tpu.memory_space<vmem>> -> memref<64x64xf32, #tpu.memory_space<vmem>>
        tpu.vector_store_idx %scatter3A_376[%broadcast_in_dim3A_337, %add3A_22], %bitcast3A_369 : memref<64x64xf32, #tpu.memory_space<vmem>>[vector<16xi32>, vector<16xi32>], vector<16xf32>,
        %scatter3A_377 = arith.constant 2 : i32
        %scatter3A_378 = arith.constant 0 : i32
        %scatter3A_379 = arith.constant 0 : i32
        %scatter3A_380 = tpu.memref_slice %arg9[%scatter3A_377, %scatter3A_378, %scatter3A_379] : memref<4x64x64xf32, #tpu.memory_space<vmem>> -> memref<1x64x64xf32, #tpu.memory_space<vmem>>
        %scatter3A_381 = tpu.memref_squeeze %scatter3A_380 : memref<1x64x64xf32, #tpu.memory_space<vmem>> -> memref<64x64xf32, #tpu.memory_space<vmem>>
        tpu.vector_store_idx %scatter3A_381[%broadcast_in_dim3A_337, %add3A_28], %bitcast3A_371 : memref<64x64xf32, #tpu.memory_space<vmem>>[vector<16xi32>, vector<16xi32>], vector<16xf32>,
      }
      %scan3A_224 = arith.constant 64 : i32
      %dma_start3A_225 = arith.constant 2 : i32
      %dma_start3A_226 = arith.constant 2 : i32
      %dma_start3A_227 = arith.constant 0 : i32
      %dma_start3A_228 = arith.constant 0 : i32
      %dma_start3A_229 = tpu.memref_slice %arg9[%dma_start3A_225, %dma_start3A_227, %dma_start3A_228] : memref<4x64x64xf32, #tpu.memory_space<vmem>> -> memref<1x64x64xf32, #tpu.memory_space<vmem>>
      %dma_start3A_230 = tpu.memref_squeeze %dma_start3A_229 : memref<1x64x64xf32, #tpu.memory_space<vmem>> -> memref<64x64xf32, #tpu.memory_space<vmem>>
      %dma_start3A_231 = arith.constant 0 : i32
      %dma_start3A_232 = tpu.memref_slice %arg7[%add3A_193, %dma_start3A_231] : memref<320x64xi32, #tpu.memory_space<vmem>> -> memref<1x64xi32, #tpu.memory_space<vmem>>
      %dma_start3A_233 = tpu.memref_squeeze %dma_start3A_232 : memref<1x64xi32, #tpu.memory_space<vmem>> -> memref<64xi32, #tpu.memory_space<vmem>>
      %dma_start3A_234 = arith.constant 0 : i32
      %dma_start3A_235 = arith.constant 0 : i32
      %dma_start3A_236 = tpu.memref_slice %arg11[%dma_start3A_234, %dma_start3A_235] : memref<10240x64xf32, #tpu.memory_space<vmem_shared>> -> memref<10240x64xf32, #tpu.memory_space<vmem_shared>>
      %dma_start3A_237 = tpu.memref_slice %arg13[%dma_start3A_226] : memref<4x!tpu.dma_semaphore, #tpu.memory_space<semaphore_mem>> -> memref<1x!tpu.dma_semaphore, #tpu.memory_space<semaphore_mem>>
      %dma_start3A_238 = tpu.memref_squeeze %dma_start3A_237 : memref<1x!tpu.dma_semaphore, #tpu.memory_space<semaphore_mem>> -> memref<!tpu.dma_semaphore, #tpu.memory_space<semaphore_mem>>
      tpu.enqueue_indirect_dma source(%dma_start3A_230 : memref<64x64xf32, #tpu.memory_space<vmem>>) target(%dma_start3A_236 : memref<10240x64xf32, #tpu.memory_space<vmem_shared>>) offsets(%dma_start3A_233 : memref<64xi32, #tpu.memory_space<vmem>>) semaphore(%dma_start3A_238 : memref<!tpu.dma_semaphore, #tpu.memory_space<semaphore_mem>>) {add = true}
      %add3A_239 = arith.constant 3 : i32
      %add3A_240 = arith.addi %add3A_101, %add3A_239 : i32
      %ge3A_241 = arith.constant 2 : i32
      %ge3A_242 = arith.cmpi sge, %add3A_240, %ge3A_241 : i32
      %convert_element_type3A_243 = arith.extui %ge3A_242 : i1 to i32
      %cond3A_244 = arith.constant 0 : i32
      %cond3A_245 = arith.cmpi ne, %convert_element_type3A_243, %cond3A_244 : i32
      scf.if %cond3A_245 {
        %dma_wait3A_286 = arith.constant 1 : i32
        %dma_wait3A_287 = arith.constant 1 : i32
        %dma_wait3A_288 = arith.constant 0 : i32
        %dma_wait3A_289 = arith.constant 0 : i32
        %dma_wait3A_290 = tpu.memref_slice %arg9[%dma_wait3A_286, %dma_wait3A_288, %dma_wait3A_289] : memref<4x64x64xf32, #tpu.memory_space<vmem>> -> memref<1x64x64xf32, #tpu.memory_space<vmem>>
        %dma_wait3A_291 = tpu.memref_squeeze %dma_wait3A_290 : memref<1x64x64xf32, #tpu.memory_space<vmem>> -> memref<64x64xf32, #tpu.memory_space<vmem>>
        %dma_wait3A_292 = arith.constant 0 : i32
        %dma_wait3A_293 = tpu.memref_slice %arg7[%add3A_240, %dma_wait3A_292] : memref<320x64xi32, #tpu.memory_space<vmem>> -> memref<1x64xi32, #tpu.memory_space<vmem>>
        %dma_wait3A_294 = tpu.memref_squeeze %dma_wait3A_293 : memref<1x64xi32, #tpu.memory_space<vmem>> -> memref<64xi32, #tpu.memory_space<vmem>>
        %dma_wait3A_295 = arith.constant 0 : i32
        %dma_wait3A_296 = arith.constant 0 : i32
        %dma_wait3A_297 = tpu.memref_slice %arg11[%dma_wait3A_295, %dma_wait3A_296] : memref<10240x64xf32, #tpu.memory_space<vmem_shared>> -> memref<10240x64xf32, #tpu.memory_space<vmem_shared>>
        %dma_wait3A_298 = tpu.memref_slice %arg13[%dma_wait3A_287] : memref<4x!tpu.dma_semaphore, #tpu.memory_space<semaphore_mem>> -> memref<1x!tpu.dma_semaphore, #tpu.memory_space<semaphore_mem>>
        %dma_wait3A_299 = tpu.memref_squeeze %dma_wait3A_298 : memref<1x!tpu.dma_semaphore, #tpu.memory_space<semaphore_mem>> -> memref<!tpu.dma_semaphore, #tpu.memory_space<semaphore_mem>>
        tpu.wait_indirect_dma semaphore(%dma_wait3A_299 : memref<!tpu.dma_semaphore, #tpu.memory_space<semaphore_mem>>) src(%dma_wait3A_291 : memref<64x64xf32, #tpu.memory_space<vmem>>) dst(%dma_wait3A_297 : memref<10240x64xf32, #tpu.memory_space<vmem_shared>>)
      } else {
      }
      %add3A_246 = arith.constant 2 : i32
      %add3A_247 = arith.addi %add3A_240, %add3A_246 : i32
      %lt3A_248 = arith.constant 320 : i32
      %lt3A_249 = arith.cmpi slt, %add3A_247, %lt3A_248 : i32
      %convert_element_type3A_250 = arith.extui %lt3A_249 : i1 to i32
      %cond3A_251 = arith.constant 0 : i32
      %cond3A_252 = arith.cmpi ne, %convert_element_type3A_250, %cond3A_251 : i32
      scf.if %cond3A_252 {
        %add3A_286 = arith.constant 2 : i32
        %add3A_287 = arith.addi %add3A_240, %add3A_286 : i32
        %dma_start3A_288 = arith.constant 1 : i32
        %dma_start3A_289 = arith.constant 1 : i32
        %dma_start3A_290 = arith.constant 0 : i32
        %dma_start3A_291 = arith.constant 0 : i32
        %dma_start3A_292 = tpu.memref_slice %arg8[%dma_start3A_288, %dma_start3A_290, %dma_start3A_291] : memref<4x64x64xbf16, #tpu.memory_space<vmem>> -> memref<1x64x64xbf16, #tpu.memory_space<vmem>>
        %dma_start3A_293 = tpu.memref_squeeze %dma_start3A_292 : memref<1x64x64xbf16, #tpu.memory_space<vmem>> -> memref<64x64xbf16, #tpu.memory_space<vmem>>
        %dma_start3A_294 = arith.constant 0 : i32
        %dma_start3A_295 = tpu.memref_slice %arg6[%add3A_287, %dma_start3A_294] : memref<320x64xi32, #tpu.memory_space<vmem>> -> memref<1x64xi32, #tpu.memory_space<vmem>>
        %dma_start3A_296 = tpu.memref_squeeze %dma_start3A_295 : memref<1x64xi32, #tpu.memory_space<vmem>> -> memref<64xi32, #tpu.memory_space<vmem>>
        %dma_start3A_297 = arith.constant 0 : i32
        %dma_start3A_298 = arith.constant 0 : i32
        %dma_start3A_299 = tpu.memref_slice %arg2[%dma_start3A_297, %dma_start3A_298] : memref<20480x64xbf16, #tpu.memory_space<hbm>> -> memref<20480x64xbf16, #tpu.memory_space<hbm>>
        %dma_start3A_300 = tpu.memref_slice %arg12[%dma_start3A_289] : memref<4x!tpu.dma_semaphore, #tpu.memory_space<semaphore_mem>> -> memref<1x!tpu.dma_semaphore, #tpu.memory_space<semaphore_mem>>
        %dma_start3A_301 = tpu.memref_squeeze %dma_start3A_300 : memref<1x!tpu.dma_semaphore, #tpu.memory_space<semaphore_mem>> -> memref<!tpu.dma_semaphore, #tpu.memory_space<semaphore_mem>>
        tpu.enqueue_indirect_dma source(%dma_start3A_299 : memref<20480x64xbf16, #tpu.memory_space<hbm>>) target(%dma_start3A_293 : memref<64x64xbf16, #tpu.memory_space<vmem>>) offsets(%dma_start3A_296 : memref<64xi32, #tpu.memory_space<vmem>>) semaphore(%dma_start3A_301 : memref<!tpu.dma_semaphore, #tpu.memory_space<semaphore_mem>>)
      } else {
      }
      %dma_wait3A_253 = arith.constant 3 : i32
      %dma_wait3A_254 = arith.constant 3 : i32
      %dma_wait3A_255 = arith.constant 0 : i32
      %dma_wait3A_256 = arith.constant 0 : i32
      %dma_wait3A_257 = tpu.memref_slice %arg8[%dma_wait3A_253, %dma_wait3A_255, %dma_wait3A_256] : memref<4x64x64xbf16, #tpu.memory_space<vmem>> -> memref<1x64x64xbf16, #tpu.memory_space<vmem>>
      %dma_wait3A_258 = tpu.memref_squeeze %dma_wait3A_257 : memref<1x64x64xbf16, #tpu.memory_space<vmem>> -> memref<64x64xbf16, #tpu.memory_space<vmem>>
      %dma_wait3A_259 = arith.constant 0 : i32
      %dma_wait3A_260 = tpu.memref_slice %arg6[%add3A_240, %dma_wait3A_259] : memref<320x64xi32, #tpu.memory_space<vmem>> -> memref<1x64xi32, #tpu.memory_space<vmem>>
      %dma_wait3A_261 = tpu.memref_squeeze %dma_wait3A_260 : memref<1x64xi32, #tpu.memory_space<vmem>> -> memref<64xi32, #tpu.memory_space<vmem>>
      %dma_wait3A_262 = arith.constant 0 : i32
      %dma_wait3A_263 = arith.constant 0 : i32
      %dma_wait3A_264 = tpu.memref_slice %arg2[%dma_wait3A_262, %dma_wait3A_263] : memref<20480x64xbf16, #tpu.memory_space<hbm>> -> memref<20480x64xbf16, #tpu.memory_space<hbm>>
      %dma_wait3A_265 = tpu.memref_slice %arg12[%dma_wait3A_254] : memref<4x!tpu.dma_semaphore, #tpu.memory_space<semaphore_mem>> -> memref<1x!tpu.dma_semaphore, #tpu.memory_space<semaphore_mem>>
      %dma_wait3A_266 = tpu.memref_squeeze %dma_wait3A_265 : memref<1x!tpu.dma_semaphore, #tpu.memory_space<semaphore_mem>> -> memref<!tpu.dma_semaphore, #tpu.memory_space<semaphore_mem>>
      tpu.wait_indirect_dma semaphore(%dma_wait3A_266 : memref<!tpu.dma_semaphore, #tpu.memory_space<semaphore_mem>>) src(%dma_wait3A_264 : memref<20480x64xbf16, #tpu.memory_space<hbm>>) dst(%dma_wait3A_258 : memref<64x64xbf16, #tpu.memory_space<vmem>>)
      %scan3A_267 = arith.constant 0 : i32
      %scan3A_268 = arith.constant 64 : i32
      %scan3A_269 = arith.addi %scan3A_267, %scan3A_268 : i32
      %scan3A_270 = arith.constant 2 : i32
      scf.for %scan3A_286 = %scan3A_267 to %scan3A_269 step %scan3A_270  : i32 {
        %mul3A_287 = arith.constant 1 : i32
        %mul3A_288 = arith.muli %scan3A_286, %mul3A_287 : i32
        %add3A_289 = arith.constant 0 : i32
        %add3A_290 = arith.addi %add3A_289, %mul3A_288 : i32
        %broadcast_in_dim3A_291 = vector.broadcast %add3A_290 : i32 to vector<16xi32>
        %get3A = arith.constant 3 : i32
        %get3A_292 = arith.index_cast %get3A : i32 to index
        %get3A_293 = arith.index_cast %add3A_290 : i32 to index
        %get3A_294 = arith.constant 0 : index
        %get3A_295 = tpu.vector_load %arg8[%get3A_292, %get3A_293, %get3A_294] {strides = array<i32>} : memref<4x64x64xbf16, #tpu.memory_space<vmem>>, vector<32xbf16>,
        %bitcast3A = vector.bitcast %get3A_295 : vector<32xbf16> to vector<16xi32>
        %shift_left3A = arith.constant 16 : i32
        %shift_left3A_296 = vector.broadcast %shift_left3A : i32 to vector<16xi32>
        %shift_left3A_297 = arith.shli %bitcast3A, %shift_left3A_296 : vector<16xi32>
        %bitcast3A_298 = vector.bitcast %shift_left3A_297 : vector<16xi32> to vector<16xf32>
        %and3A = arith.andi %bitcast3A, %broadcast_in_dim3A_11 : vector<16xi32>
        %bitcast3A_299 = vector.bitcast %and3A : vector<16xi32> to vector<16xf32>
        %scatter3A = arith.constant 3 : i32
        %scatter3A_300 = arith.constant 0 : i32
        %scatter3A_301 = arith.constant 0 : i32
        %scatter3A_302 = tpu.memref_slice %arg9[%scatter3A, %scatter3A_300, %scatter3A_301] : memref<4x64x64xf32, #tpu.memory_space<vmem>> -> memref<1x64x64xf32, #tpu.memory_space<vmem>>
        %scatter3A_303 = tpu.memref_squeeze %scatter3A_302 : memref<1x64x64xf32, #tpu.memory_space<vmem>> -> memref<64x64xf32, #tpu.memory_space<vmem>>
        tpu.vector_store_idx %scatter3A_303[%broadcast_in_dim3A_291, %add3A_13], %bitcast3A_298 : memref<64x64xf32, #tpu.memory_space<vmem>>[vector<16xi32>, vector<16xi32>], vector<16xf32>,
        %scatter3A_304 = arith.constant 3 : i32
        %scatter3A_305 = arith.constant 0 : i32
        %scatter3A_306 = arith.constant 0 : i32
        %scatter3A_307 = tpu.memref_slice %arg9[%scatter3A_304, %scatter3A_305, %scatter3A_306] : memref<4x64x64xf32, #tpu.memory_space<vmem>> -> memref<1x64x64xf32, #tpu.memory_space<vmem>>
        %scatter3A_308 = tpu.memref_squeeze %scatter3A_307 : memref<1x64x64xf32, #tpu.memory_space<vmem>> -> memref<64x64xf32, #tpu.memory_space<vmem>>
        tpu.vector_store_idx %scatter3A_308[%broadcast_in_dim3A_291, %add3A_19], %bitcast3A_299 : memref<64x64xf32, #tpu.memory_space<vmem>>[vector<16xi32>, vector<16xi32>], vector<16xf32>,
        %get3A_309 = arith.constant 3 : i32
        %get3A_310 = arith.index_cast %get3A_309 : i32 to index
        %get3A_311 = arith.index_cast %add3A_290 : i32 to index
        %get3A_312 = arith.constant 32 : index
        %get3A_313 = tpu.vector_load %arg8[%get3A_310, %get3A_311, %get3A_312] {strides = array<i32>} : memref<4x64x64xbf16, #tpu.memory_space<vmem>>, vector<32xbf16>,
        %bitcast3A_314 = vector.bitcast %get3A_313 : vector<32xbf16> to vector<16xi32>
        %shift_left3A_315 = arith.constant 16 : i32
        %shift_left3A_316 = vector.broadcast %shift_left3A_315 : i32 to vector<16xi32>
        %shift_left3A_317 = arith.shli %bitcast3A_314, %shift_left3A_316 : vector<16xi32>
        %bitcast3A_318 = vector.bitcast %shift_left3A_317 : vector<16xi32> to vector<16xf32>
        %and3A_319 = arith.andi %bitcast3A_314, %broadcast_in_dim3A_11 : vector<16xi32>
        %bitcast3A_320 = vector.bitcast %and3A_319 : vector<16xi32> to vector<16xf32>
        %scatter3A_321 = arith.constant 3 : i32
        %scatter3A_322 = arith.constant 0 : i32
        %scatter3A_323 = arith.constant 0 : i32
        %scatter3A_324 = tpu.memref_slice %arg9[%scatter3A_321, %scatter3A_322, %scatter3A_323] : memref<4x64x64xf32, #tpu.memory_space<vmem>> -> memref<1x64x64xf32, #tpu.memory_space<vmem>>
        %scatter3A_325 = tpu.memref_squeeze %scatter3A_324 : memref<1x64x64xf32, #tpu.memory_space<vmem>> -> memref<64x64xf32, #tpu.memory_space<vmem>>
        tpu.vector_store_idx %scatter3A_325[%broadcast_in_dim3A_291, %add3A_22], %bitcast3A_318 : memref<64x64xf32, #tpu.memory_space<vmem>>[vector<16xi32>, vector<16xi32>], vector<16xf32>,
        %scatter3A_326 = arith.constant 3 : i32
        %scatter3A_327 = arith.constant 0 : i32
        %scatter3A_328 = arith.constant 0 : i32
        %scatter3A_329 = tpu.memref_slice %arg9[%scatter3A_326, %scatter3A_327, %scatter3A_328] : memref<4x64x64xf32, #tpu.memory_space<vmem>> -> memref<1x64x64xf32, #tpu.memory_space<vmem>>
        %scatter3A_330 = tpu.memref_squeeze %scatter3A_329 : memref<1x64x64xf32, #tpu.memory_space<vmem>> -> memref<64x64xf32, #tpu.memory_space<vmem>>
        tpu.vector_store_idx %scatter3A_330[%broadcast_in_dim3A_291, %add3A_28], %bitcast3A_320 : memref<64x64xf32, #tpu.memory_space<vmem>>[vector<16xi32>, vector<16xi32>], vector<16xf32>,
        %scan3A_331 = arith.constant 1 : i32
        %scan3A_332 = arith.addi %scan3A_286, %scan3A_331 : i32
        %mul3A_333 = arith.constant 1 : i32
        %mul3A_334 = arith.muli %scan3A_332, %mul3A_333 : i32
        %add3A_335 = arith.constant 0 : i32
        %add3A_336 = arith.addi %add3A_335, %mul3A_334 : i32
        %broadcast_in_dim3A_337 = vector.broadcast %add3A_336 : i32 to vector<16xi32>
        %get3A_338 = arith.constant 3 : i32
        %get3A_339 = arith.index_cast %get3A_338 : i32 to index
        %get3A_340 = arith.index_cast %add3A_336 : i32 to index
        %get3A_341 = arith.constant 0 : index
        %get3A_342 = tpu.vector_load %arg8[%get3A_339, %get3A_340, %get3A_341] {strides = array<i32>} : memref<4x64x64xbf16, #tpu.memory_space<vmem>>, vector<32xbf16>,
        %bitcast3A_343 = vector.bitcast %get3A_342 : vector<32xbf16> to vector<16xi32>
        %shift_left3A_344 = arith.constant 16 : i32
        %shift_left3A_345 = vector.broadcast %shift_left3A_344 : i32 to vector<16xi32>
        %shift_left3A_346 = arith.shli %bitcast3A_343, %shift_left3A_345 : vector<16xi32>
        %bitcast3A_347 = vector.bitcast %shift_left3A_346 : vector<16xi32> to vector<16xf32>
        %and3A_348 = arith.andi %bitcast3A_343, %broadcast_in_dim3A_11 : vector<16xi32>
        %bitcast3A_349 = vector.bitcast %and3A_348 : vector<16xi32> to vector<16xf32>
        %scatter3A_350 = arith.constant 3 : i32
        %scatter3A_351 = arith.constant 0 : i32
        %scatter3A_352 = arith.constant 0 : i32
        %scatter3A_353 = tpu.memref_slice %arg9[%scatter3A_350, %scatter3A_351, %scatter3A_352] : memref<4x64x64xf32, #tpu.memory_space<vmem>> -> memref<1x64x64xf32, #tpu.memory_space<vmem>>
        %scatter3A_354 = tpu.memref_squeeze %scatter3A_353 : memref<1x64x64xf32, #tpu.memory_space<vmem>> -> memref<64x64xf32, #tpu.memory_space<vmem>>
        tpu.vector_store_idx %scatter3A_354[%broadcast_in_dim3A_337, %add3A_13], %bitcast3A_347 : memref<64x64xf32, #tpu.memory_space<vmem>>[vector<16xi32>, vector<16xi32>], vector<16xf32>,
        %scatter3A_355 = arith.constant 3 : i32
        %scatter3A_356 = arith.constant 0 : i32
        %scatter3A_357 = arith.constant 0 : i32
        %scatter3A_358 = tpu.memref_slice %arg9[%scatter3A_355, %scatter3A_356, %scatter3A_357] : memref<4x64x64xf32, #tpu.memory_space<vmem>> -> memref<1x64x64xf32, #tpu.memory_space<vmem>>
        %scatter3A_359 = tpu.memref_squeeze %scatter3A_358 : memref<1x64x64xf32, #tpu.memory_space<vmem>> -> memref<64x64xf32, #tpu.memory_space<vmem>>
        tpu.vector_store_idx %scatter3A_359[%broadcast_in_dim3A_337, %add3A_19], %bitcast3A_349 : memref<64x64xf32, #tpu.memory_space<vmem>>[vector<16xi32>, vector<16xi32>], vector<16xf32>,
        %get3A_360 = arith.constant 3 : i32
        %get3A_361 = arith.index_cast %get3A_360 : i32 to index
        %get3A_362 = arith.index_cast %add3A_336 : i32 to index
        %get3A_363 = arith.constant 32 : index
        %get3A_364 = tpu.vector_load %arg8[%get3A_361, %get3A_362, %get3A_363] {strides = array<i32>} : memref<4x64x64xbf16, #tpu.memory_space<vmem>>, vector<32xbf16>,
        %bitcast3A_365 = vector.bitcast %get3A_364 : vector<32xbf16> to vector<16xi32>
        %shift_left3A_366 = arith.constant 16 : i32
        %shift_left3A_367 = vector.broadcast %shift_left3A_366 : i32 to vector<16xi32>
        %shift_left3A_368 = arith.shli %bitcast3A_365, %shift_left3A_367 : vector<16xi32>
        %bitcast3A_369 = vector.bitcast %shift_left3A_368 : vector<16xi32> to vector<16xf32>
        %and3A_370 = arith.andi %bitcast3A_365, %broadcast_in_dim3A_11 : vector<16xi32>
        %bitcast3A_371 = vector.bitcast %and3A_370 : vector<16xi32> to vector<16xf32>
        %scatter3A_372 = arith.constant 3 : i32
        %scatter3A_373 = arith.constant 0 : i32
        %scatter3A_374 = arith.constant 0 : i32
        %scatter3A_375 = tpu.memref_slice %arg9[%scatter3A_372, %scatter3A_373, %scatter3A_374] : memref<4x64x64xf32, #tpu.memory_space<vmem>> -> memref<1x64x64xf32, #tpu.memory_space<vmem>>
        %scatter3A_376 = tpu.memref_squeeze %scatter3A_375 : memref<1x64x64xf32, #tpu.memory_space<vmem>> -> memref<64x64xf32, #tpu.memory_space<vmem>>
        tpu.vector_store_idx %scatter3A_376[%broadcast_in_dim3A_337, %add3A_22], %bitcast3A_369 : memref<64x64xf32, #tpu.memory_space<vmem>>[vector<16xi32>, vector<16xi32>], vector<16xf32>,
        %scatter3A_377 = arith.constant 3 : i32
        %scatter3A_378 = arith.constant 0 : i32
        %scatter3A_379 = arith.constant 0 : i32
        %scatter3A_380 = tpu.memref_slice %arg9[%scatter3A_377, %scatter3A_378, %scatter3A_379] : memref<4x64x64xf32, #tpu.memory_space<vmem>> -> memref<1x64x64xf32, #tpu.memory_space<vmem>>
        %scatter3A_381 = tpu.memref_squeeze %scatter3A_380 : memref<1x64x64xf32, #tpu.memory_space<vmem>> -> memref<64x64xf32, #tpu.memory_space<vmem>>
        tpu.vector_store_idx %scatter3A_381[%broadcast_in_dim3A_337, %add3A_28], %bitcast3A_371 : memref<64x64xf32, #tpu.memory_space<vmem>>[vector<16xi32>, vector<16xi32>], vector<16xf32>,
      }
      %scan3A_271 = arith.constant 64 : i32
      %dma_start3A_272 = arith.constant 3 : i32
      %dma_start3A_273 = arith.constant 3 : i32
      %dma_start3A_274 = arith.constant 0 : i32
      %dma_start3A_275 = arith.constant 0 : i32
      %dma_start3A_276 = tpu.memref_slice %arg9[%dma_start3A_272, %dma_start3A_274, %dma_start3A_275] : memref<4x64x64xf32, #tpu.memory_space<vmem>> -> memref<1x64x64xf32, #tpu.memory_space<vmem>>
      %dma_start3A_277 = tpu.memref_squeeze %dma_start3A_276 : memref<1x64x64xf32, #tpu.memory_space<vmem>> -> memref<64x64xf32, #tpu.memory_space<vmem>>
      %dma_start3A_278 = arith.constant 0 : i32
      %dma_start3A_279 = tpu.memref_slice %arg7[%add3A_240, %dma_start3A_278] : memref<320x64xi32, #tpu.memory_space<vmem>> -> memref<1x64xi32, #tpu.memory_space<vmem>>
      %dma_start3A_280 = tpu.memref_squeeze %dma_start3A_279 : memref<1x64xi32, #tpu.memory_space<vmem>> -> memref<64xi32, #tpu.memory_space<vmem>>
      %dma_start3A_281 = arith.constant 0 : i32
      %dma_start3A_282 = arith.constant 0 : i32
      %dma_start3A_283 = tpu.memref_slice %arg11[%dma_start3A_281, %dma_start3A_282] : memref<10240x64xf32, #tpu.memory_space<vmem_shared>> -> memref<10240x64xf32, #tpu.memory_space<vmem_shared>>
      %dma_start3A_284 = tpu.memref_slice %arg13[%dma_start3A_273] : memref<4x!tpu.dma_semaphore, #tpu.memory_space<semaphore_mem>> -> memref<1x!tpu.dma_semaphore, #tpu.memory_space<semaphore_mem>>
      %dma_start3A_285 = tpu.memref_squeeze %dma_start3A_284 : memref<1x!tpu.dma_semaphore, #tpu.memory_space<semaphore_mem>> -> memref<!tpu.dma_semaphore, #tpu.memory_space<semaphore_mem>>
      tpu.enqueue_indirect_dma source(%dma_start3A_277 : memref<64x64xf32, #tpu.memory_space<vmem>>) target(%dma_start3A_283 : memref<10240x64xf32, #tpu.memory_space<vmem_shared>>) offsets(%dma_start3A_280 : memref<64xi32, #tpu.memory_space<vmem>>) semaphore(%dma_start3A_285 : memref<!tpu.dma_semaphore, #tpu.memory_space<semaphore_mem>>) {add = true}
    }
    %scan3A_62 = arith.constant 80 : i32
    %dma_wait3A = arith.constant 2 : i32
    %dma_wait3A_63 = arith.constant 0 : i32
    %dma_wait3A_64 = arith.constant 2 : i32
    %dma_wait3A_65 = arith.constant 0 : i32
    %dma_wait3A_66 = arith.constant 0 : i32
    %dma_wait3A_67 = tpu.memref_slice %arg9[%dma_wait3A, %dma_wait3A_65, %dma_wait3A_66] : memref<4x64x64xf32, #tpu.memory_space<vmem>> -> memref<1x64x64xf32, #tpu.memory_space<vmem>>
    %dma_wait3A_68 = tpu.memref_squeeze %dma_wait3A_67 : memref<1x64x64xf32, #tpu.memory_space<vmem>> -> memref<64x64xf32, #tpu.memory_space<vmem>>
    %dma_wait3A_69 = arith.constant 0 : i32
    %dma_wait3A_70 = tpu.memref_slice %arg7[%dma_wait3A_63, %dma_wait3A_69] : memref<320x64xi32, #tpu.memory_space<vmem>> -> memref<1x64xi32, #tpu.memory_space<vmem>>
    %dma_wait3A_71 = tpu.memref_squeeze %dma_wait3A_70 : memref<1x64xi32, #tpu.memory_space<vmem>> -> memref<64xi32, #tpu.memory_space<vmem>>
    %dma_wait3A_72 = arith.constant 0 : i32
    %dma_wait3A_73 = arith.constant 0 : i32
    %dma_wait3A_74 = tpu.memref_slice %arg11[%dma_wait3A_72, %dma_wait3A_73] : memref<10240x64xf32, #tpu.memory_space<vmem_shared>> -> memref<10240x64xf32, #tpu.memory_space<vmem_shared>>
    %dma_wait3A_75 = tpu.memref_slice %arg13[%dma_wait3A_64] : memref<4x!tpu.dma_semaphore, #tpu.memory_space<semaphore_mem>> -> memref<1x!tpu.dma_semaphore, #tpu.memory_space<semaphore_mem>>
    %dma_wait3A_76 = tpu.memref_squeeze %dma_wait3A_75 : memref<1x!tpu.dma_semaphore, #tpu.memory_space<semaphore_mem>> -> memref<!tpu.dma_semaphore, #tpu.memory_space<semaphore_mem>>
    tpu.wait_indirect_dma semaphore(%dma_wait3A_76 : memref<!tpu.dma_semaphore, #tpu.memory_space<semaphore_mem>>) src(%dma_wait3A_68 : memref<64x64xf32, #tpu.memory_space<vmem>>) dst(%dma_wait3A_74 : memref<10240x64xf32, #tpu.memory_space<vmem_shared>>)
    %dma_wait3A_77 = arith.constant 3 : i32
    %dma_wait3A_78 = arith.constant 0 : i32
    %dma_wait3A_79 = arith.constant 3 : i32
    %dma_wait3A_80 = arith.constant 0 : i32
    %dma_wait3A_81 = arith.constant 0 : i32
    %dma_wait3A_82 = tpu.memref_slice %arg9[%dma_wait3A_77, %dma_wait3A_80, %dma_wait3A_81] : memref<4x64x64xf32, #tpu.memory_space<vmem>> -> memref<1x64x64xf32, #tpu.memory_space<vmem>>
    %dma_wait3A_83 = tpu.memref_squeeze %dma_wait3A_82 : memref<1x64x64xf32, #tpu.memory_space<vmem>> -> memref<64x64xf32, #tpu.memory_space<vmem>>
    %dma_wait3A_84 = arith.constant 0 : i32
    %dma_wait3A_85 = tpu.memref_slice %arg7[%dma_wait3A_78, %dma_wait3A_84] : memref<320x64xi32, #tpu.memory_space<vmem>> -> memref<1x64xi32, #tpu.memory_space<vmem>>
    %dma_wait3A_86 = tpu.memref_squeeze %dma_wait3A_85 : memref<1x64xi32, #tpu.memory_space<vmem>> -> memref<64xi32, #tpu.memory_space<vmem>>
    %dma_wait3A_87 = arith.constant 0 : i32
    %dma_wait3A_88 = arith.constant 0 : i32
    %dma_wait3A_89 = tpu.memref_slice %arg11[%dma_wait3A_87, %dma_wait3A_88] : memref<10240x64xf32, #tpu.memory_space<vmem_shared>> -> memref<10240x64xf32, #tpu.memory_space<vmem_shared>>
    %dma_wait3A_90 = tpu.memref_slice %arg13[%dma_wait3A_79] : memref<4x!tpu.dma_semaphore, #tpu.memory_space<semaphore_mem>> -> memref<1x!tpu.dma_semaphore, #tpu.memory_space<semaphore_mem>>
    %dma_wait3A_91 = tpu.memref_squeeze %dma_wait3A_90 : memref<1x!tpu.dma_semaphore, #tpu.memory_space<semaphore_mem>> -> memref<!tpu.dma_semaphore, #tpu.memory_space<semaphore_mem>>
    tpu.wait_indirect_dma semaphore(%dma_wait3A_91 : memref<!tpu.dma_semaphore, #tpu.memory_space<semaphore_mem>>) src(%dma_wait3A_83 : memref<64x64xf32, #tpu.memory_space<vmem>>) dst(%dma_wait3A_89 : memref<10240x64xf32, #tpu.memory_space<vmem_shared>>)
    %barrier3A_92 = arith.constant 0 : index
    tpu.barrier barrier_id(%barrier3A_92)
    %mul3A_93 = arith.constant 640 : i32
    %mul3A_94 = arith.muli %arg1, %mul3A_93 : i32
    %mul3A_95 = arith.constant 640 : i32
    %mul3A_96 = arith.muli %arg1, %mul3A_95 : i32
    "tpu.region"() ({
      %run_scoped3A = tpu.sem_alloc : memref<!tpu.dma_semaphore, #tpu.memory_space<semaphore_mem>>
      %dma_start3A_97 = arith.constant 0 : i32
      %dma_start3A_98 = tpu.memref_slice %arg5[%arg0, %mul3A_96, %dma_start3A_97] : memref<2x10240x64xf32, #tpu.memory_space<hbm>> -> memref<1x640x64xf32, #tpu.memory_space<hbm>>
      %dma_start3A_99 = tpu.memref_squeeze %dma_start3A_98 : memref<1x640x64xf32, #tpu.memory_space<hbm>> -> memref<640x64xf32, #tpu.memory_space<hbm>>
      %dma_start3A_100 = arith.constant 0 : i32
      %dma_start3A_101 = tpu.memref_slice %arg11[%mul3A_94, %dma_start3A_100] : memref<10240x64xf32, #tpu.memory_space<vmem_shared>> -> memref<640x64xf32, #tpu.memory_space<vmem_shared>>
      tpu.enqueue_dma source(%dma_start3A_101 : memref<640x64xf32, #tpu.memory_space<vmem_shared>>) target(%dma_start3A_99 : memref<640x64xf32, #tpu.memory_space<hbm>>) target_semaphore(%run_scoped3A : memref<!tpu.dma_semaphore, #tpu.memory_space<semaphore_mem>>)
      %dma_wait3A_102 = arith.constant 0 : i32
      %dma_wait3A_103 = tpu.memref_slice %arg5[%arg0, %mul3A_96, %dma_wait3A_102] : memref<2x10240x64xf32, #tpu.memory_space<hbm>> -> memref<1x640x64xf32, #tpu.memory_space<hbm>>
      %dma_wait3A_104 = tpu.memref_squeeze %dma_wait3A_103 : memref<1x640x64xf32, #tpu.memory_space<hbm>> -> memref<640x64xf32, #tpu.memory_space<hbm>>
      %dma_wait3A_105 = arith.constant 0 : i32
      %dma_wait3A_106 = tpu.memref_slice %arg11[%mul3A_94, %dma_wait3A_105] : memref<10240x64xf32, #tpu.memory_space<vmem_shared>> -> memref<640x64xf32, #tpu.memory_space<vmem_shared>>
      tpu.wait_dma2 semaphore(%run_scoped3A : memref<!tpu.dma_semaphore, #tpu.memory_space<semaphore_mem>>) src(%dma_wait3A_106 : memref<640x64xf32, #tpu.memory_space<vmem_shared>>) dst(%dma_wait3A_104 : memref<640x64xf32, #tpu.memory_space<hbm>>)
      tpu.yield
    }) : () -> ()
    return
  }
}

#map = affine_map<(d0, d1) -> (0, 0, 0)>
module attributes {stable_mosaic.version = 14 : i64} {
  func.func @_deg_sc(%arg0: i32, %arg1: i32, %arg2: memref<16x320x64xi32, #tpu.memory_space<hbm>>, %arg3: memref<2x10240x16xf32, #tpu.memory_space<hbm>>, %arg4: memref<160x64xi32, #tpu.memory_space<vmem>>, %arg5: memref<64x16xf32, #tpu.memory_space<vmem>>, %arg6: memref<640x16xf32, #tpu.memory_space<vmem>>, %arg7: memref<10240x16xf32, #tpu.memory_space<vmem_shared>>) attributes {dimension_semantics = [#tpu.dimension_semantics<core_parallel>, #tpu.dimension_semantics<subcore_parallel>], iteration_bounds = array<i64: 2, 16>, scalar_prefetch = 0 : i64, scratch_operands = 4 : i64, tpu.core_type = #tpu.core_type<sc_vector_subcore>, window_params = [{transform_indices = #map}, {transform_indices = #map}]} {
    %mul3A = arith.constant 160 : i32
    %mul3A_0 = arith.muli %arg0, %mul3A : i32
    "tpu.region"() ({
      %run_scoped3A = tpu.sem_alloc : memref<!tpu.dma_semaphore, #tpu.memory_space<semaphore_mem>>
      %dma_start3A = arith.constant 0 : i32
      %dma_start3A_22 = tpu.memref_slice %arg2[%arg1, %mul3A_0, %dma_start3A] : memref<16x320x64xi32, #tpu.memory_space<hbm>> -> memref<1x160x64xi32, #tpu.memory_space<hbm>>
      %dma_start3A_23 = tpu.memref_squeeze %dma_start3A_22 : memref<1x160x64xi32, #tpu.memory_space<hbm>> -> memref<160x64xi32, #tpu.memory_space<hbm>>
      %dma_start3A_24 = arith.constant 0 : i32
      %dma_start3A_25 = tpu.memref_slice %arg2[%arg1, %mul3A_0, %dma_start3A_24] : memref<16x320x64xi32, #tpu.memory_space<hbm>> -> memref<1x160x64xi32, #tpu.memory_space<hbm>>
      %dma_start3A_26 = tpu.memref_squeeze %dma_start3A_25 : memref<1x160x64xi32, #tpu.memory_space<hbm>> -> memref<160x64xi32, #tpu.memory_space<hbm>>
      tpu.enqueue_dma source(%dma_start3A_26 : memref<160x64xi32, #tpu.memory_space<hbm>>) target(%arg4 : memref<160x64xi32, #tpu.memory_space<vmem>>) target_semaphore(%run_scoped3A : memref<!tpu.dma_semaphore, #tpu.memory_space<semaphore_mem>>)
      %dma_wait3A = arith.constant 0 : i32
      %dma_wait3A_27 = tpu.memref_slice %arg2[%arg1, %mul3A_0, %dma_wait3A] : memref<16x320x64xi32, #tpu.memory_space<hbm>> -> memref<1x160x64xi32, #tpu.memory_space<hbm>>
      %dma_wait3A_28 = tpu.memref_squeeze %dma_wait3A_27 : memref<1x160x64xi32, #tpu.memory_space<hbm>> -> memref<160x64xi32, #tpu.memory_space<hbm>>
      %dma_wait3A_29 = arith.constant 0 : i32
      %dma_wait3A_30 = tpu.memref_slice %arg2[%arg1, %mul3A_0, %dma_wait3A_29] : memref<16x320x64xi32, #tpu.memory_space<hbm>> -> memref<1x160x64xi32, #tpu.memory_space<hbm>>
      %dma_wait3A_31 = tpu.memref_squeeze %dma_wait3A_30 : memref<1x160x64xi32, #tpu.memory_space<hbm>> -> memref<160x64xi32, #tpu.memory_space<hbm>>
      tpu.wait_dma2 semaphore(%run_scoped3A : memref<!tpu.dma_semaphore, #tpu.memory_space<semaphore_mem>>) src(%dma_wait3A_31 : memref<160x64xi32, #tpu.memory_space<hbm>>) dst(%arg4 : memref<160x64xi32, #tpu.memory_space<vmem>>)
      tpu.yield
    }) : () -> ()
    %scan3A = arith.constant 0 : i32
    %scan3A_1 = arith.constant 64 : i32
    %scan3A_2 = arith.addi %scan3A, %scan3A_1 : i32
    %scan3A_3 = arith.constant 1 : i32
    scf.for %scan3A_22 = %scan3A to %scan3A_2 step %scan3A_3  : i32 {
      %mul3A_23 = arith.constant 1 : i32
      %mul3A_24 = arith.muli %scan3A_22, %mul3A_23 : i32
      %add3A = arith.constant 0 : i32
      %add3A_25 = arith.addi %add3A, %mul3A_24 : i32
      %broadcast_in_dim3A = arith.constant 1.000000e+00 : f32
      %broadcast_in_dim3A_26 = vector.broadcast %broadcast_in_dim3A : f32 to vector<16xf32>
      %swap3A = arith.index_cast %add3A_25 : i32 to index
      %swap3A_27 = arith.constant 0 : index
      %swap3A_28 = tpu.vector_load %arg5[%swap3A, %swap3A_27] {strides = array<i32>} : memref<64x16xf32, #tpu.memory_space<vmem>>, vector<1x16xf32>,
      %swap3A_29 = vector.shape_cast %swap3A_28 : vector<1x16xf32> to vector<16xf32>
      %swap3A_30 = vector.shape_cast %broadcast_in_dim3A_26 : vector<16xf32> to vector<1x16xf32>
      tpu.vector_store %arg5[%swap3A, %swap3A_27], %swap3A_30 {strides = array<i32>} : memref<64x16xf32, #tpu.memory_space<vmem>>, vector<1x16xf32>,
    }
    %scan3A_4 = arith.constant 64 : i32
    %scan3A_5 = arith.constant 0 : i32
    %scan3A_6 = arith.constant 640 : i32
    %scan3A_7 = arith.addi %scan3A_5, %scan3A_6 : i32
    %scan3A_8 = arith.constant 1 : i32
    scf.for %scan3A_22 = %scan3A_5 to %scan3A_7 step %scan3A_8  : i32 {
      %mul3A_23 = arith.constant 1 : i32
      %mul3A_24 = arith.muli %scan3A_22, %mul3A_23 : i32
      %add3A = arith.constant 0 : i32
      %add3A_25 = arith.addi %add3A, %mul3A_24 : i32
      %broadcast_in_dim3A = arith.constant 0.000000e+00 : f32
      %broadcast_in_dim3A_26 = vector.broadcast %broadcast_in_dim3A : f32 to vector<16xf32>
      %swap3A = arith.index_cast %add3A_25 : i32 to index
      %swap3A_27 = arith.constant 0 : index
      %swap3A_28 = tpu.vector_load %arg6[%swap3A, %swap3A_27] {strides = array<i32>} : memref<640x16xf32, #tpu.memory_space<vmem>>, vector<1x16xf32>,
      %swap3A_29 = vector.shape_cast %swap3A_28 : vector<1x16xf32> to vector<16xf32>
      %swap3A_30 = vector.shape_cast %broadcast_in_dim3A_26 : vector<16xf32> to vector<1x16xf32>
      tpu.vector_store %arg6[%swap3A, %swap3A_27], %swap3A_30 {strides = array<i32>} : memref<640x16xf32, #tpu.memory_space<vmem>>, vector<1x16xf32>,
    }
    %scan3A_9 = arith.constant 640 : i32
    %mul3A_10 = arith.constant 640 : i32
    %mul3A_11 = arith.muli %arg1, %mul3A_10 : i32
    "tpu.region"() ({
      %run_scoped3A = tpu.sem_alloc : memref<!tpu.dma_semaphore, #tpu.memory_space<semaphore_mem>>
      %dma_start3A = arith.constant 0 : i32
      %dma_start3A_22 = tpu.memref_slice %arg7[%mul3A_11, %dma_start3A] : memref<10240x16xf32, #tpu.memory_space<vmem_shared>> -> memref<640x16xf32, #tpu.memory_space<vmem_shared>>
      %dma_start3A_23 = arith.constant 0 : i32
      %dma_start3A_24 = tpu.memref_slice %arg7[%mul3A_11, %dma_start3A_23] : memref<10240x16xf32, #tpu.memory_space<vmem_shared>> -> memref<640x16xf32, #tpu.memory_space<vmem_shared>>
      tpu.enqueue_dma source(%arg6 : memref<640x16xf32, #tpu.memory_space<vmem>>) target(%dma_start3A_24 : memref<640x16xf32, #tpu.memory_space<vmem_shared>>) target_semaphore(%run_scoped3A : memref<!tpu.dma_semaphore, #tpu.memory_space<semaphore_mem>>)
      %dma_wait3A = arith.constant 0 : i32
      %dma_wait3A_25 = tpu.memref_slice %arg7[%mul3A_11, %dma_wait3A] : memref<10240x16xf32, #tpu.memory_space<vmem_shared>> -> memref<640x16xf32, #tpu.memory_space<vmem_shared>>
      %dma_wait3A_26 = arith.constant 0 : i32
      %dma_wait3A_27 = tpu.memref_slice %arg7[%mul3A_11, %dma_wait3A_26] : memref<10240x16xf32, #tpu.memory_space<vmem_shared>> -> memref<640x16xf32, #tpu.memory_space<vmem_shared>>
      tpu.wait_dma2 semaphore(%run_scoped3A : memref<!tpu.dma_semaphore, #tpu.memory_space<semaphore_mem>>) src(%arg6 : memref<640x16xf32, #tpu.memory_space<vmem>>) dst(%dma_wait3A_27 : memref<640x16xf32, #tpu.memory_space<vmem_shared>>)
      tpu.yield
    }) : () -> ()
    %barrier3A = arith.constant 0 : index
    tpu.barrier barrier_id(%barrier3A)
    %scan3A_12 = arith.constant 0 : i32
    %scan3A_13 = arith.constant 160 : i32
    %scan3A_14 = arith.addi %scan3A_12, %scan3A_13 : i32
    %scan3A_15 = arith.constant 1 : i32
    scf.for %scan3A_22 = %scan3A_12 to %scan3A_14 step %scan3A_15  : i32 {
      %mul3A_23 = arith.constant 1 : i32
      %mul3A_24 = arith.muli %scan3A_22, %mul3A_23 : i32
      %add3A = arith.constant 0 : i32
      %add3A_25 = arith.addi %add3A, %mul3A_24 : i32
      "tpu.region"() ({
        %run_scoped3A = tpu.sem_alloc : memref<!tpu.dma_semaphore, #tpu.memory_space<semaphore_mem>>
        %dma_start3A = arith.constant 0 : i32
        %dma_start3A_26 = tpu.memref_slice %arg4[%add3A_25, %dma_start3A] : memref<160x64xi32, #tpu.memory_space<vmem>> -> memref<1x64xi32, #tpu.memory_space<vmem>>
        %dma_start3A_27 = tpu.memref_squeeze %dma_start3A_26 : memref<1x64xi32, #tpu.memory_space<vmem>> -> memref<64xi32, #tpu.memory_space<vmem>>
        %dma_start3A_28 = arith.constant 0 : i32
        %dma_start3A_29 = arith.constant 0 : i32
        %dma_start3A_30 = tpu.memref_slice %arg7[%dma_start3A_28, %dma_start3A_29] : memref<10240x16xf32, #tpu.memory_space<vmem_shared>> -> memref<10240x16xf32, #tpu.memory_space<vmem_shared>>
        tpu.enqueue_indirect_dma source(%arg5 : memref<64x16xf32, #tpu.memory_space<vmem>>) target(%dma_start3A_30 : memref<10240x16xf32, #tpu.memory_space<vmem_shared>>) offsets(%dma_start3A_27 : memref<64xi32, #tpu.memory_space<vmem>>) semaphore(%run_scoped3A : memref<!tpu.dma_semaphore, #tpu.memory_space<semaphore_mem>>) {add = true}
        %dma_wait3A = arith.constant 0 : i32
        %dma_wait3A_31 = tpu.memref_slice %arg4[%add3A_25, %dma_wait3A] : memref<160x64xi32, #tpu.memory_space<vmem>> -> memref<1x64xi32, #tpu.memory_space<vmem>>
        %dma_wait3A_32 = tpu.memref_squeeze %dma_wait3A_31 : memref<1x64xi32, #tpu.memory_space<vmem>> -> memref<64xi32, #tpu.memory_space<vmem>>
        %dma_wait3A_33 = arith.constant 0 : i32
        %dma_wait3A_34 = arith.constant 0 : i32
        %dma_wait3A_35 = tpu.memref_slice %arg7[%dma_wait3A_33, %dma_wait3A_34] : memref<10240x16xf32, #tpu.memory_space<vmem_shared>> -> memref<10240x16xf32, #tpu.memory_space<vmem_shared>>
        tpu.wait_indirect_dma semaphore(%run_scoped3A : memref<!tpu.dma_semaphore, #tpu.memory_space<semaphore_mem>>) src(%arg5 : memref<64x16xf32, #tpu.memory_space<vmem>>) dst(%dma_wait3A_35 : memref<10240x16xf32, #tpu.memory_space<vmem_shared>>)
        tpu.yield
      }) : () -> ()
    }
    %scan3A_16 = arith.constant 160 : i32
    %barrier3A_17 = arith.constant 0 : index
    tpu.barrier barrier_id(%barrier3A_17)
    %mul3A_18 = arith.constant 640 : i32
    %mul3A_19 = arith.muli %arg1, %mul3A_18 : i32
    %mul3A_20 = arith.constant 640 : i32
    %mul3A_21 = arith.muli %arg1, %mul3A_20 : i32
    "tpu.region"() ({
      %run_scoped3A = tpu.sem_alloc : memref<!tpu.dma_semaphore, #tpu.memory_space<semaphore_mem>>
      %dma_start3A = arith.constant 0 : i32
      %dma_start3A_22 = tpu.memref_slice %arg3[%arg0, %mul3A_21, %dma_start3A] : memref<2x10240x16xf32, #tpu.memory_space<hbm>> -> memref<1x640x16xf32, #tpu.memory_space<hbm>>
      %dma_start3A_23 = tpu.memref_squeeze %dma_start3A_22 : memref<1x640x16xf32, #tpu.memory_space<hbm>> -> memref<640x16xf32, #tpu.memory_space<hbm>>
      %dma_start3A_24 = arith.constant 0 : i32
      %dma_start3A_25 = tpu.memref_slice %arg7[%mul3A_19, %dma_start3A_24] : memref<10240x16xf32, #tpu.memory_space<vmem_shared>> -> memref<640x16xf32, #tpu.memory_space<vmem_shared>>
      tpu.enqueue_dma source(%dma_start3A_25 : memref<640x16xf32, #tpu.memory_space<vmem_shared>>) target(%dma_start3A_23 : memref<640x16xf32, #tpu.memory_space<hbm>>) target_semaphore(%run_scoped3A : memref<!tpu.dma_semaphore, #tpu.memory_space<semaphore_mem>>)
      %dma_wait3A = arith.constant 0 : i32
      %dma_wait3A_26 = tpu.memref_slice %arg3[%arg0, %mul3A_21, %dma_wait3A] : memref<2x10240x16xf32, #tpu.memory_space<hbm>> -> memref<1x640x16xf32, #tpu.memory_space<hbm>>
      %dma_wait3A_27 = tpu.memref_squeeze %dma_wait3A_26 : memref<1x640x16xf32, #tpu.memory_space<hbm>> -> memref<640x16xf32, #tpu.memory_space<hbm>>
      %dma_wait3A_28 = arith.constant 0 : i32
      %dma_wait3A_29 = tpu.memref_slice %arg7[%mul3A_19, %dma_wait3A_28] : memref<10240x16xf32, #tpu.memory_space<vmem_shared>> -> memref<640x16xf32, #tpu.memory_space<vmem_shared>>
      tpu.wait_dma2 semaphore(%run_scoped3A : memref<!tpu.dma_semaphore, #tpu.memory_space<semaphore_mem>>) src(%dma_wait3A_29 : memref<640x16xf32, #tpu.memory_space<vmem_shared>>) dst(%dma_wait3A_27 : memref<640x16xf32, #tpu.memory_space<hbm>>)
      tpu.yield
    }) : () -> ()
    return
  }
}

#map = affine_map<(d0, d1) -> (0, 0)>
#map1 = affine_map<(d0, d1) -> (0, 0, 0, 0)>
#map2 = affine_map<(d0, d1) -> (0, 0, 0)>
module attributes {stable_mosaic.version = 14 : i64} {
  func.func @_agg_sc(%arg0: i32, %arg1: i32, %arg2: memref<20480x64xbf16, #tpu.memory_space<hbm>>, %arg3: memref<2x16x320x64xi32, #tpu.memory_space<hbm>>, %arg4: memref<16x320x64xi32, #tpu.memory_space<hbm>>, %arg5: memref<2x10240x64xf32, #tpu.memory_space<hbm>>, %arg6: memref<320x64xi32, #tpu.memory_space<vmem>>, %arg7: memref<320x64xi32, #tpu.memory_space<vmem>>, %arg8: memref<4x64x64xbf16, #tpu.memory_space<vmem>>, %arg9: memref<4x64x64xf32, #tpu.memory_space<vmem>>, %arg10: memref<16x64xf32, #tpu.memory_space<vmem>>, %arg11: memref<10240x64xf32, #tpu.memory_space<vmem_shared>>, %arg12: memref<4x!tpu.dma_semaphore, #tpu.memory_space<semaphore_mem>>, %arg13: memref<4x!tpu.dma_semaphore, #tpu.memory_space<semaphore_mem>>) attributes {dimension_semantics = [#tpu.dimension_semantics<core_parallel>, #tpu.dimension_semantics<subcore_parallel>], iteration_bounds = array<i64: 2, 16>, scalar_prefetch = 0 : i64, scratch_operands = 8 : i64, tpu.core_type = #tpu.core_type<sc_vector_subcore>, window_params = [{transform_indices = #map}, {transform_indices = #map1}, {transform_indices = #map2}, {transform_indices = #map2}]} {
    "tpu.region"() ({
      %run_scoped3A = tpu.sem_alloc : memref<!tpu.dma_semaphore, #tpu.memory_space<semaphore_mem>>
      %dma_start3A_97 = arith.constant 0 : i32
      %dma_start3A_98 = arith.constant 0 : i32
      %dma_start3A_99 = tpu.memref_slice %arg3[%arg0, %arg1, %dma_start3A_97, %dma_start3A_98] : memref<2x16x320x64xi32, #tpu.memory_space<hbm>> -> memref<1x1x320x64xi32, #tpu.memory_space<hbm>>
      %dma_start3A_100 = tpu.memref_squeeze %dma_start3A_99 : memref<1x1x320x64xi32, #tpu.memory_space<hbm>> -> memref<320x64xi32, #tpu.memory_space<hbm>>
      %dma_start3A_101 = arith.constant 0 : i32
      %dma_start3A_102 = arith.constant 0 : i32
      %dma_start3A_103 = tpu.memref_slice %arg3[%arg0, %arg1, %dma_start3A_101, %dma_start3A_102] : memref<2x16x320x64xi32, #tpu.memory_space<hbm>> -> memref<1x1x320x64xi32, #tpu.memory_space<hbm>>
      %dma_start3A_104 = tpu.memref_squeeze %dma_start3A_103 : memref<1x1x320x64xi32, #tpu.memory_space<hbm>> -> memref<320x64xi32, #tpu.memory_space<hbm>>
      tpu.enqueue_dma source(%dma_start3A_104 : memref<320x64xi32, #tpu.memory_space<hbm>>) target(%arg6 : memref<320x64xi32, #tpu.memory_space<vmem>>) target_semaphore(%run_scoped3A : memref<!tpu.dma_semaphore, #tpu.memory_space<semaphore_mem>>)
      %dma_wait3A_105 = arith.constant 0 : i32
      %dma_wait3A_106 = arith.constant 0 : i32
      %dma_wait3A_107 = tpu.memref_slice %arg3[%arg0, %arg1, %dma_wait3A_105, %dma_wait3A_106] : memref<2x16x320x64xi32, #tpu.memory_space<hbm>> -> memref<1x1x320x64xi32, #tpu.memory_space<hbm>>
      %dma_wait3A_108 = tpu.memref_squeeze %dma_wait3A_107 : memref<1x1x320x64xi32, #tpu.memory_space<hbm>> -> memref<320x64xi32, #tpu.memory_space<hbm>>
      %dma_wait3A_109 = arith.constant 0 : i32
      %dma_wait3A_110 = arith.constant 0 : i32
      %dma_wait3A_111 = tpu.memref_slice %arg3[%arg0, %arg1, %dma_wait3A_109, %dma_wait3A_110] : memref<2x16x320x64xi32, #tpu.memory_space<hbm>> -> memref<1x1x320x64xi32, #tpu.memory_space<hbm>>
      %dma_wait3A_112 = tpu.memref_squeeze %dma_wait3A_111 : memref<1x1x320x64xi32, #tpu.memory_space<hbm>> -> memref<320x64xi32, #tpu.memory_space<hbm>>
      tpu.wait_dma2 semaphore(%run_scoped3A : memref<!tpu.dma_semaphore, #tpu.memory_space<semaphore_mem>>) src(%dma_wait3A_112 : memref<320x64xi32, #tpu.memory_space<hbm>>) dst(%arg6 : memref<320x64xi32, #tpu.memory_space<vmem>>)
      tpu.yield
    }) : () -> ()
    "tpu.region"() ({
      %run_scoped3A = tpu.sem_alloc : memref<!tpu.dma_semaphore, #tpu.memory_space<semaphore_mem>>
      %dma_start3A_97 = arith.constant 0 : i32
      %dma_start3A_98 = arith.constant 0 : i32
      %dma_start3A_99 = tpu.memref_slice %arg4[%arg1, %dma_start3A_97, %dma_start3A_98] : memref<16x320x64xi32, #tpu.memory_space<hbm>> -> memref<1x320x64xi32, #tpu.memory_space<hbm>>
      %dma_start3A_100 = tpu.memref_squeeze %dma_start3A_99 : memref<1x320x64xi32, #tpu.memory_space<hbm>> -> memref<320x64xi32, #tpu.memory_space<hbm>>
      %dma_start3A_101 = arith.constant 0 : i32
      %dma_start3A_102 = arith.constant 0 : i32
      %dma_start3A_103 = tpu.memref_slice %arg4[%arg1, %dma_start3A_101, %dma_start3A_102] : memref<16x320x64xi32, #tpu.memory_space<hbm>> -> memref<1x320x64xi32, #tpu.memory_space<hbm>>
      %dma_start3A_104 = tpu.memref_squeeze %dma_start3A_103 : memref<1x320x64xi32, #tpu.memory_space<hbm>> -> memref<320x64xi32, #tpu.memory_space<hbm>>
      tpu.enqueue_dma source(%dma_start3A_104 : memref<320x64xi32, #tpu.memory_space<hbm>>) target(%arg7 : memref<320x64xi32, #tpu.memory_space<vmem>>) target_semaphore(%run_scoped3A : memref<!tpu.dma_semaphore, #tpu.memory_space<semaphore_mem>>)
      %dma_wait3A_105 = arith.constant 0 : i32
      %dma_wait3A_106 = arith.constant 0 : i32
      %dma_wait3A_107 = tpu.memref_slice %arg4[%arg1, %dma_wait3A_105, %dma_wait3A_106] : memref<16x320x64xi32, #tpu.memory_space<hbm>> -> memref<1x320x64xi32, #tpu.memory_space<hbm>>
      %dma_wait3A_108 = tpu.memref_squeeze %dma_wait3A_107 : memref<1x320x64xi32, #tpu.memory_space<hbm>> -> memref<320x64xi32, #tpu.memory_space<hbm>>
      %dma_wait3A_109 = arith.constant 0 : i32
      %dma_wait3A_110 = arith.constant 0 : i32
      %dma_wait3A_111 = tpu.memref_slice %arg4[%arg1, %dma_wait3A_109, %dma_wait3A_110] : memref<16x320x64xi32, #tpu.memory_space<hbm>> -> memref<1x320x64xi32, #tpu.memory_space<hbm>>
      %dma_wait3A_112 = tpu.memref_squeeze %dma_wait3A_111 : memref<1x320x64xi32, #tpu.memory_space<hbm>> -> memref<320x64xi32, #tpu.memory_space<hbm>>
      tpu.wait_dma2 semaphore(%run_scoped3A : memref<!tpu.dma_semaphore, #tpu.memory_space<semaphore_mem>>) src(%dma_wait3A_112 : memref<320x64xi32, #tpu.memory_space<hbm>>) dst(%arg7 : memref<320x64xi32, #tpu.memory_space<vmem>>)
      tpu.yield
    }) : () -> ()
    %scan3A = arith.constant 0 : i32
    %scan3A_0 = arith.constant 16 : i32
    %scan3A_1 = arith.addi %scan3A, %scan3A_0 : i32
    %scan3A_2 = arith.constant 1 : i32
    scf.for %scan3A_97 = %scan3A to %scan3A_1 step %scan3A_2  : i32 {
      %mul3A_98 = arith.constant 1 : i32
      %mul3A_99 = arith.muli %scan3A_97, %mul3A_98 : i32
      %add3A_100 = arith.constant 0 : i32
      %add3A_101 = arith.addi %add3A_100, %mul3A_99 : i32
      %scan3A_102 = arith.constant 0 : i32
      %scan3A_103 = arith.constant 4 : i32
      %scan3A_104 = arith.addi %scan3A_102, %scan3A_103 : i32
      %scan3A_105 = arith.constant 1 : i32
      scf.for %scan3A_107 = %scan3A_102 to %scan3A_104 step %scan3A_105  : i32 {
        %mul3A_108 = arith.constant 1 : i32
        %mul3A_109 = arith.muli %scan3A_107, %mul3A_108 : i32
        %add3A_110 = arith.constant 0 : i32
        %add3A_111 = arith.addi %add3A_110, %mul3A_109 : i32
        %broadcast_in_dim3A_112 = arith.constant 0.000000e+00 : f32
        %broadcast_in_dim3A_113 = vector.broadcast %broadcast_in_dim3A_112 : f32 to vector<16xf32>
        %mul3A_114 = arith.constant 16 : i32
        %mul3A_115 = arith.muli %add3A_111, %mul3A_114 : i32
        %swap3A = arith.index_cast %add3A_101 : i32 to index
        %swap3A_116 = arith.index_cast %mul3A_115 : i32 to index
        %swap3A_117 = tpu.vector_load %arg10[%swap3A, %swap3A_116] {strides = array<i32>} : memref<16x64xf32, #tpu.memory_space<vmem>>, vector<16xf32>,
        tpu.vector_store %arg10[%swap3A, %swap3A_116], %broadcast_in_dim3A_113 {strides = array<i32>} : memref<16x64xf32, #tpu.memory_space<vmem>>, vector<16xf32>,
      }
      %scan3A_106 = arith.constant 4 : i32
    }
    %scan3A_3 = arith.constant 16 : i32
    %scan3A_4 = arith.constant 0 : i32
    %scan3A_5 = arith.constant 40 : i32
    %scan3A_6 = arith.addi %scan3A_4, %scan3A_5 : i32
    %scan3A_7 = arith.constant 1 : i32
    scf.for %scan3A_97 = %scan3A_4 to %scan3A_6 step %scan3A_7  : i32 {
      %mul3A_98 = arith.constant 1 : i32
      %mul3A_99 = arith.muli %scan3A_97, %mul3A_98 : i32
      %add3A_100 = arith.constant 0 : i32
      %add3A_101 = arith.addi %add3A_100, %mul3A_99 : i32
      %mul3A_102 = arith.constant 640 : i32
      %mul3A_103 = arith.muli %arg1, %mul3A_102 : i32
      %mul3A_104 = arith.constant 16 : i32
      %mul3A_105 = arith.muli %add3A_101, %mul3A_104 : i32
      %add3A_106 = arith.addi %mul3A_103, %mul3A_105 : i32
      "tpu.region"() ({
        %run_scoped3A = tpu.sem_alloc : memref<!tpu.dma_semaphore, #tpu.memory_space<semaphore_mem>>
        %dma_start3A_107 = arith.constant 0 : i32
        %dma_start3A_108 = tpu.memref_slice %arg11[%add3A_106, %dma_start3A_107] : memref<10240x64xf32, #tpu.memory_space<vmem_shared>> -> memref<16x64xf32, #tpu.memory_space<vmem_shared>>
        %dma_start3A_109 = arith.constant 0 : i32
        %dma_start3A_110 = tpu.memref_slice %arg11[%add3A_106, %dma_start3A_109] : memref<10240x64xf32, #tpu.memory_space<vmem_shared>> -> memref<16x64xf32, #tpu.memory_space<vmem_shared>>
        tpu.enqueue_dma source(%arg10 : memref<16x64xf32, #tpu.memory_space<vmem>>) target(%dma_start3A_110 : memref<16x64xf32, #tpu.memory_space<vmem_shared>>) target_semaphore(%run_scoped3A : memref<!tpu.dma_semaphore, #tpu.memory_space<semaphore_mem>>)
        %dma_wait3A_111 = arith.constant 0 : i32
        %dma_wait3A_112 = tpu.memref_slice %arg11[%add3A_106, %dma_wait3A_111] : memref<10240x64xf32, #tpu.memory_space<vmem_shared>> -> memref<16x64xf32, #tpu.memory_space<vmem_shared>>
        %dma_wait3A_113 = arith.constant 0 : i32
        %dma_wait3A_114 = tpu.memref_slice %arg11[%add3A_106, %dma_wait3A_113] : memref<10240x64xf32, #tpu.memory_space<vmem_shared>> -> memref<16x64xf32, #tpu.memory_space<vmem_shared>>
        tpu.wait_dma2 semaphore(%run_scoped3A : memref<!tpu.dma_semaphore, #tpu.memory_space<semaphore_mem>>) src(%arg10 : memref<16x64xf32, #tpu.memory_space<vmem>>) dst(%dma_wait3A_114 : memref<16x64xf32, #tpu.memory_space<vmem_shared>>)
        tpu.yield
      }) : () -> ()
    }
    %scan3A_8 = arith.constant 40 : i32
    %barrier3A = arith.constant 0 : index
    tpu.barrier barrier_id(%barrier3A)
    %iota3A = tpu.iota {dimensions = array<i32: 0>} : vector<16xi32>
    %mul3A = arith.constant 2 : i32
    %mul3A_9 = vector.broadcast %mul3A : i32 to vector<16xi32>
    %mul3A_10 = arith.muli %iota3A, %mul3A_9 : vector<16xi32>
    %broadcast_in_dim3A = arith.constant -65536 : i32
    %broadcast_in_dim3A_11 = vector.broadcast %broadcast_in_dim3A : i32 to vector<16xi32>
    %add3A = arith.constant 0 : i32
    %add3A_12 = vector.broadcast %add3A : i32 to vector<16xi32>
    %add3A_13 = arith.addi %mul3A_10, %add3A_12 : vector<16xi32>
    %add3A_14 = arith.constant 0 : i32
    %add3A_15 = vector.broadcast %add3A_14 : i32 to vector<16xi32>
    %add3A_16 = arith.addi %mul3A_10, %add3A_15 : vector<16xi32>
    %add3A_17 = arith.constant 1 : i32
    %add3A_18 = vector.broadcast %add3A_17 : i32 to vector<16xi32>
    %add3A_19 = arith.addi %add3A_16, %add3A_18 : vector<16xi32>
    %add3A_20 = arith.constant 32 : i32
    %add3A_21 = vector.broadcast %add3A_20 : i32 to vector<16xi32>
    %add3A_22 = arith.addi %mul3A_10, %add3A_21 : vector<16xi32>
    %add3A_23 = arith.constant 32 : i32
    %add3A_24 = vector.broadcast %add3A_23 : i32 to vector<16xi32>
    %add3A_25 = arith.addi %mul3A_10, %add3A_24 : vector<16xi32>
    %add3A_26 = arith.constant 1 : i32
    %add3A_27 = vector.broadcast %add3A_26 : i32 to vector<16xi32>
    %add3A_28 = arith.addi %add3A_25, %add3A_27 : vector<16xi32>
    %dma_start3A = arith.constant 0 : i32
    %dma_start3A_29 = arith.constant 0 : i32
    %dma_start3A_30 = arith.constant 0 : i32
    %dma_start3A_31 = arith.constant 0 : i32
    %dma_start3A_32 = arith.constant 0 : i32
    %dma_start3A_33 = tpu.memref_slice %arg8[%dma_start3A_29, %dma_start3A_31, %dma_start3A_32] : memref<4x64x64xbf16, #tpu.memory_space<vmem>> -> memref<1x64x64xbf16, #tpu.memory_space<vmem>>
    %dma_start3A_34 = tpu.memref_squeeze %dma_start3A_33 : memref<1x64x64xbf16, #tpu.memory_space<vmem>> -> memref<64x64xbf16, #tpu.memory_space<vmem>>
    %dma_start3A_35 = arith.constant 0 : i32
    %dma_start3A_36 = tpu.memref_slice %arg6[%dma_start3A, %dma_start3A_35] : memref<320x64xi32, #tpu.memory_space<vmem>> -> memref<1x64xi32, #tpu.memory_space<vmem>>
    %dma_start3A_37 = tpu.memref_squeeze %dma_start3A_36 : memref<1x64xi32, #tpu.memory_space<vmem>> -> memref<64xi32, #tpu.memory_space<vmem>>
    %dma_start3A_38 = arith.constant 0 : i32
    %dma_start3A_39 = arith.constant 0 : i32
    %dma_start3A_40 = tpu.memref_slice %arg2[%dma_start3A_38, %dma_start3A_39] : memref<20480x64xbf16, #tpu.memory_space<hbm>> -> memref<20480x64xbf16, #tpu.memory_space<hbm>>
    %dma_start3A_41 = tpu.memref_slice %arg12[%dma_start3A_30] : memref<4x!tpu.dma_semaphore, #tpu.memory_space<semaphore_mem>> -> memref<1x!tpu.dma_semaphore, #tpu.memory_space<semaphore_mem>>
    %dma_start3A_42 = tpu.memref_squeeze %dma_start3A_41 : memref<1x!tpu.dma_semaphore, #tpu.memory_space<semaphore_mem>> -> memref<!tpu.dma_semaphore, #tpu.memory_space<semaphore_mem>>
    tpu.enqueue_indirect_dma source(%dma_start3A_40 : memref<20480x64xbf16, #tpu.memory_space<hbm>>) target(%dma_start3A_34 : memref<64x64xbf16, #tpu.memory_space<vmem>>) offsets(%dma_start3A_37 : memref<64xi32, #tpu.memory_space<vmem>>) semaphore(%dma_start3A_42 : memref<!tpu.dma_semaphore, #tpu.memory_space<semaphore_mem>>)
    %dma_start3A_43 = arith.constant 1 : i32
    %dma_start3A_44 = arith.constant 1 : i32
    %dma_start3A_45 = arith.constant 1 : i32
    %dma_start3A_46 = arith.constant 0 : i32
    %dma_start3A_47 = arith.constant 0 : i32
    %dma_start3A_48 = tpu.memref_slice %arg8[%dma_start3A_44, %dma_start3A_46, %dma_start3A_47] : memref<4x64x64xbf16, #tpu.memory_space<vmem>> -> memref<1x64x64xbf16, #tpu.memory_space<vmem>>
    %dma_start3A_49 = tpu.memref_squeeze %dma_start3A_48 : memref<1x64x64xbf16, #tpu.memory_space<vmem>> -> memref<64x64xbf16, #tpu.memory_space<vmem>>
    %dma_start3A_50 = arith.constant 0 : i32
    %dma_start3A_51 = tpu.memref_slice %arg6[%dma_start3A_43, %dma_start3A_50] : memref<320x64xi32, #tpu.memory_space<vmem>> -> memref<1x64xi32, #tpu.memory_space<vmem>>
    %dma_start3A_52 = tpu.memref_squeeze %dma_start3A_51 : memref<1x64xi32, #tpu.memory_space<vmem>> -> memref<64xi32, #tpu.memory_space<vmem>>
    %dma_start3A_53 = arith.constant 0 : i32
    %dma_start3A_54 = arith.constant 0 : i32
    %dma_start3A_55 = tpu.memref_slice %arg2[%dma_start3A_53, %dma_start3A_54] : memref<20480x64xbf16, #tpu.memory_space<hbm>> -> memref<20480x64xbf16, #tpu.memory_space<hbm>>
    %dma_start3A_56 = tpu.memref_slice %arg12[%dma_start3A_45] : memref<4x!tpu.dma_semaphore, #tpu.memory_space<semaphore_mem>> -> memref<1x!tpu.dma_semaphore, #tpu.memory_space<semaphore_mem>>
    %dma_start3A_57 = tpu.memref_squeeze %dma_start3A_56 : memref<1x!tpu.dma_semaphore, #tpu.memory_space<semaphore_mem>> -> memref<!tpu.dma_semaphore, #tpu.memory_space<semaphore_mem>>
    tpu.enqueue_indirect_dma source(%dma_start3A_55 : memref<20480x64xbf16, #tpu.memory_space<hbm>>) target(%dma_start3A_49 : memref<64x64xbf16, #tpu.memory_space<vmem>>) offsets(%dma_start3A_52 : memref<64xi32, #tpu.memory_space<vmem>>) semaphore(%dma_start3A_57 : memref<!tpu.dma_semaphore, #tpu.memory_space<semaphore_mem>>)
    %scan3A_58 = arith.constant 0 : i32
    %scan3A_59 = arith.constant 80 : i32
    %scan3A_60 = arith.addi %scan3A_58, %scan3A_59 : i32
    %scan3A_61 = arith.constant 1 : i32
    scf.for %scan3A_97 = %scan3A_58 to %scan3A_60 step %scan3A_61  : i32 {
      %mul3A_98 = arith.constant 4 : i32
      %mul3A_99 = arith.muli %scan3A_97, %mul3A_98 : i32
      %add3A_100 = arith.constant 0 : i32
      %add3A_101 = arith.addi %add3A_100, %mul3A_99 : i32
      %add3A_102 = arith.constant 0 : i32
      %add3A_103 = arith.addi %add3A_101, %add3A_102 : i32
      %ge3A = arith.constant 2 : i32
      %ge3A_104 = arith.cmpi sge, %add3A_103, %ge3A : i32
      %convert_element_type3A = arith.extui %ge3A_104 : i1 to i32
      %cond3A = arith.constant 0 : i32
      %cond3A_105 = arith.cmpi ne, %convert_element_type3A, %cond3A : i32
      scf.if %cond3A_105 {
        %dma_wait3A_286 = arith.constant 2 : i32
        %dma_wait3A_287 = arith.constant 2 : i32
        %dma_wait3A_288 = arith.constant 0 : i32
        %dma_wait3A_289 = arith.constant 0 : i32
        %dma_wait3A_290 = tpu.memref_slice %arg9[%dma_wait3A_286, %dma_wait3A_288, %dma_wait3A_289] : memref<4x64x64xf32, #tpu.memory_space<vmem>> -> memref<1x64x64xf32, #tpu.memory_space<vmem>>
        %dma_wait3A_291 = tpu.memref_squeeze %dma_wait3A_290 : memref<1x64x64xf32, #tpu.memory_space<vmem>> -> memref<64x64xf32, #tpu.memory_space<vmem>>
        %dma_wait3A_292 = arith.constant 0 : i32
        %dma_wait3A_293 = tpu.memref_slice %arg7[%add3A_103, %dma_wait3A_292] : memref<320x64xi32, #tpu.memory_space<vmem>> -> memref<1x64xi32, #tpu.memory_space<vmem>>
        %dma_wait3A_294 = tpu.memref_squeeze %dma_wait3A_293 : memref<1x64xi32, #tpu.memory_space<vmem>> -> memref<64xi32, #tpu.memory_space<vmem>>
        %dma_wait3A_295 = arith.constant 0 : i32
        %dma_wait3A_296 = arith.constant 0 : i32
        %dma_wait3A_297 = tpu.memref_slice %arg11[%dma_wait3A_295, %dma_wait3A_296] : memref<10240x64xf32, #tpu.memory_space<vmem_shared>> -> memref<10240x64xf32, #tpu.memory_space<vmem_shared>>
        %dma_wait3A_298 = tpu.memref_slice %arg13[%dma_wait3A_287] : memref<4x!tpu.dma_semaphore, #tpu.memory_space<semaphore_mem>> -> memref<1x!tpu.dma_semaphore, #tpu.memory_space<semaphore_mem>>
        %dma_wait3A_299 = tpu.memref_squeeze %dma_wait3A_298 : memref<1x!tpu.dma_semaphore, #tpu.memory_space<semaphore_mem>> -> memref<!tpu.dma_semaphore, #tpu.memory_space<semaphore_mem>>
        tpu.wait_indirect_dma semaphore(%dma_wait3A_299 : memref<!tpu.dma_semaphore, #tpu.memory_space<semaphore_mem>>) src(%dma_wait3A_291 : memref<64x64xf32, #tpu.memory_space<vmem>>) dst(%dma_wait3A_297 : memref<10240x64xf32, #tpu.memory_space<vmem_shared>>)
      } else {
      }
      %add3A_106 = arith.constant 2 : i32
      %add3A_107 = arith.addi %add3A_103, %add3A_106 : i32
      %lt3A = arith.constant 320 : i32
      %lt3A_108 = arith.cmpi slt, %add3A_107, %lt3A : i32
      %convert_element_type3A_109 = arith.extui %lt3A_108 : i1 to i32
      %cond3A_110 = arith.constant 0 : i32
      %cond3A_111 = arith.cmpi ne, %convert_element_type3A_109, %cond3A_110 : i32
      scf.if %cond3A_111 {
        %add3A_286 = arith.constant 2 : i32
        %add3A_287 = arith.addi %add3A_103, %add3A_286 : i32
        %dma_start3A_288 = arith.constant 2 : i32
        %dma_start3A_289 = arith.constant 2 : i32
        %dma_start3A_290 = arith.constant 0 : i32
        %dma_start3A_291 = arith.constant 0 : i32
        %dma_start3A_292 = tpu.memref_slice %arg8[%dma_start3A_288, %dma_start3A_290, %dma_start3A_291] : memref<4x64x64xbf16, #tpu.memory_space<vmem>> -> memref<1x64x64xbf16, #tpu.memory_space<vmem>>
        %dma_start3A_293 = tpu.memref_squeeze %dma_start3A_292 : memref<1x64x64xbf16, #tpu.memory_space<vmem>> -> memref<64x64xbf16, #tpu.memory_space<vmem>>
        %dma_start3A_294 = arith.constant 0 : i32
        %dma_start3A_295 = tpu.memref_slice %arg6[%add3A_287, %dma_start3A_294] : memref<320x64xi32, #tpu.memory_space<vmem>> -> memref<1x64xi32, #tpu.memory_space<vmem>>
        %dma_start3A_296 = tpu.memref_squeeze %dma_start3A_295 : memref<1x64xi32, #tpu.memory_space<vmem>> -> memref<64xi32, #tpu.memory_space<vmem>>
        %dma_start3A_297 = arith.constant 0 : i32
        %dma_start3A_298 = arith.constant 0 : i32
        %dma_start3A_299 = tpu.memref_slice %arg2[%dma_start3A_297, %dma_start3A_298] : memref<20480x64xbf16, #tpu.memory_space<hbm>> -> memref<20480x64xbf16, #tpu.memory_space<hbm>>
        %dma_start3A_300 = tpu.memref_slice %arg12[%dma_start3A_289] : memref<4x!tpu.dma_semaphore, #tpu.memory_space<semaphore_mem>> -> memref<1x!tpu.dma_semaphore, #tpu.memory_space<semaphore_mem>>
        %dma_start3A_301 = tpu.memref_squeeze %dma_start3A_300 : memref<1x!tpu.dma_semaphore, #tpu.memory_space<semaphore_mem>> -> memref<!tpu.dma_semaphore, #tpu.memory_space<semaphore_mem>>
        tpu.enqueue_indirect_dma source(%dma_start3A_299 : memref<20480x64xbf16, #tpu.memory_space<hbm>>) target(%dma_start3A_293 : memref<64x64xbf16, #tpu.memory_space<vmem>>) offsets(%dma_start3A_296 : memref<64xi32, #tpu.memory_space<vmem>>) semaphore(%dma_start3A_301 : memref<!tpu.dma_semaphore, #tpu.memory_space<semaphore_mem>>)
      } else {
      }
      %dma_wait3A_112 = arith.constant 0 : i32
      %dma_wait3A_113 = arith.constant 0 : i32
      %dma_wait3A_114 = arith.constant 0 : i32
      %dma_wait3A_115 = arith.constant 0 : i32
      %dma_wait3A_116 = tpu.memref_slice %arg8[%dma_wait3A_112, %dma_wait3A_114, %dma_wait3A_115] : memref<4x64x64xbf16, #tpu.memory_space<vmem>> -> memref<1x64x64xbf16, #tpu.memory_space<vmem>>
      %dma_wait3A_117 = tpu.memref_squeeze %dma_wait3A_116 : memref<1x64x64xbf16, #tpu.memory_space<vmem>> -> memref<64x64xbf16, #tpu.memory_space<vmem>>
      %dma_wait3A_118 = arith.constant 0 : i32
      %dma_wait3A_119 = tpu.memref_slice %arg6[%add3A_103, %dma_wait3A_118] : memref<320x64xi32, #tpu.memory_space<vmem>> -> memref<1x64xi32, #tpu.memory_space<vmem>>
      %dma_wait3A_120 = tpu.memref_squeeze %dma_wait3A_119 : memref<1x64xi32, #tpu.memory_space<vmem>> -> memref<64xi32, #tpu.memory_space<vmem>>
      %dma_wait3A_121 = arith.constant 0 : i32
      %dma_wait3A_122 = arith.constant 0 : i32
      %dma_wait3A_123 = tpu.memref_slice %arg2[%dma_wait3A_121, %dma_wait3A_122] : memref<20480x64xbf16, #tpu.memory_space<hbm>> -> memref<20480x64xbf16, #tpu.memory_space<hbm>>
      %dma_wait3A_124 = tpu.memref_slice %arg12[%dma_wait3A_113] : memref<4x!tpu.dma_semaphore, #tpu.memory_space<semaphore_mem>> -> memref<1x!tpu.dma_semaphore, #tpu.memory_space<semaphore_mem>>
      %dma_wait3A_125 = tpu.memref_squeeze %dma_wait3A_124 : memref<1x!tpu.dma_semaphore, #tpu.memory_space<semaphore_mem>> -> memref<!tpu.dma_semaphore, #tpu.memory_space<semaphore_mem>>
      tpu.wait_indirect_dma semaphore(%dma_wait3A_125 : memref<!tpu.dma_semaphore, #tpu.memory_space<semaphore_mem>>) src(%dma_wait3A_123 : memref<20480x64xbf16, #tpu.memory_space<hbm>>) dst(%dma_wait3A_117 : memref<64x64xbf16, #tpu.memory_space<vmem>>)
      %scan3A_126 = arith.constant 0 : i32
      %scan3A_127 = arith.constant 64 : i32
      %scan3A_128 = arith.addi %scan3A_126, %scan3A_127 : i32
      %scan3A_129 = arith.constant 2 : i32
      scf.for %scan3A_286 = %scan3A_126 to %scan3A_128 step %scan3A_129  : i32 {
        %mul3A_287 = arith.constant 1 : i32
        %mul3A_288 = arith.muli %scan3A_286, %mul3A_287 : i32
        %add3A_289 = arith.constant 0 : i32
        %add3A_290 = arith.addi %add3A_289, %mul3A_288 : i32
        %broadcast_in_dim3A_291 = vector.broadcast %add3A_290 : i32 to vector<16xi32>
        %get3A = arith.constant 0 : i32
        %get3A_292 = arith.index_cast %get3A : i32 to index
        %get3A_293 = arith.index_cast %add3A_290 : i32 to index
        %get3A_294 = arith.constant 0 : index
        %get3A_295 = tpu.vector_load %arg8[%get3A_292, %get3A_293, %get3A_294] {strides = array<i32>} : memref<4x64x64xbf16, #tpu.memory_space<vmem>>, vector<32xbf16>,
        %bitcast3A = vector.bitcast %get3A_295 : vector<32xbf16> to vector<16xi32>
        %shift_left3A = arith.constant 16 : i32
        %shift_left3A_296 = vector.broadcast %shift_left3A : i32 to vector<16xi32>
        %shift_left3A_297 = arith.shli %bitcast3A, %shift_left3A_296 : vector<16xi32>
        %bitcast3A_298 = vector.bitcast %shift_left3A_297 : vector<16xi32> to vector<16xf32>
        %and3A = arith.andi %bitcast3A, %broadcast_in_dim3A_11 : vector<16xi32>
        %bitcast3A_299 = vector.bitcast %and3A : vector<16xi32> to vector<16xf32>
        %scatter3A = arith.constant 0 : i32
        %scatter3A_300 = arith.constant 0 : i32
        %scatter3A_301 = arith.constant 0 : i32
        %scatter3A_302 = tpu.memref_slice %arg9[%scatter3A, %scatter3A_300, %scatter3A_301] : memref<4x64x64xf32, #tpu.memory_space<vmem>> -> memref<1x64x64xf32, #tpu.memory_space<vmem>>
        %scatter3A_303 = tpu.memref_squeeze %scatter3A_302 : memref<1x64x64xf32, #tpu.memory_space<vmem>> -> memref<64x64xf32, #tpu.memory_space<vmem>>
        tpu.vector_store_idx %scatter3A_303[%broadcast_in_dim3A_291, %add3A_13], %bitcast3A_298 : memref<64x64xf32, #tpu.memory_space<vmem>>[vector<16xi32>, vector<16xi32>], vector<16xf32>,
        %scatter3A_304 = arith.constant 0 : i32
        %scatter3A_305 = arith.constant 0 : i32
        %scatter3A_306 = arith.constant 0 : i32
        %scatter3A_307 = tpu.memref_slice %arg9[%scatter3A_304, %scatter3A_305, %scatter3A_306] : memref<4x64x64xf32, #tpu.memory_space<vmem>> -> memref<1x64x64xf32, #tpu.memory_space<vmem>>
        %scatter3A_308 = tpu.memref_squeeze %scatter3A_307 : memref<1x64x64xf32, #tpu.memory_space<vmem>> -> memref<64x64xf32, #tpu.memory_space<vmem>>
        tpu.vector_store_idx %scatter3A_308[%broadcast_in_dim3A_291, %add3A_19], %bitcast3A_299 : memref<64x64xf32, #tpu.memory_space<vmem>>[vector<16xi32>, vector<16xi32>], vector<16xf32>,
        %get3A_309 = arith.constant 0 : i32
        %get3A_310 = arith.index_cast %get3A_309 : i32 to index
        %get3A_311 = arith.index_cast %add3A_290 : i32 to index
        %get3A_312 = arith.constant 32 : index
        %get3A_313 = tpu.vector_load %arg8[%get3A_310, %get3A_311, %get3A_312] {strides = array<i32>} : memref<4x64x64xbf16, #tpu.memory_space<vmem>>, vector<32xbf16>,
        %bitcast3A_314 = vector.bitcast %get3A_313 : vector<32xbf16> to vector<16xi32>
        %shift_left3A_315 = arith.constant 16 : i32
        %shift_left3A_316 = vector.broadcast %shift_left3A_315 : i32 to vector<16xi32>
        %shift_left3A_317 = arith.shli %bitcast3A_314, %shift_left3A_316 : vector<16xi32>
        %bitcast3A_318 = vector.bitcast %shift_left3A_317 : vector<16xi32> to vector<16xf32>
        %and3A_319 = arith.andi %bitcast3A_314, %broadcast_in_dim3A_11 : vector<16xi32>
        %bitcast3A_320 = vector.bitcast %and3A_319 : vector<16xi32> to vector<16xf32>
        %scatter3A_321 = arith.constant 0 : i32
        %scatter3A_322 = arith.constant 0 : i32
        %scatter3A_323 = arith.constant 0 : i32
        %scatter3A_324 = tpu.memref_slice %arg9[%scatter3A_321, %scatter3A_322, %scatter3A_323] : memref<4x64x64xf32, #tpu.memory_space<vmem>> -> memref<1x64x64xf32, #tpu.memory_space<vmem>>
        %scatter3A_325 = tpu.memref_squeeze %scatter3A_324 : memref<1x64x64xf32, #tpu.memory_space<vmem>> -> memref<64x64xf32, #tpu.memory_space<vmem>>
        tpu.vector_store_idx %scatter3A_325[%broadcast_in_dim3A_291, %add3A_22], %bitcast3A_318 : memref<64x64xf32, #tpu.memory_space<vmem>>[vector<16xi32>, vector<16xi32>], vector<16xf32>,
        %scatter3A_326 = arith.constant 0 : i32
        %scatter3A_327 = arith.constant 0 : i32
        %scatter3A_328 = arith.constant 0 : i32
        %scatter3A_329 = tpu.memref_slice %arg9[%scatter3A_326, %scatter3A_327, %scatter3A_328] : memref<4x64x64xf32, #tpu.memory_space<vmem>> -> memref<1x64x64xf32, #tpu.memory_space<vmem>>
        %scatter3A_330 = tpu.memref_squeeze %scatter3A_329 : memref<1x64x64xf32, #tpu.memory_space<vmem>> -> memref<64x64xf32, #tpu.memory_space<vmem>>
        tpu.vector_store_idx %scatter3A_330[%broadcast_in_dim3A_291, %add3A_28], %bitcast3A_320 : memref<64x64xf32, #tpu.memory_space<vmem>>[vector<16xi32>, vector<16xi32>], vector<16xf32>,
        %scan3A_331 = arith.constant 1 : i32
        %scan3A_332 = arith.addi %scan3A_286, %scan3A_331 : i32
        %mul3A_333 = arith.constant 1 : i32
        %mul3A_334 = arith.muli %scan3A_332, %mul3A_333 : i32
        %add3A_335 = arith.constant 0 : i32
        %add3A_336 = arith.addi %add3A_335, %mul3A_334 : i32
        %broadcast_in_dim3A_337 = vector.broadcast %add3A_336 : i32 to vector<16xi32>
        %get3A_338 = arith.constant 0 : i32
        %get3A_339 = arith.index_cast %get3A_338 : i32 to index
        %get3A_340 = arith.index_cast %add3A_336 : i32 to index
        %get3A_341 = arith.constant 0 : index
        %get3A_342 = tpu.vector_load %arg8[%get3A_339, %get3A_340, %get3A_341] {strides = array<i32>} : memref<4x64x64xbf16, #tpu.memory_space<vmem>>, vector<32xbf16>,
        %bitcast3A_343 = vector.bitcast %get3A_342 : vector<32xbf16> to vector<16xi32>
        %shift_left3A_344 = arith.constant 16 : i32
        %shift_left3A_345 = vector.broadcast %shift_left3A_344 : i32 to vector<16xi32>
        %shift_left3A_346 = arith.shli %bitcast3A_343, %shift_left3A_345 : vector<16xi32>
        %bitcast3A_347 = vector.bitcast %shift_left3A_346 : vector<16xi32> to vector<16xf32>
        %and3A_348 = arith.andi %bitcast3A_343, %broadcast_in_dim3A_11 : vector<16xi32>
        %bitcast3A_349 = vector.bitcast %and3A_348 : vector<16xi32> to vector<16xf32>
        %scatter3A_350 = arith.constant 0 : i32
        %scatter3A_351 = arith.constant 0 : i32
        %scatter3A_352 = arith.constant 0 : i32
        %scatter3A_353 = tpu.memref_slice %arg9[%scatter3A_350, %scatter3A_351, %scatter3A_352] : memref<4x64x64xf32, #tpu.memory_space<vmem>> -> memref<1x64x64xf32, #tpu.memory_space<vmem>>
        %scatter3A_354 = tpu.memref_squeeze %scatter3A_353 : memref<1x64x64xf32, #tpu.memory_space<vmem>> -> memref<64x64xf32, #tpu.memory_space<vmem>>
        tpu.vector_store_idx %scatter3A_354[%broadcast_in_dim3A_337, %add3A_13], %bitcast3A_347 : memref<64x64xf32, #tpu.memory_space<vmem>>[vector<16xi32>, vector<16xi32>], vector<16xf32>,
        %scatter3A_355 = arith.constant 0 : i32
        %scatter3A_356 = arith.constant 0 : i32
        %scatter3A_357 = arith.constant 0 : i32
        %scatter3A_358 = tpu.memref_slice %arg9[%scatter3A_355, %scatter3A_356, %scatter3A_357] : memref<4x64x64xf32, #tpu.memory_space<vmem>> -> memref<1x64x64xf32, #tpu.memory_space<vmem>>
        %scatter3A_359 = tpu.memref_squeeze %scatter3A_358 : memref<1x64x64xf32, #tpu.memory_space<vmem>> -> memref<64x64xf32, #tpu.memory_space<vmem>>
        tpu.vector_store_idx %scatter3A_359[%broadcast_in_dim3A_337, %add3A_19], %bitcast3A_349 : memref<64x64xf32, #tpu.memory_space<vmem>>[vector<16xi32>, vector<16xi32>], vector<16xf32>,
        %get3A_360 = arith.constant 0 : i32
        %get3A_361 = arith.index_cast %get3A_360 : i32 to index
        %get3A_362 = arith.index_cast %add3A_336 : i32 to index
        %get3A_363 = arith.constant 32 : index
        %get3A_364 = tpu.vector_load %arg8[%get3A_361, %get3A_362, %get3A_363] {strides = array<i32>} : memref<4x64x64xbf16, #tpu.memory_space<vmem>>, vector<32xbf16>,
        %bitcast3A_365 = vector.bitcast %get3A_364 : vector<32xbf16> to vector<16xi32>
        %shift_left3A_366 = arith.constant 16 : i32
        %shift_left3A_367 = vector.broadcast %shift_left3A_366 : i32 to vector<16xi32>
        %shift_left3A_368 = arith.shli %bitcast3A_365, %shift_left3A_367 : vector<16xi32>
        %bitcast3A_369 = vector.bitcast %shift_left3A_368 : vector<16xi32> to vector<16xf32>
        %and3A_370 = arith.andi %bitcast3A_365, %broadcast_in_dim3A_11 : vector<16xi32>
        %bitcast3A_371 = vector.bitcast %and3A_370 : vector<16xi32> to vector<16xf32>
        %scatter3A_372 = arith.constant 0 : i32
        %scatter3A_373 = arith.constant 0 : i32
        %scatter3A_374 = arith.constant 0 : i32
        %scatter3A_375 = tpu.memref_slice %arg9[%scatter3A_372, %scatter3A_373, %scatter3A_374] : memref<4x64x64xf32, #tpu.memory_space<vmem>> -> memref<1x64x64xf32, #tpu.memory_space<vmem>>
        %scatter3A_376 = tpu.memref_squeeze %scatter3A_375 : memref<1x64x64xf32, #tpu.memory_space<vmem>> -> memref<64x64xf32, #tpu.memory_space<vmem>>
        tpu.vector_store_idx %scatter3A_376[%broadcast_in_dim3A_337, %add3A_22], %bitcast3A_369 : memref<64x64xf32, #tpu.memory_space<vmem>>[vector<16xi32>, vector<16xi32>], vector<16xf32>,
        %scatter3A_377 = arith.constant 0 : i32
        %scatter3A_378 = arith.constant 0 : i32
        %scatter3A_379 = arith.constant 0 : i32
        %scatter3A_380 = tpu.memref_slice %arg9[%scatter3A_377, %scatter3A_378, %scatter3A_379] : memref<4x64x64xf32, #tpu.memory_space<vmem>> -> memref<1x64x64xf32, #tpu.memory_space<vmem>>
        %scatter3A_381 = tpu.memref_squeeze %scatter3A_380 : memref<1x64x64xf32, #tpu.memory_space<vmem>> -> memref<64x64xf32, #tpu.memory_space<vmem>>
        tpu.vector_store_idx %scatter3A_381[%broadcast_in_dim3A_337, %add3A_28], %bitcast3A_371 : memref<64x64xf32, #tpu.memory_space<vmem>>[vector<16xi32>, vector<16xi32>], vector<16xf32>,
      }
      %scan3A_130 = arith.constant 64 : i32
      %dma_start3A_131 = arith.constant 0 : i32
      %dma_start3A_132 = arith.constant 0 : i32
      %dma_start3A_133 = arith.constant 0 : i32
      %dma_start3A_134 = arith.constant 0 : i32
      %dma_start3A_135 = tpu.memref_slice %arg9[%dma_start3A_131, %dma_start3A_133, %dma_start3A_134] : memref<4x64x64xf32, #tpu.memory_space<vmem>> -> memref<1x64x64xf32, #tpu.memory_space<vmem>>
      %dma_start3A_136 = tpu.memref_squeeze %dma_start3A_135 : memref<1x64x64xf32, #tpu.memory_space<vmem>> -> memref<64x64xf32, #tpu.memory_space<vmem>>
      %dma_start3A_137 = arith.constant 0 : i32
      %dma_start3A_138 = tpu.memref_slice %arg7[%add3A_103, %dma_start3A_137] : memref<320x64xi32, #tpu.memory_space<vmem>> -> memref<1x64xi32, #tpu.memory_space<vmem>>
      %dma_start3A_139 = tpu.memref_squeeze %dma_start3A_138 : memref<1x64xi32, #tpu.memory_space<vmem>> -> memref<64xi32, #tpu.memory_space<vmem>>
      %dma_start3A_140 = arith.constant 0 : i32
      %dma_start3A_141 = arith.constant 0 : i32
      %dma_start3A_142 = tpu.memref_slice %arg11[%dma_start3A_140, %dma_start3A_141] : memref<10240x64xf32, #tpu.memory_space<vmem_shared>> -> memref<10240x64xf32, #tpu.memory_space<vmem_shared>>
      %dma_start3A_143 = tpu.memref_slice %arg13[%dma_start3A_132] : memref<4x!tpu.dma_semaphore, #tpu.memory_space<semaphore_mem>> -> memref<1x!tpu.dma_semaphore, #tpu.memory_space<semaphore_mem>>
      %dma_start3A_144 = tpu.memref_squeeze %dma_start3A_143 : memref<1x!tpu.dma_semaphore, #tpu.memory_space<semaphore_mem>> -> memref<!tpu.dma_semaphore, #tpu.memory_space<semaphore_mem>>
      tpu.enqueue_indirect_dma source(%dma_start3A_136 : memref<64x64xf32, #tpu.memory_space<vmem>>) target(%dma_start3A_142 : memref<10240x64xf32, #tpu.memory_space<vmem_shared>>) offsets(%dma_start3A_139 : memref<64xi32, #tpu.memory_space<vmem>>) semaphore(%dma_start3A_144 : memref<!tpu.dma_semaphore, #tpu.memory_space<semaphore_mem>>) {add = true}
      %add3A_145 = arith.constant 1 : i32
      %add3A_146 = arith.addi %add3A_101, %add3A_145 : i32
      %ge3A_147 = arith.constant 2 : i32
      %ge3A_148 = arith.cmpi sge, %add3A_146, %ge3A_147 : i32
      %convert_element_type3A_149 = arith.extui %ge3A_148 : i1 to i32
      %cond3A_150 = arith.constant 0 : i32
      %cond3A_151 = arith.cmpi ne, %convert_element_type3A_149, %cond3A_150 : i32
      scf.if %cond3A_151 {
        %dma_wait3A_286 = arith.constant 3 : i32
        %dma_wait3A_287 = arith.constant 3 : i32
        %dma_wait3A_288 = arith.constant 0 : i32
        %dma_wait3A_289 = arith.constant 0 : i32
        %dma_wait3A_290 = tpu.memref_slice %arg9[%dma_wait3A_286, %dma_wait3A_288, %dma_wait3A_289] : memref<4x64x64xf32, #tpu.memory_space<vmem>> -> memref<1x64x64xf32, #tpu.memory_space<vmem>>
        %dma_wait3A_291 = tpu.memref_squeeze %dma_wait3A_290 : memref<1x64x64xf32, #tpu.memory_space<vmem>> -> memref<64x64xf32, #tpu.memory_space<vmem>>
        %dma_wait3A_292 = arith.constant 0 : i32
        %dma_wait3A_293 = tpu.memref_slice %arg7[%add3A_146, %dma_wait3A_292] : memref<320x64xi32, #tpu.memory_space<vmem>> -> memref<1x64xi32, #tpu.memory_space<vmem>>
        %dma_wait3A_294 = tpu.memref_squeeze %dma_wait3A_293 : memref<1x64xi32, #tpu.memory_space<vmem>> -> memref<64xi32, #tpu.memory_space<vmem>>
        %dma_wait3A_295 = arith.constant 0 : i32
        %dma_wait3A_296 = arith.constant 0 : i32
        %dma_wait3A_297 = tpu.memref_slice %arg11[%dma_wait3A_295, %dma_wait3A_296] : memref<10240x64xf32, #tpu.memory_space<vmem_shared>> -> memref<10240x64xf32, #tpu.memory_space<vmem_shared>>
        %dma_wait3A_298 = tpu.memref_slice %arg13[%dma_wait3A_287] : memref<4x!tpu.dma_semaphore, #tpu.memory_space<semaphore_mem>> -> memref<1x!tpu.dma_semaphore, #tpu.memory_space<semaphore_mem>>
        %dma_wait3A_299 = tpu.memref_squeeze %dma_wait3A_298 : memref<1x!tpu.dma_semaphore, #tpu.memory_space<semaphore_mem>> -> memref<!tpu.dma_semaphore, #tpu.memory_space<semaphore_mem>>
        tpu.wait_indirect_dma semaphore(%dma_wait3A_299 : memref<!tpu.dma_semaphore, #tpu.memory_space<semaphore_mem>>) src(%dma_wait3A_291 : memref<64x64xf32, #tpu.memory_space<vmem>>) dst(%dma_wait3A_297 : memref<10240x64xf32, #tpu.memory_space<vmem_shared>>)
      } else {
      }
      %add3A_152 = arith.constant 2 : i32
      %add3A_153 = arith.addi %add3A_146, %add3A_152 : i32
      %lt3A_154 = arith.constant 320 : i32
      %lt3A_155 = arith.cmpi slt, %add3A_153, %lt3A_154 : i32
      %convert_element_type3A_156 = arith.extui %lt3A_155 : i1 to i32
      %cond3A_157 = arith.constant 0 : i32
      %cond3A_158 = arith.cmpi ne, %convert_element_type3A_156, %cond3A_157 : i32
      scf.if %cond3A_158 {
        %add3A_286 = arith.constant 2 : i32
        %add3A_287 = arith.addi %add3A_146, %add3A_286 : i32
        %dma_start3A_288 = arith.constant 3 : i32
        %dma_start3A_289 = arith.constant 3 : i32
        %dma_start3A_290 = arith.constant 0 : i32
        %dma_start3A_291 = arith.constant 0 : i32
        %dma_start3A_292 = tpu.memref_slice %arg8[%dma_start3A_288, %dma_start3A_290, %dma_start3A_291] : memref<4x64x64xbf16, #tpu.memory_space<vmem>> -> memref<1x64x64xbf16, #tpu.memory_space<vmem>>
        %dma_start3A_293 = tpu.memref_squeeze %dma_start3A_292 : memref<1x64x64xbf16, #tpu.memory_space<vmem>> -> memref<64x64xbf16, #tpu.memory_space<vmem>>
        %dma_start3A_294 = arith.constant 0 : i32
        %dma_start3A_295 = tpu.memref_slice %arg6[%add3A_287, %dma_start3A_294] : memref<320x64xi32, #tpu.memory_space<vmem>> -> memref<1x64xi32, #tpu.memory_space<vmem>>
        %dma_start3A_296 = tpu.memref_squeeze %dma_start3A_295 : memref<1x64xi32, #tpu.memory_space<vmem>> -> memref<64xi32, #tpu.memory_space<vmem>>
        %dma_start3A_297 = arith.constant 0 : i32
        %dma_start3A_298 = arith.constant 0 : i32
        %dma_start3A_299 = tpu.memref_slice %arg2[%dma_start3A_297, %dma_start3A_298] : memref<20480x64xbf16, #tpu.memory_space<hbm>> -> memref<20480x64xbf16, #tpu.memory_space<hbm>>
        %dma_start3A_300 = tpu.memref_slice %arg12[%dma_start3A_289] : memref<4x!tpu.dma_semaphore, #tpu.memory_space<semaphore_mem>> -> memref<1x!tpu.dma_semaphore, #tpu.memory_space<semaphore_mem>>
        %dma_start3A_301 = tpu.memref_squeeze %dma_start3A_300 : memref<1x!tpu.dma_semaphore, #tpu.memory_space<semaphore_mem>> -> memref<!tpu.dma_semaphore, #tpu.memory_space<semaphore_mem>>
        tpu.enqueue_indirect_dma source(%dma_start3A_299 : memref<20480x64xbf16, #tpu.memory_space<hbm>>) target(%dma_start3A_293 : memref<64x64xbf16, #tpu.memory_space<vmem>>) offsets(%dma_start3A_296 : memref<64xi32, #tpu.memory_space<vmem>>) semaphore(%dma_start3A_301 : memref<!tpu.dma_semaphore, #tpu.memory_space<semaphore_mem>>)
      } else {
      }
      %dma_wait3A_159 = arith.constant 1 : i32
      %dma_wait3A_160 = arith.constant 1 : i32
      %dma_wait3A_161 = arith.constant 0 : i32
      %dma_wait3A_162 = arith.constant 0 : i32
      %dma_wait3A_163 = tpu.memref_slice %arg8[%dma_wait3A_159, %dma_wait3A_161, %dma_wait3A_162] : memref<4x64x64xbf16, #tpu.memory_space<vmem>> -> memref<1x64x64xbf16, #tpu.memory_space<vmem>>
      %dma_wait3A_164 = tpu.memref_squeeze %dma_wait3A_163 : memref<1x64x64xbf16, #tpu.memory_space<vmem>> -> memref<64x64xbf16, #tpu.memory_space<vmem>>
      %dma_wait3A_165 = arith.constant 0 : i32
      %dma_wait3A_166 = tpu.memref_slice %arg6[%add3A_146, %dma_wait3A_165] : memref<320x64xi32, #tpu.memory_space<vmem>> -> memref<1x64xi32, #tpu.memory_space<vmem>>
      %dma_wait3A_167 = tpu.memref_squeeze %dma_wait3A_166 : memref<1x64xi32, #tpu.memory_space<vmem>> -> memref<64xi32, #tpu.memory_space<vmem>>
      %dma_wait3A_168 = arith.constant 0 : i32
      %dma_wait3A_169 = arith.constant 0 : i32
      %dma_wait3A_170 = tpu.memref_slice %arg2[%dma_wait3A_168, %dma_wait3A_169] : memref<20480x64xbf16, #tpu.memory_space<hbm>> -> memref<20480x64xbf16, #tpu.memory_space<hbm>>
      %dma_wait3A_171 = tpu.memref_slice %arg12[%dma_wait3A_160] : memref<4x!tpu.dma_semaphore, #tpu.memory_space<semaphore_mem>> -> memref<1x!tpu.dma_semaphore, #tpu.memory_space<semaphore_mem>>
      %dma_wait3A_172 = tpu.memref_squeeze %dma_wait3A_171 : memref<1x!tpu.dma_semaphore, #tpu.memory_space<semaphore_mem>> -> memref<!tpu.dma_semaphore, #tpu.memory_space<semaphore_mem>>
      tpu.wait_indirect_dma semaphore(%dma_wait3A_172 : memref<!tpu.dma_semaphore, #tpu.memory_space<semaphore_mem>>) src(%dma_wait3A_170 : memref<20480x64xbf16, #tpu.memory_space<hbm>>) dst(%dma_wait3A_164 : memref<64x64xbf16, #tpu.memory_space<vmem>>)
      %scan3A_173 = arith.constant 0 : i32
      %scan3A_174 = arith.constant 64 : i32
      %scan3A_175 = arith.addi %scan3A_173, %scan3A_174 : i32
      %scan3A_176 = arith.constant 2 : i32
      scf.for %scan3A_286 = %scan3A_173 to %scan3A_175 step %scan3A_176  : i32 {
        %mul3A_287 = arith.constant 1 : i32
        %mul3A_288 = arith.muli %scan3A_286, %mul3A_287 : i32
        %add3A_289 = arith.constant 0 : i32
        %add3A_290 = arith.addi %add3A_289, %mul3A_288 : i32
        %broadcast_in_dim3A_291 = vector.broadcast %add3A_290 : i32 to vector<16xi32>
        %get3A = arith.constant 1 : i32
        %get3A_292 = arith.index_cast %get3A : i32 to index
        %get3A_293 = arith.index_cast %add3A_290 : i32 to index
        %get3A_294 = arith.constant 0 : index
        %get3A_295 = tpu.vector_load %arg8[%get3A_292, %get3A_293, %get3A_294] {strides = array<i32>} : memref<4x64x64xbf16, #tpu.memory_space<vmem>>, vector<32xbf16>,
        %bitcast3A = vector.bitcast %get3A_295 : vector<32xbf16> to vector<16xi32>
        %shift_left3A = arith.constant 16 : i32
        %shift_left3A_296 = vector.broadcast %shift_left3A : i32 to vector<16xi32>
        %shift_left3A_297 = arith.shli %bitcast3A, %shift_left3A_296 : vector<16xi32>
        %bitcast3A_298 = vector.bitcast %shift_left3A_297 : vector<16xi32> to vector<16xf32>
        %and3A = arith.andi %bitcast3A, %broadcast_in_dim3A_11 : vector<16xi32>
        %bitcast3A_299 = vector.bitcast %and3A : vector<16xi32> to vector<16xf32>
        %scatter3A = arith.constant 1 : i32
        %scatter3A_300 = arith.constant 0 : i32
        %scatter3A_301 = arith.constant 0 : i32
        %scatter3A_302 = tpu.memref_slice %arg9[%scatter3A, %scatter3A_300, %scatter3A_301] : memref<4x64x64xf32, #tpu.memory_space<vmem>> -> memref<1x64x64xf32, #tpu.memory_space<vmem>>
        %scatter3A_303 = tpu.memref_squeeze %scatter3A_302 : memref<1x64x64xf32, #tpu.memory_space<vmem>> -> memref<64x64xf32, #tpu.memory_space<vmem>>
        tpu.vector_store_idx %scatter3A_303[%broadcast_in_dim3A_291, %add3A_13], %bitcast3A_298 : memref<64x64xf32, #tpu.memory_space<vmem>>[vector<16xi32>, vector<16xi32>], vector<16xf32>,
        %scatter3A_304 = arith.constant 1 : i32
        %scatter3A_305 = arith.constant 0 : i32
        %scatter3A_306 = arith.constant 0 : i32
        %scatter3A_307 = tpu.memref_slice %arg9[%scatter3A_304, %scatter3A_305, %scatter3A_306] : memref<4x64x64xf32, #tpu.memory_space<vmem>> -> memref<1x64x64xf32, #tpu.memory_space<vmem>>
        %scatter3A_308 = tpu.memref_squeeze %scatter3A_307 : memref<1x64x64xf32, #tpu.memory_space<vmem>> -> memref<64x64xf32, #tpu.memory_space<vmem>>
        tpu.vector_store_idx %scatter3A_308[%broadcast_in_dim3A_291, %add3A_19], %bitcast3A_299 : memref<64x64xf32, #tpu.memory_space<vmem>>[vector<16xi32>, vector<16xi32>], vector<16xf32>,
        %get3A_309 = arith.constant 1 : i32
        %get3A_310 = arith.index_cast %get3A_309 : i32 to index
        %get3A_311 = arith.index_cast %add3A_290 : i32 to index
        %get3A_312 = arith.constant 32 : index
        %get3A_313 = tpu.vector_load %arg8[%get3A_310, %get3A_311, %get3A_312] {strides = array<i32>} : memref<4x64x64xbf16, #tpu.memory_space<vmem>>, vector<32xbf16>,
        %bitcast3A_314 = vector.bitcast %get3A_313 : vector<32xbf16> to vector<16xi32>
        %shift_left3A_315 = arith.constant 16 : i32
        %shift_left3A_316 = vector.broadcast %shift_left3A_315 : i32 to vector<16xi32>
        %shift_left3A_317 = arith.shli %bitcast3A_314, %shift_left3A_316 : vector<16xi32>
        %bitcast3A_318 = vector.bitcast %shift_left3A_317 : vector<16xi32> to vector<16xf32>
        %and3A_319 = arith.andi %bitcast3A_314, %broadcast_in_dim3A_11 : vector<16xi32>
        %bitcast3A_320 = vector.bitcast %and3A_319 : vector<16xi32> to vector<16xf32>
        %scatter3A_321 = arith.constant 1 : i32
        %scatter3A_322 = arith.constant 0 : i32
        %scatter3A_323 = arith.constant 0 : i32
        %scatter3A_324 = tpu.memref_slice %arg9[%scatter3A_321, %scatter3A_322, %scatter3A_323] : memref<4x64x64xf32, #tpu.memory_space<vmem>> -> memref<1x64x64xf32, #tpu.memory_space<vmem>>
        %scatter3A_325 = tpu.memref_squeeze %scatter3A_324 : memref<1x64x64xf32, #tpu.memory_space<vmem>> -> memref<64x64xf32, #tpu.memory_space<vmem>>
        tpu.vector_store_idx %scatter3A_325[%broadcast_in_dim3A_291, %add3A_22], %bitcast3A_318 : memref<64x64xf32, #tpu.memory_space<vmem>>[vector<16xi32>, vector<16xi32>], vector<16xf32>,
        %scatter3A_326 = arith.constant 1 : i32
        %scatter3A_327 = arith.constant 0 : i32
        %scatter3A_328 = arith.constant 0 : i32
        %scatter3A_329 = tpu.memref_slice %arg9[%scatter3A_326, %scatter3A_327, %scatter3A_328] : memref<4x64x64xf32, #tpu.memory_space<vmem>> -> memref<1x64x64xf32, #tpu.memory_space<vmem>>
        %scatter3A_330 = tpu.memref_squeeze %scatter3A_329 : memref<1x64x64xf32, #tpu.memory_space<vmem>> -> memref<64x64xf32, #tpu.memory_space<vmem>>
        tpu.vector_store_idx %scatter3A_330[%broadcast_in_dim3A_291, %add3A_28], %bitcast3A_320 : memref<64x64xf32, #tpu.memory_space<vmem>>[vector<16xi32>, vector<16xi32>], vector<16xf32>,
        %scan3A_331 = arith.constant 1 : i32
        %scan3A_332 = arith.addi %scan3A_286, %scan3A_331 : i32
        %mul3A_333 = arith.constant 1 : i32
        %mul3A_334 = arith.muli %scan3A_332, %mul3A_333 : i32
        %add3A_335 = arith.constant 0 : i32
        %add3A_336 = arith.addi %add3A_335, %mul3A_334 : i32
        %broadcast_in_dim3A_337 = vector.broadcast %add3A_336 : i32 to vector<16xi32>
        %get3A_338 = arith.constant 1 : i32
        %get3A_339 = arith.index_cast %get3A_338 : i32 to index
        %get3A_340 = arith.index_cast %add3A_336 : i32 to index
        %get3A_341 = arith.constant 0 : index
        %get3A_342 = tpu.vector_load %arg8[%get3A_339, %get3A_340, %get3A_341] {strides = array<i32>} : memref<4x64x64xbf16, #tpu.memory_space<vmem>>, vector<32xbf16>,
        %bitcast3A_343 = vector.bitcast %get3A_342 : vector<32xbf16> to vector<16xi32>
        %shift_left3A_344 = arith.constant 16 : i32
        %shift_left3A_345 = vector.broadcast %shift_left3A_344 : i32 to vector<16xi32>
        %shift_left3A_346 = arith.shli %bitcast3A_343, %shift_left3A_345 : vector<16xi32>
        %bitcast3A_347 = vector.bitcast %shift_left3A_346 : vector<16xi32> to vector<16xf32>
        %and3A_348 = arith.andi %bitcast3A_343, %broadcast_in_dim3A_11 : vector<16xi32>
        %bitcast3A_349 = vector.bitcast %and3A_348 : vector<16xi32> to vector<16xf32>
        %scatter3A_350 = arith.constant 1 : i32
        %scatter3A_351 = arith.constant 0 : i32
        %scatter3A_352 = arith.constant 0 : i32
        %scatter3A_353 = tpu.memref_slice %arg9[%scatter3A_350, %scatter3A_351, %scatter3A_352] : memref<4x64x64xf32, #tpu.memory_space<vmem>> -> memref<1x64x64xf32, #tpu.memory_space<vmem>>
        %scatter3A_354 = tpu.memref_squeeze %scatter3A_353 : memref<1x64x64xf32, #tpu.memory_space<vmem>> -> memref<64x64xf32, #tpu.memory_space<vmem>>
        tpu.vector_store_idx %scatter3A_354[%broadcast_in_dim3A_337, %add3A_13], %bitcast3A_347 : memref<64x64xf32, #tpu.memory_space<vmem>>[vector<16xi32>, vector<16xi32>], vector<16xf32>,
        %scatter3A_355 = arith.constant 1 : i32
        %scatter3A_356 = arith.constant 0 : i32
        %scatter3A_357 = arith.constant 0 : i32
        %scatter3A_358 = tpu.memref_slice %arg9[%scatter3A_355, %scatter3A_356, %scatter3A_357] : memref<4x64x64xf32, #tpu.memory_space<vmem>> -> memref<1x64x64xf32, #tpu.memory_space<vmem>>
        %scatter3A_359 = tpu.memref_squeeze %scatter3A_358 : memref<1x64x64xf32, #tpu.memory_space<vmem>> -> memref<64x64xf32, #tpu.memory_space<vmem>>
        tpu.vector_store_idx %scatter3A_359[%broadcast_in_dim3A_337, %add3A_19], %bitcast3A_349 : memref<64x64xf32, #tpu.memory_space<vmem>>[vector<16xi32>, vector<16xi32>], vector<16xf32>,
        %get3A_360 = arith.constant 1 : i32
        %get3A_361 = arith.index_cast %get3A_360 : i32 to index
        %get3A_362 = arith.index_cast %add3A_336 : i32 to index
        %get3A_363 = arith.constant 32 : index
        %get3A_364 = tpu.vector_load %arg8[%get3A_361, %get3A_362, %get3A_363] {strides = array<i32>} : memref<4x64x64xbf16, #tpu.memory_space<vmem>>, vector<32xbf16>,
        %bitcast3A_365 = vector.bitcast %get3A_364 : vector<32xbf16> to vector<16xi32>
        %shift_left3A_366 = arith.constant 16 : i32
        %shift_left3A_367 = vector.broadcast %shift_left3A_366 : i32 to vector<16xi32>
        %shift_left3A_368 = arith.shli %bitcast3A_365, %shift_left3A_367 : vector<16xi32>
        %bitcast3A_369 = vector.bitcast %shift_left3A_368 : vector<16xi32> to vector<16xf32>
        %and3A_370 = arith.andi %bitcast3A_365, %broadcast_in_dim3A_11 : vector<16xi32>
        %bitcast3A_371 = vector.bitcast %and3A_370 : vector<16xi32> to vector<16xf32>
        %scatter3A_372 = arith.constant 1 : i32
        %scatter3A_373 = arith.constant 0 : i32
        %scatter3A_374 = arith.constant 0 : i32
        %scatter3A_375 = tpu.memref_slice %arg9[%scatter3A_372, %scatter3A_373, %scatter3A_374] : memref<4x64x64xf32, #tpu.memory_space<vmem>> -> memref<1x64x64xf32, #tpu.memory_space<vmem>>
        %scatter3A_376 = tpu.memref_squeeze %scatter3A_375 : memref<1x64x64xf32, #tpu.memory_space<vmem>> -> memref<64x64xf32, #tpu.memory_space<vmem>>
        tpu.vector_store_idx %scatter3A_376[%broadcast_in_dim3A_337, %add3A_22], %bitcast3A_369 : memref<64x64xf32, #tpu.memory_space<vmem>>[vector<16xi32>, vector<16xi32>], vector<16xf32>,
        %scatter3A_377 = arith.constant 1 : i32
        %scatter3A_378 = arith.constant 0 : i32
        %scatter3A_379 = arith.constant 0 : i32
        %scatter3A_380 = tpu.memref_slice %arg9[%scatter3A_377, %scatter3A_378, %scatter3A_379] : memref<4x64x64xf32, #tpu.memory_space<vmem>> -> memref<1x64x64xf32, #tpu.memory_space<vmem>>
        %scatter3A_381 = tpu.memref_squeeze %scatter3A_380 : memref<1x64x64xf32, #tpu.memory_space<vmem>> -> memref<64x64xf32, #tpu.memory_space<vmem>>
        tpu.vector_store_idx %scatter3A_381[%broadcast_in_dim3A_337, %add3A_28], %bitcast3A_371 : memref<64x64xf32, #tpu.memory_space<vmem>>[vector<16xi32>, vector<16xi32>], vector<16xf32>,
      }
      %scan3A_177 = arith.constant 64 : i32
      %dma_start3A_178 = arith.constant 1 : i32
      %dma_start3A_179 = arith.constant 1 : i32
      %dma_start3A_180 = arith.constant 0 : i32
      %dma_start3A_181 = arith.constant 0 : i32
      %dma_start3A_182 = tpu.memref_slice %arg9[%dma_start3A_178, %dma_start3A_180, %dma_start3A_181] : memref<4x64x64xf32, #tpu.memory_space<vmem>> -> memref<1x64x64xf32, #tpu.memory_space<vmem>>
      %dma_start3A_183 = tpu.memref_squeeze %dma_start3A_182 : memref<1x64x64xf32, #tpu.memory_space<vmem>> -> memref<64x64xf32, #tpu.memory_space<vmem>>
      %dma_start3A_184 = arith.constant 0 : i32
      %dma_start3A_185 = tpu.memref_slice %arg7[%add3A_146, %dma_start3A_184] : memref<320x64xi32, #tpu.memory_space<vmem>> -> memref<1x64xi32, #tpu.memory_space<vmem>>
      %dma_start3A_186 = tpu.memref_squeeze %dma_start3A_185 : memref<1x64xi32, #tpu.memory_space<vmem>> -> memref<64xi32, #tpu.memory_space<vmem>>
      %dma_start3A_187 = arith.constant 0 : i32
      %dma_start3A_188 = arith.constant 0 : i32
      %dma_start3A_189 = tpu.memref_slice %arg11[%dma_start3A_187, %dma_start3A_188] : memref<10240x64xf32, #tpu.memory_space<vmem_shared>> -> memref<10240x64xf32, #tpu.memory_space<vmem_shared>>
      %dma_start3A_190 = tpu.memref_slice %arg13[%dma_start3A_179] : memref<4x!tpu.dma_semaphore, #tpu.memory_space<semaphore_mem>> -> memref<1x!tpu.dma_semaphore, #tpu.memory_space<semaphore_mem>>
      %dma_start3A_191 = tpu.memref_squeeze %dma_start3A_190 : memref<1x!tpu.dma_semaphore, #tpu.memory_space<semaphore_mem>> -> memref<!tpu.dma_semaphore, #tpu.memory_space<semaphore_mem>>
      tpu.enqueue_indirect_dma source(%dma_start3A_183 : memref<64x64xf32, #tpu.memory_space<vmem>>) target(%dma_start3A_189 : memref<10240x64xf32, #tpu.memory_space<vmem_shared>>) offsets(%dma_start3A_186 : memref<64xi32, #tpu.memory_space<vmem>>) semaphore(%dma_start3A_191 : memref<!tpu.dma_semaphore, #tpu.memory_space<semaphore_mem>>) {add = true}
      %add3A_192 = arith.constant 2 : i32
      %add3A_193 = arith.addi %add3A_101, %add3A_192 : i32
      %ge3A_194 = arith.constant 2 : i32
      %ge3A_195 = arith.cmpi sge, %add3A_193, %ge3A_194 : i32
      %convert_element_type3A_196 = arith.extui %ge3A_195 : i1 to i32
      %cond3A_197 = arith.constant 0 : i32
      %cond3A_198 = arith.cmpi ne, %convert_element_type3A_196, %cond3A_197 : i32
      scf.if %cond3A_198 {
        %dma_wait3A_286 = arith.constant 0 : i32
        %dma_wait3A_287 = arith.constant 0 : i32
        %dma_wait3A_288 = arith.constant 0 : i32
        %dma_wait3A_289 = arith.constant 0 : i32
        %dma_wait3A_290 = tpu.memref_slice %arg9[%dma_wait3A_286, %dma_wait3A_288, %dma_wait3A_289] : memref<4x64x64xf32, #tpu.memory_space<vmem>> -> memref<1x64x64xf32, #tpu.memory_space<vmem>>
        %dma_wait3A_291 = tpu.memref_squeeze %dma_wait3A_290 : memref<1x64x64xf32, #tpu.memory_space<vmem>> -> memref<64x64xf32, #tpu.memory_space<vmem>>
        %dma_wait3A_292 = arith.constant 0 : i32
        %dma_wait3A_293 = tpu.memref_slice %arg7[%add3A_193, %dma_wait3A_292] : memref<320x64xi32, #tpu.memory_space<vmem>> -> memref<1x64xi32, #tpu.memory_space<vmem>>
        %dma_wait3A_294 = tpu.memref_squeeze %dma_wait3A_293 : memref<1x64xi32, #tpu.memory_space<vmem>> -> memref<64xi32, #tpu.memory_space<vmem>>
        %dma_wait3A_295 = arith.constant 0 : i32
        %dma_wait3A_296 = arith.constant 0 : i32
        %dma_wait3A_297 = tpu.memref_slice %arg11[%dma_wait3A_295, %dma_wait3A_296] : memref<10240x64xf32, #tpu.memory_space<vmem_shared>> -> memref<10240x64xf32, #tpu.memory_space<vmem_shared>>
        %dma_wait3A_298 = tpu.memref_slice %arg13[%dma_wait3A_287] : memref<4x!tpu.dma_semaphore, #tpu.memory_space<semaphore_mem>> -> memref<1x!tpu.dma_semaphore, #tpu.memory_space<semaphore_mem>>
        %dma_wait3A_299 = tpu.memref_squeeze %dma_wait3A_298 : memref<1x!tpu.dma_semaphore, #tpu.memory_space<semaphore_mem>> -> memref<!tpu.dma_semaphore, #tpu.memory_space<semaphore_mem>>
        tpu.wait_indirect_dma semaphore(%dma_wait3A_299 : memref<!tpu.dma_semaphore, #tpu.memory_space<semaphore_mem>>) src(%dma_wait3A_291 : memref<64x64xf32, #tpu.memory_space<vmem>>) dst(%dma_wait3A_297 : memref<10240x64xf32, #tpu.memory_space<vmem_shared>>)
      } else {
      }
      %add3A_199 = arith.constant 2 : i32
      %add3A_200 = arith.addi %add3A_193, %add3A_199 : i32
      %lt3A_201 = arith.constant 320 : i32
      %lt3A_202 = arith.cmpi slt, %add3A_200, %lt3A_201 : i32
      %convert_element_type3A_203 = arith.extui %lt3A_202 : i1 to i32
      %cond3A_204 = arith.constant 0 : i32
      %cond3A_205 = arith.cmpi ne, %convert_element_type3A_203, %cond3A_204 : i32
      scf.if %cond3A_205 {
        %add3A_286 = arith.constant 2 : i32
        %add3A_287 = arith.addi %add3A_193, %add3A_286 : i32
        %dma_start3A_288 = arith.constant 0 : i32
        %dma_start3A_289 = arith.constant 0 : i32
        %dma_start3A_290 = arith.constant 0 : i32
        %dma_start3A_291 = arith.constant 0 : i32
        %dma_start3A_292 = tpu.memref_slice %arg8[%dma_start3A_288, %dma_start3A_290, %dma_start3A_291] : memref<4x64x64xbf16, #tpu.memory_space<vmem>> -> memref<1x64x64xbf16, #tpu.memory_space<vmem>>
        %dma_start3A_293 = tpu.memref_squeeze %dma_start3A_292 : memref<1x64x64xbf16, #tpu.memory_space<vmem>> -> memref<64x64xbf16, #tpu.memory_space<vmem>>
        %dma_start3A_294 = arith.constant 0 : i32
        %dma_start3A_295 = tpu.memref_slice %arg6[%add3A_287, %dma_start3A_294] : memref<320x64xi32, #tpu.memory_space<vmem>> -> memref<1x64xi32, #tpu.memory_space<vmem>>
        %dma_start3A_296 = tpu.memref_squeeze %dma_start3A_295 : memref<1x64xi32, #tpu.memory_space<vmem>> -> memref<64xi32, #tpu.memory_space<vmem>>
        %dma_start3A_297 = arith.constant 0 : i32
        %dma_start3A_298 = arith.constant 0 : i32
        %dma_start3A_299 = tpu.memref_slice %arg2[%dma_start3A_297, %dma_start3A_298] : memref<20480x64xbf16, #tpu.memory_space<hbm>> -> memref<20480x64xbf16, #tpu.memory_space<hbm>>
        %dma_start3A_300 = tpu.memref_slice %arg12[%dma_start3A_289] : memref<4x!tpu.dma_semaphore, #tpu.memory_space<semaphore_mem>> -> memref<1x!tpu.dma_semaphore, #tpu.memory_space<semaphore_mem>>
        %dma_start3A_301 = tpu.memref_squeeze %dma_start3A_300 : memref<1x!tpu.dma_semaphore, #tpu.memory_space<semaphore_mem>> -> memref<!tpu.dma_semaphore, #tpu.memory_space<semaphore_mem>>
        tpu.enqueue_indirect_dma source(%dma_start3A_299 : memref<20480x64xbf16, #tpu.memory_space<hbm>>) target(%dma_start3A_293 : memref<64x64xbf16, #tpu.memory_space<vmem>>) offsets(%dma_start3A_296 : memref<64xi32, #tpu.memory_space<vmem>>) semaphore(%dma_start3A_301 : memref<!tpu.dma_semaphore, #tpu.memory_space<semaphore_mem>>)
      } else {
      }
      %dma_wait3A_206 = arith.constant 2 : i32
      %dma_wait3A_207 = arith.constant 2 : i32
      %dma_wait3A_208 = arith.constant 0 : i32
      %dma_wait3A_209 = arith.constant 0 : i32
      %dma_wait3A_210 = tpu.memref_slice %arg8[%dma_wait3A_206, %dma_wait3A_208, %dma_wait3A_209] : memref<4x64x64xbf16, #tpu.memory_space<vmem>> -> memref<1x64x64xbf16, #tpu.memory_space<vmem>>
      %dma_wait3A_211 = tpu.memref_squeeze %dma_wait3A_210 : memref<1x64x64xbf16, #tpu.memory_space<vmem>> -> memref<64x64xbf16, #tpu.memory_space<vmem>>
      %dma_wait3A_212 = arith.constant 0 : i32
      %dma_wait3A_213 = tpu.memref_slice %arg6[%add3A_193, %dma_wait3A_212] : memref<320x64xi32, #tpu.memory_space<vmem>> -> memref<1x64xi32, #tpu.memory_space<vmem>>
      %dma_wait3A_214 = tpu.memref_squeeze %dma_wait3A_213 : memref<1x64xi32, #tpu.memory_space<vmem>> -> memref<64xi32, #tpu.memory_space<vmem>>
      %dma_wait3A_215 = arith.constant 0 : i32
      %dma_wait3A_216 = arith.constant 0 : i32
      %dma_wait3A_217 = tpu.memref_slice %arg2[%dma_wait3A_215, %dma_wait3A_216] : memref<20480x64xbf16, #tpu.memory_space<hbm>> -> memref<20480x64xbf16, #tpu.memory_space<hbm>>
      %dma_wait3A_218 = tpu.memref_slice %arg12[%dma_wait3A_207] : memref<4x!tpu.dma_semaphore, #tpu.memory_space<semaphore_mem>> -> memref<1x!tpu.dma_semaphore, #tpu.memory_space<semaphore_mem>>
      %dma_wait3A_219 = tpu.memref_squeeze %dma_wait3A_218 : memref<1x!tpu.dma_semaphore, #tpu.memory_space<semaphore_mem>> -> memref<!tpu.dma_semaphore, #tpu.memory_space<semaphore_mem>>
      tpu.wait_indirect_dma semaphore(%dma_wait3A_219 : memref<!tpu.dma_semaphore, #tpu.memory_space<semaphore_mem>>) src(%dma_wait3A_217 : memref<20480x64xbf16, #tpu.memory_space<hbm>>) dst(%dma_wait3A_211 : memref<64x64xbf16, #tpu.memory_space<vmem>>)
      %scan3A_220 = arith.constant 0 : i32
      %scan3A_221 = arith.constant 64 : i32
      %scan3A_222 = arith.addi %scan3A_220, %scan3A_221 : i32
      %scan3A_223 = arith.constant 2 : i32
      scf.for %scan3A_286 = %scan3A_220 to %scan3A_222 step %scan3A_223  : i32 {
        %mul3A_287 = arith.constant 1 : i32
        %mul3A_288 = arith.muli %scan3A_286, %mul3A_287 : i32
        %add3A_289 = arith.constant 0 : i32
        %add3A_290 = arith.addi %add3A_289, %mul3A_288 : i32
        %broadcast_in_dim3A_291 = vector.broadcast %add3A_290 : i32 to vector<16xi32>
        %get3A = arith.constant 2 : i32
        %get3A_292 = arith.index_cast %get3A : i32 to index
        %get3A_293 = arith.index_cast %add3A_290 : i32 to index
        %get3A_294 = arith.constant 0 : index
        %get3A_295 = tpu.vector_load %arg8[%get3A_292, %get3A_293, %get3A_294] {strides = array<i32>} : memref<4x64x64xbf16, #tpu.memory_space<vmem>>, vector<32xbf16>,
        %bitcast3A = vector.bitcast %get3A_295 : vector<32xbf16> to vector<16xi32>
        %shift_left3A = arith.constant 16 : i32
        %shift_left3A_296 = vector.broadcast %shift_left3A : i32 to vector<16xi32>
        %shift_left3A_297 = arith.shli %bitcast3A, %shift_left3A_296 : vector<16xi32>
        %bitcast3A_298 = vector.bitcast %shift_left3A_297 : vector<16xi32> to vector<16xf32>
        %and3A = arith.andi %bitcast3A, %broadcast_in_dim3A_11 : vector<16xi32>
        %bitcast3A_299 = vector.bitcast %and3A : vector<16xi32> to vector<16xf32>
        %scatter3A = arith.constant 2 : i32
        %scatter3A_300 = arith.constant 0 : i32
        %scatter3A_301 = arith.constant 0 : i32
        %scatter3A_302 = tpu.memref_slice %arg9[%scatter3A, %scatter3A_300, %scatter3A_301] : memref<4x64x64xf32, #tpu.memory_space<vmem>> -> memref<1x64x64xf32, #tpu.memory_space<vmem>>
        %scatter3A_303 = tpu.memref_squeeze %scatter3A_302 : memref<1x64x64xf32, #tpu.memory_space<vmem>> -> memref<64x64xf32, #tpu.memory_space<vmem>>
        tpu.vector_store_idx %scatter3A_303[%broadcast_in_dim3A_291, %add3A_13], %bitcast3A_298 : memref<64x64xf32, #tpu.memory_space<vmem>>[vector<16xi32>, vector<16xi32>], vector<16xf32>,
        %scatter3A_304 = arith.constant 2 : i32
        %scatter3A_305 = arith.constant 0 : i32
        %scatter3A_306 = arith.constant 0 : i32
        %scatter3A_307 = tpu.memref_slice %arg9[%scatter3A_304, %scatter3A_305, %scatter3A_306] : memref<4x64x64xf32, #tpu.memory_space<vmem>> -> memref<1x64x64xf32, #tpu.memory_space<vmem>>
        %scatter3A_308 = tpu.memref_squeeze %scatter3A_307 : memref<1x64x64xf32, #tpu.memory_space<vmem>> -> memref<64x64xf32, #tpu.memory_space<vmem>>
        tpu.vector_store_idx %scatter3A_308[%broadcast_in_dim3A_291, %add3A_19], %bitcast3A_299 : memref<64x64xf32, #tpu.memory_space<vmem>>[vector<16xi32>, vector<16xi32>], vector<16xf32>,
        %get3A_309 = arith.constant 2 : i32
        %get3A_310 = arith.index_cast %get3A_309 : i32 to index
        %get3A_311 = arith.index_cast %add3A_290 : i32 to index
        %get3A_312 = arith.constant 32 : index
        %get3A_313 = tpu.vector_load %arg8[%get3A_310, %get3A_311, %get3A_312] {strides = array<i32>} : memref<4x64x64xbf16, #tpu.memory_space<vmem>>, vector<32xbf16>,
        %bitcast3A_314 = vector.bitcast %get3A_313 : vector<32xbf16> to vector<16xi32>
        %shift_left3A_315 = arith.constant 16 : i32
        %shift_left3A_316 = vector.broadcast %shift_left3A_315 : i32 to vector<16xi32>
        %shift_left3A_317 = arith.shli %bitcast3A_314, %shift_left3A_316 : vector<16xi32>
        %bitcast3A_318 = vector.bitcast %shift_left3A_317 : vector<16xi32> to vector<16xf32>
        %and3A_319 = arith.andi %bitcast3A_314, %broadcast_in_dim3A_11 : vector<16xi32>
        %bitcast3A_320 = vector.bitcast %and3A_319 : vector<16xi32> to vector<16xf32>
        %scatter3A_321 = arith.constant 2 : i32
        %scatter3A_322 = arith.constant 0 : i32
        %scatter3A_323 = arith.constant 0 : i32
        %scatter3A_324 = tpu.memref_slice %arg9[%scatter3A_321, %scatter3A_322, %scatter3A_323] : memref<4x64x64xf32, #tpu.memory_space<vmem>> -> memref<1x64x64xf32, #tpu.memory_space<vmem>>
        %scatter3A_325 = tpu.memref_squeeze %scatter3A_324 : memref<1x64x64xf32, #tpu.memory_space<vmem>> -> memref<64x64xf32, #tpu.memory_space<vmem>>
        tpu.vector_store_idx %scatter3A_325[%broadcast_in_dim3A_291, %add3A_22], %bitcast3A_318 : memref<64x64xf32, #tpu.memory_space<vmem>>[vector<16xi32>, vector<16xi32>], vector<16xf32>,
        %scatter3A_326 = arith.constant 2 : i32
        %scatter3A_327 = arith.constant 0 : i32
        %scatter3A_328 = arith.constant 0 : i32
        %scatter3A_329 = tpu.memref_slice %arg9[%scatter3A_326, %scatter3A_327, %scatter3A_328] : memref<4x64x64xf32, #tpu.memory_space<vmem>> -> memref<1x64x64xf32, #tpu.memory_space<vmem>>
        %scatter3A_330 = tpu.memref_squeeze %scatter3A_329 : memref<1x64x64xf32, #tpu.memory_space<vmem>> -> memref<64x64xf32, #tpu.memory_space<vmem>>
        tpu.vector_store_idx %scatter3A_330[%broadcast_in_dim3A_291, %add3A_28], %bitcast3A_320 : memref<64x64xf32, #tpu.memory_space<vmem>>[vector<16xi32>, vector<16xi32>], vector<16xf32>,
        %scan3A_331 = arith.constant 1 : i32
        %scan3A_332 = arith.addi %scan3A_286, %scan3A_331 : i32
        %mul3A_333 = arith.constant 1 : i32
        %mul3A_334 = arith.muli %scan3A_332, %mul3A_333 : i32
        %add3A_335 = arith.constant 0 : i32
        %add3A_336 = arith.addi %add3A_335, %mul3A_334 : i32
        %broadcast_in_dim3A_337 = vector.broadcast %add3A_336 : i32 to vector<16xi32>
        %get3A_338 = arith.constant 2 : i32
        %get3A_339 = arith.index_cast %get3A_338 : i32 to index
        %get3A_340 = arith.index_cast %add3A_336 : i32 to index
        %get3A_341 = arith.constant 0 : index
        %get3A_342 = tpu.vector_load %arg8[%get3A_339, %get3A_340, %get3A_341] {strides = array<i32>} : memref<4x64x64xbf16, #tpu.memory_space<vmem>>, vector<32xbf16>,
        %bitcast3A_343 = vector.bitcast %get3A_342 : vector<32xbf16> to vector<16xi32>
        %shift_left3A_344 = arith.constant 16 : i32
        %shift_left3A_345 = vector.broadcast %shift_left3A_344 : i32 to vector<16xi32>
        %shift_left3A_346 = arith.shli %bitcast3A_343, %shift_left3A_345 : vector<16xi32>
        %bitcast3A_347 = vector.bitcast %shift_left3A_346 : vector<16xi32> to vector<16xf32>
        %and3A_348 = arith.andi %bitcast3A_343, %broadcast_in_dim3A_11 : vector<16xi32>
        %bitcast3A_349 = vector.bitcast %and3A_348 : vector<16xi32> to vector<16xf32>
        %scatter3A_350 = arith.constant 2 : i32
        %scatter3A_351 = arith.constant 0 : i32
        %scatter3A_352 = arith.constant 0 : i32
        %scatter3A_353 = tpu.memref_slice %arg9[%scatter3A_350, %scatter3A_351, %scatter3A_352] : memref<4x64x64xf32, #tpu.memory_space<vmem>> -> memref<1x64x64xf32, #tpu.memory_space<vmem>>
        %scatter3A_354 = tpu.memref_squeeze %scatter3A_353 : memref<1x64x64xf32, #tpu.memory_space<vmem>> -> memref<64x64xf32, #tpu.memory_space<vmem>>
        tpu.vector_store_idx %scatter3A_354[%broadcast_in_dim3A_337, %add3A_13], %bitcast3A_347 : memref<64x64xf32, #tpu.memory_space<vmem>>[vector<16xi32>, vector<16xi32>], vector<16xf32>,
        %scatter3A_355 = arith.constant 2 : i32
        %scatter3A_356 = arith.constant 0 : i32
        %scatter3A_357 = arith.constant 0 : i32
        %scatter3A_358 = tpu.memref_slice %arg9[%scatter3A_355, %scatter3A_356, %scatter3A_357] : memref<4x64x64xf32, #tpu.memory_space<vmem>> -> memref<1x64x64xf32, #tpu.memory_space<vmem>>
        %scatter3A_359 = tpu.memref_squeeze %scatter3A_358 : memref<1x64x64xf32, #tpu.memory_space<vmem>> -> memref<64x64xf32, #tpu.memory_space<vmem>>
        tpu.vector_store_idx %scatter3A_359[%broadcast_in_dim3A_337, %add3A_19], %bitcast3A_349 : memref<64x64xf32, #tpu.memory_space<vmem>>[vector<16xi32>, vector<16xi32>], vector<16xf32>,
        %get3A_360 = arith.constant 2 : i32
        %get3A_361 = arith.index_cast %get3A_360 : i32 to index
        %get3A_362 = arith.index_cast %add3A_336 : i32 to index
        %get3A_363 = arith.constant 32 : index
        %get3A_364 = tpu.vector_load %arg8[%get3A_361, %get3A_362, %get3A_363] {strides = array<i32>} : memref<4x64x64xbf16, #tpu.memory_space<vmem>>, vector<32xbf16>,
        %bitcast3A_365 = vector.bitcast %get3A_364 : vector<32xbf16> to vector<16xi32>
        %shift_left3A_366 = arith.constant 16 : i32
        %shift_left3A_367 = vector.broadcast %shift_left3A_366 : i32 to vector<16xi32>
        %shift_left3A_368 = arith.shli %bitcast3A_365, %shift_left3A_367 : vector<16xi32>
        %bitcast3A_369 = vector.bitcast %shift_left3A_368 : vector<16xi32> to vector<16xf32>
        %and3A_370 = arith.andi %bitcast3A_365, %broadcast_in_dim3A_11 : vector<16xi32>
        %bitcast3A_371 = vector.bitcast %and3A_370 : vector<16xi32> to vector<16xf32>
        %scatter3A_372 = arith.constant 2 : i32
        %scatter3A_373 = arith.constant 0 : i32
        %scatter3A_374 = arith.constant 0 : i32
        %scatter3A_375 = tpu.memref_slice %arg9[%scatter3A_372, %scatter3A_373, %scatter3A_374] : memref<4x64x64xf32, #tpu.memory_space<vmem>> -> memref<1x64x64xf32, #tpu.memory_space<vmem>>
        %scatter3A_376 = tpu.memref_squeeze %scatter3A_375 : memref<1x64x64xf32, #tpu.memory_space<vmem>> -> memref<64x64xf32, #tpu.memory_space<vmem>>
        tpu.vector_store_idx %scatter3A_376[%broadcast_in_dim3A_337, %add3A_22], %bitcast3A_369 : memref<64x64xf32, #tpu.memory_space<vmem>>[vector<16xi32>, vector<16xi32>], vector<16xf32>,
        %scatter3A_377 = arith.constant 2 : i32
        %scatter3A_378 = arith.constant 0 : i32
        %scatter3A_379 = arith.constant 0 : i32
        %scatter3A_380 = tpu.memref_slice %arg9[%scatter3A_377, %scatter3A_378, %scatter3A_379] : memref<4x64x64xf32, #tpu.memory_space<vmem>> -> memref<1x64x64xf32, #tpu.memory_space<vmem>>
        %scatter3A_381 = tpu.memref_squeeze %scatter3A_380 : memref<1x64x64xf32, #tpu.memory_space<vmem>> -> memref<64x64xf32, #tpu.memory_space<vmem>>
        tpu.vector_store_idx %scatter3A_381[%broadcast_in_dim3A_337, %add3A_28], %bitcast3A_371 : memref<64x64xf32, #tpu.memory_space<vmem>>[vector<16xi32>, vector<16xi32>], vector<16xf32>,
      }
      %scan3A_224 = arith.constant 64 : i32
      %dma_start3A_225 = arith.constant 2 : i32
      %dma_start3A_226 = arith.constant 2 : i32
      %dma_start3A_227 = arith.constant 0 : i32
      %dma_start3A_228 = arith.constant 0 : i32
      %dma_start3A_229 = tpu.memref_slice %arg9[%dma_start3A_225, %dma_start3A_227, %dma_start3A_228] : memref<4x64x64xf32, #tpu.memory_space<vmem>> -> memref<1x64x64xf32, #tpu.memory_space<vmem>>
      %dma_start3A_230 = tpu.memref_squeeze %dma_start3A_229 : memref<1x64x64xf32, #tpu.memory_space<vmem>> -> memref<64x64xf32, #tpu.memory_space<vmem>>
      %dma_start3A_231 = arith.constant 0 : i32
      %dma_start3A_232 = tpu.memref_slice %arg7[%add3A_193, %dma_start3A_231] : memref<320x64xi32, #tpu.memory_space<vmem>> -> memref<1x64xi32, #tpu.memory_space<vmem>>
      %dma_start3A_233 = tpu.memref_squeeze %dma_start3A_232 : memref<1x64xi32, #tpu.memory_space<vmem>> -> memref<64xi32, #tpu.memory_space<vmem>>
      %dma_start3A_234 = arith.constant 0 : i32
      %dma_start3A_235 = arith.constant 0 : i32
      %dma_start3A_236 = tpu.memref_slice %arg11[%dma_start3A_234, %dma_start3A_235] : memref<10240x64xf32, #tpu.memory_space<vmem_shared>> -> memref<10240x64xf32, #tpu.memory_space<vmem_shared>>
      %dma_start3A_237 = tpu.memref_slice %arg13[%dma_start3A_226] : memref<4x!tpu.dma_semaphore, #tpu.memory_space<semaphore_mem>> -> memref<1x!tpu.dma_semaphore, #tpu.memory_space<semaphore_mem>>
      %dma_start3A_238 = tpu.memref_squeeze %dma_start3A_237 : memref<1x!tpu.dma_semaphore, #tpu.memory_space<semaphore_mem>> -> memref<!tpu.dma_semaphore, #tpu.memory_space<semaphore_mem>>
      tpu.enqueue_indirect_dma source(%dma_start3A_230 : memref<64x64xf32, #tpu.memory_space<vmem>>) target(%dma_start3A_236 : memref<10240x64xf32, #tpu.memory_space<vmem_shared>>) offsets(%dma_start3A_233 : memref<64xi32, #tpu.memory_space<vmem>>) semaphore(%dma_start3A_238 : memref<!tpu.dma_semaphore, #tpu.memory_space<semaphore_mem>>) {add = true}
      %add3A_239 = arith.constant 3 : i32
      %add3A_240 = arith.addi %add3A_101, %add3A_239 : i32
      %ge3A_241 = arith.constant 2 : i32
      %ge3A_242 = arith.cmpi sge, %add3A_240, %ge3A_241 : i32
      %convert_element_type3A_243 = arith.extui %ge3A_242 : i1 to i32
      %cond3A_244 = arith.constant 0 : i32
      %cond3A_245 = arith.cmpi ne, %convert_element_type3A_243, %cond3A_244 : i32
      scf.if %cond3A_245 {
        %dma_wait3A_286 = arith.constant 1 : i32
        %dma_wait3A_287 = arith.constant 1 : i32
        %dma_wait3A_288 = arith.constant 0 : i32
        %dma_wait3A_289 = arith.constant 0 : i32
        %dma_wait3A_290 = tpu.memref_slice %arg9[%dma_wait3A_286, %dma_wait3A_288, %dma_wait3A_289] : memref<4x64x64xf32, #tpu.memory_space<vmem>> -> memref<1x64x64xf32, #tpu.memory_space<vmem>>
        %dma_wait3A_291 = tpu.memref_squeeze %dma_wait3A_290 : memref<1x64x64xf32, #tpu.memory_space<vmem>> -> memref<64x64xf32, #tpu.memory_space<vmem>>
        %dma_wait3A_292 = arith.constant 0 : i32
        %dma_wait3A_293 = tpu.memref_slice %arg7[%add3A_240, %dma_wait3A_292] : memref<320x64xi32, #tpu.memory_space<vmem>> -> memref<1x64xi32, #tpu.memory_space<vmem>>
        %dma_wait3A_294 = tpu.memref_squeeze %dma_wait3A_293 : memref<1x64xi32, #tpu.memory_space<vmem>> -> memref<64xi32, #tpu.memory_space<vmem>>
        %dma_wait3A_295 = arith.constant 0 : i32
        %dma_wait3A_296 = arith.constant 0 : i32
        %dma_wait3A_297 = tpu.memref_slice %arg11[%dma_wait3A_295, %dma_wait3A_296] : memref<10240x64xf32, #tpu.memory_space<vmem_shared>> -> memref<10240x64xf32, #tpu.memory_space<vmem_shared>>
        %dma_wait3A_298 = tpu.memref_slice %arg13[%dma_wait3A_287] : memref<4x!tpu.dma_semaphore, #tpu.memory_space<semaphore_mem>> -> memref<1x!tpu.dma_semaphore, #tpu.memory_space<semaphore_mem>>
        %dma_wait3A_299 = tpu.memref_squeeze %dma_wait3A_298 : memref<1x!tpu.dma_semaphore, #tpu.memory_space<semaphore_mem>> -> memref<!tpu.dma_semaphore, #tpu.memory_space<semaphore_mem>>
        tpu.wait_indirect_dma semaphore(%dma_wait3A_299 : memref<!tpu.dma_semaphore, #tpu.memory_space<semaphore_mem>>) src(%dma_wait3A_291 : memref<64x64xf32, #tpu.memory_space<vmem>>) dst(%dma_wait3A_297 : memref<10240x64xf32, #tpu.memory_space<vmem_shared>>)
      } else {
      }
      %add3A_246 = arith.constant 2 : i32
      %add3A_247 = arith.addi %add3A_240, %add3A_246 : i32
      %lt3A_248 = arith.constant 320 : i32
      %lt3A_249 = arith.cmpi slt, %add3A_247, %lt3A_248 : i32
      %convert_element_type3A_250 = arith.extui %lt3A_249 : i1 to i32
      %cond3A_251 = arith.constant 0 : i32
      %cond3A_252 = arith.cmpi ne, %convert_element_type3A_250, %cond3A_251 : i32
      scf.if %cond3A_252 {
        %add3A_286 = arith.constant 2 : i32
        %add3A_287 = arith.addi %add3A_240, %add3A_286 : i32
        %dma_start3A_288 = arith.constant 1 : i32
        %dma_start3A_289 = arith.constant 1 : i32
        %dma_start3A_290 = arith.constant 0 : i32
        %dma_start3A_291 = arith.constant 0 : i32
        %dma_start3A_292 = tpu.memref_slice %arg8[%dma_start3A_288, %dma_start3A_290, %dma_start3A_291] : memref<4x64x64xbf16, #tpu.memory_space<vmem>> -> memref<1x64x64xbf16, #tpu.memory_space<vmem>>
        %dma_start3A_293 = tpu.memref_squeeze %dma_start3A_292 : memref<1x64x64xbf16, #tpu.memory_space<vmem>> -> memref<64x64xbf16, #tpu.memory_space<vmem>>
        %dma_start3A_294 = arith.constant 0 : i32
        %dma_start3A_295 = tpu.memref_slice %arg6[%add3A_287, %dma_start3A_294] : memref<320x64xi32, #tpu.memory_space<vmem>> -> memref<1x64xi32, #tpu.memory_space<vmem>>
        %dma_start3A_296 = tpu.memref_squeeze %dma_start3A_295 : memref<1x64xi32, #tpu.memory_space<vmem>> -> memref<64xi32, #tpu.memory_space<vmem>>
        %dma_start3A_297 = arith.constant 0 : i32
        %dma_start3A_298 = arith.constant 0 : i32
        %dma_start3A_299 = tpu.memref_slice %arg2[%dma_start3A_297, %dma_start3A_298] : memref<20480x64xbf16, #tpu.memory_space<hbm>> -> memref<20480x64xbf16, #tpu.memory_space<hbm>>
        %dma_start3A_300 = tpu.memref_slice %arg12[%dma_start3A_289] : memref<4x!tpu.dma_semaphore, #tpu.memory_space<semaphore_mem>> -> memref<1x!tpu.dma_semaphore, #tpu.memory_space<semaphore_mem>>
        %dma_start3A_301 = tpu.memref_squeeze %dma_start3A_300 : memref<1x!tpu.dma_semaphore, #tpu.memory_space<semaphore_mem>> -> memref<!tpu.dma_semaphore, #tpu.memory_space<semaphore_mem>>
        tpu.enqueue_indirect_dma source(%dma_start3A_299 : memref<20480x64xbf16, #tpu.memory_space<hbm>>) target(%dma_start3A_293 : memref<64x64xbf16, #tpu.memory_space<vmem>>) offsets(%dma_start3A_296 : memref<64xi32, #tpu.memory_space<vmem>>) semaphore(%dma_start3A_301 : memref<!tpu.dma_semaphore, #tpu.memory_space<semaphore_mem>>)
      } else {
      }
      %dma_wait3A_253 = arith.constant 3 : i32
      %dma_wait3A_254 = arith.constant 3 : i32
      %dma_wait3A_255 = arith.constant 0 : i32
      %dma_wait3A_256 = arith.constant 0 : i32
      %dma_wait3A_257 = tpu.memref_slice %arg8[%dma_wait3A_253, %dma_wait3A_255, %dma_wait3A_256] : memref<4x64x64xbf16, #tpu.memory_space<vmem>> -> memref<1x64x64xbf16, #tpu.memory_space<vmem>>
      %dma_wait3A_258 = tpu.memref_squeeze %dma_wait3A_257 : memref<1x64x64xbf16, #tpu.memory_space<vmem>> -> memref<64x64xbf16, #tpu.memory_space<vmem>>
      %dma_wait3A_259 = arith.constant 0 : i32
      %dma_wait3A_260 = tpu.memref_slice %arg6[%add3A_240, %dma_wait3A_259] : memref<320x64xi32, #tpu.memory_space<vmem>> -> memref<1x64xi32, #tpu.memory_space<vmem>>
      %dma_wait3A_261 = tpu.memref_squeeze %dma_wait3A_260 : memref<1x64xi32, #tpu.memory_space<vmem>> -> memref<64xi32, #tpu.memory_space<vmem>>
      %dma_wait3A_262 = arith.constant 0 : i32
      %dma_wait3A_263 = arith.constant 0 : i32
      %dma_wait3A_264 = tpu.memref_slice %arg2[%dma_wait3A_262, %dma_wait3A_263] : memref<20480x64xbf16, #tpu.memory_space<hbm>> -> memref<20480x64xbf16, #tpu.memory_space<hbm>>
      %dma_wait3A_265 = tpu.memref_slice %arg12[%dma_wait3A_254] : memref<4x!tpu.dma_semaphore, #tpu.memory_space<semaphore_mem>> -> memref<1x!tpu.dma_semaphore, #tpu.memory_space<semaphore_mem>>
      %dma_wait3A_266 = tpu.memref_squeeze %dma_wait3A_265 : memref<1x!tpu.dma_semaphore, #tpu.memory_space<semaphore_mem>> -> memref<!tpu.dma_semaphore, #tpu.memory_space<semaphore_mem>>
      tpu.wait_indirect_dma semaphore(%dma_wait3A_266 : memref<!tpu.dma_semaphore, #tpu.memory_space<semaphore_mem>>) src(%dma_wait3A_264 : memref<20480x64xbf16, #tpu.memory_space<hbm>>) dst(%dma_wait3A_258 : memref<64x64xbf16, #tpu.memory_space<vmem>>)
      %scan3A_267 = arith.constant 0 : i32
      %scan3A_268 = arith.constant 64 : i32
      %scan3A_269 = arith.addi %scan3A_267, %scan3A_268 : i32
      %scan3A_270 = arith.constant 2 : i32
      scf.for %scan3A_286 = %scan3A_267 to %scan3A_269 step %scan3A_270  : i32 {
        %mul3A_287 = arith.constant 1 : i32
        %mul3A_288 = arith.muli %scan3A_286, %mul3A_287 : i32
        %add3A_289 = arith.constant 0 : i32
        %add3A_290 = arith.addi %add3A_289, %mul3A_288 : i32
        %broadcast_in_dim3A_291 = vector.broadcast %add3A_290 : i32 to vector<16xi32>
        %get3A = arith.constant 3 : i32
        %get3A_292 = arith.index_cast %get3A : i32 to index
        %get3A_293 = arith.index_cast %add3A_290 : i32 to index
        %get3A_294 = arith.constant 0 : index
        %get3A_295 = tpu.vector_load %arg8[%get3A_292, %get3A_293, %get3A_294] {strides = array<i32>} : memref<4x64x64xbf16, #tpu.memory_space<vmem>>, vector<32xbf16>,
        %bitcast3A = vector.bitcast %get3A_295 : vector<32xbf16> to vector<16xi32>
        %shift_left3A = arith.constant 16 : i32
        %shift_left3A_296 = vector.broadcast %shift_left3A : i32 to vector<16xi32>
        %shift_left3A_297 = arith.shli %bitcast3A, %shift_left3A_296 : vector<16xi32>
        %bitcast3A_298 = vector.bitcast %shift_left3A_297 : vector<16xi32> to vector<16xf32>
        %and3A = arith.andi %bitcast3A, %broadcast_in_dim3A_11 : vector<16xi32>
        %bitcast3A_299 = vector.bitcast %and3A : vector<16xi32> to vector<16xf32>
        %scatter3A = arith.constant 3 : i32
        %scatter3A_300 = arith.constant 0 : i32
        %scatter3A_301 = arith.constant 0 : i32
        %scatter3A_302 = tpu.memref_slice %arg9[%scatter3A, %scatter3A_300, %scatter3A_301] : memref<4x64x64xf32, #tpu.memory_space<vmem>> -> memref<1x64x64xf32, #tpu.memory_space<vmem>>
        %scatter3A_303 = tpu.memref_squeeze %scatter3A_302 : memref<1x64x64xf32, #tpu.memory_space<vmem>> -> memref<64x64xf32, #tpu.memory_space<vmem>>
        tpu.vector_store_idx %scatter3A_303[%broadcast_in_dim3A_291, %add3A_13], %bitcast3A_298 : memref<64x64xf32, #tpu.memory_space<vmem>>[vector<16xi32>, vector<16xi32>], vector<16xf32>,
        %scatter3A_304 = arith.constant 3 : i32
        %scatter3A_305 = arith.constant 0 : i32
        %scatter3A_306 = arith.constant 0 : i32
        %scatter3A_307 = tpu.memref_slice %arg9[%scatter3A_304, %scatter3A_305, %scatter3A_306] : memref<4x64x64xf32, #tpu.memory_space<vmem>> -> memref<1x64x64xf32, #tpu.memory_space<vmem>>
        %scatter3A_308 = tpu.memref_squeeze %scatter3A_307 : memref<1x64x64xf32, #tpu.memory_space<vmem>> -> memref<64x64xf32, #tpu.memory_space<vmem>>
        tpu.vector_store_idx %scatter3A_308[%broadcast_in_dim3A_291, %add3A_19], %bitcast3A_299 : memref<64x64xf32, #tpu.memory_space<vmem>>[vector<16xi32>, vector<16xi32>], vector<16xf32>,
        %get3A_309 = arith.constant 3 : i32
        %get3A_310 = arith.index_cast %get3A_309 : i32 to index
        %get3A_311 = arith.index_cast %add3A_290 : i32 to index
        %get3A_312 = arith.constant 32 : index
        %get3A_313 = tpu.vector_load %arg8[%get3A_310, %get3A_311, %get3A_312] {strides = array<i32>} : memref<4x64x64xbf16, #tpu.memory_space<vmem>>, vector<32xbf16>,
        %bitcast3A_314 = vector.bitcast %get3A_313 : vector<32xbf16> to vector<16xi32>
        %shift_left3A_315 = arith.constant 16 : i32
        %shift_left3A_316 = vector.broadcast %shift_left3A_315 : i32 to vector<16xi32>
        %shift_left3A_317 = arith.shli %bitcast3A_314, %shift_left3A_316 : vector<16xi32>
        %bitcast3A_318 = vector.bitcast %shift_left3A_317 : vector<16xi32> to vector<16xf32>
        %and3A_319 = arith.andi %bitcast3A_314, %broadcast_in_dim3A_11 : vector<16xi32>
        %bitcast3A_320 = vector.bitcast %and3A_319 : vector<16xi32> to vector<16xf32>
        %scatter3A_321 = arith.constant 3 : i32
        %scatter3A_322 = arith.constant 0 : i32
        %scatter3A_323 = arith.constant 0 : i32
        %scatter3A_324 = tpu.memref_slice %arg9[%scatter3A_321, %scatter3A_322, %scatter3A_323] : memref<4x64x64xf32, #tpu.memory_space<vmem>> -> memref<1x64x64xf32, #tpu.memory_space<vmem>>
        %scatter3A_325 = tpu.memref_squeeze %scatter3A_324 : memref<1x64x64xf32, #tpu.memory_space<vmem>> -> memref<64x64xf32, #tpu.memory_space<vmem>>
        tpu.vector_store_idx %scatter3A_325[%broadcast_in_dim3A_291, %add3A_22], %bitcast3A_318 : memref<64x64xf32, #tpu.memory_space<vmem>>[vector<16xi32>, vector<16xi32>], vector<16xf32>,
        %scatter3A_326 = arith.constant 3 : i32
        %scatter3A_327 = arith.constant 0 : i32
        %scatter3A_328 = arith.constant 0 : i32
        %scatter3A_329 = tpu.memref_slice %arg9[%scatter3A_326, %scatter3A_327, %scatter3A_328] : memref<4x64x64xf32, #tpu.memory_space<vmem>> -> memref<1x64x64xf32, #tpu.memory_space<vmem>>
        %scatter3A_330 = tpu.memref_squeeze %scatter3A_329 : memref<1x64x64xf32, #tpu.memory_space<vmem>> -> memref<64x64xf32, #tpu.memory_space<vmem>>
        tpu.vector_store_idx %scatter3A_330[%broadcast_in_dim3A_291, %add3A_28], %bitcast3A_320 : memref<64x64xf32, #tpu.memory_space<vmem>>[vector<16xi32>, vector<16xi32>], vector<16xf32>,
        %scan3A_331 = arith.constant 1 : i32
        %scan3A_332 = arith.addi %scan3A_286, %scan3A_331 : i32
        %mul3A_333 = arith.constant 1 : i32
        %mul3A_334 = arith.muli %scan3A_332, %mul3A_333 : i32
        %add3A_335 = arith.constant 0 : i32
        %add3A_336 = arith.addi %add3A_335, %mul3A_334 : i32
        %broadcast_in_dim3A_337 = vector.broadcast %add3A_336 : i32 to vector<16xi32>
        %get3A_338 = arith.constant 3 : i32
        %get3A_339 = arith.index_cast %get3A_338 : i32 to index
        %get3A_340 = arith.index_cast %add3A_336 : i32 to index
        %get3A_341 = arith.constant 0 : index
        %get3A_342 = tpu.vector_load %arg8[%get3A_339, %get3A_340, %get3A_341] {strides = array<i32>} : memref<4x64x64xbf16, #tpu.memory_space<vmem>>, vector<32xbf16>,
        %bitcast3A_343 = vector.bitcast %get3A_342 : vector<32xbf16> to vector<16xi32>
        %shift_left3A_344 = arith.constant 16 : i32
        %shift_left3A_345 = vector.broadcast %shift_left3A_344 : i32 to vector<16xi32>
        %shift_left3A_346 = arith.shli %bitcast3A_343, %shift_left3A_345 : vector<16xi32>
        %bitcast3A_347 = vector.bitcast %shift_left3A_346 : vector<16xi32> to vector<16xf32>
        %and3A_348 = arith.andi %bitcast3A_343, %broadcast_in_dim3A_11 : vector<16xi32>
        %bitcast3A_349 = vector.bitcast %and3A_348 : vector<16xi32> to vector<16xf32>
        %scatter3A_350 = arith.constant 3 : i32
        %scatter3A_351 = arith.constant 0 : i32
        %scatter3A_352 = arith.constant 0 : i32
        %scatter3A_353 = tpu.memref_slice %arg9[%scatter3A_350, %scatter3A_351, %scatter3A_352] : memref<4x64x64xf32, #tpu.memory_space<vmem>> -> memref<1x64x64xf32, #tpu.memory_space<vmem>>
        %scatter3A_354 = tpu.memref_squeeze %scatter3A_353 : memref<1x64x64xf32, #tpu.memory_space<vmem>> -> memref<64x64xf32, #tpu.memory_space<vmem>>
        tpu.vector_store_idx %scatter3A_354[%broadcast_in_dim3A_337, %add3A_13], %bitcast3A_347 : memref<64x64xf32, #tpu.memory_space<vmem>>[vector<16xi32>, vector<16xi32>], vector<16xf32>,
        %scatter3A_355 = arith.constant 3 : i32
        %scatter3A_356 = arith.constant 0 : i32
        %scatter3A_357 = arith.constant 0 : i32
        %scatter3A_358 = tpu.memref_slice %arg9[%scatter3A_355, %scatter3A_356, %scatter3A_357] : memref<4x64x64xf32, #tpu.memory_space<vmem>> -> memref<1x64x64xf32, #tpu.memory_space<vmem>>
        %scatter3A_359 = tpu.memref_squeeze %scatter3A_358 : memref<1x64x64xf32, #tpu.memory_space<vmem>> -> memref<64x64xf32, #tpu.memory_space<vmem>>
        tpu.vector_store_idx %scatter3A_359[%broadcast_in_dim3A_337, %add3A_19], %bitcast3A_349 : memref<64x64xf32, #tpu.memory_space<vmem>>[vector<16xi32>, vector<16xi32>], vector<16xf32>,
        %get3A_360 = arith.constant 3 : i32
        %get3A_361 = arith.index_cast %get3A_360 : i32 to index
        %get3A_362 = arith.index_cast %add3A_336 : i32 to index
        %get3A_363 = arith.constant 32 : index
        %get3A_364 = tpu.vector_load %arg8[%get3A_361, %get3A_362, %get3A_363] {strides = array<i32>} : memref<4x64x64xbf16, #tpu.memory_space<vmem>>, vector<32xbf16>,
        %bitcast3A_365 = vector.bitcast %get3A_364 : vector<32xbf16> to vector<16xi32>
        %shift_left3A_366 = arith.constant 16 : i32
        %shift_left3A_367 = vector.broadcast %shift_left3A_366 : i32 to vector<16xi32>
        %shift_left3A_368 = arith.shli %bitcast3A_365, %shift_left3A_367 : vector<16xi32>
        %bitcast3A_369 = vector.bitcast %shift_left3A_368 : vector<16xi32> to vector<16xf32>
        %and3A_370 = arith.andi %bitcast3A_365, %broadcast_in_dim3A_11 : vector<16xi32>
        %bitcast3A_371 = vector.bitcast %and3A_370 : vector<16xi32> to vector<16xf32>
        %scatter3A_372 = arith.constant 3 : i32
        %scatter3A_373 = arith.constant 0 : i32
        %scatter3A_374 = arith.constant 0 : i32
        %scatter3A_375 = tpu.memref_slice %arg9[%scatter3A_372, %scatter3A_373, %scatter3A_374] : memref<4x64x64xf32, #tpu.memory_space<vmem>> -> memref<1x64x64xf32, #tpu.memory_space<vmem>>
        %scatter3A_376 = tpu.memref_squeeze %scatter3A_375 : memref<1x64x64xf32, #tpu.memory_space<vmem>> -> memref<64x64xf32, #tpu.memory_space<vmem>>
        tpu.vector_store_idx %scatter3A_376[%broadcast_in_dim3A_337, %add3A_22], %bitcast3A_369 : memref<64x64xf32, #tpu.memory_space<vmem>>[vector<16xi32>, vector<16xi32>], vector<16xf32>,
        %scatter3A_377 = arith.constant 3 : i32
        %scatter3A_378 = arith.constant 0 : i32
        %scatter3A_379 = arith.constant 0 : i32
        %scatter3A_380 = tpu.memref_slice %arg9[%scatter3A_377, %scatter3A_378, %scatter3A_379] : memref<4x64x64xf32, #tpu.memory_space<vmem>> -> memref<1x64x64xf32, #tpu.memory_space<vmem>>
        %scatter3A_381 = tpu.memref_squeeze %scatter3A_380 : memref<1x64x64xf32, #tpu.memory_space<vmem>> -> memref<64x64xf32, #tpu.memory_space<vmem>>
        tpu.vector_store_idx %scatter3A_381[%broadcast_in_dim3A_337, %add3A_28], %bitcast3A_371 : memref<64x64xf32, #tpu.memory_space<vmem>>[vector<16xi32>, vector<16xi32>], vector<16xf32>,
      }
      %scan3A_271 = arith.constant 64 : i32
      %dma_start3A_272 = arith.constant 3 : i32
      %dma_start3A_273 = arith.constant 3 : i32
      %dma_start3A_274 = arith.constant 0 : i32
      %dma_start3A_275 = arith.constant 0 : i32
      %dma_start3A_276 = tpu.memref_slice %arg9[%dma_start3A_272, %dma_start3A_274, %dma_start3A_275] : memref<4x64x64xf32, #tpu.memory_space<vmem>> -> memref<1x64x64xf32, #tpu.memory_space<vmem>>
      %dma_start3A_277 = tpu.memref_squeeze %dma_start3A_276 : memref<1x64x64xf32, #tpu.memory_space<vmem>> -> memref<64x64xf32, #tpu.memory_space<vmem>>
      %dma_start3A_278 = arith.constant 0 : i32
      %dma_start3A_279 = tpu.memref_slice %arg7[%add3A_240, %dma_start3A_278] : memref<320x64xi32, #tpu.memory_space<vmem>> -> memref<1x64xi32, #tpu.memory_space<vmem>>
      %dma_start3A_280 = tpu.memref_squeeze %dma_start3A_279 : memref<1x64xi32, #tpu.memory_space<vmem>> -> memref<64xi32, #tpu.memory_space<vmem>>
      %dma_start3A_281 = arith.constant 0 : i32
      %dma_start3A_282 = arith.constant 0 : i32
      %dma_start3A_283 = tpu.memref_slice %arg11[%dma_start3A_281, %dma_start3A_282] : memref<10240x64xf32, #tpu.memory_space<vmem_shared>> -> memref<10240x64xf32, #tpu.memory_space<vmem_shared>>
      %dma_start3A_284 = tpu.memref_slice %arg13[%dma_start3A_273] : memref<4x!tpu.dma_semaphore, #tpu.memory_space<semaphore_mem>> -> memref<1x!tpu.dma_semaphore, #tpu.memory_space<semaphore_mem>>
      %dma_start3A_285 = tpu.memref_squeeze %dma_start3A_284 : memref<1x!tpu.dma_semaphore, #tpu.memory_space<semaphore_mem>> -> memref<!tpu.dma_semaphore, #tpu.memory_space<semaphore_mem>>
      tpu.enqueue_indirect_dma source(%dma_start3A_277 : memref<64x64xf32, #tpu.memory_space<vmem>>) target(%dma_start3A_283 : memref<10240x64xf32, #tpu.memory_space<vmem_shared>>) offsets(%dma_start3A_280 : memref<64xi32, #tpu.memory_space<vmem>>) semaphore(%dma_start3A_285 : memref<!tpu.dma_semaphore, #tpu.memory_space<semaphore_mem>>) {add = true}
    }
    %scan3A_62 = arith.constant 80 : i32
    %dma_wait3A = arith.constant 2 : i32
    %dma_wait3A_63 = arith.constant 0 : i32
    %dma_wait3A_64 = arith.constant 2 : i32
    %dma_wait3A_65 = arith.constant 0 : i32
    %dma_wait3A_66 = arith.constant 0 : i32
    %dma_wait3A_67 = tpu.memref_slice %arg9[%dma_wait3A, %dma_wait3A_65, %dma_wait3A_66] : memref<4x64x64xf32, #tpu.memory_space<vmem>> -> memref<1x64x64xf32, #tpu.memory_space<vmem>>
    %dma_wait3A_68 = tpu.memref_squeeze %dma_wait3A_67 : memref<1x64x64xf32, #tpu.memory_space<vmem>> -> memref<64x64xf32, #tpu.memory_space<vmem>>
    %dma_wait3A_69 = arith.constant 0 : i32
    %dma_wait3A_70 = tpu.memref_slice %arg7[%dma_wait3A_63, %dma_wait3A_69] : memref<320x64xi32, #tpu.memory_space<vmem>> -> memref<1x64xi32, #tpu.memory_space<vmem>>
    %dma_wait3A_71 = tpu.memref_squeeze %dma_wait3A_70 : memref<1x64xi32, #tpu.memory_space<vmem>> -> memref<64xi32, #tpu.memory_space<vmem>>
    %dma_wait3A_72 = arith.constant 0 : i32
    %dma_wait3A_73 = arith.constant 0 : i32
    %dma_wait3A_74 = tpu.memref_slice %arg11[%dma_wait3A_72, %dma_wait3A_73] : memref<10240x64xf32, #tpu.memory_space<vmem_shared>> -> memref<10240x64xf32, #tpu.memory_space<vmem_shared>>
    %dma_wait3A_75 = tpu.memref_slice %arg13[%dma_wait3A_64] : memref<4x!tpu.dma_semaphore, #tpu.memory_space<semaphore_mem>> -> memref<1x!tpu.dma_semaphore, #tpu.memory_space<semaphore_mem>>
    %dma_wait3A_76 = tpu.memref_squeeze %dma_wait3A_75 : memref<1x!tpu.dma_semaphore, #tpu.memory_space<semaphore_mem>> -> memref<!tpu.dma_semaphore, #tpu.memory_space<semaphore_mem>>
    tpu.wait_indirect_dma semaphore(%dma_wait3A_76 : memref<!tpu.dma_semaphore, #tpu.memory_space<semaphore_mem>>) src(%dma_wait3A_68 : memref<64x64xf32, #tpu.memory_space<vmem>>) dst(%dma_wait3A_74 : memref<10240x64xf32, #tpu.memory_space<vmem_shared>>)
    %dma_wait3A_77 = arith.constant 3 : i32
    %dma_wait3A_78 = arith.constant 0 : i32
    %dma_wait3A_79 = arith.constant 3 : i32
    %dma_wait3A_80 = arith.constant 0 : i32
    %dma_wait3A_81 = arith.constant 0 : i32
    %dma_wait3A_82 = tpu.memref_slice %arg9[%dma_wait3A_77, %dma_wait3A_80, %dma_wait3A_81] : memref<4x64x64xf32, #tpu.memory_space<vmem>> -> memref<1x64x64xf32, #tpu.memory_space<vmem>>
    %dma_wait3A_83 = tpu.memref_squeeze %dma_wait3A_82 : memref<1x64x64xf32, #tpu.memory_space<vmem>> -> memref<64x64xf32, #tpu.memory_space<vmem>>
    %dma_wait3A_84 = arith.constant 0 : i32
    %dma_wait3A_85 = tpu.memref_slice %arg7[%dma_wait3A_78, %dma_wait3A_84] : memref<320x64xi32, #tpu.memory_space<vmem>> -> memref<1x64xi32, #tpu.memory_space<vmem>>
    %dma_wait3A_86 = tpu.memref_squeeze %dma_wait3A_85 : memref<1x64xi32, #tpu.memory_space<vmem>> -> memref<64xi32, #tpu.memory_space<vmem>>
    %dma_wait3A_87 = arith.constant 0 : i32
    %dma_wait3A_88 = arith.constant 0 : i32
    %dma_wait3A_89 = tpu.memref_slice %arg11[%dma_wait3A_87, %dma_wait3A_88] : memref<10240x64xf32, #tpu.memory_space<vmem_shared>> -> memref<10240x64xf32, #tpu.memory_space<vmem_shared>>
    %dma_wait3A_90 = tpu.memref_slice %arg13[%dma_wait3A_79] : memref<4x!tpu.dma_semaphore, #tpu.memory_space<semaphore_mem>> -> memref<1x!tpu.dma_semaphore, #tpu.memory_space<semaphore_mem>>
    %dma_wait3A_91 = tpu.memref_squeeze %dma_wait3A_90 : memref<1x!tpu.dma_semaphore, #tpu.memory_space<semaphore_mem>> -> memref<!tpu.dma_semaphore, #tpu.memory_space<semaphore_mem>>
    tpu.wait_indirect_dma semaphore(%dma_wait3A_91 : memref<!tpu.dma_semaphore, #tpu.memory_space<semaphore_mem>>) src(%dma_wait3A_83 : memref<64x64xf32, #tpu.memory_space<vmem>>) dst(%dma_wait3A_89 : memref<10240x64xf32, #tpu.memory_space<vmem_shared>>)
    %barrier3A_92 = arith.constant 0 : index
    tpu.barrier barrier_id(%barrier3A_92)
    %mul3A_93 = arith.constant 640 : i32
    %mul3A_94 = arith.muli %arg1, %mul3A_93 : i32
    %mul3A_95 = arith.constant 640 : i32
    %mul3A_96 = arith.muli %arg1, %mul3A_95 : i32
    "tpu.region"() ({
      %run_scoped3A = tpu.sem_alloc : memref<!tpu.dma_semaphore, #tpu.memory_space<semaphore_mem>>
      %dma_start3A_97 = arith.constant 0 : i32
      %dma_start3A_98 = tpu.memref_slice %arg5[%arg0, %mul3A_96, %dma_start3A_97] : memref<2x10240x64xf32, #tpu.memory_space<hbm>> -> memref<1x640x64xf32, #tpu.memory_space<hbm>>
      %dma_start3A_99 = tpu.memref_squeeze %dma_start3A_98 : memref<1x640x64xf32, #tpu.memory_space<hbm>> -> memref<640x64xf32, #tpu.memory_space<hbm>>
      %dma_start3A_100 = arith.constant 0 : i32
      %dma_start3A_101 = tpu.memref_slice %arg11[%mul3A_94, %dma_start3A_100] : memref<10240x64xf32, #tpu.memory_space<vmem_shared>> -> memref<640x64xf32, #tpu.memory_space<vmem_shared>>
      tpu.enqueue_dma source(%dma_start3A_101 : memref<640x64xf32, #tpu.memory_space<vmem_shared>>) target(%dma_start3A_99 : memref<640x64xf32, #tpu.memory_space<hbm>>) target_semaphore(%run_scoped3A : memref<!tpu.dma_semaphore, #tpu.memory_space<semaphore_mem>>)
      %dma_wait3A_102 = arith.constant 0 : i32
      %dma_wait3A_103 = tpu.memref_slice %arg5[%arg0, %mul3A_96, %dma_wait3A_102] : memref<2x10240x64xf32, #tpu.memory_space<hbm>> -> memref<1x640x64xf32, #tpu.memory_space<hbm>>
      %dma_wait3A_104 = tpu.memref_squeeze %dma_wait3A_103 : memref<1x640x64xf32, #tpu.memory_space<hbm>> -> memref<640x64xf32, #tpu.memory_space<hbm>>
      %dma_wait3A_105 = arith.constant 0 : i32
      %dma_wait3A_106 = tpu.memref_slice %arg11[%mul3A_94, %dma_wait3A_105] : memref<10240x64xf32, #tpu.memory_space<vmem_shared>> -> memref<640x64xf32, #tpu.memory_space<vmem_shared>>
      tpu.wait_dma2 semaphore(%run_scoped3A : memref<!tpu.dma_semaphore, #tpu.memory_space<semaphore_mem>>) src(%dma_wait3A_106 : memref<640x64xf32, #tpu.memory_space<vmem_shared>>) dst(%dma_wait3A_104 : memref<640x64xf32, #tpu.memory_space<hbm>>)
      tpu.yield
    }) : () -> ()
    return
  }
}

module attributes {stable_mosaic.version = 14 : i64} {
  func.func @_tc_in_body(%arg0: i32, %arg1: memref<1024x128xf32, #tpu.memory_space<vmem>>, %arg2: memref<128x128xf32, #tpu.memory_space<vmem>>, %arg3: memref<1x128xf32, #tpu.memory_space<vmem>>, %arg4: memref<2x1024xf32, #tpu.memory_space<vmem>>, %arg5: memref<1024x128xf32, #tpu.memory_space<vmem>>, %arg6: memref<1024x128xf32, #tpu.memory_space<vmem>>, %arg7: memref<1024x128xbf16, #tpu.memory_space<vmem>>) attributes {dimension_semantics = [#tpu.dimension_semantics<arbitrary>], iteration_bounds = array<i64: 10>, scalar_prefetch = 0 : i64, scratch_operands = 0 : i64, tpu.core_type = #tpu.core_type<tc>, window_params = [{transform_indices = @transform_0, window_bounds = array<i64: 1024, 128>}, {pipeline_mode = #tpu.pipeline_mode<synchronous>, transform_indices = @transform_1, window_bounds = array<i64: 128, 128>}, {pipeline_mode = #tpu.pipeline_mode<synchronous>, transform_indices = @transform_2, window_bounds = array<i64: 1, 128>}, {transform_indices = @transform_3, window_bounds = array<i64: 2, 1024>}, {transform_indices = @transform_4, window_bounds = array<i64: 1024, 128>}, {transform_indices = @transform_5, window_bounds = array<i64: 1024, 128>}, {transform_indices = @transform_6, window_bounds = array<i64: 1024, 128>}]} {
    %get3A = arith.constant 0 : index
    %get3A_0 = arith.constant 0 : index
    %get3A_1 = vector.load %arg1[%get3A, %get3A_0] : memref<1024x128xf32, #tpu.memory_space<vmem>>, vector<1024x128xf32>
    %get3A_2 = arith.constant 0 : index
    %get3A_3 = arith.constant 0 : index
    %get3A_4 = vector.load %arg2[%get3A_2, %get3A_3] : memref<128x128xf32, #tpu.memory_space<vmem>>, vector<128x128xf32>
    %dot_general3A = arith.constant dense<0.000000e+00> : vector<1024x128xf32>
    %dot_general3A_5 = tpu.matmul %get3A_1, %get3A_4, %dot_general3A {dimension_numbers = #tpu.dot_dimension_numbers<[1], [0], [0], [1], [0, 0, 1, 1], [], []>, transpose_lhs_hint = false} : vector<1024x128xf32>, vector<128x128xf32>, vector<1024x128xf32> -> vector<1024x128xf32>
    %get3A_6 = arith.constant 0 : index
    %get3A_7 = arith.constant 0 : index
    %get3A_8 = vector.load %arg3[%get3A_6, %get3A_7] : memref<1x128xf32, #tpu.memory_space<vmem>>, vector<1x128xf32>
    %add3A = vector.broadcast %get3A_8 : vector<1x128xf32> to vector<1024x128xf32>
    %add3A_9 = arith.addf %dot_general3A_5, %add3A : vector<1024x128xf32>
    %max3A = arith.constant 0.000000e+00 : f32
    %max3A_10 = vector.broadcast %max3A : f32 to vector<1024x128xf32>
    %max3A_11 = arith.maximumf %add3A_9, %max3A_10 : vector<1024x128xf32>
    %get3A_12 = arith.constant 0 : index
    %get3A_13 = arith.constant 0 : index
    %get3A_14 = vector.load %arg4[%get3A_12, %get3A_13] : memref<2x1024xf32, #tpu.memory_space<vmem>>, vector<1x1024xf32>
    %get3A_15 = vector.shape_cast %get3A_14 : vector<1x1024xf32> to vector<1024xf32>
    %add3A_16 = arith.constant 1.000000e+00 : f32
    %add3A_17 = vector.broadcast %add3A_16 : f32 to vector<1024xf32>
    %add3A_18 = arith.addf %add3A_17, %get3A_15 : vector<1024xf32>
    %get3A_19 = arith.constant 1 : index
    %get3A_20 = arith.constant 0 : index
    %get3A_21 = vector.load %arg4[%get3A_19, %get3A_20] : memref<2x1024xf32, #tpu.memory_space<vmem>>, vector<1x1024xf32>
    %get3A_22 = vector.shape_cast %get3A_21 : vector<1x1024xf32> to vector<1024xf32>
    %add3A_23 = arith.addf %add3A_18, %get3A_22 : vector<1024xf32>
    %rsqrt3A = math.rsqrt %add3A_23 : vector<1024xf32>
    %broadcast_in_dim3A = vector.shape_cast %rsqrt3A : vector<1024xf32> to vector<1024x1xf32>
    %mul3A = vector.broadcast %broadcast_in_dim3A : vector<1024x1xf32> to vector<1024x128xf32>
    %mul3A_24 = arith.mulf %max3A_11, %mul3A : vector<1024x128xf32>
    %swap3A = arith.constant 0 : index
    %swap3A_25 = arith.constant 0 : index
    %swap3A_26 = vector.load %arg5[%swap3A, %swap3A_25] : memref<1024x128xf32, #tpu.memory_space<vmem>>, vector<1024x128xf32>
    tpu.vector_store %arg5[%swap3A, %swap3A_25], %max3A_11 {strides = array<i32>} : memref<1024x128xf32, #tpu.memory_space<vmem>>, vector<1024x128xf32>,
    %swap3A_27 = arith.constant 0 : index
    %swap3A_28 = arith.constant 0 : index
    %swap3A_29 = vector.load %arg6[%swap3A_27, %swap3A_28] : memref<1024x128xf32, #tpu.memory_space<vmem>>, vector<1024x128xf32>
    tpu.vector_store %arg6[%swap3A_27, %swap3A_28], %mul3A_24 {strides = array<i32>} : memref<1024x128xf32, #tpu.memory_space<vmem>>, vector<1024x128xf32>,
    %convert_element_type3A = arith.truncf %mul3A_24 : vector<1024x128xf32> to vector<1024x128xbf16>
    %swap3A_30 = arith.constant 0 : index
    %swap3A_31 = arith.constant 0 : index
    %swap3A_32 = vector.load %arg7[%swap3A_30, %swap3A_31] : memref<1024x128xbf16, #tpu.memory_space<vmem>>, vector<1024x128xbf16>
    tpu.vector_store %arg7[%swap3A_30, %swap3A_31], %convert_element_type3A {strides = array<i32>} : memref<1024x128xbf16, #tpu.memory_space<vmem>>, vector<1024x128xbf16>,
    return
  }
  func.func @transform_0(%arg0: i32) -> (i32, i32) {
    %c0_i32 = arith.constant 0 : i32
    %c0_i32_0 = arith.constant 0 : i32
    return %arg0, %c0_i32 : i32, i32
  }
  func.func @transform_1(%arg0: i32) -> (i32, i32) {
    %c0_i32 = arith.constant 0 : i32
    %c0_i32_0 = arith.constant 0 : i32
    %c0_i32_1 = arith.constant 0 : i32
    return %c0_i32, %c0_i32_0 : i32, i32
  }
  func.func @transform_2(%arg0: i32) -> (i32, i32) {
    %c0_i32 = arith.constant 0 : i32
    %c0_i32_0 = arith.constant 0 : i32
    %c0_i32_1 = arith.constant 0 : i32
    return %c0_i32, %c0_i32_0 : i32, i32
  }
  func.func @transform_3(%arg0: i32) -> (i32, i32) {
    %c0_i32 = arith.constant 0 : i32
    %c0_i32_0 = arith.constant 0 : i32
    return %c0_i32, %arg0 : i32, i32
  }
  func.func @transform_4(%arg0: i32) -> (i32, i32) {
    %c0_i32 = arith.constant 0 : i32
    %c0_i32_0 = arith.constant 0 : i32
    return %arg0, %c0_i32 : i32, i32
  }
  func.func @transform_5(%arg0: i32) -> (i32, i32) {
    %c0_i32 = arith.constant 0 : i32
    %c0_i32_0 = arith.constant 0 : i32
    return %arg0, %c0_i32 : i32, i32
  }
  func.func @transform_6(%arg0: i32) -> (i32, i32) {
    %c0_i32 = arith.constant 0 : i32
    %c0_i32_0 = arith.constant 0 : i32
    return %arg0, %c0_i32 : i32, i32
  }
}

module attributes {stable_mosaic.version = 14 : i64} {
  func.func @_tc_layer_body(%arg0: i32, %arg1: memref<2x1024x64xf32, #tpu.memory_space<vmem>>, %arg2: memref<1024x128xf32, #tpu.memory_space<vmem>>, %arg3: memref<1024x128xf32, #tpu.memory_space<vmem>>, %arg4: memref<2x1024xf32, #tpu.memory_space<vmem>>, %arg5: memref<1x128xf32, #tpu.memory_space<vmem>>, %arg6: memref<1x128xf32, #tpu.memory_space<vmem>>, %arg7: memref<1x1xf32, #tpu.memory_space<vmem>>, %arg8: memref<1024x128xf32, #tpu.memory_space<vmem>>, %arg9: memref<1024x128xf32, #tpu.memory_space<vmem>>, %arg10: memref<1024x128xf32, #tpu.memory_space<vmem>>, %arg11: memref<1024x128xbf16, #tpu.memory_space<vmem>>) attributes {dimension_semantics = [#tpu.dimension_semantics<arbitrary>], iteration_bounds = array<i64: 10>, scalar_prefetch = 0 : i64, scratch_operands = 0 : i64, tpu.core_type = #tpu.core_type<tc>, window_params = [{transform_indices = @transform_0, window_bounds = array<i64: 2, 1024, 64>}, {transform_indices = @transform_1, window_bounds = array<i64: 1024, 128>}, {transform_indices = @transform_2, window_bounds = array<i64: 1024, 128>}, {transform_indices = @transform_3, window_bounds = array<i64: 2, 1024>}, {pipeline_mode = #tpu.pipeline_mode<synchronous>, transform_indices = @transform_4, window_bounds = array<i64: 1, 128>}, {pipeline_mode = #tpu.pipeline_mode<synchronous>, transform_indices = @transform_5, window_bounds = array<i64: 1, 128>}, {pipeline_mode = #tpu.pipeline_mode<synchronous>, transform_indices = @transform_6, window_bounds = array<i64: 1, 1>}, {transform_indices = @transform_7, window_bounds = array<i64: 1024, 128>}, {transform_indices = @transform_8, window_bounds = array<i64: 1024, 128>}, {transform_indices = @transform_9, window_bounds = array<i64: 1024, 128>}, {transform_indices = @transform_10, window_bounds = array<i64: 1024, 128>}]} {
    %get3A = arith.constant 0 : index
    %get3A_0 = arith.constant 0 : index
    %get3A_1 = vector.load %arg4[%get3A, %get3A_0] : memref<2x1024xf32, #tpu.memory_space<vmem>>, vector<1x1024xf32>
    %get3A_2 = vector.shape_cast %get3A_1 : vector<1x1024xf32> to vector<1024xf32>
    %add3A = arith.constant 1.000000e+00 : f32
    %add3A_3 = vector.broadcast %add3A : f32 to vector<1024xf32>
    %add3A_4 = arith.addf %add3A_3, %get3A_2 : vector<1024xf32>
    %get3A_5 = arith.constant 1 : index
    %get3A_6 = arith.constant 0 : index
    %get3A_7 = vector.load %arg4[%get3A_5, %get3A_6] : memref<2x1024xf32, #tpu.memory_space<vmem>>, vector<1x1024xf32>
    %get3A_8 = vector.shape_cast %get3A_7 : vector<1x1024xf32> to vector<1024xf32>
    %add3A_9 = arith.addf %add3A_4, %get3A_8 : vector<1024xf32>
    %rsqrt3A = math.rsqrt %add3A_9 : vector<1024xf32>
    %broadcast_in_dim3A = vector.shape_cast %rsqrt3A : vector<1024xf32> to vector<1024x1xf32>
    %get3A_10 = arith.constant 0 : index
    %get3A_11 = arith.constant 0 : index
    %get3A_12 = arith.constant 0 : index
    %get3A_13 = vector.load %arg1[%get3A_10, %get3A_11, %get3A_12] : memref<2x1024x64xf32, #tpu.memory_space<vmem>>, vector<1x1024x64xf32>
    %get3A_14 = vector.shape_cast %get3A_13 : vector<1x1024x64xf32> to vector<1024x64xf32>
    %get3A_15 = arith.constant 1 : index
    %get3A_16 = arith.constant 0 : index
    %get3A_17 = arith.constant 0 : index
    %get3A_18 = vector.load %arg1[%get3A_15, %get3A_16, %get3A_17] : memref<2x1024x64xf32, #tpu.memory_space<vmem>>, vector<1x1024x64xf32>
    %get3A_19 = vector.shape_cast %get3A_18 : vector<1x1024x64xf32> to vector<1024x64xf32>
    %concatenate3A = tpu.concatenate %get3A_14, %get3A_19 in 1 : vector<1024x64xf32>, vector<1024x64xf32> -> vector<1024x128xf32>
    %get3A_20 = arith.constant 0 : index
    %get3A_21 = arith.constant 0 : index
    %get3A_22 = vector.load %arg3[%get3A_20, %get3A_21] : memref<1024x128xf32, #tpu.memory_space<vmem>>, vector<1024x128xf32>
    %add3A_23 = arith.addf %concatenate3A, %get3A_22 : vector<1024x128xf32>
    %mul3A = vector.broadcast %broadcast_in_dim3A : vector<1024x1xf32> to vector<1024x128xf32>
    %mul3A_24 = arith.mulf %add3A_23, %mul3A : vector<1024x128xf32>
    %get3A_25 = arith.constant 0 : index
    %get3A_26 = arith.constant 0 : index
    %get3A_27 = vector.load %arg2[%get3A_25, %get3A_26] : memref<1024x128xf32, #tpu.memory_space<vmem>>, vector<1024x128xf32>
    %sub3A = arith.subf %get3A_27, %mul3A_24 : vector<1024x128xf32>
    %get3A_28 = arith.constant 0 : index
    %get3A_29 = arith.constant 0 : index
    %get3A_30 = vector.load %arg5[%get3A_28, %get3A_29] : memref<1x128xf32, #tpu.memory_space<vmem>>, vector<1x128xf32>
    %mul3A_31 = vector.broadcast %get3A_30 : vector<1x128xf32> to vector<1024x128xf32>
    %mul3A_32 = arith.mulf %mul3A_24, %mul3A_31 : vector<1024x128xf32>
    %get3A_33 = arith.constant 0 : index
    %get3A_34 = arith.constant 0 : index
    %get3A_35 = vector.load %arg6[%get3A_33, %get3A_34] : memref<1x128xf32, #tpu.memory_space<vmem>>, vector<1x128xf32>
    %mul3A_36 = vector.broadcast %get3A_35 : vector<1x128xf32> to vector<1024x128xf32>
    %mul3A_37 = arith.mulf %sub3A, %mul3A_36 : vector<1024x128xf32>
    %add3A_38 = arith.addf %mul3A_32, %mul3A_37 : vector<1024x128xf32>
    %reduce_sum3A = arith.constant dense<0.000000e+00> : vector<1024xf32>
    %reduce_sum3A_39 = vector.multi_reduction <add>, %add3A_38, %reduce_sum3A [1] : vector<1024x128xf32> to vector<1024xf32>
    %broadcast_in_dim3A_40 = vector.shape_cast %reduce_sum3A_39 : vector<1024xf32> to vector<1024x1xf32>
    %get3A_41 = arith.constant 0 : index
    %get3A_42 = arith.constant 0 : index
    %get3A_43 = vector.load %arg7[%get3A_41, %get3A_42] : memref<1x1xf32, #tpu.memory_space<vmem>>, vector<1x1xf32>
    %get3A_44 = vector.extract %get3A_43[0, 0] : f32 from vector<1x1xf32>
    %add3A_45 = vector.broadcast %get3A_44 : f32 to vector<1024x1xf32>
    %add3A_46 = arith.addf %broadcast_in_dim3A_40, %add3A_45 : vector<1024x1xf32>
    %logistic3A = arith.negf %add3A_46 : vector<1024x1xf32>
    %logistic3A_47 = math.exp %logistic3A : vector<1024x1xf32>
    %logistic3A_48 = arith.constant 1.000000e+00 : f32
    %logistic3A_49 = vector.broadcast %logistic3A_48 : f32 to vector<1024x1xf32>
    %logistic3A_50 = arith.addf %logistic3A_49, %logistic3A_47 : vector<1024x1xf32>
    %logistic3A_51 = arith.divf %logistic3A_49, %logistic3A_50 : vector<1024x1xf32>
    %mul3A_52 = vector.broadcast %logistic3A_51 : vector<1024x1xf32> to vector<1024x128xf32>
    %mul3A_53 = arith.mulf %mul3A_52, %mul3A_24 : vector<1024x128xf32>
    %sub3A_54 = arith.constant 1.000000e+00 : f32
    %sub3A_55 = vector.broadcast %sub3A_54 : f32 to vector<1024x1xf32>
    %sub3A_56 = arith.subf %sub3A_55, %logistic3A_51 : vector<1024x1xf32>
    %mul3A_57 = vector.broadcast %sub3A_56 : vector<1024x1xf32> to vector<1024x128xf32>
    %mul3A_58 = arith.mulf %mul3A_57, %sub3A : vector<1024x128xf32>
    %add3A_59 = arith.addf %mul3A_53, %mul3A_58 : vector<1024x128xf32>
    %get3A_60 = arith.constant 0 : index
    %get3A_61 = arith.constant 0 : index
    %get3A_62 = vector.load %arg8[%get3A_60, %get3A_61] : memref<1024x128xf32, #tpu.memory_space<vmem>>, vector<1024x128xf32>
    %mul3A_63 = arith.constant 3.000000e-01 : f32
    %mul3A_64 = vector.broadcast %mul3A_63 : f32 to vector<1024x128xf32>
    %mul3A_65 = arith.mulf %mul3A_64, %get3A_62 : vector<1024x128xf32>
    %add3A_66 = arith.addf %add3A_59, %mul3A_65 : vector<1024x128xf32>
    %mul3A_67 = vector.broadcast %broadcast_in_dim3A : vector<1024x1xf32> to vector<1024x128xf32>
    %mul3A_68 = arith.mulf %add3A_66, %mul3A_67 : vector<1024x128xf32>
    %swap3A = arith.constant 0 : index
    %swap3A_69 = arith.constant 0 : index
    %swap3A_70 = vector.load %arg9[%swap3A, %swap3A_69] : memref<1024x128xf32, #tpu.memory_space<vmem>>, vector<1024x128xf32>
    tpu.vector_store %arg9[%swap3A, %swap3A_69], %add3A_66 {strides = array<i32>} : memref<1024x128xf32, #tpu.memory_space<vmem>>, vector<1024x128xf32>,
    %swap3A_71 = arith.constant 0 : index
    %swap3A_72 = arith.constant 0 : index
    %swap3A_73 = vector.load %arg10[%swap3A_71, %swap3A_72] : memref<1024x128xf32, #tpu.memory_space<vmem>>, vector<1024x128xf32>
    tpu.vector_store %arg10[%swap3A_71, %swap3A_72], %mul3A_68 {strides = array<i32>} : memref<1024x128xf32, #tpu.memory_space<vmem>>, vector<1024x128xf32>,
    %convert_element_type3A = arith.truncf %mul3A_68 : vector<1024x128xf32> to vector<1024x128xbf16>
    %swap3A_74 = arith.constant 0 : index
    %swap3A_75 = arith.constant 0 : index
    %swap3A_76 = vector.load %arg11[%swap3A_74, %swap3A_75] : memref<1024x128xbf16, #tpu.memory_space<vmem>>, vector<1024x128xbf16>
    tpu.vector_store %arg11[%swap3A_74, %swap3A_75], %convert_element_type3A {strides = array<i32>} : memref<1024x128xbf16, #tpu.memory_space<vmem>>, vector<1024x128xbf16>,
    return
  }
  func.func @transform_0(%arg0: i32) -> (i32, i32, i32) {
    %c0_i32 = arith.constant 0 : i32
    %c0_i32_0 = arith.constant 0 : i32
    %c0_i32_1 = arith.constant 0 : i32
    return %c0_i32, %arg0, %c0_i32_0 : i32, i32, i32
  }
  func.func @transform_1(%arg0: i32) -> (i32, i32) {
    %c0_i32 = arith.constant 0 : i32
    %c0_i32_0 = arith.constant 0 : i32
    return %arg0, %c0_i32 : i32, i32
  }
  func.func @transform_2(%arg0: i32) -> (i32, i32) {
    %c0_i32 = arith.constant 0 : i32
    %c0_i32_0 = arith.constant 0 : i32
    return %arg0, %c0_i32 : i32, i32
  }
  func.func @transform_3(%arg0: i32) -> (i32, i32) {
    %c0_i32 = arith.constant 0 : i32
    %c0_i32_0 = arith.constant 0 : i32
    return %c0_i32, %arg0 : i32, i32
  }
  func.func @transform_4(%arg0: i32) -> (i32, i32) {
    %c0_i32 = arith.constant 0 : i32
    %c0_i32_0 = arith.constant 0 : i32
    %c0_i32_1 = arith.constant 0 : i32
    return %c0_i32, %c0_i32_0 : i32, i32
  }
  func.func @transform_5(%arg0: i32) -> (i32, i32) {
    %c0_i32 = arith.constant 0 : i32
    %c0_i32_0 = arith.constant 0 : i32
    %c0_i32_1 = arith.constant 0 : i32
    return %c0_i32, %c0_i32_0 : i32, i32
  }
  func.func @transform_6(%arg0: i32) -> (i32, i32) {
    %c0_i32 = arith.constant 0 : i32
    %c0_i32_0 = arith.constant 0 : i32
    %c0_i32_1 = arith.constant 0 : i32
    return %c0_i32, %c0_i32_0 : i32, i32
  }
  func.func @transform_7(%arg0: i32) -> (i32, i32) {
    %c0_i32 = arith.constant 0 : i32
    %c0_i32_0 = arith.constant 0 : i32
    return %arg0, %c0_i32 : i32, i32
  }
  func.func @transform_8(%arg0: i32) -> (i32, i32) {
    %c0_i32 = arith.constant 0 : i32
    %c0_i32_0 = arith.constant 0 : i32
    return %arg0, %c0_i32 : i32, i32
  }
  func.func @transform_9(%arg0: i32) -> (i32, i32) {
    %c0_i32 = arith.constant 0 : i32
    %c0_i32_0 = arith.constant 0 : i32
    return %arg0, %c0_i32 : i32, i32
  }
  func.func @transform_10(%arg0: i32) -> (i32, i32) {
    %c0_i32 = arith.constant 0 : i32
    %c0_i32_0 = arith.constant 0 : i32
    return %arg0, %c0_i32 : i32, i32
  }
}

module attributes {stable_mosaic.version = 14 : i64} {
  func.func @_tc_out_body(%arg0: i32, %arg1: memref<2x1024x64xf32, #tpu.memory_space<vmem>>, %arg2: memref<1024x128xf32, #tpu.memory_space<vmem>>, %arg3: memref<1024x128xf32, #tpu.memory_space<vmem>>, %arg4: memref<2x1024xf32, #tpu.memory_space<vmem>>, %arg5: memref<1x128xf32, #tpu.memory_space<vmem>>, %arg6: memref<1x128xf32, #tpu.memory_space<vmem>>, %arg7: memref<1x1xf32, #tpu.memory_space<vmem>>, %arg8: memref<1024x128xf32, #tpu.memory_space<vmem>>, %arg9: memref<128x128xf32, #tpu.memory_space<vmem>>, %arg10: memref<1x128xf32, #tpu.memory_space<vmem>>, %arg11: memref<1024x128xf32, #tpu.memory_space<vmem>>) attributes {dimension_semantics = [#tpu.dimension_semantics<arbitrary>], iteration_bounds = array<i64: 10>, scalar_prefetch = 0 : i64, scratch_operands = 0 : i64, tpu.core_type = #tpu.core_type<tc>, window_params = [{transform_indices = @transform_0, window_bounds = array<i64: 2, 1024, 64>}, {transform_indices = @transform_1, window_bounds = array<i64: 1024, 128>}, {transform_indices = @transform_2, window_bounds = array<i64: 1024, 128>}, {transform_indices = @transform_3, window_bounds = array<i64: 2, 1024>}, {pipeline_mode = #tpu.pipeline_mode<synchronous>, transform_indices = @transform_4, window_bounds = array<i64: 1, 128>}, {pipeline_mode = #tpu.pipeline_mode<synchronous>, transform_indices = @transform_5, window_bounds = array<i64: 1, 128>}, {pipeline_mode = #tpu.pipeline_mode<synchronous>, transform_indices = @transform_6, window_bounds = array<i64: 1, 1>}, {transform_indices = @transform_7, window_bounds = array<i64: 1024, 128>}, {pipeline_mode = #tpu.pipeline_mode<synchronous>, transform_indices = @transform_8, window_bounds = array<i64: 128, 128>}, {pipeline_mode = #tpu.pipeline_mode<synchronous>, transform_indices = @transform_9, window_bounds = array<i64: 1, 128>}, {transform_indices = @transform_10, window_bounds = array<i64: 1024, 128>}]} {
    %get3A = arith.constant 0 : index
    %get3A_0 = arith.constant 0 : index
    %get3A_1 = vector.load %arg4[%get3A, %get3A_0] : memref<2x1024xf32, #tpu.memory_space<vmem>>, vector<1x1024xf32>
    %get3A_2 = vector.shape_cast %get3A_1 : vector<1x1024xf32> to vector<1024xf32>
    %add3A = arith.constant 1.000000e+00 : f32
    %add3A_3 = vector.broadcast %add3A : f32 to vector<1024xf32>
    %add3A_4 = arith.addf %add3A_3, %get3A_2 : vector<1024xf32>
    %get3A_5 = arith.constant 1 : index
    %get3A_6 = arith.constant 0 : index
    %get3A_7 = vector.load %arg4[%get3A_5, %get3A_6] : memref<2x1024xf32, #tpu.memory_space<vmem>>, vector<1x1024xf32>
    %get3A_8 = vector.shape_cast %get3A_7 : vector<1x1024xf32> to vector<1024xf32>
    %add3A_9 = arith.addf %add3A_4, %get3A_8 : vector<1024xf32>
    %rsqrt3A = math.rsqrt %add3A_9 : vector<1024xf32>
    %broadcast_in_dim3A = vector.shape_cast %rsqrt3A : vector<1024xf32> to vector<1024x1xf32>
    %get3A_10 = arith.constant 0 : index
    %get3A_11 = arith.constant 0 : index
    %get3A_12 = arith.constant 0 : index
    %get3A_13 = vector.load %arg1[%get3A_10, %get3A_11, %get3A_12] : memref<2x1024x64xf32, #tpu.memory_space<vmem>>, vector<1x1024x64xf32>
    %get3A_14 = vector.shape_cast %get3A_13 : vector<1x1024x64xf32> to vector<1024x64xf32>
    %get3A_15 = arith.constant 1 : index
    %get3A_16 = arith.constant 0 : index
    %get3A_17 = arith.constant 0 : index
    %get3A_18 = vector.load %arg1[%get3A_15, %get3A_16, %get3A_17] : memref<2x1024x64xf32, #tpu.memory_space<vmem>>, vector<1x1024x64xf32>
    %get3A_19 = vector.shape_cast %get3A_18 : vector<1x1024x64xf32> to vector<1024x64xf32>
    %concatenate3A = tpu.concatenate %get3A_14, %get3A_19 in 1 : vector<1024x64xf32>, vector<1024x64xf32> -> vector<1024x128xf32>
    %get3A_20 = arith.constant 0 : index
    %get3A_21 = arith.constant 0 : index
    %get3A_22 = vector.load %arg3[%get3A_20, %get3A_21] : memref<1024x128xf32, #tpu.memory_space<vmem>>, vector<1024x128xf32>
    %add3A_23 = arith.addf %concatenate3A, %get3A_22 : vector<1024x128xf32>
    %mul3A = vector.broadcast %broadcast_in_dim3A : vector<1024x1xf32> to vector<1024x128xf32>
    %mul3A_24 = arith.mulf %add3A_23, %mul3A : vector<1024x128xf32>
    %get3A_25 = arith.constant 0 : index
    %get3A_26 = arith.constant 0 : index
    %get3A_27 = vector.load %arg2[%get3A_25, %get3A_26] : memref<1024x128xf32, #tpu.memory_space<vmem>>, vector<1024x128xf32>
    %sub3A = arith.subf %get3A_27, %mul3A_24 : vector<1024x128xf32>
    %get3A_28 = arith.constant 0 : index
    %get3A_29 = arith.constant 0 : index
    %get3A_30 = vector.load %arg5[%get3A_28, %get3A_29] : memref<1x128xf32, #tpu.memory_space<vmem>>, vector<1x128xf32>
    %mul3A_31 = vector.broadcast %get3A_30 : vector<1x128xf32> to vector<1024x128xf32>
    %mul3A_32 = arith.mulf %mul3A_24, %mul3A_31 : vector<1024x128xf32>
    %get3A_33 = arith.constant 0 : index
    %get3A_34 = arith.constant 0 : index
    %get3A_35 = vector.load %arg6[%get3A_33, %get3A_34] : memref<1x128xf32, #tpu.memory_space<vmem>>, vector<1x128xf32>
    %mul3A_36 = vector.broadcast %get3A_35 : vector<1x128xf32> to vector<1024x128xf32>
    %mul3A_37 = arith.mulf %sub3A, %mul3A_36 : vector<1024x128xf32>
    %add3A_38 = arith.addf %mul3A_32, %mul3A_37 : vector<1024x128xf32>
    %reduce_sum3A = arith.constant dense<0.000000e+00> : vector<1024xf32>
    %reduce_sum3A_39 = vector.multi_reduction <add>, %add3A_38, %reduce_sum3A [1] : vector<1024x128xf32> to vector<1024xf32>
    %broadcast_in_dim3A_40 = vector.shape_cast %reduce_sum3A_39 : vector<1024xf32> to vector<1024x1xf32>
    %get3A_41 = arith.constant 0 : index
    %get3A_42 = arith.constant 0 : index
    %get3A_43 = vector.load %arg7[%get3A_41, %get3A_42] : memref<1x1xf32, #tpu.memory_space<vmem>>, vector<1x1xf32>
    %get3A_44 = vector.extract %get3A_43[0, 0] : f32 from vector<1x1xf32>
    %add3A_45 = vector.broadcast %get3A_44 : f32 to vector<1024x1xf32>
    %add3A_46 = arith.addf %broadcast_in_dim3A_40, %add3A_45 : vector<1024x1xf32>
    %logistic3A = arith.negf %add3A_46 : vector<1024x1xf32>
    %logistic3A_47 = math.exp %logistic3A : vector<1024x1xf32>
    %logistic3A_48 = arith.constant 1.000000e+00 : f32
    %logistic3A_49 = vector.broadcast %logistic3A_48 : f32 to vector<1024x1xf32>
    %logistic3A_50 = arith.addf %logistic3A_49, %logistic3A_47 : vector<1024x1xf32>
    %logistic3A_51 = arith.divf %logistic3A_49, %logistic3A_50 : vector<1024x1xf32>
    %mul3A_52 = vector.broadcast %logistic3A_51 : vector<1024x1xf32> to vector<1024x128xf32>
    %mul3A_53 = arith.mulf %mul3A_52, %mul3A_24 : vector<1024x128xf32>
    %sub3A_54 = arith.constant 1.000000e+00 : f32
    %sub3A_55 = vector.broadcast %sub3A_54 : f32 to vector<1024x1xf32>
    %sub3A_56 = arith.subf %sub3A_55, %logistic3A_51 : vector<1024x1xf32>
    %mul3A_57 = vector.broadcast %sub3A_56 : vector<1024x1xf32> to vector<1024x128xf32>
    %mul3A_58 = arith.mulf %mul3A_57, %sub3A : vector<1024x128xf32>
    %add3A_59 = arith.addf %mul3A_53, %mul3A_58 : vector<1024x128xf32>
    %get3A_60 = arith.constant 0 : index
    %get3A_61 = arith.constant 0 : index
    %get3A_62 = vector.load %arg8[%get3A_60, %get3A_61] : memref<1024x128xf32, #tpu.memory_space<vmem>>, vector<1024x128xf32>
    %mul3A_63 = arith.constant 3.000000e-01 : f32
    %mul3A_64 = vector.broadcast %mul3A_63 : f32 to vector<1024x128xf32>
    %mul3A_65 = arith.mulf %mul3A_64, %get3A_62 : vector<1024x128xf32>
    %add3A_66 = arith.addf %add3A_59, %mul3A_65 : vector<1024x128xf32>
    %get3A_67 = arith.constant 0 : index
    %get3A_68 = arith.constant 0 : index
    %get3A_69 = vector.load %arg9[%get3A_67, %get3A_68] : memref<128x128xf32, #tpu.memory_space<vmem>>, vector<128x128xf32>
    %dot_general3A = arith.constant dense<0.000000e+00> : vector<1024x128xf32>
    %dot_general3A_70 = tpu.matmul %add3A_66, %get3A_69, %dot_general3A {dimension_numbers = #tpu.dot_dimension_numbers<[1], [0], [0], [1], [0, 0, 1, 1], [], []>, transpose_lhs_hint = false} : vector<1024x128xf32>, vector<128x128xf32>, vector<1024x128xf32> -> vector<1024x128xf32>
    %get3A_71 = arith.constant 0 : index
    %get3A_72 = arith.constant 0 : index
    %get3A_73 = vector.load %arg10[%get3A_71, %get3A_72] : memref<1x128xf32, #tpu.memory_space<vmem>>, vector<1x128xf32>
    %add3A_74 = vector.broadcast %get3A_73 : vector<1x128xf32> to vector<1024x128xf32>
    %add3A_75 = arith.addf %dot_general3A_70, %add3A_74 : vector<1024x128xf32>
    %swap3A = arith.constant 0 : index
    %swap3A_76 = arith.constant 0 : index
    %swap3A_77 = vector.load %arg11[%swap3A, %swap3A_76] : memref<1024x128xf32, #tpu.memory_space<vmem>>, vector<1024x128xf32>
    tpu.vector_store %arg11[%swap3A, %swap3A_76], %add3A_75 {strides = array<i32>} : memref<1024x128xf32, #tpu.memory_space<vmem>>, vector<1024x128xf32>,
    return
  }
  func.func @transform_0(%arg0: i32) -> (i32, i32, i32) {
    %c0_i32 = arith.constant 0 : i32
    %c0_i32_0 = arith.constant 0 : i32
    %c0_i32_1 = arith.constant 0 : i32
    return %c0_i32, %arg0, %c0_i32_0 : i32, i32, i32
  }
  func.func @transform_1(%arg0: i32) -> (i32, i32) {
    %c0_i32 = arith.constant 0 : i32
    %c0_i32_0 = arith.constant 0 : i32
    return %arg0, %c0_i32 : i32, i32
  }
  func.func @transform_2(%arg0: i32) -> (i32, i32) {
    %c0_i32 = arith.constant 0 : i32
    %c0_i32_0 = arith.constant 0 : i32
    return %arg0, %c0_i32 : i32, i32
  }
  func.func @transform_3(%arg0: i32) -> (i32, i32) {
    %c0_i32 = arith.constant 0 : i32
    %c0_i32_0 = arith.constant 0 : i32
    return %c0_i32, %arg0 : i32, i32
  }
  func.func @transform_4(%arg0: i32) -> (i32, i32) {
    %c0_i32 = arith.constant 0 : i32
    %c0_i32_0 = arith.constant 0 : i32
    %c0_i32_1 = arith.constant 0 : i32
    return %c0_i32, %c0_i32_0 : i32, i32
  }
  func.func @transform_5(%arg0: i32) -> (i32, i32) {
    %c0_i32 = arith.constant 0 : i32
    %c0_i32_0 = arith.constant 0 : i32
    %c0_i32_1 = arith.constant 0 : i32
    return %c0_i32, %c0_i32_0 : i32, i32
  }
  func.func @transform_6(%arg0: i32) -> (i32, i32) {
    %c0_i32 = arith.constant 0 : i32
    %c0_i32_0 = arith.constant 0 : i32
    %c0_i32_1 = arith.constant 0 : i32
    return %c0_i32, %c0_i32_0 : i32, i32
  }
  func.func @transform_7(%arg0: i32) -> (i32, i32) {
    %c0_i32 = arith.constant 0 : i32
    %c0_i32_0 = arith.constant 0 : i32
    return %arg0, %c0_i32 : i32, i32
  }
  func.func @transform_8(%arg0: i32) -> (i32, i32) {
    %c0_i32 = arith.constant 0 : i32
    %c0_i32_0 = arith.constant 0 : i32
    %c0_i32_1 = arith.constant 0 : i32
    return %c0_i32, %c0_i32_0 : i32, i32
  }
  func.func @transform_9(%arg0: i32) -> (i32, i32) {
    %c0_i32 = arith.constant 0 : i32
    %c0_i32_0 = arith.constant 0 : i32
    %c0_i32_1 = arith.constant 0 : i32
    return %c0_i32, %c0_i32_0 : i32, i32
  }
  func.func @transform_10(%arg0: i32) -> (i32, i32) {
    %c0_i32 = arith.constant 0 : i32
    %c0_i32_0 = arith.constant 0 : i32
    return %arg0, %c0_i32 : i32, i32
  }
}

</mosaic_0001>

<sc_bundles>
// kernel: kernel.11.cloned.1.call-start
scs
__scs_entry_jumppad:
0x0: {  	(pc) =	sbr.rel $0x88, $3  }
0x1: {  	(tag) =	ssettag $0x0;
	lr =	simm.s32 $0x1  }
0x2: {  	[smem:$0x3F97] =	sst lr;
	_ =	strace $0xD0000000  }
0x3: {  	_ = 	snop  }
0x4: {  	_ = 	snop  }
0x5: {  	_ = 	snop  }
0x6: {  	_ = 	snop  }
0x7: {  	_ = 	snop  }
__scs_overlays_trampoline_lowered:
0x8: {  	[smem:$0x3FA6] =	sst s0  }
0x9: {  	[smem:$0x3FA7] =	sst s1  }
0xa: {  	[smem:$0x3FA8] =	sst s2  }
0xb: {  	[smem:$0x3FA9] =	sst s3  }
0xc: {  	[smem:$0x3FAA] =	sst s4  }
0xd: {  	[smem:$0x3FAB] =	sst s5  }
0xe: {  	[smem:$0x3FAC] =	sst s6  }
0xf: {  	[smem:$0x3FAD] =	sst s7  }
0x10: {  	[smem:$0x3FAE] =	sst s8  }
0x11: {  	[smem:$0x3FAF] =	sst s9;
	s0 =	simm.s32 @!p0 $0x0  }
0x12: {  	s1 =	sld [smem:$0x3F95];
	s0 =	simm.s32 @p0 $0x1  }
0x13: {  	[smem:$0x3FB0] =	sst s0;
	s0 =	simm.s32 @!p1 $0x0  }
0x14: {  	s2 =	sld [smem:$0x3F94];
	s0 =	simm.s32 @p1 $0x1  }
0x15: {  	[smem:$0x3FB1] =	sst s0;
	s0 =	simm.s32 @!p2 $0x0  }
0x16: {  	s3 =	sld [smem:$0x3FDB];
	s0 =	simm.s32 @p2 $0x1  }
0x17: {  	s4 =	simm.s32 $0x1BF5;
	[smem:$0x3FB3] =	sst s0  }
0x18: {  	s0 =	sld [smem:$0x3F96];
	_ =	swait.ge [sflag:s4], $0x0  }
0x19: {  	s7 =	sld [smem:$0x3F97]  }
0x1a: {  	s8 =	sadd.s32 $0xFFFFE003, lr  }
0x1b: {  	s9 =	sadd.s32 $0xFFFFFEF7, lr;
	s5 =	simm.s32 $0xFFFFFFFF;
	p2 =	slt.u32 s8, $0xFFFFF086  }
0x1c: {  	p1 =	slt.u32 s9, $0xF7A;
	s5 =	simm.s32 @!p2 $0x0  }
0x1d: {  	s5 =	simm.s32 @p1 $0x1;
	p0 =	seq.s32 s7, s2  }
0x1e: {  	s7 =	smul.u32 @!p0 $0xF7A, s2;
	p2 =	seq.s32 @!p0 s5, $0x0  }
0x1f: {  	s9 =	smul.u32 $0xF7A, s1;
	s8 =	simm.s32 @!p0 $0x1BF5;
	p2 =	por !p2, p0  }
0x20: {  	[sflag:s8] =	ssyncset.s32 @!p0 $0xFFFFF086;
	s6 =	sadd.s32 @!p0 s3, s7;
	s7 =	simm.s32 @!p0 $0x108  }
0x21: {  	s3 =	sadd.s32 s3, s9;
	s6 =	sadd.s32 @!p0 $0x88, s6;
	s7 =	simm.s32 @p2 $0x1082  }
0x22: {  	[simem:s7], [sflag:s8] =	dma.local @!p0 [hbm:s6], $0xF7A  }
0x23: {  	s9 =	sor.u32 $0xD0000000, s2;
	s6 =	simm.s32 $0x108;
	_ =	swait.ge @!p0 [sflag:s8], $0x0  }
0x24: {  	s3 =	sadd.s32 $0x88, s3;
	s6 =	simm.s32 @!p1 $0x1082;
	[sflag:s4] =	ssyncset.s32 $0xFFFFF086  }
0x25: {  	[simem:s6], [sflag:s4] =	dma.local [hbm:s3], $0xF7A  }
0x26: {  	[smem:$0x3F97] =	sst s1;
	(tag) =	ssettag s2;
	_ =	strace s9  }
0x27: {  	s1 =	sld [smem:$0x3FA7]  }
0x28: {  	s2 =	sld [smem:$0x3FA8]  }
0x29: {  	s4 =	sld [smem:$0x3FAA]  }
0x2a: {  	p0 =	seq.s32 s5, $0x0;
	s5 =	sld [smem:$0x3FAB]  }
0x2b: {  	s6 =	sld [smem:$0x3FAC]  }
0x2c: {  	s7 =	sld [smem:$0x3FAD]  }
0x2d: {  	s3 =	simm.s32 $0x108;
	s8 =	sld [smem:$0x3FAE]  }
0x2e: {  	s3 =	simm.s32 @!p0 $0x1082;
	s9 =	sld [smem:$0x3FAF]  }
0x2f: {  	lr =	sadd.s32 s0, s3;
	s0 =	sld [smem:$0x3FA6]  }
0x30: {  	s3 =	sld [smem:$0x3FA9]  }
0x31: {  	[smem:$0x3FB2] =	sst s10  }
0x32: {  	s10 =	sld [smem:$0x3FB0];
	_ =	sdelay $0x3  }
0x33: {  	p0 =	seq.s32 s10, $0x1;
	s10 =	sld [smem:$0x3FB2];
	_ =	sdelay $0x3  }
0x34: {  	[smem:$0x3FB2] =	sst s10  }
0x35: {  	s10 =	sld [smem:$0x3FB1];
	_ =	sdelay $0x3  }
0x36: {  	p1 =	seq.s32 s10, $0x1;
	s10 =	sld [smem:$0x3FB2];
	_ =	sdelay $0x3  }
0x37: {  	[smem:$0x3FB2] =	sst s10  }
0x38: {  	s10 =	sld [smem:$0x3FB3]  }
0x39: {  	_ = 	snop;
	(pc) =	sbr.ind lr, $3  }
0x3a: {  	_ = 	snop  }
0x3b: {  	_ = 	snop  }
0x3c: {  	p2 =	seq.s32 s10, $0x1;
	s10 =	sld [smem:$0x3FB2]  }
0x3d: {  	_ =	shalt  }
0x3e: {  	_ =	shalt  }
0x3f: {  	_ =	shalt  }
0x40: {  	_ =	shalt  }
0x41: {  	_ =	shalt  }
0x42: {  	_ =	shalt  }
0x43: {  	_ =	shalt  }
0x44: {  	_ =	shalt  }
0x45: {  	_ =	shalt  }
0x46: {  	_ =	shalt  }
0x47: {  	_ =	shalt  }
0x48: {  	_ =	shalt  }
0x49: {  	_ =	shalt  }
0x4a: {  	_ =	shalt  }
0x4b: {  	_ =	shalt  }
0x4c: {  	_ =	shalt  }
0x4d: {  	_ =	shalt  }
0x4e: {  	_ =	shalt  }
0x4f: {  	_ =	shalt  }
0x50: {  	_ =	shalt  }
0x51: {  	_ =	shalt  }
0x52: {  	_ =	shalt  }
0x53: {  	_ =	shalt  }
0x54: {  	_ =	shalt  }
0x55: {  	_ =	shalt  }
0x56: {  	_ =	shalt  }
0x57: {  	_ =	shalt  }
0x58: {  	_ =	shalt  }
0x59: {  	_ =	shalt  }
0x5a: {  	_ =	shalt  }
0x5b: {  	_ =	shalt  }
0x5c: {  	_ =	shalt  }
0x5d: {  	_ =	shalt  }
0x5e: {  	_ =	shalt  }
0x5f: {  	_ =	shalt  }
0x60: {  	_ =	shalt  }
0x61: {  	_ =	shalt  }
0x62: {  	_ =	shalt  }
0x63: {  	_ =	shalt  }
0x64: {  	_ =	shalt  }
0x65: {  	_ =	shalt  }
0x66: {  	_ =	shalt  }
0x67: {  	_ =	shalt  }
0x68: {  	_ =	shalt  }
0x69: {  	_ =	shalt  }
0x6a: {  	_ =	shalt  }
0x6b: {  	_ =	shalt  }
0x6c: {  	_ =	shalt  }
0x6d: {  	_ =	shalt  }
0x6e: {  	_ =	shalt  }
0x6f: {  	_ =	shalt  }
0x70: {  	_ =	shalt  }
0x71: {  	_ =	shalt  }
0x72: {  	_ =	shalt  }
0x73: {  	_ =	shalt  }
0x74: {  	_ =	shalt  }
0x75: {  	_ =	shalt  }
0x76: {  	_ =	shalt  }
0x77: {  	_ =	shalt  }
0x78: {  	_ =	shalt  }
0x79: {  	_ =	shalt  }
0x7a: {  	_ =	shalt  }
0x7b: {  	_ =	shalt  }
0x7c: {  	_ =	shalt  }
0x7d: {  	_ =	shalt  }
0x7e: {  	_ =	shalt  }
0x7f: {  	_ =	shalt  }
0x80: {  	_ =	shalt  }
0x81: {  	_ =	shalt  }
0x82: {  	_ =	shalt  }
0x83: {  	_ =	shalt  }
0x84: {  	_ =	shalt  }
0x85: {  	_ =	shalt  }
0x86: {  	_ =	shalt  }
0x87: {  	_ =	shalt  }
.Lfunc_end0:
.L_simem_size_0:
called_computation.1_lowered:
.L_overlay_start_0:
0x88: {  	s2 =	sld [smem:$0x3FD9]  }
0x89: {  	s3 =	sld [smem:$0x3FFE];
	_ =	sdelay $0x1  }
0x8a: {  	s1 =	srdreg.scid  }
0x8b: {  	s0 =	sand.u32 $0x1, s1  }
0x8c: {  	s16 =	sshll.u32 s0, $0xA;
	s2 =	sadd.s32 s3, s2  }
0x8d: {  	s2 =	sadd.s32 s2, s16  }
0x8e: {  	[smem:$0x3FBE] =	sst s2  }
0x8f: {  	_ = 	snop  }
0x90: {  	(tm) =	ssettm $0x1  }
0x91: {  	s17 =	sld [smem:$0x3FFB];
	_ =	sdelay $0x3  }
0x92: {  	_ =	strace s17  }
0x93: {  	s2 =	sld [smem:$0x3FFC];
	_ =	sdelay $0x3  }
0x94: {  	_ =	strace s2  }
0x95: {  	s2 =	sld [smem:$0x3FFD];
	_ =	sdelay $0x3  }
0x96: {  	_ =	strace s2  }
0x97: {  	_ =	strace $0x8FFFFFFF  }
0x98: {  	s18 =	sld [smem:$0x3FDB];
	_ =	sdelay $0x1  }
0x99: {  	s19 =	simm.s32 $_scs_section_size  }
0x9a: {  	s4 =	simm.s32 $_size__tile_overlayer_lowered;
	s5 =	simm.s32 $_tile_overlayer_lowered  }
0x9b: {  	s22 =	simm.s32 $0x1BFF;
	s21 =	sshll.u32 s5, $0x1;
	s2 =	sadd.s32 s19, s18  }
0x9c: {  	s6 =	simm.s32 $0x0;
	s20 =	sshll.u32 s4, $0x1;
	s4 =	sadd.s32 s21, s2  }
0x9d: {  	[timem:s6], [sflag:s22] =	dma.local [hbm:s4], s20  }
0x9e: {  	_ =	swait.ge [sflag:s22], s20  }
0x9f: {  	s3 =	ssub.s32 $0x0, s20;
	[sflag:s22] =	ssyncset.done $0x0  }
0xa0: {  	[sflag:s22] =	ssyncadd.s32 s3;
	_ =	sdelay $0x1  }
0xa1: {  	s23 =	simm.s32 $0x1B8B  }
0xa2: {  	_ =	swait.ge [sflag:s23], $0x1  }
0xa3: {  	[sflag:s23] =	ssyncset.done $0x0  }
0xa4: {  	s25 =	simm.s32 $0x1B8E;
	s24 =	sld [smem:$0x3FFE];
	[sflag:s23] =	ssyncadd.s32 $0xFFFFFFFF  }
0xa5: {  	s26 =	simm.s32 $execute0_lowered;
	[smem:$0x3FD2] =	sst s25  }
0xa6: {  	s4 =	sshll.u32 s26, $0x1;
	_ =	strace $0x80000049;
	[dreg:$0x1] =	wrdreg $0xFFFFFFFF  }
0xa7: {  	s28 =	simm.s32 $_size_execute0_lowered;
	s2 =	sadd.s32 s2, s4;
	[dreg:$0x0] =	wrdreg $0x0  }
0xa8: {  	s4 =	sshll.u32 s28, $0x1;
	[dreg:$0x2] =	wrdreg s2  }
0xa9: {  	[dreg:$0x3] =	wrdreg s4  }
0xaa: {  	[dreg:$0x4] =	wrdreg $0xC0  }
0xab: {  	_ =	task [dreg:s6], $0x5FFFF  }
0xac: {  	[dreg:$0x1] =	wrdreg $0xFFFFFFFF  }
0xad: {  	[dreg:$0x0] =	wrdreg $0x60  }
0xae: {  	[dreg:$0x2] =	wrdreg s24  }
0xaf: {  	[dreg:$0x3] =	wrdreg $0x104000  }
0xb0: {  	[dreg:$0x4] =	wrdreg $0x9  }
0xb1: {  	_ =	task.clear_ibuf [dreg:s6], $0x5FFFF;
	_ =	strace $0x90000049  }
0xb2: {  	s29 =	simm.s32 $0x9;
	_ =	strace $0x8000004B  }
0xb3: {  	_ =	swait.ge [sflag:s29], $0x1  }
0xb4: {  	[sflag:s29] =	ssyncadd.s32 $0xFFFFFFFF  }
0xb5: {  	_ =	strace $0x9000004B  }
0xb6: {  	_ =	sfence  }
0xb7: {  	s30 =	sld [smem:$0x0];
	_ =	sdelay $0x2  }
0xb8: {  	s31 =	sshll.u32 s1, $0xD;
	s1 =	sshrl.u32 s1, $0x2  }
0xb9: {  	s3 =	sand.u32 $0x4000, s31;
	s1 =	sadd.s32 s1, s30  }
0xba: {  	s0 =	sor.u32 s3, s0;
	s1 =	sshll.u32 s1, $0x11  }
0xbb: {  	s0 =	sor.u32 s1, s0  }
0xbc: {  	s0 =	sadd.s32 $0x8F2B, s0  }
0xbd: {  	[sflag:s0] =	ssyncadd.remote.s32 $0x1  }
0xbe: {  	_ =	sfence.sel $0xFFFF  }
0xbf: {  	[dreg:$0x0] =	wrdreg $0xFFFFFFFF;
	(pc) =	sbr.abs _section_cstart, $3  }
0xc0: {  	[dreg:$0x1] =	wrdreg $0xFFFFFFFF  }
0xc1: {  	_ =	task.clear_ibuf [dreg:s6], $0x2FFFF;
	_ =	strace $0x9FFFFFFF  }
0xc2: {  	(tm) =	ssettm $0x7FFFFFFF  }
0xc3: {  	_ =	shalt  }
tec
execute0_lowered:
.L_overlay_start_1:
0x0: {  	(tag) =	ssettag $0x1  }
0x1: {  	s0 =	srdreg.scid;
	s1 =	rddreg [dreg:$0x0]  }
0x2: {  	s7 =	stileid.u32;
	s2 =	rddreg [dreg:$0x1]  }
0x3: {  	s6 =	simm.s32 $0x0;
	s10 =	simm.s32 $0x9;
	s12 =	simm.s32 $0x10000  }
0x4: {  	s13 =	simm.s32 $0x40;
	s16 =	simm.s32 $0xB000;
	s17 =	simm.s32 $0x1  }
0x5: {  	s18 =	simm.s32 $0xC000;
	s19 =	simm.s32 $0xB800;
	s3 =	smul.u32 $0x5000, s7  }
0x6: {  	s20 =	simm.s32 $0x2;
	s21 =	simm.s32 $0xD000;
	s9 =	smul.u32 $0xA000, s7  }
0x7: {  	s28 =	simm.s32 $0x4;
	s0 =	sand.u32 $0x1, s0;
	s7 =	smul.u32 $0x28000, s7  }
0x8: {  	s29 =	simm.s32 $0xF000;
	s30 =	simm.s32 $0x7;
	s4 =	smul.u32 $0x50000, s0  }
0x9: {  	[smem:$0x7FF] =	sst s6;
	s5 =	smul.u32 $0xA0000, s0;
	s0 =	ssub.s32 $0x2, s0  }
0xa: {  	s31 =	simm.s32 $0x8;
	_ =	strace $0x8000004A;
	s23 =	sshrl.u32 s0, $0x1  }
0xb: {  	s25 =	sshrl.u32 s7, $0x2;
	s26 =	sadd.s32 s9, s2;
	s22 =	sadd.s32 s3, s4  }
0xc: {  	s4 =	sadd.s32 $0x51C00, s1;
	s3 =	sshrl.u32 s3, $0x3;
	s5 =	sadd.s32 s9, s5  }
0xd: {  	s0 =	ssub.s32 s0, s23;
	s7 =	sadd.s32 s25, s2;
	s23 =	simm.s32 $0x3  }
0xe: {  	s25 =	sshrl.u32 s26, $0x3;
	s26 =	simm.s32 $0x6;
	s6 =	sshrl.u32 s22, $0x3  }
0xf: {  	s5 =	sshrl.u32 s5, $0x3;
	s3 =	sadd.s32 s3, s1;
	s0 =	smax.u32 s0, $0x1  }
0x10: {  	v0 =	vlaneseq.u32;
	s6 =	sadd.s32 s6, s1;
	s3 =	sadd.s32 $0x1C00, s3;
	[dreg:$0x6] =	wrdreg s0  }
0x11: {  	v0 =	vmul.u32 $0x2, v0;
	s1 =	sadd.s32 s5, s1;
	s24 =	sadd.s32 $0x15C00, s6;
	[dreg:$0x4] =	wrdreg s3  }
0x12: {  	v1 =	vimm.f32 $0.0e+00;
	s22 =	simm.s32 $0x5;
	s1 =	sadd.s32 $0x65C00, s1;
	[dreg:$0x3] =	wrdreg s24  }
0x13: {  	v2 =	vor.u32 $0x1, v0;
	v3 =	vor.u32 $0x20, v0;
	v4 =	vor.u32 $0x21, v0;
	[dreg:$0x5] =	wrdreg s1;
	s24 =	simm.s32 $0xE000;
	s1 =	simm.s32 $0x0  }
.LBB2_1:
0x14: {  	s0 =	simm.s32 $0x0;
	s3 =	rddreg [dreg:$0x3]  }
0x15: {  	[tilespmem:s0], [sflag:$0x9] =	stream.linear.gather [hbm4b:s3+s0], $0x5000, $0x38;
	[tilespmem:$0x1A400] =	vst v63  }
0x16: {  	_ =	swait.ge [sflag:s10], $0x5000  }
0x17: {  	[sflag:s10] =	ssyncset.done $0x0  }
0x18: {  	s5 =	simm.s32 $0x5000;
	s14 =	rddreg [dreg:$0x4];
	[sflag:s10] =	ssyncadd.s32 $0xFFFFB000  }
0x19: {  	[tilespmem:s5], [sflag:$0x9] =	stream.linear.gather [hbm4b:s14+s0], $0x5000, $0x38;
	[tilespmem:$0x1A400] =	vst v63  }
0x1a: {  	_ =	swait.ge [sflag:s10], $0x5000  }
0x1b: {  	[sflag:s10] =	ssyncset.done $0x0  }
0x1c: {  	[sflag:s10] =	ssyncadd.s32 $0xFFFFB000  }
0x1d: {  	[tilespmem:$0x10000] =	vst v1  }
0x1e: {  	[tilespmem:$0x10010] =	vst v1  }
0x1f: {  	[tilespmem:$0x10020] =	vst v1  }
0x20: {  	[tilespmem:$0x10030] =	vst v1  }
0x21: {  	[tilespmem:$0x10040] =	vst v1  }
0x22: {  	[tilespmem:$0x10050] =	vst v1  }
0x23: {  	[tilespmem:$0x10060] =	vst v1  }
0x24: {  	[tilespmem:$0x10070] =	vst v1  }
0x25: {  	[tilespmem:$0x10080] =	vst v1  }
0x26: {  	[tilespmem:$0x10090] =	vst v1  }
0x27: {  	[tilespmem:$0x100A0] =	vst v1  }
0x28: {  	[tilespmem:$0x100B0] =	vst v1  }
0x29: {  	[tilespmem:$0x100C0] =	vst v1  }
0x2a: {  	[tilespmem:$0x100D0] =	vst v1  }
0x2b: {  	[tilespmem:$0x100E0] =	vst v1  }
0x2c: {  	[tilespmem:$0x100F0] =	vst v1  }
0x2d: {  	[tilespmem:$0x10100] =	vst v1  }
0x2e: {  	[tilespmem:$0x10110] =	vst v1  }
0x2f: {  	[tilespmem:$0x10120] =	vst v1  }
0x30: {  	[tilespmem:$0x10130] =	vst v1  }
0x31: {  	[tilespmem:$0x10140] =	vst v1  }
0x32: {  	[tilespmem:$0x10150] =	vst v1  }
0x33: {  	[tilespmem:$0x10160] =	vst v1  }
0x34: {  	[tilespmem:$0x10170] =	vst v1  }
0x35: {  	[tilespmem:$0x10180] =	vst v1  }
0x36: {  	[tilespmem:$0x10190] =	vst v1  }
0x37: {  	[tilespmem:$0x101A0] =	vst v1  }
0x38: {  	[tilespmem:$0x101B0] =	vst v1  }
0x39: {  	[tilespmem:$0x101C0] =	vst v1  }
0x3a: {  	[tilespmem:$0x101D0] =	vst v1  }
0x3b: {  	[tilespmem:$0x101E0] =	vst v1  }
0x3c: {  	[tilespmem:$0x101F0] =	vst v1  }
0x3d: {  	[tilespmem:$0x10200] =	vst v1  }
0x3e: {  	[tilespmem:$0x10210] =	vst v1  }
0x3f: {  	[tilespmem:$0x10220] =	vst v1  }
0x40: {  	[tilespmem:$0x10230] =	vst v1  }
0x41: {  	[tilespmem:$0x10240] =	vst v1  }
0x42: {  	[tilespmem:$0x10250] =	vst v1  }
0x43: {  	[tilespmem:$0x10260] =	vst v1  }
0x44: {  	[tilespmem:$0x10270] =	vst v1  }
0x45: {  	[tilespmem:$0x10280] =	vst v1  }
0x46: {  	[tilespmem:$0x10290] =	vst v1  }
0x47: {  	[tilespmem:$0x102A0] =	vst v1  }
0x48: {  	[tilespmem:$0x102B0] =	vst v1  }
0x49: {  	[tilespmem:$0x102C0] =	vst v1  }
0x4a: {  	[tilespmem:$0x102D0] =	vst v1  }
0x4b: {  	[tilespmem:$0x102E0] =	vst v1  }
0x4c: {  	[tilespmem:$0x102F0] =	vst v1  }
0x4d: {  	[tilespmem:$0x10300] =	vst v1  }
0x4e: {  	[tilespmem:$0x10310] =	vst v1  }
0x4f: {  	[tilespmem:$0x10320] =	vst v1  }
0x50: {  	[tilespmem:$0x10330] =	vst v1  }
0x51: {  	[tilespmem:$0x10340] =	vst v1  }
0x52: {  	[tilespmem:$0x10350] =	vst v1  }
0x53: {  	[tilespmem:$0x10360] =	vst v1  }
0x54: {  	[tilespmem:$0x10370] =	vst v1  }
0x55: {  	[tilespmem:$0x10380] =	vst v1  }
0x56: {  	[tilespmem:$0x10390] =	vst v1  }
0x57: {  	[tilespmem:$0x103A0] =	vst v1  }
0x58: {  	[tilespmem:$0x103B0] =	vst v1  }
0x59: {  	[tilespmem:$0x103C0] =	vst v1  }
0x5a: {  	[tilespmem:$0x103D0] =	vst v1  }
0x5b: {  	[tilespmem:$0x103E0] =	vst v1  }
0x5c: {  	s15 =	sadd.s32 $0x0, s7;
	[tilespmem:$0x103F0] =	vst v1  }
0x5d: {  	[spmem:s15] =	stream.linear.scatter [tilespmem:s12], [sflag:$0x9], $0x400, $0x38;
	[tilespmem:$0x1A400] =	vst v63  }
0x5e: {  	s0 =	simm.s32 $0x1000;
	_ =	swait.ge [sflag:s10], $0x400  }
.LBB2_2:
0x5f: {  	s3 =	sshra.s32 s0, $0x2;
	[sflag:s10] =	ssyncset.done $0x0;
	p0 =	sne.s32 s0, $0x27000  }
.Ltmp0:
0x60: {  	s3 =	sadd.s32 s3, s7;
	[sflag:s10] =	ssyncadd.s32 $0xFFFFFC00;
	(pc) =	sbr.rel @p0 .LBB2_2-.Ltmp0, $3  }
0x61: {  	[spmem:s3] =	stream.linear.scatter [tilespmem:s12], [sflag:$0x9], $0x400, $0x38;
	[tilespmem:$0x1A400] =	vst v63  }
0x62: {  	s0 =	sadd.s32 $0x1000, s0;
	_ =	sdelay $0x1  }
0x63: {  	_ =	swait.ge [sflag:s10], $0x400  }
0x64: {  	[sflag:s10] =	ssyncset.done $0x0  }
0x65: {  	[sflag:s10] =	ssyncadd.s32 $0xFFFFFC00  }
0x66: {  	s11 =	simm.s32 $0x0;
	s0 =	simm.s32 $0xA000;
	[bflag:$0x0] =	sbarrier.arrive $0xFFFF  }
0x67: {  	[tilespmem:s0], [sflag:$0x1] =	stream.indirect.gather [hbm4b:s4+s13], $0x20, s11, s13, $0xb8;
	[tilespmem:$0x1A400] =	vst v63  }
0x68: {  	s15 =	simm.s32 $0xA800  }
0x69: {  	[tilespmem:s15], [sflag:$0x2] =	stream.indirect.gather [hbm4b:s4+s13], $0x20, s13, s13, $0xb8;
	[tilespmem:$0x1A400] =	vst v63  }
.LBB2_4:
0x6a: {  	p0 =	seq.s32 s11, $0x0  }
0x6b: {  	s3 =	simm.s32 @!p0 $0x7  }
0x6c: {  	s0 =	sshll.u32 s11, $0xA;
	_ =	swait.ge @!p0 [sflag:s3], $0x1000  }
0x6d: {  	s5 =	sor.u32 $0x200, s0;
	[sflag:s3] =	ssyncset.done @!p0 $0x0  }
0x6e: {  	s14 =	sshrl.u32 s5, $0x2;
	[sflag:s3] =	ssyncadd.s32 @!p0 $0xFFFFF000  }
0x6f: {  	[tilespmem:s16], [sflag:$0x3] =	stream.indirect.gather [hbm4b:s4+s13], $0x20, s14, s13, $0xb8;
	[tilespmem:$0x1A400] =	vst v63  }
0x70: {  	_ =	swait.ge [sflag:s17], $0x800  }
0x71: {  	[sflag:s17] =	ssyncset.done $0x0  }
0x72: {  	s3 =	simm.s32 $0xA020;
	[sflag:s17] =	ssyncadd.s32 $0xFFFFF800  }
0x73: {  	s15 =	simm.s32 $0x0;
	v5 =	vld [tilespmem:s3+$0xFFFFFFE0]  }
0x74: {  	v6 =	vor.u32 s15, v0  }
0x75: {  	v7 =	vor.u32 s15, v2;
	_ =	sdelay $0x2  }
0x76: {  	v8 =	vshll.u32 v5, $0x10  }
0x77: {  	v5 =	vand.u32 $0xFFFF0000, v5;
	[tilespmem:v6+s18+$0x0] =	vst.idx.msk $0xffff, v8  }
0x78: {  	[tilespmem:v7+s18+$0x0] =	vst.idx.msk $0xffff, v5  }
0x79: {  	v5 =	vld [tilespmem:s3+$0xFFFFFFF0]  }
0x7a: {  	v6 =	vor.u32 s15, v3  }
0x7b: {  	v7 =	vor.u32 s15, v4;
	_ =	sdelay $0x2  }
0x7c: {  	v8 =	vshll.u32 v5, $0x10  }
0x7d: {  	v5 =	vand.u32 $0xFFFF0000, v5;
	[tilespmem:v6+s18+$0x0] =	vst.idx.msk $0xffff, v8  }
0x7e: {  	[tilespmem:v7+s18+$0x0] =	vst.idx.msk $0xffff, v5  }
0x7f: {  	s6 =	simm.s32 $0x40;
	v5 =	vld [tilespmem:s3+$0x0]  }
0x80: {  	v6 =	vor.u32 s6, v0  }
0x81: {  	v7 =	vor.u32 s6, v2;
	_ =	sdelay $0x2  }
0x82: {  	v8 =	vshll.u32 v5, $0x10  }
0x83: {  	v5 =	vand.u32 $0xFFFF0000, v5;
	[tilespmem:v6+s18+$0x0] =	vst.idx.msk $0xffff, v8  }
0x84: {  	[tilespmem:v7+s18+$0x0] =	vst.idx.msk $0xffff, v5  }
0x85: {  	v6 =	vld [tilespmem:s3+$0x10]  }
0x86: {  	v7 =	vor.u32 s6, v3;
	_ =	sdelay $0x1  }
0x87: {  	v5 =	vor.u32 s6, v4;
	_ =	sdelay $0x1  }
0x88: {  	v8 =	vshll.u32 v6, $0x10  }
0x89: {  	s5 =	simm.s32 $0x2;
	v6 =	vand.u32 $0xFFFF0000, v6;
	[tilespmem:v7+s18+$0x0] =	vst.idx.msk $0xffff, v8  }
.LBB2_5:
0x8a: {  	p1 =	slt.u32 s5, $0x3E  }
0x8b: {  	[tilespmem:v5+s18+$0x0] =	vst.idx.msk $0xffff, v6;
	s3 =	sadd.s32 $0x40, s3;
	s6 =	smov.u32 s5;
	s5 =	sadd.s32 $0x2, s5  }
0x8c: {  	v5 =	vld [tilespmem:s3+$0xFFFFFFE0];
	s6 =	sshll.u32 s6, $0x6  }
0x8d: {  	v6 =	vor.u32 s6, v0;
	s15 =	sadd.s32 $0x40, s6  }
0x8e: {  	v7 =	vor.u32 s6, v2;
	_ =	sdelay $0x2  }
0x8f: {  	v8 =	vshll.u32 v5, $0x10  }
0x90: {  	v5 =	vand.u32 $0xFFFF0000, v5;
	[tilespmem:v6+s18+$0x0] =	vst.idx.msk $0xffff, v8  }
0x91: {  	[tilespmem:v7+s18+$0x0] =	vst.idx.msk $0xffff, v5  }
0x92: {  	v5 =	vld [tilespmem:s3+$0xFFFFFFF0]  }
0x93: {  	v6 =	vor.u32 s6, v3  }
0x94: {  	v7 =	vor.u32 s6, v4;
	_ =	sdelay $0x2  }
0x95: {  	v8 =	vshll.u32 v5, $0x10  }
0x96: {  	v5 =	vand.u32 $0xFFFF0000, v5;
	[tilespmem:v6+s18+$0x0] =	vst.idx.msk $0xffff, v8  }
0x97: {  	[tilespmem:v7+s18+$0x0] =	vst.idx.msk $0xffff, v5  }
0x98: {  	v5 =	vld [tilespmem:s3+$0x0]  }
0x99: {  	v6 =	vor.u32 s15, v0  }
0x9a: {  	v7 =	vor.u32 s15, v2;
	_ =	sdelay $0x2  }
0x9b: {  	v8 =	vshll.u32 v5, $0x10  }
0x9c: {  	v5 =	vand.u32 $0xFFFF0000, v5;
	[tilespmem:v6+s18+$0x0] =	vst.idx.msk $0xffff, v8  }
0x9d: {  	[tilespmem:v7+s18+$0x0] =	vst.idx.msk $0xffff, v5  }
0x9e: {  	v6 =	vld [tilespmem:s3+$0x10]  }
0x9f: {  	v7 =	vor.u32 s15, v3  }
.Ltmp1:
0xa0: {  	v5 =	vor.u32 s15, v4;
	(pc) =	sbr.rel @p1 .LBB2_5-.Ltmp1, $3  }
0xa1: {  	_ =	sdelay $0x1  }
0xa2: {  	v8 =	vshll.u32 v6, $0x10  }
0xa3: {  	v6 =	vand.u32 $0xFFFF0000, v6;
	[tilespmem:v7+s18+$0x0] =	vst.idx.msk $0xffff, v8  }
0xa4: {  	_ =	sdelay $0x2  }
0xa5: {  	s3 =	sshrl.u32 s0, $0x2  }
0xa6: {  	[tilespmem:v5+s18+$0x0] =	vst.idx.msk $0xffff, v6;
	s5 =	sadd.s32 $0x5000, s3  }
0xa7: {  	[spmem:s2] =	stream.indirect.scatter.add.f32 [tilespmem:s18], [sflag:$0x5], $0x40, s5, s13, $0xb8;
	[tilespmem:$0x1A400] =	vst v63  }
0xa8: {  	s5 =	simm.s32 @!p0 $0x8  }
0xa9: {  	_ =	swait.ge @!p0 [sflag:s5], $0x1000  }
0xaa: {  	s6 =	sor.u32 $0x300, s0;
	[sflag:s5] =	ssyncset.done @!p0 $0x0  }
0xab: {  	s15 =	sshrl.u32 s6, $0x2;
	[sflag:s5] =	ssyncadd.s32 @!p0 $0xFFFFF000  }
0xac: {  	[tilespmem:s19], [sflag:$0x4] =	stream.indirect.gather [hbm4b:s4+s13], $0x20, s15, s13, $0xb8;
	[tilespmem:$0x1A400] =	vst v63  }
0xad: {  	_ =	swait.ge [sflag:s20], $0x800  }
0xae: {  	[sflag:s20] =	ssyncset.done $0x0  }
0xaf: {  	s5 =	simm.s32 $0xA830;
	[sflag:s20] =	ssyncadd.s32 $0xFFFFF800  }
0xb0: {  	s9 =	simm.s32 $0x0;
	v5 =	vld [tilespmem:s5+$0xFFFFFFD0]  }
0xb1: {  	v6 =	vor.u32 s9, v0  }
0xb2: {  	v7 =	vor.u32 s9, v2;
	_ =	sdelay $0x2  }
0xb3: {  	v8 =	vshll.u32 v5, $0x10  }
0xb4: {  	v5 =	vand.u32 $0xFFFF0000, v5;
	[tilespmem:v6+s21+$0x0] =	vst.idx.msk $0xffff, v8  }
0xb5: {  	[tilespmem:v7+s21+$0x0] =	vst.idx.msk $0xffff, v5  }
0xb6: {  	v5 =	vld [tilespmem:s5+$0xFFFFFFE0]  }
0xb7: {  	v6 =	vor.u32 s9, v3  }
0xb8: {  	v7 =	vor.u32 s9, v4;
	_ =	sdelay $0x2  }
0xb9: {  	v8 =	vshll.u32 v5, $0x10  }
0xba: {  	v5 =	vand.u32 $0xFFFF0000, v5;
	[tilespmem:v6+s21+$0x0] =	vst.idx.msk $0xffff, v8  }
0xbb: {  	[tilespmem:v7+s21+$0x0] =	vst.idx.msk $0xffff, v5  }
0xbc: {  	s8 =	simm.s32 $0x40;
	v5 =	vld [tilespmem:s5+$0xFFFFFFF0]  }
0xbd: {  	v6 =	vor.u32 s8, v0  }
0xbe: {  	v7 =	vor.u32 s8, v2;
	_ =	sdelay $0x2  }
0xbf: {  	v8 =	vshll.u32 v5, $0x10  }
0xc0: {  	v5 =	vand.u32 $0xFFFF0000, v5;
	[tilespmem:v6+s21+$0x0] =	vst.idx.msk $0xffff, v8  }
0xc1: {  	[tilespmem:v7+s21+$0x0] =	vst.idx.msk $0xffff, v5  }
0xc2: {  	v6 =	vld [tilespmem:s5+$0x0]  }
0xc3: {  	v7 =	vor.u32 s8, v3;
	_ =	sdelay $0x1  }
0xc4: {  	v5 =	vor.u32 s8, v4;
	_ =	sdelay $0x1  }
0xc5: {  	v8 =	vshll.u32 v6, $0x10  }
0xc6: {  	s6 =	simm.s32 $0x2;
	v6 =	vand.u32 $0xFFFF0000, v6;
	[tilespmem:v7+s21+$0x0] =	vst.idx.msk $0xffff, v8  }
.LBB2_7:
0xc7: {  	p0 =	slt.u32 s6, $0x3E  }
0xc8: {  	[tilespmem:v5+s21+$0x0] =	vst.idx.msk $0xffff, v6;
	s5 =	sadd.s32 $0x40, s5;
	s8 =	smov.u32 s6;
	s6 =	sadd.s32 $0x2, s6  }
0xc9: {  	v5 =	vld [tilespmem:s5+$0xFFFFFFD0];
	s8 =	sshll.u32 s8, $0x6  }
0xca: {  	v6 =	vor.u32 s8, v0;
	s9 =	sadd.s32 $0x40, s8  }
0xcb: {  	v7 =	vor.u32 s8, v2;
	_ =	sdelay $0x2  }
0xcc: {  	v8 =	vshll.u32 v5, $0x10  }
0xcd: {  	v5 =	vand.u32 $0xFFFF0000, v5;
	[tilespmem:v6+s21+$0x0] =	vst.idx.msk $0xffff, v8  }
0xce: {  	[tilespmem:v7+s21+$0x0] =	vst.idx.msk $0xffff, v5  }
0xcf: {  	v5 =	vld [tilespmem:s5+$0xFFFFFFE0]  }
0xd0: {  	v6 =	vor.u32 s8, v3  }
0xd1: {  	v7 =	vor.u32 s8, v4;
	_ =	sdelay $0x2  }
0xd2: {  	v8 =	vshll.u32 v5, $0x10  }
0xd3: {  	v5 =	vand.u32 $0xFFFF0000, v5;
	[tilespmem:v6+s21+$0x0] =	vst.idx.msk $0xffff, v8  }
0xd4: {  	[tilespmem:v7+s21+$0x0] =	vst.idx.msk $0xffff, v5  }
0xd5: {  	v5 =	vld [tilespmem:s5+$0xFFFFFFF0]  }
0xd6: {  	v6 =	vor.u32 s9, v0  }
0xd7: {  	v7 =	vor.u32 s9, v2;
	_ =	sdelay $0x2  }
0xd8: {  	v8 =	vshll.u32 v5, $0x10  }
0xd9: {  	v5 =	vand.u32 $0xFFFF0000, v5;
	[tilespmem:v6+s21+$0x0] =	vst.idx.msk $0xffff, v8  }
0xda: {  	[tilespmem:v7+s21+$0x0] =	vst.idx.msk $0xffff, v5  }
0xdb: {  	v6 =	vld [tilespmem:s5+$0x0]  }
0xdc: {  	v7 =	vor.u32 s9, v3  }
.Ltmp2:
0xdd: {  	v5 =	vor.u32 s9, v4;
	(pc) =	sbr.rel @p0 .LBB2_7-.Ltmp2, $3  }
0xde: {  	_ =	sdelay $0x1  }
0xdf: {  	v8 =	vshll.u32 v6, $0x10  }
0xe0: {  	v6 =	vand.u32 $0xFFFF0000, v6;
	[tilespmem:v7+s21+$0x0] =	vst.idx.msk $0xffff, v8  }
0xe1: {  	_ =	sdelay $0x3  }
0xe2: {  	[tilespmem:v5+s21+$0x0] =	vst.idx.msk $0xffff, v6;
	s3 =	sadd.s32 $0x5040, s3  }
0xe3: {  	[spmem:s2] =	stream.indirect.scatter.add.f32 [tilespmem:s21], [sflag:$0x6], $0x40, s3, s13, $0xb8;
	[tilespmem:$0x1A400] =	vst v63  }
0xe4: {  	p0 =	seq.s32 s11, $0x4F;
	_ =	swait.ge [sflag:s22], $0x1000  }
0xe5: {  	s0 =	sshrl.u32 @!p0 s0, $0x2;
	s5 =	simm.s32 @!p0 $0x40;
	[sflag:s22] =	ssyncset.done $0x0  }
0xe6: {  	s6 =	simm.s32 @!p0 $0xA000;
	s3 =	sadd.s32 @!p0 $0x100, s0;
	[sflag:s22] =	ssyncadd.s32 $0xFFFFF000  }
0xe7: {  	[tilespmem:s6], [sflag:$0x1] =	stream.indirect.gather @!p0 [hbm4b:s4+s5], $0x20, s3, s5, $0xb8;
	[tilespmem:$0x1A400] =	vst v63  }
0xe8: {  	_ =	swait.ge [sflag:s23], $0x800  }
0xe9: {  	[sflag:s23] =	ssyncset.done $0x0  }
0xea: {  	s3 =	simm.s32 $0xB030;
	[sflag:s23] =	ssyncadd.s32 $0xFFFFF800  }
0xeb: {  	s8 =	simm.s32 $0x0;
	v5 =	vld [tilespmem:s3+$0xFFFFFFD0]  }
0xec: {  	v6 =	vor.u32 s8, v0  }
0xed: {  	v7 =	vor.u32 s8, v2;
	_ =	sdelay $0x2  }
0xee: {  	v8 =	vshll.u32 v5, $0x10  }
0xef: {  	v5 =	vand.u32 $0xFFFF0000, v5;
	[tilespmem:v6+s24+$0x0] =	vst.idx.msk $0xffff, v8  }
0xf0: {  	[tilespmem:v7+s24+$0x0] =	vst.idx.msk $0xffff, v5  }
0xf1: {  	v5 =	vld [tilespmem:s3+$0xFFFFFFE0]  }
0xf2: {  	v6 =	vor.u32 s8, v3  }
0xf3: {  	v7 =	vor.u32 s8, v4;
	_ =	sdelay $0x2  }
0xf4: {  	v8 =	vshll.u32 v5, $0x10  }
0xf5: {  	v5 =	vand.u32 $0xFFFF0000, v5;
	[tilespmem:v6+s24+$0x0] =	vst.idx.msk $0xffff, v8  }
0xf6: {  	[tilespmem:v7+s24+$0x0] =	vst.idx.msk $0xffff, v5  }
0xf7: {  	s9 =	simm.s32 $0x40;
	v5 =	vld [tilespmem:s3+$0xFFFFFFF0]  }
0xf8: {  	v6 =	vor.u32 s9, v0  }
0xf9: {  	v7 =	vor.u32 s9, v2;
	_ =	sdelay $0x2  }
0xfa: {  	v8 =	vshll.u32 v5, $0x10  }
0xfb: {  	v5 =	vand.u32 $0xFFFF0000, v5;
	[tilespmem:v6+s24+$0x0] =	vst.idx.msk $0xffff, v8  }
0xfc: {  	[tilespmem:v7+s24+$0x0] =	vst.idx.msk $0xffff, v5  }
0xfd: {  	v6 =	vld [tilespmem:s3+$0x0]  }
0xfe: {  	v7 =	vor.u32 s9, v3;
	_ =	sdelay $0x1  }
0xff: {  	v5 =	vor.u32 s9, v4;
	_ =	sdelay $0x1  }
0x100: {  	v8 =	vshll.u32 v6, $0x10  }
0x101: {  	s5 =	simm.s32 $0x2;
	v6 =	vand.u32 $0xFFFF0000, v6;
	[tilespmem:v7+s24+$0x0] =	vst.idx.msk $0xffff, v8  }
.LBB2_9:
0x102: {  	p1 =	slt.u32 s5, $0x3E  }
0x103: {  	[tilespmem:v5+s24+$0x0] =	vst.idx.msk $0xffff, v6;
	s3 =	sadd.s32 $0x40, s3;
	s6 =	smov.u32 s5;
	s5 =	sadd.s32 $0x2, s5  }
0x104: {  	v5 =	vld [tilespmem:s3+$0xFFFFFFD0];
	s6 =	sshll.u32 s6, $0x6  }
0x105: {  	v6 =	vor.u32 s6, v0;
	s8 =	sadd.s32 $0x40, s6  }
0x106: {  	v7 =	vor.u32 s6, v2;
	_ =	sdelay $0x2  }
0x107: {  	v8 =	vshll.u32 v5, $0x10  }
0x108: {  	v5 =	vand.u32 $0xFFFF0000, v5;
	[tilespmem:v6+s24+$0x0] =	vst.idx.msk $0xffff, v8  }
0x109: {  	[tilespmem:v7+s24+$0x0] =	vst.idx.msk $0xffff, v5  }
0x10a: {  	v5 =	vld [tilespmem:s3+$0xFFFFFFE0]  }
0x10b: {  	v6 =	vor.u32 s6, v3  }
0x10c: {  	v7 =	vor.u32 s6, v4;
	_ =	sdelay $0x2  }
0x10d: {  	v8 =	vshll.u32 v5, $0x10  }
0x10e: {  	v5 =	vand.u32 $0xFFFF0000, v5;
	[tilespmem:v6+s24+$0x0] =	vst.idx.msk $0xffff, v8  }
0x10f: {  	[tilespmem:v7+s24+$0x0] =	vst.idx.msk $0xffff, v5  }
0x110: {  	v5 =	vld [tilespmem:s3+$0xFFFFFFF0]  }
0x111: {  	v6 =	vor.u32 s8, v0  }
0x112: {  	v7 =	vor.u32 s8, v2;
	_ =	sdelay $0x2  }
0x113: {  	v8 =	vshll.u32 v5, $0x10  }
0x114: {  	v5 =	vand.u32 $0xFFFF0000, v5;
	[tilespmem:v6+s24+$0x0] =	vst.idx.msk $0xffff, v8  }
0x115: {  	[tilespmem:v7+s24+$0x0] =	vst.idx.msk $0xffff, v5  }
0x116: {  	v6 =	vld [tilespmem:s3+$0x0]  }
0x117: {  	v7 =	vor.u32 s8, v3  }
.Ltmp3:
0x118: {  	v5 =	vor.u32 s8, v4;
	(pc) =	sbr.rel @p1 .LBB2_9-.Ltmp3, $3  }
0x119: {  	_ =	sdelay $0x1  }
0x11a: {  	v8 =	vshll.u32 v6, $0x10  }
0x11b: {  	v6 =	vand.u32 $0xFFFF0000, v6;
	[tilespmem:v7+s24+$0x0] =	vst.idx.msk $0xffff, v8  }
0x11c: {  	_ =	sdelay $0x3  }
0x11d: {  	[tilespmem:v5+s24+$0x0] =	vst.idx.msk $0xffff, v6;
	s3 =	sadd.s32 $0x5000, s14  }
0x11e: {  	[spmem:s2] =	stream.indirect.scatter.add.f32 [tilespmem:s24], [sflag:$0x7], $0x40, s3, s13, $0xb8;
	[tilespmem:$0x1A400] =	vst v63  }
0x11f: {  	_ =	swait.ge [sflag:s26], $0x1000  }
0x120: {  	s0 =	sadd.s32 @!p0 $0x140, s0;
	[sflag:s26] =	ssyncset.done $0x0  }
0x121: {  	s5 =	simm.s32 @!p0 $0xA800;
	s3 =	simm.s32 @!p0 $0x40;
	[sflag:s26] =	ssyncadd.s32 $0xFFFFF000  }
0x122: {  	[tilespmem:s5], [sflag:$0x2] =	stream.indirect.gather @!p0 [hbm4b:s4+s3], $0x20, s0, s3, $0xb8;
	[tilespmem:$0x1A400] =	vst v63  }
0x123: {  	_ =	swait.ge [sflag:s28], $0x800  }
0x124: {  	[sflag:s28] =	ssyncset.done $0x0  }
0x125: {  	s0 =	simm.s32 $0xB830;
	[sflag:s28] =	ssyncadd.s32 $0xFFFFF800  }
0x126: {  	s9 =	simm.s32 $0x0;
	v5 =	vld [tilespmem:s0+$0xFFFFFFD0]  }
0x127: {  	v6 =	vor.u32 s9, v0  }
0x128: {  	v7 =	vor.u32 s9, v2;
	_ =	sdelay $0x2  }
0x129: {  	v8 =	vshll.u32 v5, $0x10  }
0x12a: {  	v5 =	vand.u32 $0xFFFF0000, v5;
	[tilespmem:v6+s29+$0x0] =	vst.idx.msk $0xffff, v8  }
0x12b: {  	[tilespmem:v7+s29+$0x0] =	vst.idx.msk $0xffff, v5  }
0x12c: {  	v5 =	vld [tilespmem:s0+$0xFFFFFFE0]  }
0x12d: {  	v6 =	vor.u32 s9, v3  }
0x12e: {  	v7 =	vor.u32 s9, v4;
	_ =	sdelay $0x2  }
0x12f: {  	v8 =	vshll.u32 v5, $0x10  }
0x130: {  	v5 =	vand.u32 $0xFFFF0000, v5;
	[tilespmem:v6+s29+$0x0] =	vst.idx.msk $0xffff, v8  }
0x131: {  	[tilespmem:v7+s29+$0x0] =	vst.idx.msk $0xffff, v5  }
0x132: {  	s14 =	simm.s32 $0x40;
	v5 =	vld [tilespmem:s0+$0xFFFFFFF0]  }
0x133: {  	v6 =	vor.u32 s14, v0  }
0x134: {  	v7 =	vor.u32 s14, v2;
	_ =	sdelay $0x2  }
0x135: {  	v8 =	vshll.u32 v5, $0x10  }
0x136: {  	v5 =	vand.u32 $0xFFFF0000, v5;
	[tilespmem:v6+s29+$0x0] =	vst.idx.msk $0xffff, v8  }
0x137: {  	[tilespmem:v7+s29+$0x0] =	vst.idx.msk $0xffff, v5  }
0x138: {  	v6 =	vld [tilespmem:s0+$0x0]  }
0x139: {  	v7 =	vor.u32 s14, v3;
	_ =	sdelay $0x1  }
0x13a: {  	v5 =	vor.u32 s14, v4;
	_ =	sdelay $0x1  }
0x13b: {  	v8 =	vshll.u32 v6, $0x10  }
0x13c: {  	s3 =	simm.s32 $0x2;
	v6 =	vand.u32 $0xFFFF0000, v6;
	[tilespmem:v7+s29+$0x0] =	vst.idx.msk $0xffff, v8  }
.LBB2_11:
0x13d: {  	p0 =	slt.u32 s3, $0x3E  }
0x13e: {  	[tilespmem:v5+s29+$0x0] =	vst.idx.msk $0xffff, v6;
	s0 =	sadd.s32 $0x40, s0;
	s5 =	smov.u32 s3;
	s3 =	sadd.s32 $0x2, s3  }
0x13f: {  	v5 =	vld [tilespmem:s0+$0xFFFFFFD0];
	s5 =	sshll.u32 s5, $0x6  }
0x140: {  	v6 =	vor.u32 s5, v0;
	s6 =	sadd.s32 $0x40, s5  }
0x141: {  	v7 =	vor.u32 s5, v2;
	_ =	sdelay $0x2  }
0x142: {  	v8 =	vshll.u32 v5, $0x10  }
0x143: {  	v5 =	vand.u32 $0xFFFF0000, v5;
	[tilespmem:v6+s29+$0x0] =	vst.idx.msk $0xffff, v8  }
0x144: {  	[tilespmem:v7+s29+$0x0] =	vst.idx.msk $0xffff, v5  }
0x145: {  	v5 =	vld [tilespmem:s0+$0xFFFFFFE0]  }
0x146: {  	v6 =	vor.u32 s5, v3  }
0x147: {  	v7 =	vor.u32 s5, v4;
	_ =	sdelay $0x2  }
0x148: {  	v8 =	vshll.u32 v5, $0x10  }
0x149: {  	v5 =	vand.u32 $0xFFFF0000, v5;
	[tilespmem:v6+s29+$0x0] =	vst.idx.msk $0xffff, v8  }
0x14a: {  	[tilespmem:v7+s29+$0x0] =	vst.idx.msk $0xffff, v5  }
0x14b: {  	v5 =	vld [tilespmem:s0+$0xFFFFFFF0]  }
0x14c: {  	v6 =	vor.u32 s6, v0  }
0x14d: {  	v7 =	vor.u32 s6, v2;
	_ =	sdelay $0x2  }
0x14e: {  	v8 =	vshll.u32 v5, $0x10  }
0x14f: {  	v5 =	vand.u32 $0xFFFF0000, v5;
	[tilespmem:v6+s29+$0x0] =	vst.idx.msk $0xffff, v8  }
0x150: {  	[tilespmem:v7+s29+$0x0] =	vst.idx.msk $0xffff, v5  }
0x151: {  	v6 =	vld [tilespmem:s0+$0x0]  }
0x152: {  	v7 =	vor.u32 s6, v3  }
.Ltmp4:
0x153: {  	v5 =	vor.u32 s6, v4;
	(pc) =	sbr.rel @p0 .LBB2_11-.Ltmp4, $3  }
0x154: {  	_ =	sdelay $0x1  }
0x155: {  	v8 =	vshll.u32 v6, $0x10  }
0x156: {  	v6 =	vand.u32 $0xFFFF0000, v6;
	[tilespmem:v7+s29+$0x0] =	vst.idx.msk $0xffff, v8  }
0x157: {  	s11 =	sadd.s32 $0x1, s11  }
0x158: {  	p0 =	sne.s32 s11, $0x50  }
.Ltmp5:
0x159: {  	_ = 	snop;
	(pc) =	sbr.rel @p0 .LBB2_4-.Ltmp5, $3  }
0x15a: {  	_ =	sdelay $0x1  }
0x15b: {  	[tilespmem:v5+s29+$0x0] =	vst.idx.msk $0xffff, v6;
	s0 =	sadd.s32 $0x5000, s15  }
0x15c: {  	[spmem:s2] =	stream.indirect.scatter.add.f32 [tilespmem:s29], [sflag:$0x8], $0x40, s0, s13, $0xb8;
	[tilespmem:$0x1A400] =	vst v63  }
0x15d: {  	_ =	swait.ge [sflag:s30], $0x1000  }
0x15e: {  	[sflag:s30] =	ssyncset.done $0x0  }
0x15f: {  	[sflag:s30] =	ssyncadd.s32 $0xFFFFF000  }
0x160: {  	_ =	swait.ge [sflag:s31], $0x1000  }
0x161: {  	[sflag:s31] =	ssyncset.done $0x0  }
0x162: {  	s0 =	stileid.u32;
	[sflag:s31] =	ssyncadd.s32 $0xFFFFF000  }
0x163: {  	s0 =	sshll.u32 s0, $0x6;
	[bflag:$0x0] =	sbarrier.arrive $0xFFFF  }
0x164: {  	s0 =	sor.u32 $0x1C09, s0;
	s3 =	rddreg [dreg:$0x5]  }
0x165: {  	[hbm:s3], [sflag:s0] =	dma.local [spmem:s25], $0x1400  }
0x166: {  	_ =	swait.ge [sflag:s10], $0x1400  }
0x167: {  	s1 =	sadd.s32 $0x1, s1;
	s15 =	rddreg [dreg:$0x6]  }
0x168: {  	p0 =	sne.s32 s1, s15  }
.Ltmp6:
0x169: {  	_ = 	snop;
	(pc) =	sbr.rel @p0 .LBB2_1-.Ltmp6, $3  }
0x16a: {  	_ =	sdelay $0x1  }
0x16b: {  	[sflag:s10] =	ssyncset.done $0x0  }
0x16c: {  	[sflag:s10] =	ssyncadd.s32 $0xFFFFEC00  }
0x16d: {  	_ =	sfence.sel $0x180000  }
0x16e: {  	[bflag:$0x0] =	sbarrier.arrive $0xFFFF  }
0x16f: {  	_ =	strace $0x9000004A  }
0x170: {  	s0 =	stileid.u32;
	[bflag:$0x2] =	sbarrier.arrive $0xFFFF  }
0x171: {  	p0 =	sne.s32 s0, $0x0;
	s0 =	rddreg [dreg:$0x2]  }
0x172: {  	s0 =	sadd.s32 @!p0 $0x100000, s0  }
0x173: {  	[sflag:s0] =	ssyncadd.tile.s32 @!p0 $0x1;
	_ =	shalt  }
.Lfunc_end2:
_tile_overlayer_lowered:
.L_overlay_start_2:
0x174: {  	(tag) =	ssettag $0x2  }
0x175: {  	s0 =	rddreg [dreg:$0x0];
	s2 =	stileid.u32  }
0x176: {  	s1 =	rddreg [dreg:$0x1];
	p0 =	sne.s32 s2, $0x0  }
0x177: {  	s3 =	rddreg [dreg:$0x2];
	[bflag:$0x3] =	sbarrier.arrive $0xFFFF;
	s2 =	simm.s32 @!p0 $0x1C09  }
0x178: {  	[timem:s3], [sflag:s2] =	dma.local @!p0 [hbm:s0], s1  }
0x179: {  	s0 =	simm.s32 @!p0 $0x9  }
0x17a: {  	_ =	swait.ge @!p0 [sflag:s0], s1  }
0x17b: {  	s1 =	ssub.s32 @!p0 $0x0, s1;
	[sflag:s0] =	ssyncset.done @!p0 $0x0  }
0x17c: {  	[sflag:s0] =	ssyncadd.s32 @!p0 s1  }
0x17d: {  	[bflag:$0x3] =	sbarrier.arrive $0xFFFF  }
0x17e: {  	_ =	shalt  }

// kernel: kernel.14.cloned.1.call-start
scs
__scs_entry_jumppad:
0x0: {  	(pc) =	sbr.rel $0x88, $3  }
0x1: {  	(tag) =	ssettag $0x0;
	lr =	simm.s32 $0x1  }
0x2: {  	[smem:$0x3F97] =	sst lr;
	_ =	strace $0xD0000000  }
0x3: {  	_ = 	snop  }
0x4: {  	_ = 	snop  }
0x5: {  	_ = 	snop  }
0x6: {  	_ = 	snop  }
0x7: {  	_ = 	snop  }
__scs_overlays_trampoline_lowered:
0x8: {  	[smem:$0x3FA6] =	sst s0  }
0x9: {  	[smem:$0x3FA7] =	sst s1  }
0xa: {  	[smem:$0x3FA8] =	sst s2  }
0xb: {  	[smem:$0x3FA9] =	sst s3  }
0xc: {  	[smem:$0x3FAA] =	sst s4  }
0xd: {  	[smem:$0x3FAB] =	sst s5  }
0xe: {  	[smem:$0x3FAC] =	sst s6  }
0xf: {  	[smem:$0x3FAD] =	sst s7  }
0x10: {  	[smem:$0x3FAE] =	sst s8  }
0x11: {  	[smem:$0x3FAF] =	sst s9;
	s0 =	simm.s32 @!p0 $0x0  }
0x12: {  	s1 =	sld [smem:$0x3F95];
	s0 =	simm.s32 @p0 $0x1  }
0x13: {  	[smem:$0x3FB0] =	sst s0;
	s0 =	simm.s32 @!p1 $0x0  }
0x14: {  	s2 =	sld [smem:$0x3F94];
	s0 =	simm.s32 @p1 $0x1  }
0x15: {  	[smem:$0x3FB1] =	sst s0;
	s0 =	simm.s32 @!p2 $0x0  }
0x16: {  	s3 =	sld [smem:$0x3FDB];
	s0 =	simm.s32 @p2 $0x1  }
0x17: {  	s4 =	simm.s32 $0x1BF5;
	[smem:$0x3FB3] =	sst s0  }
0x18: {  	s0 =	sld [smem:$0x3F96];
	_ =	swait.ge [sflag:s4], $0x0  }
0x19: {  	s7 =	sld [smem:$0x3F97]  }
0x1a: {  	s8 =	sadd.s32 $0xFFFFE003, lr  }
0x1b: {  	s9 =	sadd.s32 $0xFFFFFEF7, lr;
	s5 =	simm.s32 $0xFFFFFFFF;
	p2 =	slt.u32 s8, $0xFFFFF086  }
0x1c: {  	p1 =	slt.u32 s9, $0xF7A;
	s5 =	simm.s32 @!p2 $0x0  }
0x1d: {  	s5 =	simm.s32 @p1 $0x1;
	p0 =	seq.s32 s7, s2  }
0x1e: {  	s7 =	smul.u32 @!p0 $0xF7A, s2;
	p2 =	seq.s32 @!p0 s5, $0x0  }
0x1f: {  	s9 =	smul.u32 $0xF7A, s1;
	s8 =	simm.s32 @!p0 $0x1BF5;
	p2 =	por !p2, p0  }
0x20: {  	[sflag:s8] =	ssyncset.s32 @!p0 $0xFFFFF086;
	s6 =	sadd.s32 @!p0 s3, s7;
	s7 =	simm.s32 @!p0 $0x108  }
0x21: {  	s3 =	sadd.s32 s3, s9;
	s6 =	sadd.s32 @!p0 $0x88, s6;
	s7 =	simm.s32 @p2 $0x1082  }
0x22: {  	[simem:s7], [sflag:s8] =	dma.local @!p0 [hbm:s6], $0xF7A  }
0x23: {  	s9 =	sor.u32 $0xD0000000, s2;
	s6 =	simm.s32 $0x108;
	_ =	swait.ge @!p0 [sflag:s8], $0x0  }
0x24: {  	s3 =	sadd.s32 $0x88, s3;
	s6 =	simm.s32 @!p1 $0x1082;
	[sflag:s4] =	ssyncset.s32 $0xFFFFF086  }
0x25: {  	[simem:s6], [sflag:s4] =	dma.local [hbm:s3], $0xF7A  }
0x26: {  	[smem:$0x3F97] =	sst s1;
	(tag) =	ssettag s2;
	_ =	strace s9  }
0x27: {  	s1 =	sld [smem:$0x3FA7]  }
0x28: {  	s2 =	sld [smem:$0x3FA8]  }
0x29: {  	s4 =	sld [smem:$0x3FAA]  }
0x2a: {  	p0 =	seq.s32 s5, $0x0;
	s5 =	sld [smem:$0x3FAB]  }
0x2b: {  	s6 =	sld [smem:$0x3FAC]  }
0x2c: {  	s7 =	sld [smem:$0x3FAD]  }
0x2d: {  	s3 =	simm.s32 $0x108;
	s8 =	sld [smem:$0x3FAE]  }
0x2e: {  	s3 =	simm.s32 @!p0 $0x1082;
	s9 =	sld [smem:$0x3FAF]  }
0x2f: {  	lr =	sadd.s32 s0, s3;
	s0 =	sld [smem:$0x3FA6]  }
0x30: {  	s3 =	sld [smem:$0x3FA9]  }
0x31: {  	[smem:$0x3FB2] =	sst s10  }
0x32: {  	s10 =	sld [smem:$0x3FB0];
	_ =	sdelay $0x3  }
0x33: {  	p0 =	seq.s32 s10, $0x1;
	s10 =	sld [smem:$0x3FB2];
	_ =	sdelay $0x3  }
0x34: {  	[smem:$0x3FB2] =	sst s10  }
0x35: {  	s10 =	sld [smem:$0x3FB1];
	_ =	sdelay $0x3  }
0x36: {  	p1 =	seq.s32 s10, $0x1;
	s10 =	sld [smem:$0x3FB2];
	_ =	sdelay $0x3  }
0x37: {  	[smem:$0x3FB2] =	sst s10  }
0x38: {  	s10 =	sld [smem:$0x3FB3]  }
0x39: {  	_ = 	snop;
	(pc) =	sbr.ind lr, $3  }
0x3a: {  	_ = 	snop  }
0x3b: {  	_ = 	snop  }
0x3c: {  	p2 =	seq.s32 s10, $0x1;
	s10 =	sld [smem:$0x3FB2]  }
0x3d: {  	_ =	shalt  }
0x3e: {  	_ =	shalt  }
0x3f: {  	_ =	shalt  }
0x40: {  	_ =	shalt  }
0x41: {  	_ =	shalt  }
0x42: {  	_ =	shalt  }
0x43: {  	_ =	shalt  }
0x44: {  	_ =	shalt  }
0x45: {  	_ =	shalt  }
0x46: {  	_ =	shalt  }
0x47: {  	_ =	shalt  }
0x48: {  	_ =	shalt  }
0x49: {  	_ =	shalt  }
0x4a: {  	_ =	shalt  }
0x4b: {  	_ =	shalt  }
0x4c: {  	_ =	shalt  }
0x4d: {  	_ =	shalt  }
0x4e: {  	_ =	shalt  }
0x4f: {  	_ =	shalt  }
0x50: {  	_ =	shalt  }
0x51: {  	_ =	shalt  }
0x52: {  	_ =	shalt  }
0x53: {  	_ =	shalt  }
0x54: {  	_ =	shalt  }
0x55: {  	_ =	shalt  }
0x56: {  	_ =	shalt  }
0x57: {  	_ =	shalt  }
0x58: {  	_ =	shalt  }
0x59: {  	_ =	shalt  }
0x5a: {  	_ =	shalt  }
0x5b: {  	_ =	shalt  }
0x5c: {  	_ =	shalt  }
0x5d: {  	_ =	shalt  }
0x5e: {  	_ =	shalt  }
0x5f: {  	_ =	shalt  }
0x60: {  	_ =	shalt  }
0x61: {  	_ =	shalt  }
0x62: {  	_ =	shalt  }
0x63: {  	_ =	shalt  }
0x64: {  	_ =	shalt  }
0x65: {  	_ =	shalt  }
0x66: {  	_ =	shalt  }
0x67: {  	_ =	shalt  }
0x68: {  	_ =	shalt  }
0x69: {  	_ =	shalt  }
0x6a: {  	_ =	shalt  }
0x6b: {  	_ =	shalt  }
0x6c: {  	_ =	shalt  }
0x6d: {  	_ =	shalt  }
0x6e: {  	_ =	shalt  }
0x6f: {  	_ =	shalt  }
0x70: {  	_ =	shalt  }
0x71: {  	_ =	shalt  }
0x72: {  	_ =	shalt  }
0x73: {  	_ =	shalt  }
0x74: {  	_ =	shalt  }
0x75: {  	_ =	shalt  }
0x76: {  	_ =	shalt  }
0x77: {  	_ =	shalt  }
0x78: {  	_ =	shalt  }
0x79: {  	_ =	shalt  }
0x7a: {  	_ =	shalt  }
0x7b: {  	_ =	shalt  }
0x7c: {  	_ =	shalt  }
0x7d: {  	_ =	shalt  }
0x7e: {  	_ =	shalt  }
0x7f: {  	_ =	shalt  }
0x80: {  	_ =	shalt  }
0x81: {  	_ =	shalt  }
0x82: {  	_ =	shalt  }
0x83: {  	_ =	shalt  }
0x84: {  	_ =	shalt  }
0x85: {  	_ =	shalt  }
0x86: {  	_ =	shalt  }
0x87: {  	_ =	shalt  }
.Lfunc_end0:
.L_simem_size_0:
called_computation.2_lowered:
.L_overlay_start_0:
0x88: {  	s2 =	sld [smem:$0x3FD9]  }
0x89: {  	s3 =	sld [smem:$0x3FFE];
	_ =	sdelay $0x1  }
0x8a: {  	s1 =	srdreg.scid  }
0x8b: {  	s0 =	sand.u32 $0x1, s1  }
0x8c: {  	s16 =	sshll.u32 s0, $0xA;
	s2 =	sadd.s32 s3, s2  }
0x8d: {  	s2 =	sadd.s32 s2, s16  }
0x8e: {  	[smem:$0x3FBE] =	sst s2  }
0x8f: {  	_ = 	snop  }
0x90: {  	(tm) =	ssettm $0x1  }
0x91: {  	s17 =	sld [smem:$0x3FFB];
	_ =	sdelay $0x3  }
0x92: {  	_ =	strace s17  }
0x93: {  	s2 =	sld [smem:$0x3FFC];
	_ =	sdelay $0x3  }
0x94: {  	_ =	strace s2  }
0x95: {  	s2 =	sld [smem:$0x3FFD];
	_ =	sdelay $0x3  }
0x96: {  	_ =	strace s2  }
0x97: {  	_ =	strace $0x8FFFFFFF  }
0x98: {  	s18 =	sld [smem:$0x3FDB];
	_ =	sdelay $0x1  }
0x99: {  	s19 =	simm.s32 $_scs_section_size  }
0x9a: {  	s4 =	simm.s32 $_size__tile_overlayer_lowered;
	s5 =	simm.s32 $_tile_overlayer_lowered  }
0x9b: {  	s22 =	simm.s32 $0x1BFF;
	s21 =	sshll.u32 s5, $0x1;
	s2 =	sadd.s32 s19, s18  }
0x9c: {  	s6 =	simm.s32 $0x0;
	s20 =	sshll.u32 s4, $0x1;
	s4 =	sadd.s32 s21, s2  }
0x9d: {  	[timem:s6], [sflag:s22] =	dma.local [hbm:s4], s20  }
0x9e: {  	_ =	swait.ge [sflag:s22], s20  }
0x9f: {  	s3 =	ssub.s32 $0x0, s20;
	[sflag:s22] =	ssyncset.done $0x0  }
0xa0: {  	[sflag:s22] =	ssyncadd.s32 s3;
	_ =	sdelay $0x1  }
0xa1: {  	s23 =	simm.s32 $0x1B8B  }
0xa2: {  	_ =	swait.ge [sflag:s23], $0x1  }
0xa3: {  	[sflag:s23] =	ssyncset.done $0x0  }
0xa4: {  	s25 =	simm.s32 $0x1B8E;
	s24 =	sld [smem:$0x3FFE];
	[sflag:s23] =	ssyncadd.s32 $0xFFFFFFFF  }
0xa5: {  	s26 =	simm.s32 $execute0_lowered;
	[smem:$0x3FD2] =	sst s25  }
0xa6: {  	s4 =	sshll.u32 s26, $0x1;
	_ =	strace $0x8000004C;
	[dreg:$0x1] =	wrdreg $0xFFFFFFFF  }
0xa7: {  	s28 =	simm.s32 $_size_execute0_lowered;
	s2 =	sadd.s32 s2, s4;
	[dreg:$0x0] =	wrdreg $0x0  }
0xa8: {  	s4 =	sshll.u32 s28, $0x1;
	[dreg:$0x2] =	wrdreg s2  }
0xa9: {  	[dreg:$0x3] =	wrdreg s4  }
0xaa: {  	[dreg:$0x4] =	wrdreg $0xC0  }
0xab: {  	_ =	task [dreg:s6], $0x5FFFF  }
0xac: {  	[dreg:$0x1] =	wrdreg $0xFFFFFFFF  }
0xad: {  	[dreg:$0x0] =	wrdreg $0x60  }
0xae: {  	[dreg:$0x2] =	wrdreg s24  }
0xaf: {  	[dreg:$0x3] =	wrdreg $0x104000  }
0xb0: {  	[dreg:$0x4] =	wrdreg $0x9  }
0xb1: {  	_ =	task.clear_ibuf [dreg:s6], $0x5FFFF;
	_ =	strace $0x9000004C  }
0xb2: {  	s29 =	simm.s32 $0x9;
	_ =	strace $0x8000004E  }
0xb3: {  	_ =	swait.ge [sflag:s29], $0x1  }
0xb4: {  	[sflag:s29] =	ssyncadd.s32 $0xFFFFFFFF  }
0xb5: {  	_ =	strace $0x9000004E  }
0xb6: {  	_ =	sfence  }
0xb7: {  	s30 =	sld [smem:$0x0];
	_ =	sdelay $0x2  }
0xb8: {  	s31 =	sshll.u32 s1, $0xD;
	s1 =	sshrl.u32 s1, $0x2  }
0xb9: {  	s3 =	sand.u32 $0x4000, s31;
	s1 =	sadd.s32 s1, s30  }
0xba: {  	s0 =	sor.u32 s3, s0;
	s1 =	sshll.u32 s1, $0x11  }
0xbb: {  	s0 =	sor.u32 s1, s0  }
0xbc: {  	s0 =	sadd.s32 $0x8F2B, s0  }
0xbd: {  	[sflag:s0] =	ssyncadd.remote.s32 $0x1  }
0xbe: {  	_ =	sfence.sel $0xFFFF  }
0xbf: {  	[dreg:$0x0] =	wrdreg $0xFFFFFFFF;
	(pc) =	sbr.abs _section_cstart, $3  }
0xc0: {  	[dreg:$0x1] =	wrdreg $0xFFFFFFFF  }
0xc1: {  	_ =	task.clear_ibuf [dreg:s6], $0x2FFFF;
	_ =	strace $0x9FFFFFFF  }
0xc2: {  	(tm) =	ssettm $0x7FFFFFFF  }
0xc3: {  	_ =	shalt  }
tec
execute0_lowered:
.L_overlay_start_1:
0x0: {  	(tag) =	ssettag $0x1  }
0x1: {  	s0 =	srdreg.scid;
	s1 =	rddreg [dreg:$0x0]  }
0x2: {  	s7 =	stileid.u32;
	s2 =	rddreg [dreg:$0x1]  }
0x3: {  	s6 =	simm.s32 $0x0;
	s10 =	simm.s32 $0x9;
	s12 =	simm.s32 $0x10000  }
0x4: {  	s13 =	simm.s32 $0x40;
	s16 =	simm.s32 $0xB000;
	s17 =	simm.s32 $0x1  }
0x5: {  	s18 =	simm.s32 $0xC000;
	s19 =	simm.s32 $0xB800;
	s3 =	smul.u32 $0x5000, s7  }
0x6: {  	s20 =	simm.s32 $0x2;
	s21 =	simm.s32 $0xD000;
	s9 =	smul.u32 $0xA000, s7  }
0x7: {  	s28 =	simm.s32 $0x4;
	s0 =	sand.u32 $0x1, s0;
	s7 =	smul.u32 $0x28000, s7  }
0x8: {  	s29 =	simm.s32 $0xF000;
	s30 =	simm.s32 $0x7;
	s4 =	smul.u32 $0x50000, s0  }
0x9: {  	[smem:$0x7FF] =	sst s6;
	s5 =	smul.u32 $0xA0000, s0;
	s0 =	ssub.s32 $0x2, s0  }
0xa: {  	s31 =	simm.s32 $0x8;
	_ =	strace $0x8000004D;
	s23 =	sshrl.u32 s0, $0x1  }
0xb: {  	s25 =	sshrl.u32 s7, $0x2;
	s26 =	sadd.s32 s9, s2;
	s22 =	sadd.s32 s3, s4  }
0xc: {  	s4 =	sadd.s32 $0x29C00, s1;
	s3 =	sshrl.u32 s3, $0x3;
	s5 =	sadd.s32 s9, s5  }
0xd: {  	s0 =	ssub.s32 s0, s23;
	s7 =	sadd.s32 s25, s2;
	s23 =	simm.s32 $0x3  }
0xe: {  	s25 =	sshrl.u32 s26, $0x3;
	s26 =	simm.s32 $0x6;
	s6 =	sshrl.u32 s22, $0x3  }
0xf: {  	s5 =	sshrl.u32 s5, $0x3;
	s3 =	sadd.s32 s3, s1;
	s0 =	smax.u32 s0, $0x1  }
0x10: {  	v0 =	vlaneseq.u32;
	s6 =	sadd.s32 s6, s1;
	s3 =	sadd.s32 $0x1C00, s3;
	[dreg:$0x6] =	wrdreg s0  }
0x11: {  	v0 =	vmul.u32 $0x2, v0;
	s1 =	sadd.s32 s5, s1;
	s24 =	sadd.s32 $0x15C00, s6;
	[dreg:$0x4] =	wrdreg s3  }
0x12: {  	v1 =	vimm.f32 $0.0e+00;
	s22 =	simm.s32 $0x5;
	s1 =	sadd.s32 $0x3DC00, s1;
	[dreg:$0x3] =	wrdreg s24  }
0x13: {  	v2 =	vor.u32 $0x1, v0;
	v3 =	vor.u32 $0x20, v0;
	v4 =	vor.u32 $0x21, v0;
	[dreg:$0x5] =	wrdreg s1;
	s24 =	simm.s32 $0xE000;
	s1 =	simm.s32 $0x0  }
.LBB2_1:
0x14: {  	s0 =	simm.s32 $0x0;
	s3 =	rddreg [dreg:$0x3]  }
0x15: {  	[tilespmem:s0], [sflag:$0x9] =	stream.linear.gather [hbm4b:s3+s0], $0x5000, $0x38;
	[tilespmem:$0x1A400] =	vst v63  }
0x16: {  	_ =	swait.ge [sflag:s10], $0x5000  }
0x17: {  	[sflag:s10] =	ssyncset.done $0x0  }
0x18: {  	s5 =	simm.s32 $0x5000;
	s14 =	rddreg [dreg:$0x4];
	[sflag:s10] =	ssyncadd.s32 $0xFFFFB000  }
0x19: {  	[tilespmem:s5], [sflag:$0x9] =	stream.linear.gather [hbm4b:s14+s0], $0x5000, $0x38;
	[tilespmem:$0x1A400] =	vst v63  }
0x1a: {  	_ =	swait.ge [sflag:s10], $0x5000  }
0x1b: {  	[sflag:s10] =	ssyncset.done $0x0  }
0x1c: {  	[sflag:s10] =	ssyncadd.s32 $0xFFFFB000  }
0x1d: {  	[tilespmem:$0x10000] =	vst v1  }
0x1e: {  	[tilespmem:$0x10010] =	vst v1  }
0x1f: {  	[tilespmem:$0x10020] =	vst v1  }
0x20: {  	[tilespmem:$0x10030] =	vst v1  }
0x21: {  	[tilespmem:$0x10040] =	vst v1  }
0x22: {  	[tilespmem:$0x10050] =	vst v1  }
0x23: {  	[tilespmem:$0x10060] =	vst v1  }
0x24: {  	[tilespmem:$0x10070] =	vst v1  }
0x25: {  	[tilespmem:$0x10080] =	vst v1  }
0x26: {  	[tilespmem:$0x10090] =	vst v1  }
0x27: {  	[tilespmem:$0x100A0] =	vst v1  }
0x28: {  	[tilespmem:$0x100B0] =	vst v1  }
0x29: {  	[tilespmem:$0x100C0] =	vst v1  }
0x2a: {  	[tilespmem:$0x100D0] =	vst v1  }
0x2b: {  	[tilespmem:$0x100E0] =	vst v1  }
0x2c: {  	[tilespmem:$0x100F0] =	vst v1  }
0x2d: {  	[tilespmem:$0x10100] =	vst v1  }
0x2e: {  	[tilespmem:$0x10110] =	vst v1  }
0x2f: {  	[tilespmem:$0x10120] =	vst v1  }
0x30: {  	[tilespmem:$0x10130] =	vst v1  }
0x31: {  	[tilespmem:$0x10140] =	vst v1  }
0x32: {  	[tilespmem:$0x10150] =	vst v1  }
0x33: {  	[tilespmem:$0x10160] =	vst v1  }
0x34: {  	[tilespmem:$0x10170] =	vst v1  }
0x35: {  	[tilespmem:$0x10180] =	vst v1  }
0x36: {  	[tilespmem:$0x10190] =	vst v1  }
0x37: {  	[tilespmem:$0x101A0] =	vst v1  }
0x38: {  	[tilespmem:$0x101B0] =	vst v1  }
0x39: {  	[tilespmem:$0x101C0] =	vst v1  }
0x3a: {  	[tilespmem:$0x101D0] =	vst v1  }
0x3b: {  	[tilespmem:$0x101E0] =	vst v1  }
0x3c: {  	[tilespmem:$0x101F0] =	vst v1  }
0x3d: {  	[tilespmem:$0x10200] =	vst v1  }
0x3e: {  	[tilespmem:$0x10210] =	vst v1  }
0x3f: {  	[tilespmem:$0x10220] =	vst v1  }
0x40: {  	[tilespmem:$0x10230] =	vst v1  }
0x41: {  	[tilespmem:$0x10240] =	vst v1  }
0x42: {  	[tilespmem:$0x10250] =	vst v1  }
0x43: {  	[tilespmem:$0x10260] =	vst v1  }
0x44: {  	[tilespmem:$0x10270] =	vst v1  }
0x45: {  	[tilespmem:$0x10280] =	vst v1  }
0x46: {  	[tilespmem:$0x10290] =	vst v1  }
0x47: {  	[tilespmem:$0x102A0] =	vst v1  }
0x48: {  	[tilespmem:$0x102B0] =	vst v1  }
0x49: {  	[tilespmem:$0x102C0] =	vst v1  }
0x4a: {  	[tilespmem:$0x102D0] =	vst v1  }
0x4b: {  	[tilespmem:$0x102E0] =	vst v1  }
0x4c: {  	[tilespmem:$0x102F0] =	vst v1  }
0x4d: {  	[tilespmem:$0x10300] =	vst v1  }
0x4e: {  	[tilespmem:$0x10310] =	vst v1  }
0x4f: {  	[tilespmem:$0x10320] =	vst v1  }
0x50: {  	[tilespmem:$0x10330] =	vst v1  }
0x51: {  	[tilespmem:$0x10340] =	vst v1  }
0x52: {  	[tilespmem:$0x10350] =	vst v1  }
0x53: {  	[tilespmem:$0x10360] =	vst v1  }
0x54: {  	[tilespmem:$0x10370] =	vst v1  }
0x55: {  	[tilespmem:$0x10380] =	vst v1  }
0x56: {  	[tilespmem:$0x10390] =	vst v1  }
0x57: {  	[tilespmem:$0x103A0] =	vst v1  }
0x58: {  	[tilespmem:$0x103B0] =	vst v1  }
0x59: {  	[tilespmem:$0x103C0] =	vst v1  }
0x5a: {  	[tilespmem:$0x103D0] =	vst v1  }
0x5b: {  	[tilespmem:$0x103E0] =	vst v1  }
0x5c: {  	s15 =	sadd.s32 $0x0, s7;
	[tilespmem:$0x103F0] =	vst v1  }
0x5d: {  	[spmem:s15] =	stream.linear.scatter [tilespmem:s12], [sflag:$0x9], $0x400, $0x38;
	[tilespmem:$0x1A400] =	vst v63  }
0x5e: {  	s0 =	simm.s32 $0x1000;
	_ =	swait.ge [sflag:s10], $0x400  }
.LBB2_2:
0x5f: {  	s3 =	sshra.s32 s0, $0x2;
	[sflag:s10] =	ssyncset.done $0x0;
	p0 =	sne.s32 s0, $0x27000  }
.Ltmp0:
0x60: {  	s3 =	sadd.s32 s3, s7;
	[sflag:s10] =	ssyncadd.s32 $0xFFFFFC00;
	(pc) =	sbr.rel @p0 .LBB2_2-.Ltmp0, $3  }
0x61: {  	[spmem:s3] =	stream.linear.scatter [tilespmem:s12], [sflag:$0x9], $0x400, $0x38;
	[tilespmem:$0x1A400] =	vst v63  }
0x62: {  	s0 =	sadd.s32 $0x1000, s0;
	_ =	sdelay $0x1  }
0x63: {  	_ =	swait.ge [sflag:s10], $0x400  }
0x64: {  	[sflag:s10] =	ssyncset.done $0x0  }
0x65: {  	[sflag:s10] =	ssyncadd.s32 $0xFFFFFC00  }
0x66: {  	s11 =	simm.s32 $0x0;
	s0 =	simm.s32 $0xA000;
	[bflag:$0x0] =	sbarrier.arrive $0xFFFF  }
0x67: {  	[tilespmem:s0], [sflag:$0x1] =	stream.indirect.gather [hbm4b:s4+s13], $0x20, s11, s13, $0xb8;
	[tilespmem:$0x1A400] =	vst v63  }
0x68: {  	s15 =	simm.s32 $0xA800  }
0x69: {  	[tilespmem:s15], [sflag:$0x2] =	stream.indirect.gather [hbm4b:s4+s13], $0x20, s13, s13, $0xb8;
	[tilespmem:$0x1A400] =	vst v63  }
.LBB2_4:
0x6a: {  	p0 =	seq.s32 s11, $0x0  }
0x6b: {  	s3 =	simm.s32 @!p0 $0x7  }
0x6c: {  	s0 =	sshll.u32 s11, $0xA;
	_ =	swait.ge @!p0 [sflag:s3], $0x1000  }
0x6d: {  	s5 =	sor.u32 $0x200, s0;
	[sflag:s3] =	ssyncset.done @!p0 $0x0  }
0x6e: {  	s14 =	sshrl.u32 s5, $0x2;
	[sflag:s3] =	ssyncadd.s32 @!p0 $0xFFFFF000  }
0x6f: {  	[tilespmem:s16], [sflag:$0x3] =	stream.indirect.gather [hbm4b:s4+s13], $0x20, s14, s13, $0xb8;
	[tilespmem:$0x1A400] =	vst v63  }
0x70: {  	_ =	swait.ge [sflag:s17], $0x800  }
0x71: {  	[sflag:s17] =	ssyncset.done $0x0  }
0x72: {  	s3 =	simm.s32 $0xA020;
	[sflag:s17] =	ssyncadd.s32 $0xFFFFF800  }
0x73: {  	s15 =	simm.s32 $0x0;
	v5 =	vld [tilespmem:s3+$0xFFFFFFE0]  }
0x74: {  	v6 =	vor.u32 s15, v0  }
0x75: {  	v7 =	vor.u32 s15, v2;
	_ =	sdelay $0x2  }
0x76: {  	v8 =	vshll.u32 v5, $0x10  }
0x77: {  	v5 =	vand.u32 $0xFFFF0000, v5;
	[tilespmem:v6+s18+$0x0] =	vst.idx.msk $0xffff, v8  }
0x78: {  	[tilespmem:v7+s18+$0x0] =	vst.idx.msk $0xffff, v5  }
0x79: {  	v5 =	vld [tilespmem:s3+$0xFFFFFFF0]  }
0x7a: {  	v6 =	vor.u32 s15, v3  }
0x7b: {  	v7 =	vor.u32 s15, v4;
	_ =	sdelay $0x2  }
0x7c: {  	v8 =	vshll.u32 v5, $0x10  }
0x7d: {  	v5 =	vand.u32 $0xFFFF0000, v5;
	[tilespmem:v6+s18+$0x0] =	vst.idx.msk $0xffff, v8  }
0x7e: {  	[tilespmem:v7+s18+$0x0] =	vst.idx.msk $0xffff, v5  }
0x7f: {  	s6 =	simm.s32 $0x40;
	v5 =	vld [tilespmem:s3+$0x0]  }
0x80: {  	v6 =	vor.u32 s6, v0  }
0x81: {  	v7 =	vor.u32 s6, v2;
	_ =	sdelay $0x2  }
0x82: {  	v8 =	vshll.u32 v5, $0x10  }
0x83: {  	v5 =	vand.u32 $0xFFFF0000, v5;
	[tilespmem:v6+s18+$0x0] =	vst.idx.msk $0xffff, v8  }
0x84: {  	[tilespmem:v7+s18+$0x0] =	vst.idx.msk $0xffff, v5  }
0x85: {  	v6 =	vld [tilespmem:s3+$0x10]  }
0x86: {  	v7 =	vor.u32 s6, v3;
	_ =	sdelay $0x1  }
0x87: {  	v5 =	vor.u32 s6, v4;
	_ =	sdelay $0x1  }
0x88: {  	v8 =	vshll.u32 v6, $0x10  }
0x89: {  	s5 =	simm.s32 $0x2;
	v6 =	vand.u32 $0xFFFF0000, v6;
	[tilespmem:v7+s18+$0x0] =	vst.idx.msk $0xffff, v8  }
.LBB2_5:
0x8a: {  	p1 =	slt.u32 s5, $0x3E  }
0x8b: {  	[tilespmem:v5+s18+$0x0] =	vst.idx.msk $0xffff, v6;
	s3 =	sadd.s32 $0x40, s3;
	s6 =	smov.u32 s5;
	s5 =	sadd.s32 $0x2, s5  }
0x8c: {  	v5 =	vld [tilespmem:s3+$0xFFFFFFE0];
	s6 =	sshll.u32 s6, $0x6  }
0x8d: {  	v6 =	vor.u32 s6, v0;
	s15 =	sadd.s32 $0x40, s6  }
0x8e: {  	v7 =	vor.u32 s6, v2;
	_ =	sdelay $0x2  }
0x8f: {  	v8 =	vshll.u32 v5, $0x10  }
0x90: {  	v5 =	vand.u32 $0xFFFF0000, v5;
	[tilespmem:v6+s18+$0x0] =	vst.idx.msk $0xffff, v8  }
0x91: {  	[tilespmem:v7+s18+$0x0] =	vst.idx.msk $0xffff, v5  }
0x92: {  	v5 =	vld [tilespmem:s3+$0xFFFFFFF0]  }
0x93: {  	v6 =	vor.u32 s6, v3  }
0x94: {  	v7 =	vor.u32 s6, v4;
	_ =	sdelay $0x2  }
0x95: {  	v8 =	vshll.u32 v5, $0x10  }
0x96: {  	v5 =	vand.u32 $0xFFFF0000, v5;
	[tilespmem:v6+s18+$0x0] =	vst.idx.msk $0xffff, v8  }
0x97: {  	[tilespmem:v7+s18+$0x0] =	vst.idx.msk $0xffff, v5  }
0x98: {  	v5 =	vld [tilespmem:s3+$0x0]  }
0x99: {  	v6 =	vor.u32 s15, v0  }
0x9a: {  	v7 =	vor.u32 s15, v2;
	_ =	sdelay $0x2  }
0x9b: {  	v8 =	vshll.u32 v5, $0x10  }
0x9c: {  	v5 =	vand.u32 $0xFFFF0000, v5;
	[tilespmem:v6+s18+$0x0] =	vst.idx.msk $0xffff, v8  }
0x9d: {  	[tilespmem:v7+s18+$0x0] =	vst.idx.msk $0xffff, v5  }
0x9e: {  	v6 =	vld [tilespmem:s3+$0x10]  }
0x9f: {  	v7 =	vor.u32 s15, v3  }
.Ltmp1:
0xa0: {  	v5 =	vor.u32 s15, v4;
	(pc) =	sbr.rel @p1 .LBB2_5-.Ltmp1, $3  }
0xa1: {  	_ =	sdelay $0x1  }
0xa2: {  	v8 =	vshll.u32 v6, $0x10  }
0xa3: {  	v6 =	vand.u32 $0xFFFF0000, v6;
	[tilespmem:v7+s18+$0x0] =	vst.idx.msk $0xffff, v8  }
0xa4: {  	_ =	sdelay $0x2  }
0xa5: {  	s3 =	sshrl.u32 s0, $0x2  }
0xa6: {  	[tilespmem:v5+s18+$0x0] =	vst.idx.msk $0xffff, v6;
	s5 =	sadd.s32 $0x5000, s3  }
0xa7: {  	[spmem:s2] =	stream.indirect.scatter.add.f32 [tilespmem:s18], [sflag:$0x5], $0x40, s5, s13, $0xb8;
	[tilespmem:$0x1A400] =	vst v63  }
0xa8: {  	s5 =	simm.s32 @!p0 $0x8  }
0xa9: {  	_ =	swait.ge @!p0 [sflag:s5], $0x1000  }
0xaa: {  	s6 =	sor.u32 $0x300, s0;
	[sflag:s5] =	ssyncset.done @!p0 $0x0  }
0xab: {  	s15 =	sshrl.u32 s6, $0x2;
	[sflag:s5] =	ssyncadd.s32 @!p0 $0xFFFFF000  }
0xac: {  	[tilespmem:s19], [sflag:$0x4] =	stream.indirect.gather [hbm4b:s4+s13], $0x20, s15, s13, $0xb8;
	[tilespmem:$0x1A400] =	vst v63  }
0xad: {  	_ =	swait.ge [sflag:s20], $0x800  }
0xae: {  	[sflag:s20] =	ssyncset.done $0x0  }
0xaf: {  	s5 =	simm.s32 $0xA830;
	[sflag:s20] =	ssyncadd.s32 $0xFFFFF800  }
0xb0: {  	s9 =	simm.s32 $0x0;
	v5 =	vld [tilespmem:s5+$0xFFFFFFD0]  }
0xb1: {  	v6 =	vor.u32 s9, v0  }
0xb2: {  	v7 =	vor.u32 s9, v2;
	_ =	sdelay $0x2  }
0xb3: {  	v8 =	vshll.u32 v5, $0x10  }
0xb4: {  	v5 =	vand.u32 $0xFFFF0000, v5;
	[tilespmem:v6+s21+$0x0] =	vst.idx.msk $0xffff, v8  }
0xb5: {  	[tilespmem:v7+s21+$0x0] =	vst.idx.msk $0xffff, v5  }
0xb6: {  	v5 =	vld [tilespmem:s5+$0xFFFFFFE0]  }
0xb7: {  	v6 =	vor.u32 s9, v3  }
0xb8: {  	v7 =	vor.u32 s9, v4;
	_ =	sdelay $0x2  }
0xb9: {  	v8 =	vshll.u32 v5, $0x10  }
0xba: {  	v5 =	vand.u32 $0xFFFF0000, v5;
	[tilespmem:v6+s21+$0x0] =	vst.idx.msk $0xffff, v8  }
0xbb: {  	[tilespmem:v7+s21+$0x0] =	vst.idx.msk $0xffff, v5  }
0xbc: {  	s8 =	simm.s32 $0x40;
	v5 =	vld [tilespmem:s5+$0xFFFFFFF0]  }
0xbd: {  	v6 =	vor.u32 s8, v0  }
0xbe: {  	v7 =	vor.u32 s8, v2;
	_ =	sdelay $0x2  }
0xbf: {  	v8 =	vshll.u32 v5, $0x10  }
0xc0: {  	v5 =	vand.u32 $0xFFFF0000, v5;
	[tilespmem:v6+s21+$0x0] =	vst.idx.msk $0xffff, v8  }
0xc1: {  	[tilespmem:v7+s21+$0x0] =	vst.idx.msk $0xffff, v5  }
0xc2: {  	v6 =	vld [tilespmem:s5+$0x0]  }
0xc3: {  	v7 =	vor.u32 s8, v3;
	_ =	sdelay $0x1  }
0xc4: {  	v5 =	vor.u32 s8, v4;
	_ =	sdelay $0x1  }
0xc5: {  	v8 =	vshll.u32 v6, $0x10  }
0xc6: {  	s6 =	simm.s32 $0x2;
	v6 =	vand.u32 $0xFFFF0000, v6;
	[tilespmem:v7+s21+$0x0] =	vst.idx.msk $0xffff, v8  }
.LBB2_7:
0xc7: {  	p0 =	slt.u32 s6, $0x3E  }
0xc8: {  	[tilespmem:v5+s21+$0x0] =	vst.idx.msk $0xffff, v6;
	s5 =	sadd.s32 $0x40, s5;
	s8 =	smov.u32 s6;
	s6 =	sadd.s32 $0x2, s6  }
0xc9: {  	v5 =	vld [tilespmem:s5+$0xFFFFFFD0];
	s8 =	sshll.u32 s8, $0x6  }
0xca: {  	v6 =	vor.u32 s8, v0;
	s9 =	sadd.s32 $0x40, s8  }
0xcb: {  	v7 =	vor.u32 s8, v2;
	_ =	sdelay $0x2  }
0xcc: {  	v8 =	vshll.u32 v5, $0x10  }
0xcd: {  	v5 =	vand.u32 $0xFFFF0000, v5;
	[tilespmem:v6+s21+$0x0] =	vst.idx.msk $0xffff, v8  }
0xce: {  	[tilespmem:v7+s21+$0x0] =	vst.idx.msk $0xffff, v5  }
0xcf: {  	v5 =	vld [tilespmem:s5+$0xFFFFFFE0]  }
0xd0: {  	v6 =	vor.u32 s8, v3  }
0xd1: {  	v7 =	vor.u32 s8, v4;
	_ =	sdelay $0x2  }
0xd2: {  	v8 =	vshll.u32 v5, $0x10  }
0xd3: {  	v5 =	vand.u32 $0xFFFF0000, v5;
	[tilespmem:v6+s21+$0x0] =	vst.idx.msk $0xffff, v8  }
0xd4: {  	[tilespmem:v7+s21+$0x0] =	vst.idx.msk $0xffff, v5  }
0xd5: {  	v5 =	vld [tilespmem:s5+$0xFFFFFFF0]  }
0xd6: {  	v6 =	vor.u32 s9, v0  }
0xd7: {  	v7 =	vor.u32 s9, v2;
	_ =	sdelay $0x2  }
0xd8: {  	v8 =	vshll.u32 v5, $0x10  }
0xd9: {  	v5 =	vand.u32 $0xFFFF0000, v5;
	[tilespmem:v6+s21+$0x0] =	vst.idx.msk $0xffff, v8  }
0xda: {  	[tilespmem:v7+s21+$0x0] =	vst.idx.msk $0xffff, v5  }
0xdb: {  	v6 =	vld [tilespmem:s5+$0x0]  }
0xdc: {  	v7 =	vor.u32 s9, v3  }
.Ltmp2:
0xdd: {  	v5 =	vor.u32 s9, v4;
	(pc) =	sbr.rel @p0 .LBB2_7-.Ltmp2, $3  }
0xde: {  	_ =	sdelay $0x1  }
0xdf: {  	v8 =	vshll.u32 v6, $0x10  }
0xe0: {  	v6 =	vand.u32 $0xFFFF0000, v6;
	[tilespmem:v7+s21+$0x0] =	vst.idx.msk $0xffff, v8  }
0xe1: {  	_ =	sdelay $0x3  }
0xe2: {  	[tilespmem:v5+s21+$0x0] =	vst.idx.msk $0xffff, v6;
	s3 =	sadd.s32 $0x5040, s3  }
0xe3: {  	[spmem:s2] =	stream.indirect.scatter.add.f32 [tilespmem:s21], [sflag:$0x6], $0x40, s3, s13, $0xb8;
	[tilespmem:$0x1A400] =	vst v63  }
0xe4: {  	p0 =	seq.s32 s11, $0x4F;
	_ =	swait.ge [sflag:s22], $0x1000  }
0xe5: {  	s0 =	sshrl.u32 @!p0 s0, $0x2;
	s5 =	simm.s32 @!p0 $0x40;
	[sflag:s22] =	ssyncset.done $0x0  }
0xe6: {  	s6 =	simm.s32 @!p0 $0xA000;
	s3 =	sadd.s32 @!p0 $0x100, s0;
	[sflag:s22] =	ssyncadd.s32 $0xFFFFF000  }
0xe7: {  	[tilespmem:s6], [sflag:$0x1] =	stream.indirect.gather @!p0 [hbm4b:s4+s5], $0x20, s3, s5, $0xb8;
	[tilespmem:$0x1A400] =	vst v63  }
0xe8: {  	_ =	swait.ge [sflag:s23], $0x800  }
0xe9: {  	[sflag:s23] =	ssyncset.done $0x0  }
0xea: {  	s3 =	simm.s32 $0xB030;
	[sflag:s23] =	ssyncadd.s32 $0xFFFFF800  }
0xeb: {  	s8 =	simm.s32 $0x0;
	v5 =	vld [tilespmem:s3+$0xFFFFFFD0]  }
0xec: {  	v6 =	vor.u32 s8, v0  }
0xed: {  	v7 =	vor.u32 s8, v2;
	_ =	sdelay $0x2  }
0xee: {  	v8 =	vshll.u32 v5, $0x10  }
0xef: {  	v5 =	vand.u32 $0xFFFF0000, v5;
	[tilespmem:v6+s24+$0x0] =	vst.idx.msk $0xffff, v8  }
0xf0: {  	[tilespmem:v7+s24+$0x0] =	vst.idx.msk $0xffff, v5  }
0xf1: {  	v5 =	vld [tilespmem:s3+$0xFFFFFFE0]  }
0xf2: {  	v6 =	vor.u32 s8, v3  }
0xf3: {  	v7 =	vor.u32 s8, v4;
	_ =	sdelay $0x2  }
0xf4: {  	v8 =	vshll.u32 v5, $0x10  }
0xf5: {  	v5 =	vand.u32 $0xFFFF0000, v5;
	[tilespmem:v6+s24+$0x0] =	vst.idx.msk $0xffff, v8  }
0xf6: {  	[tilespmem:v7+s24+$0x0] =	vst.idx.msk $0xffff, v5  }
0xf7: {  	s9 =	simm.s32 $0x40;
	v5 =	vld [tilespmem:s3+$0xFFFFFFF0]  }
0xf8: {  	v6 =	vor.u32 s9, v0  }
0xf9: {  	v7 =	vor.u32 s9, v2;
	_ =	sdelay $0x2  }
0xfa: {  	v8 =	vshll.u32 v5, $0x10  }
0xfb: {  	v5 =	vand.u32 $0xFFFF0000, v5;
	[tilespmem:v6+s24+$0x0] =	vst.idx.msk $0xffff, v8  }
0xfc: {  	[tilespmem:v7+s24+$0x0] =	vst.idx.msk $0xffff, v5  }
0xfd: {  	v6 =	vld [tilespmem:s3+$0x0]  }
0xfe: {  	v7 =	vor.u32 s9, v3;
	_ =	sdelay $0x1  }
0xff: {  	v5 =	vor.u32 s9, v4;
	_ =	sdelay $0x1  }
0x100: {  	v8 =	vshll.u32 v6, $0x10  }
0x101: {  	s5 =	simm.s32 $0x2;
	v6 =	vand.u32 $0xFFFF0000, v6;
	[tilespmem:v7+s24+$0x0] =	vst.idx.msk $0xffff, v8  }
.LBB2_9:
0x102: {  	p1 =	slt.u32 s5, $0x3E  }
0x103: {  	[tilespmem:v5+s24+$0x0] =	vst.idx.msk $0xffff, v6;
	s3 =	sadd.s32 $0x40, s3;
	s6 =	smov.u32 s5;
	s5 =	sadd.s32 $0x2, s5  }
0x104: {  	v5 =	vld [tilespmem:s3+$0xFFFFFFD0];
	s6 =	sshll.u32 s6, $0x6  }
0x105: {  	v6 =	vor.u32 s6, v0;
	s8 =	sadd.s32 $0x40, s6  }
0x106: {  	v7 =	vor.u32 s6, v2;
	_ =	sdelay $0x2  }
0x107: {  	v8 =	vshll.u32 v5, $0x10  }
0x108: {  	v5 =	vand.u32 $0xFFFF0000, v5;
	[tilespmem:v6+s24+$0x0] =	vst.idx.msk $0xffff, v8  }
0x109: {  	[tilespmem:v7+s24+$0x0] =	vst.idx.msk $0xffff, v5  }
0x10a: {  	v5 =	vld [tilespmem:s3+$0xFFFFFFE0]  }
0x10b: {  	v6 =	vor.u32 s6, v3  }
0x10c: {  	v7 =	vor.u32 s6, v4;
	_ =	sdelay $0x2  }
0x10d: {  	v8 =	vshll.u32 v5, $0x10  }
0x10e: {  	v5 =	vand.u32 $0xFFFF0000, v5;
	[tilespmem:v6+s24+$0x0] =	vst.idx.msk $0xffff, v8  }
0x10f: {  	[tilespmem:v7+s24+$0x0] =	vst.idx.msk $0xffff, v5  }
0x110: {  	v5 =	vld [tilespmem:s3+$0xFFFFFFF0]  }
0x111: {  	v6 =	vor.u32 s8, v0  }
0x112: {  	v7 =	vor.u32 s8, v2;
	_ =	sdelay $0x2  }
0x113: {  	v8 =	vshll.u32 v5, $0x10  }
0x114: {  	v5 =	vand.u32 $0xFFFF0000, v5;
	[tilespmem:v6+s24+$0x0] =	vst.idx.msk $0xffff, v8  }
0x115: {  	[tilespmem:v7+s24+$0x0] =	vst.idx.msk $0xffff, v5  }
0x116: {  	v6 =	vld [tilespmem:s3+$0x0]  }
0x117: {  	v7 =	vor.u32 s8, v3  }
.Ltmp3:
0x118: {  	v5 =	vor.u32 s8, v4;
	(pc) =	sbr.rel @p1 .LBB2_9-.Ltmp3, $3  }
0x119: {  	_ =	sdelay $0x1  }
0x11a: {  	v8 =	vshll.u32 v6, $0x10  }
0x11b: {  	v6 =	vand.u32 $0xFFFF0000, v6;
	[tilespmem:v7+s24+$0x0] =	vst.idx.msk $0xffff, v8  }
0x11c: {  	_ =	sdelay $0x3  }
0x11d: {  	[tilespmem:v5+s24+$0x0] =	vst.idx.msk $0xffff, v6;
	s3 =	sadd.s32 $0x5000, s14  }
0x11e: {  	[spmem:s2] =	stream.indirect.scatter.add.f32 [tilespmem:s24], [sflag:$0x7], $0x40, s3, s13, $0xb8;
	[tilespmem:$0x1A400] =	vst v63  }
0x11f: {  	_ =	swait.ge [sflag:s26], $0x1000  }
0x120: {  	s0 =	sadd.s32 @!p0 $0x140, s0;
	[sflag:s26] =	ssyncset.done $0x0  }
0x121: {  	s5 =	simm.s32 @!p0 $0xA800;
	s3 =	simm.s32 @!p0 $0x40;
	[sflag:s26] =	ssyncadd.s32 $0xFFFFF000  }
0x122: {  	[tilespmem:s5], [sflag:$0x2] =	stream.indirect.gather @!p0 [hbm4b:s4+s3], $0x20, s0, s3, $0xb8;
	[tilespmem:$0x1A400] =	vst v63  }
0x123: {  	_ =	swait.ge [sflag:s28], $0x800  }
0x124: {  	[sflag:s28] =	ssyncset.done $0x0  }
0x125: {  	s0 =	simm.s32 $0xB830;
	[sflag:s28] =	ssyncadd.s32 $0xFFFFF800  }
0x126: {  	s9 =	simm.s32 $0x0;
	v5 =	vld [tilespmem:s0+$0xFFFFFFD0]  }
0x127: {  	v6 =	vor.u32 s9, v0  }
0x128: {  	v7 =	vor.u32 s9, v2;
	_ =	sdelay $0x2  }
0x129: {  	v8 =	vshll.u32 v5, $0x10  }
0x12a: {  	v5 =	vand.u32 $0xFFFF0000, v5;
	[tilespmem:v6+s29+$0x0] =	vst.idx.msk $0xffff, v8  }
0x12b: {  	[tilespmem:v7+s29+$0x0] =	vst.idx.msk $0xffff, v5  }
0x12c: {  	v5 =	vld [tilespmem:s0+$0xFFFFFFE0]  }
0x12d: {  	v6 =	vor.u32 s9, v3  }
0x12e: {  	v7 =	vor.u32 s9, v4;
	_ =	sdelay $0x2  }
0x12f: {  	v8 =	vshll.u32 v5, $0x10  }
0x130: {  	v5 =	vand.u32 $0xFFFF0000, v5;
	[tilespmem:v6+s29+$0x0] =	vst.idx.msk $0xffff, v8  }
0x131: {  	[tilespmem:v7+s29+$0x0] =	vst.idx.msk $0xffff, v5  }
0x132: {  	s14 =	simm.s32 $0x40;
	v5 =	vld [tilespmem:s0+$0xFFFFFFF0]  }
0x133: {  	v6 =	vor.u32 s14, v0  }
0x134: {  	v7 =	vor.u32 s14, v2;
	_ =	sdelay $0x2  }
0x135: {  	v8 =	vshll.u32 v5, $0x10  }
0x136: {  	v5 =	vand.u32 $0xFFFF0000, v5;
	[tilespmem:v6+s29+$0x0] =	vst.idx.msk $0xffff, v8  }
0x137: {  	[tilespmem:v7+s29+$0x0] =	vst.idx.msk $0xffff, v5  }
0x138: {  	v6 =	vld [tilespmem:s0+$0x0]  }
0x139: {  	v7 =	vor.u32 s14, v3;
	_ =	sdelay $0x1  }
0x13a: {  	v5 =	vor.u32 s14, v4;
	_ =	sdelay $0x1  }
0x13b: {  	v8 =	vshll.u32 v6, $0x10  }
0x13c: {  	s3 =	simm.s32 $0x2;
	v6 =	vand.u32 $0xFFFF0000, v6;
	[tilespmem:v7+s29+$0x0] =	vst.idx.msk $0xffff, v8  }
.LBB2_11:
0x13d: {  	p0 =	slt.u32 s3, $0x3E  }
0x13e: {  	[tilespmem:v5+s29+$0x0] =	vst.idx.msk $0xffff, v6;
	s0 =	sadd.s32 $0x40, s0;
	s5 =	smov.u32 s3;
	s3 =	sadd.s32 $0x2, s3  }
0x13f: {  	v5 =	vld [tilespmem:s0+$0xFFFFFFD0];
	s5 =	sshll.u32 s5, $0x6  }
0x140: {  	v6 =	vor.u32 s5, v0;
	s6 =	sadd.s32 $0x40, s5  }
0x141: {  	v7 =	vor.u32 s5, v2;
	_ =	sdelay $0x2  }
0x142: {  	v8 =	vshll.u32 v5, $0x10  }
0x143: {  	v5 =	vand.u32 $0xFFFF0000, v5;
	[tilespmem:v6+s29+$0x0] =	vst.idx.msk $0xffff, v8  }
0x144: {  	[tilespmem:v7+s29+$0x0] =	vst.idx.msk $0xffff, v5  }
0x145: {  	v5 =	vld [tilespmem:s0+$0xFFFFFFE0]  }
0x146: {  	v6 =	vor.u32 s5, v3  }
0x147: {  	v7 =	vor.u32 s5, v4;
	_ =	sdelay $0x2  }
0x148: {  	v8 =	vshll.u32 v5, $0x10  }
0x149: {  	v5 =	vand.u32 $0xFFFF0000, v5;
	[tilespmem:v6+s29+$0x0] =	vst.idx.msk $0xffff, v8  }
0x14a: {  	[tilespmem:v7+s29+$0x0] =	vst.idx.msk $0xffff, v5  }
0x14b: {  	v5 =	vld [tilespmem:s0+$0xFFFFFFF0]  }
0x14c: {  	v6 =	vor.u32 s6, v0  }
0x14d: {  	v7 =	vor.u32 s6, v2;
	_ =	sdelay $0x2  }
0x14e: {  	v8 =	vshll.u32 v5, $0x10  }
0x14f: {  	v5 =	vand.u32 $0xFFFF0000, v5;
	[tilespmem:v6+s29+$0x0] =	vst.idx.msk $0xffff, v8  }
0x150: {  	[tilespmem:v7+s29+$0x0] =	vst.idx.msk $0xffff, v5  }
0x151: {  	v6 =	vld [tilespmem:s0+$0x0]  }
0x152: {  	v7 =	vor.u32 s6, v3  }
.Ltmp4:
0x153: {  	v5 =	vor.u32 s6, v4;
	(pc) =	sbr.rel @p0 .LBB2_11-.Ltmp4, $3  }
0x154: {  	_ =	sdelay $0x1  }
0x155: {  	v8 =	vshll.u32 v6, $0x10  }
0x156: {  	v6 =	vand.u32 $0xFFFF0000, v6;
	[tilespmem:v7+s29+$0x0] =	vst.idx.msk $0xffff, v8  }
0x157: {  	s11 =	sadd.s32 $0x1, s11  }
0x158: {  	p0 =	sne.s32 s11, $0x50  }
.Ltmp5:
0x159: {  	_ = 	snop;
	(pc) =	sbr.rel @p0 .LBB2_4-.Ltmp5, $3  }
0x15a: {  	_ =	sdelay $0x1  }
0x15b: {  	[tilespmem:v5+s29+$0x0] =	vst.idx.msk $0xffff, v6;
	s0 =	sadd.s32 $0x5000, s15  }
0x15c: {  	[spmem:s2] =	stream.indirect.scatter.add.f32 [tilespmem:s29], [sflag:$0x8], $0x40, s0, s13, $0xb8;
	[tilespmem:$0x1A400] =	vst v63  }
0x15d: {  	_ =	swait.ge [sflag:s30], $0x1000  }
0x15e: {  	[sflag:s30] =	ssyncset.done $0x0  }
0x15f: {  	[sflag:s30] =	ssyncadd.s32 $0xFFFFF000  }
0x160: {  	_ =	swait.ge [sflag:s31], $0x1000  }
0x161: {  	[sflag:s31] =	ssyncset.done $0x0  }
0x162: {  	s0 =	stileid.u32;
	[sflag:s31] =	ssyncadd.s32 $0xFFFFF000  }
0x163: {  	s0 =	sshll.u32 s0, $0x6;
	[bflag:$0x0] =	sbarrier.arrive $0xFFFF  }
0x164: {  	s0 =	sor.u32 $0x1C09, s0;
	s3 =	rddreg [dreg:$0x5]  }
0x165: {  	[hbm:s3], [sflag:s0] =	dma.local [spmem:s25], $0x1400  }
0x166: {  	_ =	swait.ge [sflag:s10], $0x1400  }
0x167: {  	s1 =	sadd.s32 $0x1, s1;
	s15 =	rddreg [dreg:$0x6]  }
0x168: {  	p0 =	sne.s32 s1, s15  }
.Ltmp6:
0x169: {  	_ = 	snop;
	(pc) =	sbr.rel @p0 .LBB2_1-.Ltmp6, $3  }
0x16a: {  	_ =	sdelay $0x1  }
0x16b: {  	[sflag:s10] =	ssyncset.done $0x0  }
0x16c: {  	[sflag:s10] =	ssyncadd.s32 $0xFFFFEC00  }
0x16d: {  	_ =	sfence.sel $0x180000  }
0x16e: {  	[bflag:$0x0] =	sbarrier.arrive $0xFFFF  }
0x16f: {  	_ =	strace $0x9000004D  }
0x170: {  	s0 =	stileid.u32;
	[bflag:$0x2] =	sbarrier.arrive $0xFFFF  }
0x171: {  	p0 =	sne.s32 s0, $0x0;
	s0 =	rddreg [dreg:$0x2]  }
0x172: {  	s0 =	sadd.s32 @!p0 $0x100000, s0  }
0x173: {  	[sflag:s0] =	ssyncadd.tile.s32 @!p0 $0x1;
	_ =	shalt  }
.Lfunc_end2:
_tile_overlayer_lowered:
.L_overlay_start_2:
0x174: {  	(tag) =	ssettag $0x2  }
0x175: {  	s0 =	rddreg [dreg:$0x0];
	s2 =	stileid.u32  }
0x176: {  	s1 =	rddreg [dreg:$0x1];
	p0 =	sne.s32 s2, $0x0  }
0x177: {  	s3 =	rddreg [dreg:$0x2];
	[bflag:$0x3] =	sbarrier.arrive $0xFFFF;
	s2 =	simm.s32 @!p0 $0x1C09  }
0x178: {  	[timem:s3], [sflag:s2] =	dma.local @!p0 [hbm:s0], s1  }
0x179: {  	s0 =	simm.s32 @!p0 $0x9  }
0x17a: {  	_ =	swait.ge @!p0 [sflag:s0], s1  }
0x17b: {  	s1 =	ssub.s32 @!p0 $0x0, s1;
	[sflag:s0] =	ssyncset.done @!p0 $0x0  }
0x17c: {  	[sflag:s0] =	ssyncadd.s32 @!p0 s1  }
0x17d: {  	[bflag:$0x3] =	sbarrier.arrive $0xFFFF  }
0x17e: {  	_ =	shalt  }

// kernel: kernel.8.cloned.1.call-start
scs
__scs_entry_jumppad:
0x0: {  	(pc) =	sbr.rel $0x88, $3  }
0x1: {  	(tag) =	ssettag $0x0;
	lr =	simm.s32 $0x1  }
0x2: {  	[smem:$0x3F97] =	sst lr;
	_ =	strace $0xD0000000  }
0x3: {  	_ = 	snop  }
0x4: {  	_ = 	snop  }
0x5: {  	_ = 	snop  }
0x6: {  	_ = 	snop  }
0x7: {  	_ = 	snop  }
__scs_overlays_trampoline_lowered:
0x8: {  	[smem:$0x3FA6] =	sst s0  }
0x9: {  	[smem:$0x3FA7] =	sst s1  }
0xa: {  	[smem:$0x3FA8] =	sst s2  }
0xb: {  	[smem:$0x3FA9] =	sst s3  }
0xc: {  	[smem:$0x3FAA] =	sst s4  }
0xd: {  	[smem:$0x3FAB] =	sst s5  }
0xe: {  	[smem:$0x3FAC] =	sst s6  }
0xf: {  	[smem:$0x3FAD] =	sst s7  }
0x10: {  	[smem:$0x3FAE] =	sst s8  }
0x11: {  	[smem:$0x3FAF] =	sst s9;
	s0 =	simm.s32 @!p0 $0x0  }
0x12: {  	s1 =	sld [smem:$0x3F95];
	s0 =	simm.s32 @p0 $0x1  }
0x13: {  	[smem:$0x3FB0] =	sst s0;
	s0 =	simm.s32 @!p1 $0x0  }
0x14: {  	s2 =	sld [smem:$0x3F94];
	s0 =	simm.s32 @p1 $0x1  }
0x15: {  	[smem:$0x3FB1] =	sst s0;
	s0 =	simm.s32 @!p2 $0x0  }
0x16: {  	s3 =	sld [smem:$0x3FDB];
	s0 =	simm.s32 @p2 $0x1  }
0x17: {  	s4 =	simm.s32 $0x1BF5;
	[smem:$0x3FB3] =	sst s0  }
0x18: {  	s0 =	sld [smem:$0x3F96];
	_ =	swait.ge [sflag:s4], $0x0  }
0x19: {  	s7 =	sld [smem:$0x3F97]  }
0x1a: {  	s8 =	sadd.s32 $0xFFFFE003, lr  }
0x1b: {  	s9 =	sadd.s32 $0xFFFFFEF7, lr;
	s5 =	simm.s32 $0xFFFFFFFF;
	p2 =	slt.u32 s8, $0xFFFFF086  }
0x1c: {  	p1 =	slt.u32 s9, $0xF7A;
	s5 =	simm.s32 @!p2 $0x0  }
0x1d: {  	s5 =	simm.s32 @p1 $0x1;
	p0 =	seq.s32 s7, s2  }
0x1e: {  	s7 =	smul.u32 @!p0 $0xF7A, s2;
	p2 =	seq.s32 @!p0 s5, $0x0  }
0x1f: {  	s9 =	smul.u32 $0xF7A, s1;
	s8 =	simm.s32 @!p0 $0x1BF5;
	p2 =	por !p2, p0  }
0x20: {  	[sflag:s8] =	ssyncset.s32 @!p0 $0xFFFFF086;
	s6 =	sadd.s32 @!p0 s3, s7;
	s7 =	simm.s32 @!p0 $0x108  }
0x21: {  	s3 =	sadd.s32 s3, s9;
	s6 =	sadd.s32 @!p0 $0x88, s6;
	s7 =	simm.s32 @p2 $0x1082  }
0x22: {  	[simem:s7], [sflag:s8] =	dma.local @!p0 [hbm:s6], $0xF7A  }
0x23: {  	s9 =	sor.u32 $0xD0000000, s2;
	s6 =	simm.s32 $0x108;
	_ =	swait.ge @!p0 [sflag:s8], $0x0  }
0x24: {  	s3 =	sadd.s32 $0x88, s3;
	s6 =	simm.s32 @!p1 $0x1082;
	[sflag:s4] =	ssyncset.s32 $0xFFFFF086  }
0x25: {  	[simem:s6], [sflag:s4] =	dma.local [hbm:s3], $0xF7A  }
0x26: {  	[smem:$0x3F97] =	sst s1;
	(tag) =	ssettag s2;
	_ =	strace s9  }
0x27: {  	s1 =	sld [smem:$0x3FA7]  }
0x28: {  	s2 =	sld [smem:$0x3FA8]  }
0x29: {  	s4 =	sld [smem:$0x3FAA]  }
0x2a: {  	p0 =	seq.s32 s5, $0x0;
	s5 =	sld [smem:$0x3FAB]  }
0x2b: {  	s6 =	sld [smem:$0x3FAC]  }
0x2c: {  	s7 =	sld [smem:$0x3FAD]  }
0x2d: {  	s3 =	simm.s32 $0x108;
	s8 =	sld [smem:$0x3FAE]  }
0x2e: {  	s3 =	simm.s32 @!p0 $0x1082;
	s9 =	sld [smem:$0x3FAF]  }
0x2f: {  	lr =	sadd.s32 s0, s3;
	s0 =	sld [smem:$0x3FA6]  }
0x30: {  	s3 =	sld [smem:$0x3FA9]  }
0x31: {  	[smem:$0x3FB2] =	sst s10  }
0x32: {  	s10 =	sld [smem:$0x3FB0];
	_ =	sdelay $0x3  }
0x33: {  	p0 =	seq.s32 s10, $0x1;
	s10 =	sld [smem:$0x3FB2];
	_ =	sdelay $0x3  }
0x34: {  	[smem:$0x3FB2] =	sst s10  }
0x35: {  	s10 =	sld [smem:$0x3FB1];
	_ =	sdelay $0x3  }
0x36: {  	p1 =	seq.s32 s10, $0x1;
	s10 =	sld [smem:$0x3FB2];
	_ =	sdelay $0x3  }
0x37: {  	[smem:$0x3FB2] =	sst s10  }
0x38: {  	s10 =	sld [smem:$0x3FB3]  }
0x39: {  	_ = 	snop;
	(pc) =	sbr.ind lr, $3  }
0x3a: {  	_ = 	snop  }
0x3b: {  	_ = 	snop  }
0x3c: {  	p2 =	seq.s32 s10, $0x1;
	s10 =	sld [smem:$0x3FB2]  }
0x3d: {  	_ =	shalt  }
0x3e: {  	_ =	shalt  }
0x3f: {  	_ =	shalt  }
0x40: {  	_ =	shalt  }
0x41: {  	_ =	shalt  }
0x42: {  	_ =	shalt  }
0x43: {  	_ =	shalt  }
0x44: {  	_ =	shalt  }
0x45: {  	_ =	shalt  }
0x46: {  	_ =	shalt  }
0x47: {  	_ =	shalt  }
0x48: {  	_ =	shalt  }
0x49: {  	_ =	shalt  }
0x4a: {  	_ =	shalt  }
0x4b: {  	_ =	shalt  }
0x4c: {  	_ =	shalt  }
0x4d: {  	_ =	shalt  }
0x4e: {  	_ =	shalt  }
0x4f: {  	_ =	shalt  }
0x50: {  	_ =	shalt  }
0x51: {  	_ =	shalt  }
0x52: {  	_ =	shalt  }
0x53: {  	_ =	shalt  }
0x54: {  	_ =	shalt  }
0x55: {  	_ =	shalt  }
0x56: {  	_ =	shalt  }
0x57: {  	_ =	shalt  }
0x58: {  	_ =	shalt  }
0x59: {  	_ =	shalt  }
0x5a: {  	_ =	shalt  }
0x5b: {  	_ =	shalt  }
0x5c: {  	_ =	shalt  }
0x5d: {  	_ =	shalt  }
0x5e: {  	_ =	shalt  }
0x5f: {  	_ =	shalt  }
0x60: {  	_ =	shalt  }
0x61: {  	_ =	shalt  }
0x62: {  	_ =	shalt  }
0x63: {  	_ =	shalt  }
0x64: {  	_ =	shalt  }
0x65: {  	_ =	shalt  }
0x66: {  	_ =	shalt  }
0x67: {  	_ =	shalt  }
0x68: {  	_ =	shalt  }
0x69: {  	_ =	shalt  }
0x6a: {  	_ =	shalt  }
0x6b: {  	_ =	shalt  }
0x6c: {  	_ =	shalt  }
0x6d: {  	_ =	shalt  }
0x6e: {  	_ =	shalt  }
0x6f: {  	_ =	shalt  }
0x70: {  	_ =	shalt  }
0x71: {  	_ =	shalt  }
0x72: {  	_ =	shalt  }
0x73: {  	_ =	shalt  }
0x74: {  	_ =	shalt  }
0x75: {  	_ =	shalt  }
0x76: {  	_ =	shalt  }
0x77: {  	_ =	shalt  }
0x78: {  	_ =	shalt  }
0x79: {  	_ =	shalt  }
0x7a: {  	_ =	shalt  }
0x7b: {  	_ =	shalt  }
0x7c: {  	_ =	shalt  }
0x7d: {  	_ =	shalt  }
0x7e: {  	_ =	shalt  }
0x7f: {  	_ =	shalt  }
0x80: {  	_ =	shalt  }
0x81: {  	_ =	shalt  }
0x82: {  	_ =	shalt  }
0x83: {  	_ =	shalt  }
0x84: {  	_ =	shalt  }
0x85: {  	_ =	shalt  }
0x86: {  	_ =	shalt  }
0x87: {  	_ =	shalt  }
.Lfunc_end0:
.L_simem_size_0:
called_computation_lowered:
.L_overlay_start_0:
0x88: {  	s2 =	sld [smem:$0x3FD9]  }
0x89: {  	s3 =	sld [smem:$0x3FFE];
	_ =	sdelay $0x1  }
0x8a: {  	s1 =	srdreg.scid  }
0x8b: {  	s0 =	sand.u32 $0x1, s1  }
0x8c: {  	s16 =	sshll.u32 s0, $0xA;
	s2 =	sadd.s32 s3, s2  }
0x8d: {  	s2 =	sadd.s32 s2, s16  }
0x8e: {  	[smem:$0x3FBE] =	sst s2  }
0x8f: {  	_ = 	snop  }
0x90: {  	(tm) =	ssettm $0x1  }
0x91: {  	s17 =	sld [smem:$0x3FFB];
	_ =	sdelay $0x3  }
0x92: {  	_ =	strace s17  }
0x93: {  	s2 =	sld [smem:$0x3FFC];
	_ =	sdelay $0x3  }
0x94: {  	_ =	strace s2  }
0x95: {  	s2 =	sld [smem:$0x3FFD];
	_ =	sdelay $0x3  }
0x96: {  	_ =	strace s2  }
0x97: {  	_ =	strace $0x8FFFFFFF  }
0x98: {  	s18 =	sld [smem:$0x3FDB];
	_ =	sdelay $0x1  }
0x99: {  	s19 =	simm.s32 $_scs_section_size  }
0x9a: {  	s4 =	simm.s32 $_size__tile_overlayer_lowered;
	s5 =	simm.s32 $_tile_overlayer_lowered  }
0x9b: {  	s22 =	simm.s32 $0x1BFF;
	s21 =	sshll.u32 s5, $0x1;
	s2 =	sadd.s32 s19, s18  }
0x9c: {  	s6 =	simm.s32 $0x0;
	s20 =	sshll.u32 s4, $0x1;
	s4 =	sadd.s32 s21, s2  }
0x9d: {  	[timem:s6], [sflag:s22] =	dma.local [hbm:s4], s20  }
0x9e: {  	_ =	swait.ge [sflag:s22], s20  }
0x9f: {  	s3 =	ssub.s32 $0x0, s20;
	[sflag:s22] =	ssyncset.done $0x0  }
0xa0: {  	[sflag:s22] =	ssyncadd.s32 s3;
	_ =	sdelay $0x1  }
0xa1: {  	s23 =	simm.s32 $0x1B8B  }
0xa2: {  	_ =	swait.ge [sflag:s23], $0x1  }
0xa3: {  	[sflag:s23] =	ssyncset.done $0x0  }
0xa4: {  	s25 =	simm.s32 $0x1B8E;
	s24 =	sld [smem:$0x3FFE];
	[sflag:s23] =	ssyncadd.s32 $0xFFFFFFFF  }
0xa5: {  	s26 =	simm.s32 $execute0_lowered;
	[smem:$0x3FD2] =	sst s25  }
0xa6: {  	s4 =	sshll.u32 s26, $0x1;
	_ =	strace $0x80000046;
	[dreg:$0x1] =	wrdreg $0xFFFFFFFF  }
0xa7: {  	s28 =	simm.s32 $_size_execute0_lowered;
	s2 =	sadd.s32 s2, s4;
	[dreg:$0x0] =	wrdreg $0x0  }
0xa8: {  	s4 =	sshll.u32 s28, $0x1;
	[dreg:$0x2] =	wrdreg s2  }
0xa9: {  	[dreg:$0x3] =	wrdreg s4  }
0xaa: {  	[dreg:$0x4] =	wrdreg $0xC0  }
0xab: {  	_ =	task [dreg:s6], $0x5FFFF  }
0xac: {  	[dreg:$0x1] =	wrdreg $0xFFFFFFFF  }
0xad: {  	[dreg:$0x0] =	wrdreg $0x60  }
0xae: {  	[dreg:$0x2] =	wrdreg s24  }
0xaf: {  	[dreg:$0x3] =	wrdreg $0x54000  }
0xb0: {  	[dreg:$0x4] =	wrdreg $0x9  }
0xb1: {  	_ =	task.clear_ibuf [dreg:s6], $0x5FFFF;
	_ =	strace $0x90000046  }
0xb2: {  	s29 =	simm.s32 $0x9;
	_ =	strace $0x80000048  }
0xb3: {  	_ =	swait.ge [sflag:s29], $0x1  }
0xb4: {  	[sflag:s29] =	ssyncadd.s32 $0xFFFFFFFF  }
0xb5: {  	_ =	strace $0x90000048  }
0xb6: {  	_ =	sfence  }
0xb7: {  	s30 =	sld [smem:$0x0];
	_ =	sdelay $0x2  }
0xb8: {  	s31 =	sshll.u32 s1, $0xD;
	s1 =	sshrl.u32 s1, $0x2  }
0xb9: {  	s3 =	sand.u32 $0x4000, s31;
	s1 =	sadd.s32 s1, s30  }
0xba: {  	s0 =	sor.u32 s3, s0;
	s1 =	sshll.u32 s1, $0x11  }
0xbb: {  	s0 =	sor.u32 s1, s0  }
0xbc: {  	s0 =	sadd.s32 $0x8F2B, s0  }
0xbd: {  	[sflag:s0] =	ssyncadd.remote.s32 $0x1  }
0xbe: {  	_ =	sfence.sel $0xFFFF  }
0xbf: {  	[dreg:$0x0] =	wrdreg $0xFFFFFFFF;
	(pc) =	sbr.abs _section_cstart, $3  }
0xc0: {  	[dreg:$0x1] =	wrdreg $0xFFFFFFFF  }
0xc1: {  	_ =	task.clear_ibuf [dreg:s6], $0x2FFFF;
	_ =	strace $0x9FFFFFFF  }
0xc2: {  	(tm) =	ssettm $0x7FFFFFFF  }
0xc3: {  	_ =	shalt  }
tec
execute0_lowered:
.L_overlay_start_1:
0x0: {  	(tag) =	ssettag $0x1  }
0x1: {  	s1 =	srdreg.scid;
	s4 =	rddreg [dreg:$0x0]  }
0x2: {  	s0 =	stileid.u32;
	s2 =	rddreg [dreg:$0x1]  }
0x3: {  	s3 =	simm.s32 $0x0;
	s10 =	simm.s32 $0x40;
	s6 =	smul.u32 $0x5000, s0  }
0x4: {  	s11 =	simm.s32 $0x2800;
	s5 =	sand.u32 $0x1, s1;
	s8 =	smul.u32 $0x2800, s0  }
0x5: {  	s14 =	simm.s32 $0x0;
	s1 =	rddreg [dreg:$0x2];
	s7 =	smul.u32 $0x2800, s5  }
0x6: {  	[smem:$0x7FF] =	sst s3;
	s12 =	sshll.u32 s0, $0x6;
	s9 =	smul.u32 $0x28000, s5  }
0x7: {  	_ =	strace $0x80000047;
	s5 =	ssub.s32 $0x2, s5;
	s12 =	sor.u32 $0x1C01, s12  }
0x8: {  	s31 =	sshrl.u32 s5, $0x1;
	s6 =	sadd.s32 s7, s6;
	s30 =	sadd.s32 s8, s9  }
0x9: {  	s9 =	ssub.s32 s5, s31;
	s5 =	sadd.s32 s8, s2;
	s6 =	sshrl.u32 s6, $0x3  }
0xa: {  	s8 =	simm.s32 $0x1;
	s7 =	sshrl.u32 s30, $0x3;
	s6 =	sadd.s32 s6, s4  }
0xb: {  	s13 =	sshrl.u32 s5, $0x3;
	s7 =	sadd.s32 s7, s4;
	s4 =	sadd.s32 $0x1C00, s6  }
0xc: {  	v0 =	vimm.f32 $1.000000000e+00;
	v1 =	vimm.f32 $0.0e+00;
	s6 =	sadd.s32 $0xBC00, s7;
	s7 =	smax.u32 s9, $0x1;
	s9 =	simm.s32 $0x2C00  }
.LBB2_1:
0xd: {  	[tilespmem:s3], [sflag:$0x1] =	stream.linear.gather [hbm4b:s4+s3], $0x2800, $0x38;
	[tilespmem:$0x7C00] =	vst v63  }
0xe: {  	_ =	swait.ge [sflag:s8], $0x2800  }
0xf: {  	[sflag:s8] =	ssyncset.done $0x0  }
0x10: {  	s15 =	simm.s32 $0x0;
	[sflag:s8] =	ssyncadd.s32 $0xFFFFD800  }
.LBB2_2:
0x11: {  	p0 =	sne.s32 s15, $0xFC0  }
.Ltmp0:
0x12: {  	_ = 	snop;
	(pc) =	sbr.rel @p0 .LBB2_2-.Ltmp0, $3  }
0x13: {  	_ =	sdelay $0x1  }
0x14: {  	s16 =	sshra.s32 s15, $0x2  }
0x15: {  	s15 =	sadd.s32 $0x40, s15;
	[tilespmem:s16+$0x2800] =	vst v0  }
0x16: {  	s15 =	simm.s32 $0x40;
	s16 =	simm.s32 $0x0  }
.LBB2_4:
0x17: {  	p0 =	sne.s32 s15, $0x9FC0;
	[tilespmem:s16+$0x2C00] =	vst v1;
	s16 =	smov.u32 s15;
	s15 =	sadd.s32 $0x40, s15  }
.Ltmp1:
0x18: {  	(pc) =	sbr.rel @p0 .LBB2_4-.Ltmp1, $2  }
0x19: {  	_ =	sdelay $0x2  }
0x1a: {  	s16 =	sshra.s32 s16, $0x2  }
0x1b: {  	[tilespmem:s16+$0x2C00] =	vst v1  }
0x1c: {  	[spmem:s5] =	stream.linear.scatter [tilespmem:s9], [sflag:$0x1], $0x2800, $0x38;
	[tilespmem:$0x7C00] =	vst v63  }
0x1d: {  	_ =	swait.ge [sflag:s8], $0x2800  }
0x1e: {  	[sflag:s8] =	ssyncset.done $0x0  }
0x1f: {  	[sflag:s8] =	ssyncadd.s32 $0xFFFFD800  }
0x20: {  	s15 =	simm.s32 $0x0;
	[bflag:$0x0] =	sbarrier.arrive $0xFFFF  }
0x21: {  	[spmem:s2] =	stream.indirect.scatter.add.f32 [tilespmem:s11], [sflag:$0x1], $0x10, s15, s10, $0xb8;
	[tilespmem:$0x7C00] =	vst v63  }
0x22: {  	_ =	swait.ge [sflag:s8], $0x400  }
0x23: {  	s15 =	simm.s32 $0x100;
	[sflag:s8] =	ssyncset.done $0x0  }
.LBB2_6:
0x24: {  	s16 =	sshra.s32 s15, $0x2;
	[sflag:s8] =	ssyncadd.s32 $0xFFFFFC00;
	p0 =	sne.s32 s15, $0x9F00  }
0x25: {  	[spmem:s2] =	stream.indirect.scatter.add.f32 [tilespmem:s11], [sflag:$0x1], $0x10, s16, s10, $0xb8;
	[tilespmem:$0x7C00] =	vst v63  }
.Ltmp2:
0x26: {  	_ = 	snop;
	(pc) =	sbr.rel @p0 .LBB2_6-.Ltmp2, $4  }
0x27: {  	_ = 	snop  }
0x28: {  	s15 =	sadd.s32 $0x100, s15  }
0x29: {  	_ =	swait.ge [sflag:s8], $0x400  }
0x2a: {  	[sflag:s8] =	ssyncset.done $0x0  }
0x2b: {  	s14 =	sadd.s32 $0x1, s14  }
0x2c: {  	[sflag:s8] =	ssyncadd.s32 $0xFFFFFC00;
	p0 =	sne.s32 s14, s7  }
.Ltmp3:
0x2d: {  	[bflag:$0x0] =	sbarrier.arrive $0xFFFF;
	(pc) =	sbr.rel @p0 .LBB2_1-.Ltmp3, $4  }
0x2e: {  	[hbm:s6], [sflag:s12] =	dma.local [spmem:s13], $0x500  }
0x2f: {  	_ =	swait.ge [sflag:s8], $0x500  }
0x30: {  	[sflag:s8] =	ssyncset.done $0x0  }
0x31: {  	[sflag:s8] =	ssyncadd.s32 $0xFFFFFB00  }
0x32: {  	_ =	sfence.sel $0x180000  }
0x33: {  	[bflag:$0x0] =	sbarrier.arrive $0xFFFF  }
0x34: {  	p0 =	sne.s32 s0, $0x0;
	_ =	strace $0x90000047  }
0x35: {  	s0 =	sadd.s32 @!p0 $0x100000, s1;
	[bflag:$0x2] =	sbarrier.arrive $0xFFFF  }
0x36: {  	[sflag:s0] =	ssyncadd.tile.s32 @!p0 $0x1;
	_ =	shalt  }
.Lfunc_end2:
_tile_overlayer_lowered:
.L_overlay_start_2:
0x37: {  	(tag) =	ssettag $0x2  }
0x38: {  	s0 =	rddreg [dreg:$0x0];
	s2 =	stileid.u32  }
0x39: {  	s1 =	rddreg [dreg:$0x1];
	p0 =	sne.s32 s2, $0x0  }
0x3a: {  	s3 =	rddreg [dreg:$0x2];
	[bflag:$0x3] =	sbarrier.arrive $0xFFFF;
	s2 =	simm.s32 @!p0 $0x1C01  }
0x3b: {  	[timem:s3], [sflag:s2] =	dma.local @!p0 [hbm:s0], s1  }
0x3c: {  	s0 =	simm.s32 @!p0 $0x1  }
0x3d: {  	_ =	swait.ge @!p0 [sflag:s0], s1  }
0x3e: {  	s1 =	ssub.s32 @!p0 $0x0, s1;
	[sflag:s0] =	ssyncset.done @!p0 $0x0  }
0x3f: {  	[sflag:s0] =	ssyncadd.s32 @!p0 s1  }
0x40: {  	[bflag:$0x3] =	sbarrier.arrive $0xFFFF  }
0x41: {  	_ =	shalt  }

</sc_bundles>
